<compile_context>
chip_gen: v7x
topology: tpu7x:2x2x1
jax: 0.10.2.dev20260603
libtpu: 0.0.44.dev20260713+nightly
codegen_flags: <defaults>
</compile_context>

<pallas_src>
import jax
import jax.numpy as jnp
from jax import lax
from jax.experimental import pallas as pl
from jax.experimental.pallas import tpu as pltpu
from jax.experimental.pallas import tpu_sc as plsc

N = 10000
D = 128
NC, NS = 2, 16
NW = NC * NS
CHUNK = 128
GCHUNK = 256
SCHUNK = 128
NP = 16384
ACC_N = 10112

_mesh = plsc.VectorSubcoreMesh(core_axis_name="c", subcore_axis_name="s")


def _wid():
    return lax.axis_index("s") * NC + lax.axis_index("c")


def _emb_body(n0, n1, e0, e1, table, nf_out, ef_out,
              i0a, i1a, i0b, i1b, r0a, r1a, r0b, r1b, semA, semB, semW):
    w = _wid()
    n_edge_chunks = ef_out.shape[0] // (NW * CHUNK)

    def mean_rows(ra, rb):
        def row(r, _):
            for cc in range(8):
                sl = pl.ds(cc * 16, 16)
                ra[r, sl] = (ra[r, sl] + rb[r, sl]) * 0.5
            return 0

        lax.fori_loop(0, CHUNK, row, 0)

    def do_part(idx0_hbm, idx1_hbm, out_hbm, n_chunks):
        def pair(p, _):
            ia = w * n_chunks + 2 * p
            ib = ia + 1
            pltpu.sync_copy(idx0_hbm.at[pl.ds(ia, 1)], i0a)
            pltpu.sync_copy(idx1_hbm.at[pl.ds(ia, 1)], i1a)
            pltpu.sync_copy(idx0_hbm.at[pl.ds(ib, 1)], i0b)
            pltpu.sync_copy(idx1_hbm.at[pl.ds(ib, 1)], i1b)
            hA0 = pltpu.async_copy(table.at[i0a.at[0]], r0a, semA)
            hA1 = pltpu.async_copy(table.at[i1a.at[0]], r1a, semA)
            hB0 = pltpu.async_copy(table.at[i0b.at[0]], r0b, semB)
            hB1 = pltpu.async_copy(table.at[i1b.at[0]], r1b, semB)
            hA0.wait()
            hA1.wait()
            mean_rows(r0a, r1a)
            wA = pltpu.async_copy(r0a, out_hbm.at[pl.ds(ia * CHUNK, CHUNK)], semW)
            hB0.wait()
            hB1.wait()
            mean_rows(r0b, r1b)
            wB = pltpu.async_copy(r0b, out_hbm.at[pl.ds(ib * CHUNK, CHUNK)], semW)
            wA.wait()
            wB.wait()
            return 0

        lax.fori_loop(0, n_chunks // 2, pair, 0)

    do_part(n0, n1, nf_out, NP // (NW * CHUNK))
    do_part(e0, e1, ef_out, n_edge_chunks)


def _gather_body(src2d, table, g_out, iva, ivb, rva, rvb, semA, semB, semW):
    w = _wid()
    n_chunks = g_out.shape[0] // (NW * GCHUNK)
    k = GCHUNK // 128

    def pair(p, _):
        ia = w * n_chunks + 2 * p
        ib = ia + 1
        pltpu.sync_copy(src2d.at[pl.ds(ia * k, k)], iva)
        pltpu.sync_copy(src2d.at[pl.ds(ib * k, k)], ivb)
        hA = [pltpu.async_copy(table.at[iva.at[j]], rva.at[pl.ds(j * 128, 128)], semA)
              for j in range(k)]
        hB = [pltpu.async_copy(table.at[ivb.at[j]], rvb.at[pl.ds(j * 128, 128)], semB)
              for j in range(k)]
        for h in hA:
            h.wait()
        wA = pltpu.async_copy(rva, g_out.at[pl.ds(ia * GCHUNK, GCHUNK)], semW)
        for h in hB:
            h.wait()
        wB = pltpu.async_copy(rvb, g_out.at[pl.ds(ib * GCHUNK, GCHUNK)], semW)
        wA.wait()
        wB.wait()
        return 0

    lax.fori_loop(0, n_chunks // 2, pair, 0)


def _scatter_body(dst2d, msgs, agg_out, iva, ivb, rva, rvb, semA, semB, acc):
    c = lax.axis_index("c")
    s = lax.axis_index("s")
    w = _wid()
    n_chunks = msgs.shape[0] // (NW * SCHUNK)
    per_tile = ACC_N // NS

    def zrow(r, _):
        for cc in range(8):
            rva[r, pl.ds(cc * 16, 16)] = jnp.zeros((16,), jnp.float32)
        return 0

    lax.fori_loop(0, 128, zrow, 0)
    for t in range(per_tile // 128):
        pltpu.sync_copy(rva.at[pl.ds(0, 128)],
                        acc.at[pl.ds(s * per_tile + t * 128, 128)])
    rem = per_tile % 128
    if rem:
        pltpu.sync_copy(rva.at[pl.ds(0, rem)],
                        acc.at[pl.ds(s * per_tile + (per_tile // 128) * 128, rem)])
    plsc.subcore_barrier()

    def pair(p, _):
        ia = w * n_chunks + 2 * p
        ib = ia + 1
        pltpu.sync_copy(dst2d.at[pl.ds(ia, 1)], iva)
        pltpu.sync_copy(dst2d.at[pl.ds(ib, 1)], ivb)
        lA = pltpu.async_copy(msgs.at[pl.ds(ia * SCHUNK, SCHUNK)], rva, semA)
        lB = pltpu.async_copy(msgs.at[pl.ds(ib * SCHUNK, SCHUNK)], rvb, semB)
        lA.wait()
        sA = pltpu.async_copy(rva, acc.at[iva.at[0]], semA, add=True)
        lB.wait()
        sB = pltpu.async_copy(rvb, acc.at[ivb.at[0]], semB, add=True)
        sA.wait()
        sB.wait()
        return 0

    lax.fori_loop(0, n_chunks // 2, pair, 0)
    plsc.subcore_barrier()
    pltpu.sync_copy(acc.at[pl.ds(s * per_tile, per_tile)],
                    agg_out.at[c, pl.ds(s * per_tile, per_tile)])


def _edge_tc_body(g_ref, ef_ref, wm_ref, we_ref, msgs_ref, efn_ref):
    ef = ef_ref[...]
    m = jnp.maximum(
        jnp.dot(g_ref[...] + ef, wm_ref[...], preferred_element_type=jnp.float32), 0.0)
    msgs_ref[...] = m
    efn_ref[...] = jnp.maximum(
        jnp.dot(ef, we_ref[...], preferred_element_type=jnp.float32) + m, 0.0)


def _node_tc_body(nf_ref, ws_ref, agg_ref, out_ref):
    acc = agg_ref[0] + agg_ref[1]
    out_ref[...] = jnp.maximum(
        jnp.dot(nf_ref[...], ws_ref[...], preferred_element_type=jnp.float32) + acc, 0.0)


def _node_final_body(_aliased_ref, nf_ref, ws_ref, agg_ref, out_ref):
    acc = agg_ref[0] + agg_ref[1]
    out_ref[...] = jnp.maximum(
        jnp.dot(nf_ref[...], ws_ref[...], preferred_element_type=jnp.float32) + acc, 0.0)


BE = 2000


def _edge_tc(g, ef, Wm, We, E):
    EP = g.shape[0]
    return pl.pallas_call(
        _edge_tc_body,
        grid=(E // BE,),
        in_specs=[
            pl.BlockSpec((BE, D), lambda i: (i, 0)),
            pl.BlockSpec((BE, D), lambda i: (i, 0)),
            pl.BlockSpec((D, D), lambda i: (0, 0)),
            pl.BlockSpec((D, D), lambda i: (0, 0)),
        ],
        out_specs=[
            pl.BlockSpec((BE, D), lambda i: (i, 0)),
            pl.BlockSpec((BE, D), lambda i: (i, 0)),
        ],
        out_shape=[
            jax.ShapeDtypeStruct((EP, D), jnp.float32),
            jax.ShapeDtypeStruct((E, D), jnp.float32),
        ],
        compiler_params=pltpu.CompilerParams(dimension_semantics=("parallel",)),
    )(g, ef, Wm, We)


def _edge_tc_final(g, ef, Wm, We, E, T):
    EP = g.shape[0]
    nblk = N // BE
    return pl.pallas_call(
        _edge_tc_body,
        grid=(E // BE,),
        in_specs=[
            pl.BlockSpec((BE, D), lambda i: (i, 0)),
            pl.BlockSpec((BE, D), lambda i: (i, 0)),
            pl.BlockSpec((D, D), lambda i: (0, 0)),
            pl.BlockSpec((D, D), lambda i: (0, 0)),
        ],
        out_specs=[
            pl.BlockSpec((BE, D), lambda i: (i, 0)),
            pl.BlockSpec((BE, D), lambda i: (i + nblk, 0)),
        ],
        out_shape=[
            jax.ShapeDtypeStruct((EP, D), jnp.float32),
            jax.ShapeDtypeStruct((T, D), jnp.float32),
        ],
        compiler_params=pltpu.CompilerParams(dimension_semantics=("parallel",)),
    )(g, ef, Wm, We)


def _node_tc(nf_pad, Ws, agg):
    BN = 2000
    return pl.pallas_call(
        _node_tc_body,
        grid=(N // BN,),
        in_specs=[
            pl.BlockSpec((BN, D), lambda i: (i, 0)),
            pl.BlockSpec((D, D), lambda i: (0, 0)),
            pl.BlockSpec((2, BN, D), lambda i: (0, i, 0)),
        ],
        out_specs=pl.BlockSpec((BN, D), lambda i: (i, 0)),
        out_shape=jax.ShapeDtypeStruct((N, D), jnp.float32),
        compiler_params=pltpu.CompilerParams(dimension_semantics=("parallel",)),
    )(nf_pad, Ws, agg)


def _node_tc_final(allfeats, nf, Ws, agg):
    BN = 2000
    T = allfeats.shape[0]
    return pl.pallas_call(
        _node_final_body,
        grid=(N // BN,),
        in_specs=[
            pl.BlockSpec((BN, D), lambda i: (i, 0)),
            pl.BlockSpec((BN, D), lambda i: (i, 0)),
            pl.BlockSpec((D, D), lambda i: (0, 0)),
            pl.BlockSpec((2, BN, D), lambda i: (0, i, 0)),
        ],
        out_specs=pl.BlockSpec((BN, D), lambda i: (i, 0)),
        out_shape=jax.ShapeDtypeStruct((T, D), jnp.float32),
        input_output_aliases={0: 0},
        compiler_params=pltpu.CompilerParams(dimension_semantics=("parallel",)),
    )(allfeats, nf, Ws, agg)


def _sc_emb(n0, n1, e0, e1, W_embed, EP):
    call = pl.kernel(
        _emb_body,
        out_type=[
            jax.ShapeDtypeStruct((NP, D), jnp.float32),
            jax.ShapeDtypeStruct((EP, D), jnp.float32),
        ],
        mesh=_mesh,
        scratch_types=[
            pltpu.VMEM((1, 128), jnp.int32),
            pltpu.VMEM((1, 128), jnp.int32),
            pltpu.VMEM((1, 128), jnp.int32),
            pltpu.VMEM((1, 128), jnp.int32),
            pltpu.VMEM((CHUNK, D), jnp.float32),
            pltpu.VMEM((CHUNK, D), jnp.float32),
            pltpu.VMEM((CHUNK, D), jnp.float32),
            pltpu.VMEM((CHUNK, D), jnp.float32),
            pltpu.SemaphoreType.DMA,
            pltpu.SemaphoreType.DMA,
            pltpu.SemaphoreType.DMA,
        ],
    )
    return call(n0, n1, e0, e1, W_embed)


def _sc_gather(src2d, table, EP):
    call = pl.kernel(
        _gather_body,
        out_type=jax.ShapeDtypeStruct((EP, D), jnp.float32),
        mesh=_mesh,
        scratch_types=[
            pltpu.VMEM((GCHUNK // 128, 128), jnp.int32),
            pltpu.VMEM((GCHUNK // 128, 128), jnp.int32),
            pltpu.VMEM((GCHUNK, D), jnp.float32),
            pltpu.VMEM((GCHUNK, D), jnp.float32),
            pltpu.SemaphoreType.DMA,
            pltpu.SemaphoreType.DMA,
            pltpu.SemaphoreType.DMA,
        ],
    )
    return call(src2d, table)


def _sc_scatter(dst2d, msgs):
    call = pl.kernel(
        _scatter_body,
        out_type=jax.ShapeDtypeStruct((NC, ACC_N, D), jnp.float32),
        mesh=_mesh,
        scratch_types=[
            pltpu.VMEM((1, 128), jnp.int32),
            pltpu.VMEM((1, 128), jnp.int32),
            pltpu.VMEM((SCHUNK, D), jnp.float32),
            pltpu.VMEM((SCHUNK, D), jnp.float32),
            pltpu.SemaphoreType.DMA,
            pltpu.SemaphoreType.DMA,
            pltpu.VMEM_SHARED((ACC_N, D), jnp.float32),
        ],
    )
    return call(dst2d, msgs)


def kernel(tokens_ids, edge_index, W_embed, W_msg0, W_self0, W_edge0,
           W_msg1, W_self1, W_edge1):
    T = tokens_ids.shape[0]
    E = edge_index.shape[1]
    V = W_embed.shape[0]
    EP = ((E + NW * GCHUNK - 1) // (NW * GCHUNK)) * (NW * GCHUNK)

    t0 = tokens_ids[:, 0].astype(jnp.int32)
    t1 = tokens_ids[:, 1].astype(jnp.int32)
    pad_n = (jnp.arange(NP - N, dtype=jnp.int32) * 37) % V
    pad_e = (jnp.arange(EP - E, dtype=jnp.int32) * 37) % V
    n0 = jnp.concatenate([t0[:N], pad_n]).reshape(NP // 128, 128)
    n1 = jnp.concatenate([t1[:N], pad_n]).reshape(NP // 128, 128)
    e0 = jnp.concatenate([t0[N:], pad_e]).reshape(EP // 128, 128)
    e1 = jnp.concatenate([t1[N:], pad_e]).reshape(EP // 128, 128)

    src = edge_index[0].astype(jnp.int32)
    dst = edge_index[1].astype(jnp.int32)
    pad_src = jnp.arange(EP - E, dtype=jnp.int32) % N
    pad_dst = N + (jnp.arange(EP - E, dtype=jnp.int32) % (ACC_N - N))
    src2d = jnp.concatenate([src, pad_src]).reshape(EP // 128, 128)
    dst2d = jnp.concatenate([dst, pad_dst]).reshape(EP // 128, 128)

    nf_pad, ef = _sc_emb(n0, n1, e0, e1, W_embed, EP)

    g = _sc_gather(src2d, nf_pad, EP)
    msgs, ef = _edge_tc(g, ef, W_msg0, W_edge0, E)
    agg = _sc_scatter(dst2d, msgs)
    nf = _node_tc(nf_pad, W_self0, agg)

    g = _sc_gather(src2d, nf, EP)
    msgs, allfeats = _edge_tc_final(g, ef, W_msg1, W_edge1, E, T)
    agg = _sc_scatter(dst2d, msgs)
    return _node_tc_final(allfeats, nf, W_self1, agg)

# --- scband reference (transcript-rebuilt; emitter-appended) ---
"""Pipeline reference for scband-input-penman-graph-word-embedding-encoder-output-graph-add-self-encode-inside-36215164240848 (READ-ONLY COPY).

The authoritative reference and input builder live on the scoring server;
editing this copy changes nothing except your own understanding.
"""

import jax, jax.numpy as jnp
import numpy as np

N_NODES = 10000
N_EDGES = 320000
D = 128
VOCAB = 53228
N_LAYERS = 2
N_SUB = 2


def setup_inputs(seed: int = 0) -> dict:
    key = jax.random.key(seed)
    ks = jax.random.split(key, 3 + 3 * N_LAYERS)
    T = N_NODES + N_EDGES
    tokens_ids = jax.random.randint(ks[0], (T, N_SUB), 0, VOCAB)
    edge_index = jax.random.randint(ks[1], (2, N_EDGES), 0, N_NODES)
    W_embed = jax.random.normal(ks[2], (VOCAB, D), dtype=jnp.float32) * 0.02
    scale = 1.0 / np.sqrt(D)
    inp = {
        "tokens_ids": tokens_ids,
        "edge_index": edge_index,
        "W_embed": W_embed,
    }
    for l in range(N_LAYERS):
        inp[f"W_msg{l}"] = jax.random.normal(ks[3 + 3 * l], (D, D), dtype=jnp.float32) * scale
        inp[f"W_self{l}"] = jax.random.normal(ks[4 + 3 * l], (D, D), dtype=jnp.float32) * scale
        inp[f"W_edge{l}"] = jax.random.normal(ks[5 + 3 * l], (D, D), dtype=jnp.float32) * scale
    return inp


def reference(tokens_ids, edge_index, W_embed, W_msg0, W_self0, W_edge0, W_msg1, W_self1, W_edge1):
    # 1) word embedding lookup for all subtokens, then mean-fuse subtokens per token
    tok = jnp.take(W_embed, tokens_ids, axis=0)  # [T, N_SUB, D]
    tok = tok.mean(axis=1)                        # [T, D]
    # 2) split into node feats (seg_ids > 0) and edge feats (seg_ids < 0)
    node_feats = tok[:N_NODES]
    edge_feats = tok[N_NODES:]
    src = edge_index[0]
    dst = edge_index[1]
    # 3) stacked graph layers updating both node and edge features
    for (Wm, Ws, We) in ((W_msg0, W_self0, W_edge0), (W_msg1, W_self1, W_edge1)):
        msgs = jax.nn.relu((jnp.take(node_feats, src, axis=0) + edge_feats) @ Wm)  # [E, D]
        agg = jax.ops.segment_sum(msgs, dst, num_segments=N_NODES)                 # [N, D]
        node_feats = jax.nn.relu(node_feats @ Ws + agg)
        edge_feats = jax.nn.relu(edge_feats @ We + msgs)
    # 4) scatter node/edge feats back into the flat token sequence
    all_feats = jnp.concatenate([node_feats, edge_feats], axis=0)  # [T, D]
    return all_feats

if __name__ == "__main__":
    import jax
    _d = setup_inputs()
    print(jax.jit(kernel)(*tuple(_d.values())))

</pallas_src>

<mosaic_0001>
#map = affine_map<(d0, d1) -> (0, 0)>
module attributes {stable_mosaic.version = 14 : i64} {
  func.func @_gather_body(%arg0: i32, %arg1: i32, %arg2: memref<2560x128xi32, #tpu.memory_space<hbm>>, %arg3: memref<16384x128xf32, #tpu.memory_space<hbm>>, %arg4: memref<327680x128xf32, #tpu.memory_space<hbm>>, %arg5: memref<2x128xi32, #tpu.memory_space<vmem>>, %arg6: memref<2x128xi32, #tpu.memory_space<vmem>>, %arg7: memref<256x128xf32, #tpu.memory_space<vmem>>, %arg8: memref<256x128xf32, #tpu.memory_space<vmem>>, %arg9: memref<!tpu.dma_semaphore, #tpu.memory_space<semaphore_mem>>, %arg10: memref<!tpu.dma_semaphore, #tpu.memory_space<semaphore_mem>>, %arg11: memref<!tpu.dma_semaphore, #tpu.memory_space<semaphore_mem>>) attributes {dimension_semantics = [#tpu.dimension_semantics<core_parallel>, #tpu.dimension_semantics<subcore_parallel>], iteration_bounds = array<i64: 2, 16>, scalar_prefetch = 0 : i64, scratch_operands = 7 : i64, tpu.core_type = #tpu.core_type<sc_vector_subcore>, window_params = [{transform_indices = #map}, {transform_indices = #map}, {transform_indices = #map}]} {
    %mul3A = arith.constant 2 : i32
    %mul3A_0 = arith.muli %arg1, %mul3A : i32
    %add3A = arith.addi %mul3A_0, %arg0 : i32
    %scan3A = arith.constant 0 : i32
    %scan3A_1 = arith.constant 0 : i32
    %scan3A_2 = arith.constant 20 : i32
    %scan3A_3 = arith.addi %scan3A_1, %scan3A_2 : i32
    %scan3A_4 = arith.constant 1 : i32
    %scan3A_5 = scf.for %scan3A_7 = %scan3A_1 to %scan3A_3 step %scan3A_4 iter_args(%scan3A_8 = %scan3A) -> (i32)  : i32 {
      %mul3A_9 = arith.constant 40 : i32
      %mul3A_10 = arith.muli %add3A, %mul3A_9 : i32
      %mul3A_11 = arith.constant 2 : i32
      %mul3A_12 = arith.muli %mul3A_11, %scan3A_7 : i32
      %add3A_13 = arith.addi %mul3A_10, %mul3A_12 : i32
      %add3A_14 = arith.constant 1 : i32
      %add3A_15 = arith.addi %add3A_13, %add3A_14 : i32
      %mul3A_16 = arith.constant 2 : i32
      %mul3A_17 = arith.muli %add3A_13, %mul3A_16 : i32
      "tpu.region"() ({
        %run_scoped3A = tpu.sem_alloc : memref<!tpu.dma_semaphore, #tpu.memory_space<semaphore_mem>>
        %dma_start3A_119 = arith.constant 0 : i32
        %dma_start3A_120 = tpu.memref_slice %arg2[%mul3A_17, %dma_start3A_119] : memref<2560x128xi32, #tpu.memory_space<hbm>> -> memref<2x128xi32, #tpu.memory_space<hbm>>
        %dma_start3A_121 = arith.constant 0 : i32
        %dma_start3A_122 = tpu.memref_slice %arg2[%mul3A_17, %dma_start3A_121] : memref<2560x128xi32, #tpu.memory_space<hbm>> -> memref<2x128xi32, #tpu.memory_space<hbm>>
        tpu.enqueue_dma source(%dma_start3A_122 : memref<2x128xi32, #tpu.memory_space<hbm>>) target(%arg5 : memref<2x128xi32, #tpu.memory_space<vmem>>) target_semaphore(%run_scoped3A : memref<!tpu.dma_semaphore, #tpu.memory_space<semaphore_mem>>)
        %dma_wait3A_123 = arith.constant 0 : i32
        %dma_wait3A_124 = tpu.memref_slice %arg2[%mul3A_17, %dma_wait3A_123] : memref<2560x128xi32, #tpu.memory_space<hbm>> -> memref<2x128xi32, #tpu.memory_space<hbm>>
        %dma_wait3A_125 = arith.constant 0 : i32
        %dma_wait3A_126 = tpu.memref_slice %arg2[%mul3A_17, %dma_wait3A_125] : memref<2560x128xi32, #tpu.memory_space<hbm>> -> memref<2x128xi32, #tpu.memory_space<hbm>>
        tpu.wait_dma2 semaphore(%run_scoped3A : memref<!tpu.dma_semaphore, #tpu.memory_space<semaphore_mem>>) src(%dma_wait3A_126 : memref<2x128xi32, #tpu.memory_space<hbm>>) dst(%arg5 : memref<2x128xi32, #tpu.memory_space<vmem>>)
        tpu.yield
      }) : () -> ()
      %mul3A_18 = arith.constant 2 : i32
      %mul3A_19 = arith.muli %add3A_15, %mul3A_18 : i32
      "tpu.region"() ({
        %run_scoped3A = tpu.sem_alloc : memref<!tpu.dma_semaphore, #tpu.memory_space<semaphore_mem>>
        %dma_start3A_119 = arith.constant 0 : i32
        %dma_start3A_120 = tpu.memref_slice %arg2[%mul3A_19, %dma_start3A_119] : memref<2560x128xi32, #tpu.memory_space<hbm>> -> memref<2x128xi32, #tpu.memory_space<hbm>>
        %dma_start3A_121 = arith.constant 0 : i32
        %dma_start3A_122 = tpu.memref_slice %arg2[%mul3A_19, %dma_start3A_121] : memref<2560x128xi32, #tpu.memory_space<hbm>> -> memref<2x128xi32, #tpu.memory_space<hbm>>
        tpu.enqueue_dma source(%dma_start3A_122 : memref<2x128xi32, #tpu.memory_space<hbm>>) target(%arg6 : memref<2x128xi32, #tpu.memory_space<vmem>>) target_semaphore(%run_scoped3A : memref<!tpu.dma_semaphore, #tpu.memory_space<semaphore_mem>>)
        %dma_wait3A_123 = arith.constant 0 : i32
        %dma_wait3A_124 = tpu.memref_slice %arg2[%mul3A_19, %dma_wait3A_123] : memref<2560x128xi32, #tpu.memory_space<hbm>> -> memref<2x128xi32, #tpu.memory_space<hbm>>
        %dma_wait3A_125 = arith.constant 0 : i32
        %dma_wait3A_126 = tpu.memref_slice %arg2[%mul3A_19, %dma_wait3A_125] : memref<2560x128xi32, #tpu.memory_space<hbm>> -> memref<2x128xi32, #tpu.memory_space<hbm>>
        tpu.wait_dma2 semaphore(%run_scoped3A : memref<!tpu.dma_semaphore, #tpu.memory_space<semaphore_mem>>) src(%dma_wait3A_126 : memref<2x128xi32, #tpu.memory_space<hbm>>) dst(%arg6 : memref<2x128xi32, #tpu.memory_space<vmem>>)
        tpu.yield
      }) : () -> ()
      %dma_start3A = arith.constant 0 : i32
      %dma_start3A_20 = arith.constant 0 : i32
      %dma_start3A_21 = arith.constant 0 : i32
      %dma_start3A_22 = tpu.memref_slice %arg7[%dma_start3A_20, %dma_start3A_21] : memref<256x128xf32, #tpu.memory_space<vmem>> -> memref<128x128xf32, #tpu.memory_space<vmem>>
      %dma_start3A_23 = arith.constant 0 : i32
      %dma_start3A_24 = tpu.memref_slice %arg5[%dma_start3A, %dma_start3A_23] : memref<2x128xi32, #tpu.memory_space<vmem>> -> memref<1x128xi32, #tpu.memory_space<vmem>>
      %dma_start3A_25 = tpu.memref_squeeze %dma_start3A_24 : memref<1x128xi32, #tpu.memory_space<vmem>> -> memref<128xi32, #tpu.memory_space<vmem>>
      %dma_start3A_26 = arith.constant 0 : i32
      %dma_start3A_27 = arith.constant 0 : i32
      %dma_start3A_28 = tpu.memref_slice %arg3[%dma_start3A_26, %dma_start3A_27] : memref<16384x128xf32, #tpu.memory_space<hbm>> -> memref<16384x128xf32, #tpu.memory_space<hbm>>
      tpu.enqueue_indirect_dma source(%dma_start3A_28 : memref<16384x128xf32, #tpu.memory_space<hbm>>) target(%dma_start3A_22 : memref<128x128xf32, #tpu.memory_space<vmem>>) offsets(%dma_start3A_25 : memref<128xi32, #tpu.memory_space<vmem>>) semaphore(%arg9 : memref<!tpu.dma_semaphore, #tpu.memory_space<semaphore_mem>>)
      %dma_start3A_29 = arith.constant 1 : i32
      %dma_start3A_30 = arith.constant 128 : i32
      %dma_start3A_31 = arith.constant 0 : i32
      %dma_start3A_32 = tpu.memref_slice %arg7[%dma_start3A_30, %dma_start3A_31] : memref<256x128xf32, #tpu.memory_space<vmem>> -> memref<128x128xf32, #tpu.memory_space<vmem>>
      %dma_start3A_33 = arith.constant 0 : i32
      %dma_start3A_34 = tpu.memref_slice %arg5[%dma_start3A_29, %dma_start3A_33] : memref<2x128xi32, #tpu.memory_space<vmem>> -> memref<1x128xi32, #tpu.memory_space<vmem>>
      %dma_start3A_35 = tpu.memref_squeeze %dma_start3A_34 : memref<1x128xi32, #tpu.memory_space<vmem>> -> memref<128xi32, #tpu.memory_space<vmem>>
      %dma_start3A_36 = arith.constant 0 : i32
      %dma_start3A_37 = arith.constant 0 : i32
      %dma_start3A_38 = tpu.memref_slice %arg3[%dma_start3A_36, %dma_start3A_37] : memref<16384x128xf32, #tpu.memory_space<hbm>> -> memref<16384x128xf32, #tpu.memory_space<hbm>>
      tpu.enqueue_indirect_dma source(%dma_start3A_38 : memref<16384x128xf32, #tpu.memory_space<hbm>>) target(%dma_start3A_32 : memref<128x128xf32, #tpu.memory_space<vmem>>) offsets(%dma_start3A_35 : memref<128xi32, #tpu.memory_space<vmem>>) semaphore(%arg9 : memref<!tpu.dma_semaphore, #tpu.memory_space<semaphore_mem>>)
      %dma_start3A_39 = arith.constant 0 : i32
      %dma_start3A_40 = arith.constant 0 : i32
      %dma_start3A_41 = arith.constant 0 : i32
      %dma_start3A_42 = tpu.memref_slice %arg8[%dma_start3A_40, %dma_start3A_41] : memref<256x128xf32, #tpu.memory_space<vmem>> -> memref<128x128xf32, #tpu.memory_space<vmem>>
      %dma_start3A_43 = arith.constant 0 : i32
      %dma_start3A_44 = tpu.memref_slice %arg6[%dma_start3A_39, %dma_start3A_43] : memref<2x128xi32, #tpu.memory_space<vmem>> -> memref<1x128xi32, #tpu.memory_space<vmem>>
      %dma_start3A_45 = tpu.memref_squeeze %dma_start3A_44 : memref<1x128xi32, #tpu.memory_space<vmem>> -> memref<128xi32, #tpu.memory_space<vmem>>
      %dma_start3A_46 = arith.constant 0 : i32
      %dma_start3A_47 = arith.constant 0 : i32
      %dma_start3A_48 = tpu.memref_slice %arg3[%dma_start3A_46, %dma_start3A_47] : memref<16384x128xf32, #tpu.memory_space<hbm>> -> memref<16384x128xf32, #tpu.memory_space<hbm>>
      tpu.enqueue_indirect_dma source(%dma_start3A_48 : memref<16384x128xf32, #tpu.memory_space<hbm>>) target(%dma_start3A_42 : memref<128x128xf32, #tpu.memory_space<vmem>>) offsets(%dma_start3A_45 : memref<128xi32, #tpu.memory_space<vmem>>) semaphore(%arg10 : memref<!tpu.dma_semaphore, #tpu.memory_space<semaphore_mem>>)
      %dma_start3A_49 = arith.constant 1 : i32
      %dma_start3A_50 = arith.constant 128 : i32
      %dma_start3A_51 = arith.constant 0 : i32
      %dma_start3A_52 = tpu.memref_slice %arg8[%dma_start3A_50, %dma_start3A_51] : memref<256x128xf32, #tpu.memory_space<vmem>> -> memref<128x128xf32, #tpu.memory_space<vmem>>
      %dma_start3A_53 = arith.constant 0 : i32
      %dma_start3A_54 = tpu.memref_slice %arg6[%dma_start3A_49, %dma_start3A_53] : memref<2x128xi32, #tpu.memory_space<vmem>> -> memref<1x128xi32, #tpu.memory_space<vmem>>
      %dma_start3A_55 = tpu.memref_squeeze %dma_start3A_54 : memref<1x128xi32, #tpu.memory_space<vmem>> -> memref<128xi32, #tpu.memory_space<vmem>>
      %dma_start3A_56 = arith.constant 0 : i32
      %dma_start3A_57 = arith.constant 0 : i32
      %dma_start3A_58 = tpu.memref_slice %arg3[%dma_start3A_56, %dma_start3A_57] : memref<16384x128xf32, #tpu.memory_space<hbm>> -> memref<16384x128xf32, #tpu.memory_space<hbm>>
      tpu.enqueue_indirect_dma source(%dma_start3A_58 : memref<16384x128xf32, #tpu.memory_space<hbm>>) target(%dma_start3A_52 : memref<128x128xf32, #tpu.memory_space<vmem>>) offsets(%dma_start3A_55 : memref<128xi32, #tpu.memory_space<vmem>>) semaphore(%arg10 : memref<!tpu.dma_semaphore, #tpu.memory_space<semaphore_mem>>)
      %dma_wait3A = arith.constant 0 : i32
      %dma_wait3A_59 = arith.constant 0 : i32
      %dma_wait3A_60 = arith.constant 0 : i32
      %dma_wait3A_61 = tpu.memref_slice %arg7[%dma_wait3A_59, %dma_wait3A_60] : memref<256x128xf32, #tpu.memory_space<vmem>> -> memref<128x128xf32, #tpu.memory_space<vmem>>
      %dma_wait3A_62 = arith.constant 0 : i32
      %dma_wait3A_63 = tpu.memref_slice %arg5[%dma_wait3A, %dma_wait3A_62] : memref<2x128xi32, #tpu.memory_space<vmem>> -> memref<1x128xi32, #tpu.memory_space<vmem>>
      %dma_wait3A_64 = tpu.memref_squeeze %dma_wait3A_63 : memref<1x128xi32, #tpu.memory_space<vmem>> -> memref<128xi32, #tpu.memory_space<vmem>>
      %dma_wait3A_65 = arith.constant 0 : i32
      %dma_wait3A_66 = arith.constant 0 : i32
      %dma_wait3A_67 = tpu.memref_slice %arg3[%dma_wait3A_65, %dma_wait3A_66] : memref<16384x128xf32, #tpu.memory_space<hbm>> -> memref<16384x128xf32, #tpu.memory_space<hbm>>
      tpu.wait_indirect_dma semaphore(%arg9 : memref<!tpu.dma_semaphore, #tpu.memory_space<semaphore_mem>>) src(%dma_wait3A_67 : memref<16384x128xf32, #tpu.memory_space<hbm>>) dst(%dma_wait3A_61 : memref<128x128xf32, #tpu.memory_space<vmem>>)
      %dma_wait3A_68 = arith.constant 1 : i32
      %dma_wait3A_69 = arith.constant 128 : i32
      %dma_wait3A_70 = arith.constant 0 : i32
      %dma_wait3A_71 = tpu.memref_slice %arg7[%dma_wait3A_69, %dma_wait3A_70] : memref<256x128xf32, #tpu.memory_space<vmem>> -> memref<128x128xf32, #tpu.memory_space<vmem>>
      %dma_wait3A_72 = arith.constant 0 : i32
      %dma_wait3A_73 = tpu.memref_slice %arg5[%dma_wait3A_68, %dma_wait3A_72] : memref<2x128xi32, #tpu.memory_space<vmem>> -> memref<1x128xi32, #tpu.memory_space<vmem>>
      %dma_wait3A_74 = tpu.memref_squeeze %dma_wait3A_73 : memref<1x128xi32, #tpu.memory_space<vmem>> -> memref<128xi32, #tpu.memory_space<vmem>>
      %dma_wait3A_75 = arith.constant 0 : i32
      %dma_wait3A_76 = arith.constant 0 : i32
      %dma_wait3A_77 = tpu.memref_slice %arg3[%dma_wait3A_75, %dma_wait3A_76] : memref<16384x128xf32, #tpu.memory_space<hbm>> -> memref<16384x128xf32, #tpu.memory_space<hbm>>
      tpu.wait_indirect_dma semaphore(%arg9 : memref<!tpu.dma_semaphore, #tpu.memory_space<semaphore_mem>>) src(%dma_wait3A_77 : memref<16384x128xf32, #tpu.memory_space<hbm>>) dst(%dma_wait3A_71 : memref<128x128xf32, #tpu.memory_space<vmem>>)
      %mul3A_78 = arith.constant 256 : i32
      %mul3A_79 = arith.muli %add3A_13, %mul3A_78 : i32
      %dma_start3A_80 = arith.constant 0 : i32
      %dma_start3A_81 = tpu.memref_slice %arg4[%mul3A_79, %dma_start3A_80] : memref<327680x128xf32, #tpu.memory_space<hbm>> -> memref<256x128xf32, #tpu.memory_space<hbm>>
      %dma_start3A_82 = arith.constant 0 : i32
      %dma_start3A_83 = tpu.memref_slice %arg4[%mul3A_79, %dma_start3A_82] : memref<327680x128xf32, #tpu.memory_space<hbm>> -> memref<256x128xf32, #tpu.memory_space<hbm>>
      tpu.enqueue_dma source(%arg7 : memref<256x128xf32, #tpu.memory_space<vmem>>) target(%dma_start3A_83 : memref<256x128xf32, #tpu.memory_space<hbm>>) target_semaphore(%arg11 : memref<!tpu.dma_semaphore, #tpu.memory_space<semaphore_mem>>)
      %dma_wait3A_84 = arith.constant 0 : i32
      %dma_wait3A_85 = arith.constant 0 : i32
      %dma_wait3A_86 = arith.constant 0 : i32
      %dma_wait3A_87 = tpu.memref_slice %arg8[%dma_wait3A_85, %dma_wait3A_86] : memref<256x128xf32, #tpu.memory_space<vmem>> -> memref<128x128xf32, #tpu.memory_space<vmem>>
      %dma_wait3A_88 = arith.constant 0 : i32
      %dma_wait3A_89 = tpu.memref_slice %arg6[%dma_wait3A_84, %dma_wait3A_88] : memref<2x128xi32, #tpu.memory_space<vmem>> -> memref<1x128xi32, #tpu.memory_space<vmem>>
      %dma_wait3A_90 = tpu.memref_squeeze %dma_wait3A_89 : memref<1x128xi32, #tpu.memory_space<vmem>> -> memref<128xi32, #tpu.memory_space<vmem>>
      %dma_wait3A_91 = arith.constant 0 : i32
      %dma_wait3A_92 = arith.constant 0 : i32
      %dma_wait3A_93 = tpu.memref_slice %arg3[%dma_wait3A_91, %dma_wait3A_92] : memref<16384x128xf32, #tpu.memory_space<hbm>> -> memref<16384x128xf32, #tpu.memory_space<hbm>>
      tpu.wait_indirect_dma semaphore(%arg10 : memref<!tpu.dma_semaphore, #tpu.memory_space<semaphore_mem>>) src(%dma_wait3A_93 : memref<16384x128xf32, #tpu.memory_space<hbm>>) dst(%dma_wait3A_87 : memref<128x128xf32, #tpu.memory_space<vmem>>)
      %dma_wait3A_94 = arith.constant 1 : i32
      %dma_wait3A_95 = arith.constant 128 : i32
      %dma_wait3A_96 = arith.constant 0 : i32
      %dma_wait3A_97 = tpu.memref_slice %arg8[%dma_wait3A_95, %dma_wait3A_96] : memref<256x128xf32, #tpu.memory_space<vmem>> -> memref<128x128xf32, #tpu.memory_space<vmem>>
      %dma_wait3A_98 = arith.constant 0 : i32
      %dma_wait3A_99 = tpu.memref_slice %arg6[%dma_wait3A_94, %dma_wait3A_98] : memref<2x128xi32, #tpu.memory_space<vmem>> -> memref<1x128xi32, #tpu.memory_space<vmem>>
      %dma_wait3A_100 = tpu.memref_squeeze %dma_wait3A_99 : memref<1x128xi32, #tpu.memory_space<vmem>> -> memref<128xi32, #tpu.memory_space<vmem>>
      %dma_wait3A_101 = arith.constant 0 : i32
      %dma_wait3A_102 = arith.constant 0 : i32
      %dma_wait3A_103 = tpu.memref_slice %arg3[%dma_wait3A_101, %dma_wait3A_102] : memref<16384x128xf32, #tpu.memory_space<hbm>> -> memref<16384x128xf32, #tpu.memory_space<hbm>>
      tpu.wait_indirect_dma semaphore(%arg10 : memref<!tpu.dma_semaphore, #tpu.memory_space<semaphore_mem>>) src(%dma_wait3A_103 : memref<16384x128xf32, #tpu.memory_space<hbm>>) dst(%dma_wait3A_97 : memref<128x128xf32, #tpu.memory_space<vmem>>)
      %mul3A_104 = arith.constant 256 : i32
      %mul3A_105 = arith.muli %add3A_15, %mul3A_104 : i32
      %dma_start3A_106 = arith.constant 0 : i32
      %dma_start3A_107 = tpu.memref_slice %arg4[%mul3A_105, %dma_start3A_106] : memref<327680x128xf32, #tpu.memory_space<hbm>> -> memref<256x128xf32, #tpu.memory_space<hbm>>
      %dma_start3A_108 = arith.constant 0 : i32
      %dma_start3A_109 = tpu.memref_slice %arg4[%mul3A_105, %dma_start3A_108] : memref<327680x128xf32, #tpu.memory_space<hbm>> -> memref<256x128xf32, #tpu.memory_space<hbm>>
      tpu.enqueue_dma source(%arg8 : memref<256x128xf32, #tpu.memory_space<vmem>>) target(%dma_start3A_109 : memref<256x128xf32, #tpu.memory_space<hbm>>) target_semaphore(%arg11 : memref<!tpu.dma_semaphore, #tpu.memory_space<semaphore_mem>>)
      %dma_wait3A_110 = arith.constant 0 : i32
      %dma_wait3A_111 = tpu.memref_slice %arg4[%mul3A_79, %dma_wait3A_110] : memref<327680x128xf32, #tpu.memory_space<hbm>> -> memref<256x128xf32, #tpu.memory_space<hbm>>
      %dma_wait3A_112 = arith.constant 0 : i32
      %dma_wait3A_113 = tpu.memref_slice %arg4[%mul3A_79, %dma_wait3A_112] : memref<327680x128xf32, #tpu.memory_space<hbm>> -> memref<256x128xf32, #tpu.memory_space<hbm>>
      tpu.wait_dma2 semaphore(%arg11 : memref<!tpu.dma_semaphore, #tpu.memory_space<semaphore_mem>>) src(%arg7 : memref<256x128xf32, #tpu.memory_space<vmem>>) dst(%dma_wait3A_113 : memref<256x128xf32, #tpu.memory_space<hbm>>)
      %dma_wait3A_114 = arith.constant 0 : i32
      %dma_wait3A_115 = tpu.memref_slice %arg4[%mul3A_105, %dma_wait3A_114] : memref<327680x128xf32, #tpu.memory_space<hbm>> -> memref<256x128xf32, #tpu.memory_space<hbm>>
      %dma_wait3A_116 = arith.constant 0 : i32
      %dma_wait3A_117 = tpu.memref_slice %arg4[%mul3A_105, %dma_wait3A_116] : memref<327680x128xf32, #tpu.memory_space<hbm>> -> memref<256x128xf32, #tpu.memory_space<hbm>>
      tpu.wait_dma2 semaphore(%arg11 : memref<!tpu.dma_semaphore, #tpu.memory_space<semaphore_mem>>) src(%arg8 : memref<256x128xf32, #tpu.memory_space<vmem>>) dst(%dma_wait3A_117 : memref<256x128xf32, #tpu.memory_space<hbm>>)
      %scan3A_118 = arith.constant 0 : i32
      scf.yield %scan3A_118 : i32
    }
    %scan3A_6 = arith.constant 20 : i32
    return
  }
}

#map = affine_map<(d0, d1) -> (0, 0)>
#map1 = affine_map<(d0, d1) -> (0, 0, 0)>
module attributes {stable_mosaic.version = 14 : i64} {
  func.func @_scatter_body(%arg0: i32, %arg1: i32, %arg2: memref<2560x128xi32, #tpu.memory_space<hbm>>, %arg3: memref<327680x128xf32, #tpu.memory_space<hbm>>, %arg4: memref<2x10112x128xf32, #tpu.memory_space<hbm>>, %arg5: memref<1x128xi32, #tpu.memory_space<vmem>>, %arg6: memref<1x128xi32, #tpu.memory_space<vmem>>, %arg7: memref<128x128xf32, #tpu.memory_space<vmem>>, %arg8: memref<128x128xf32, #tpu.memory_space<vmem>>, %arg9: memref<!tpu.dma_semaphore, #tpu.memory_space<semaphore_mem>>, %arg10: memref<!tpu.dma_semaphore, #tpu.memory_space<semaphore_mem>>, %arg11: memref<10112x128xf32, #tpu.memory_space<vmem_shared>>) attributes {dimension_semantics = [#tpu.dimension_semantics<core_parallel>, #tpu.dimension_semantics<subcore_parallel>], iteration_bounds = array<i64: 2, 16>, scalar_prefetch = 0 : i64, scratch_operands = 7 : i64, tpu.core_type = #tpu.core_type<sc_vector_subcore>, window_params = [{transform_indices = #map}, {transform_indices = #map}, {transform_indices = #map1}]} {
    %mul3A = arith.constant 2 : i32
    %mul3A_0 = arith.muli %arg1, %mul3A : i32
    %add3A = arith.addi %mul3A_0, %arg0 : i32
    %scan3A = arith.constant 0 : i32
    %scan3A_1 = arith.constant 0 : i32
    %scan3A_2 = arith.constant 128 : i32
    %scan3A_3 = arith.addi %scan3A_1, %scan3A_2 : i32
    %scan3A_4 = arith.constant 1 : i32
    %scan3A_5 = scf.for %scan3A_39 = %scan3A_1 to %scan3A_3 step %scan3A_4 iter_args(%scan3A_40 = %scan3A) -> (i32)  : i32 {
      %broadcast_in_dim3A = arith.constant 0.000000e+00 : f32
      %broadcast_in_dim3A_41 = vector.broadcast %broadcast_in_dim3A : f32 to vector<16xf32>
      %swap3A = arith.index_cast %scan3A_39 : i32 to index
      %swap3A_42 = arith.constant 0 : index
      %swap3A_43 = tpu.vector_load %arg7[%swap3A, %swap3A_42] {strides = array<i32>} : memref<128x128xf32, #tpu.memory_space<vmem>>, vector<1x16xf32>,
      %swap3A_44 = vector.shape_cast %swap3A_43 : vector<1x16xf32> to vector<16xf32>
      %swap3A_45 = vector.shape_cast %broadcast_in_dim3A_41 : vector<16xf32> to vector<1x16xf32>
      tpu.vector_store %arg7[%swap3A, %swap3A_42], %swap3A_45 {strides = array<i32>} : memref<128x128xf32, #tpu.memory_space<vmem>>, vector<1x16xf32>,
      %broadcast_in_dim3A_46 = arith.constant 0.000000e+00 : f32
      %broadcast_in_dim3A_47 = vector.broadcast %broadcast_in_dim3A_46 : f32 to vector<16xf32>
      %swap3A_48 = arith.index_cast %scan3A_39 : i32 to index
      %swap3A_49 = arith.constant 16 : index
      %swap3A_50 = tpu.vector_load %arg7[%swap3A_48, %swap3A_49] {strides = array<i32>} : memref<128x128xf32, #tpu.memory_space<vmem>>, vector<1x16xf32>,
      %swap3A_51 = vector.shape_cast %swap3A_50 : vector<1x16xf32> to vector<16xf32>
      %swap3A_52 = vector.shape_cast %broadcast_in_dim3A_47 : vector<16xf32> to vector<1x16xf32>
      tpu.vector_store %arg7[%swap3A_48, %swap3A_49], %swap3A_52 {strides = array<i32>} : memref<128x128xf32, #tpu.memory_space<vmem>>, vector<1x16xf32>,
      %broadcast_in_dim3A_53 = arith.constant 0.000000e+00 : f32
      %broadcast_in_dim3A_54 = vector.broadcast %broadcast_in_dim3A_53 : f32 to vector<16xf32>
      %swap3A_55 = arith.index_cast %scan3A_39 : i32 to index
      %swap3A_56 = arith.constant 32 : index
      %swap3A_57 = tpu.vector_load %arg7[%swap3A_55, %swap3A_56] {strides = array<i32>} : memref<128x128xf32, #tpu.memory_space<vmem>>, vector<1x16xf32>,
      %swap3A_58 = vector.shape_cast %swap3A_57 : vector<1x16xf32> to vector<16xf32>
      %swap3A_59 = vector.shape_cast %broadcast_in_dim3A_54 : vector<16xf32> to vector<1x16xf32>
      tpu.vector_store %arg7[%swap3A_55, %swap3A_56], %swap3A_59 {strides = array<i32>} : memref<128x128xf32, #tpu.memory_space<vmem>>, vector<1x16xf32>,
      %broadcast_in_dim3A_60 = arith.constant 0.000000e+00 : f32
      %broadcast_in_dim3A_61 = vector.broadcast %broadcast_in_dim3A_60 : f32 to vector<16xf32>
      %swap3A_62 = arith.index_cast %scan3A_39 : i32 to index
      %swap3A_63 = arith.constant 48 : index
      %swap3A_64 = tpu.vector_load %arg7[%swap3A_62, %swap3A_63] {strides = array<i32>} : memref<128x128xf32, #tpu.memory_space<vmem>>, vector<1x16xf32>,
      %swap3A_65 = vector.shape_cast %swap3A_64 : vector<1x16xf32> to vector<16xf32>
      %swap3A_66 = vector.shape_cast %broadcast_in_dim3A_61 : vector<16xf32> to vector<1x16xf32>
      tpu.vector_store %arg7[%swap3A_62, %swap3A_63], %swap3A_66 {strides = array<i32>} : memref<128x128xf32, #tpu.memory_space<vmem>>, vector<1x16xf32>,
      %broadcast_in_dim3A_67 = arith.constant 0.000000e+00 : f32
      %broadcast_in_dim3A_68 = vector.broadcast %broadcast_in_dim3A_67 : f32 to vector<16xf32>
      %swap3A_69 = arith.index_cast %scan3A_39 : i32 to index
      %swap3A_70 = arith.constant 64 : index
      %swap3A_71 = tpu.vector_load %arg7[%swap3A_69, %swap3A_70] {strides = array<i32>} : memref<128x128xf32, #tpu.memory_space<vmem>>, vector<1x16xf32>,
      %swap3A_72 = vector.shape_cast %swap3A_71 : vector<1x16xf32> to vector<16xf32>
      %swap3A_73 = vector.shape_cast %broadcast_in_dim3A_68 : vector<16xf32> to vector<1x16xf32>
      tpu.vector_store %arg7[%swap3A_69, %swap3A_70], %swap3A_73 {strides = array<i32>} : memref<128x128xf32, #tpu.memory_space<vmem>>, vector<1x16xf32>,
      %broadcast_in_dim3A_74 = arith.constant 0.000000e+00 : f32
      %broadcast_in_dim3A_75 = vector.broadcast %broadcast_in_dim3A_74 : f32 to vector<16xf32>
      %swap3A_76 = arith.index_cast %scan3A_39 : i32 to index
      %swap3A_77 = arith.constant 80 : index
      %swap3A_78 = tpu.vector_load %arg7[%swap3A_76, %swap3A_77] {strides = array<i32>} : memref<128x128xf32, #tpu.memory_space<vmem>>, vector<1x16xf32>,
      %swap3A_79 = vector.shape_cast %swap3A_78 : vector<1x16xf32> to vector<16xf32>
      %swap3A_80 = vector.shape_cast %broadcast_in_dim3A_75 : vector<16xf32> to vector<1x16xf32>
      tpu.vector_store %arg7[%swap3A_76, %swap3A_77], %swap3A_80 {strides = array<i32>} : memref<128x128xf32, #tpu.memory_space<vmem>>, vector<1x16xf32>,
      %broadcast_in_dim3A_81 = arith.constant 0.000000e+00 : f32
      %broadcast_in_dim3A_82 = vector.broadcast %broadcast_in_dim3A_81 : f32 to vector<16xf32>
      %swap3A_83 = arith.index_cast %scan3A_39 : i32 to index
      %swap3A_84 = arith.constant 96 : index
      %swap3A_85 = tpu.vector_load %arg7[%swap3A_83, %swap3A_84] {strides = array<i32>} : memref<128x128xf32, #tpu.memory_space<vmem>>, vector<1x16xf32>,
      %swap3A_86 = vector.shape_cast %swap3A_85 : vector<1x16xf32> to vector<16xf32>
      %swap3A_87 = vector.shape_cast %broadcast_in_dim3A_82 : vector<16xf32> to vector<1x16xf32>
      tpu.vector_store %arg7[%swap3A_83, %swap3A_84], %swap3A_87 {strides = array<i32>} : memref<128x128xf32, #tpu.memory_space<vmem>>, vector<1x16xf32>,
      %broadcast_in_dim3A_88 = arith.constant 0.000000e+00 : f32
      %broadcast_in_dim3A_89 = vector.broadcast %broadcast_in_dim3A_88 : f32 to vector<16xf32>
      %swap3A_90 = arith.index_cast %scan3A_39 : i32 to index
      %swap3A_91 = arith.constant 112 : index
      %swap3A_92 = tpu.vector_load %arg7[%swap3A_90, %swap3A_91] {strides = array<i32>} : memref<128x128xf32, #tpu.memory_space<vmem>>, vector<1x16xf32>,
      %swap3A_93 = vector.shape_cast %swap3A_92 : vector<1x16xf32> to vector<16xf32>
      %swap3A_94 = vector.shape_cast %broadcast_in_dim3A_89 : vector<16xf32> to vector<1x16xf32>
      tpu.vector_store %arg7[%swap3A_90, %swap3A_91], %swap3A_94 {strides = array<i32>} : memref<128x128xf32, #tpu.memory_space<vmem>>, vector<1x16xf32>,
      %scan3A_95 = arith.constant 0 : i32
      scf.yield %scan3A_95 : i32
    }
    %scan3A_6 = arith.constant 128 : i32
    %mul3A_7 = arith.constant 632 : i32
    %mul3A_8 = arith.muli %arg1, %mul3A_7 : i32
    %add3A_9 = arith.constant 0 : i32
    %add3A_10 = arith.addi %mul3A_8, %add3A_9 : i32
    "tpu.region"() ({
      %run_scoped3A = tpu.sem_alloc : memref<!tpu.dma_semaphore, #tpu.memory_space<semaphore_mem>>
      %dma_start3A = arith.constant 0 : i32
      %dma_start3A_39 = arith.constant 0 : i32
      %dma_start3A_40 = tpu.memref_slice %arg7[%dma_start3A, %dma_start3A_39] : memref<128x128xf32, #tpu.memory_space<vmem>> -> memref<128x128xf32, #tpu.memory_space<vmem>>
      %dma_start3A_41 = arith.constant 0 : i32
      %dma_start3A_42 = tpu.memref_slice %arg11[%add3A_10, %dma_start3A_41] : memref<10112x128xf32, #tpu.memory_space<vmem_shared>> -> memref<128x128xf32, #tpu.memory_space<vmem_shared>>
      %dma_start3A_43 = arith.constant 0 : i32
      %dma_start3A_44 = tpu.memref_slice %arg11[%add3A_10, %dma_start3A_43] : memref<10112x128xf32, #tpu.memory_space<vmem_shared>> -> memref<128x128xf32, #tpu.memory_space<vmem_shared>>
      %dma_start3A_45 = arith.constant 0 : i32
      %dma_start3A_46 = arith.constant 0 : i32
      %dma_start3A_47 = tpu.memref_slice %arg7[%dma_start3A_45, %dma_start3A_46] : memref<128x128xf32, #tpu.memory_space<vmem>> -> memref<128x128xf32, #tpu.memory_space<vmem>>
      tpu.enqueue_dma source(%dma_start3A_47 : memref<128x128xf32, #tpu.memory_space<vmem>>) target(%dma_start3A_44 : memref<128x128xf32, #tpu.memory_space<vmem_shared>>) target_semaphore(%run_scoped3A : memref<!tpu.dma_semaphore, #tpu.memory_space<semaphore_mem>>)
      %dma_wait3A = arith.constant 0 : i32
      %dma_wait3A_48 = arith.constant 0 : i32
      %dma_wait3A_49 = tpu.memref_slice %arg7[%dma_wait3A, %dma_wait3A_48] : memref<128x128xf32, #tpu.memory_space<vmem>> -> memref<128x128xf32, #tpu.memory_space<vmem>>
      %dma_wait3A_50 = arith.constant 0 : i32
      %dma_wait3A_51 = tpu.memref_slice %arg11[%add3A_10, %dma_wait3A_50] : memref<10112x128xf32, #tpu.memory_space<vmem_shared>> -> memref<128x128xf32, #tpu.memory_space<vmem_shared>>
      %dma_wait3A_52 = arith.constant 0 : i32
      %dma_wait3A_53 = tpu.memref_slice %arg11[%add3A_10, %dma_wait3A_52] : memref<10112x128xf32, #tpu.memory_space<vmem_shared>> -> memref<128x128xf32, #tpu.memory_space<vmem_shared>>
      %dma_wait3A_54 = arith.constant 0 : i32
      %dma_wait3A_55 = arith.constant 0 : i32
      %dma_wait3A_56 = tpu.memref_slice %arg7[%dma_wait3A_54, %dma_wait3A_55] : memref<128x128xf32, #tpu.memory_space<vmem>> -> memref<128x128xf32, #tpu.memory_space<vmem>>
      tpu.wait_dma2 semaphore(%run_scoped3A : memref<!tpu.dma_semaphore, #tpu.memory_space<semaphore_mem>>) src(%dma_wait3A_56 : memref<128x128xf32, #tpu.memory_space<vmem>>) dst(%dma_wait3A_53 : memref<128x128xf32, #tpu.memory_space<vmem_shared>>)
      tpu.yield
    }) : () -> ()
    %mul3A_11 = arith.constant 632 : i32
    %mul3A_12 = arith.muli %arg1, %mul3A_11 : i32
    %add3A_13 = arith.constant 128 : i32
    %add3A_14 = arith.addi %mul3A_12, %add3A_13 : i32
    "tpu.region"() ({
      %run_scoped3A = tpu.sem_alloc : memref<!tpu.dma_semaphore, #tpu.memory_space<semaphore_mem>>
      %dma_start3A = arith.constant 0 : i32
      %dma_start3A_39 = arith.constant 0 : i32
      %dma_start3A_40 = tpu.memref_slice %arg7[%dma_start3A, %dma_start3A_39] : memref<128x128xf32, #tpu.memory_space<vmem>> -> memref<128x128xf32, #tpu.memory_space<vmem>>
      %dma_start3A_41 = arith.constant 0 : i32
      %dma_start3A_42 = tpu.memref_slice %arg11[%add3A_14, %dma_start3A_41] : memref<10112x128xf32, #tpu.memory_space<vmem_shared>> -> memref<128x128xf32, #tpu.memory_space<vmem_shared>>
      %dma_start3A_43 = arith.constant 0 : i32
      %dma_start3A_44 = tpu.memref_slice %arg11[%add3A_14, %dma_start3A_43] : memref<10112x128xf32, #tpu.memory_space<vmem_shared>> -> memref<128x128xf32, #tpu.memory_space<vmem_shared>>
      %dma_start3A_45 = arith.constant 0 : i32
      %dma_start3A_46 = arith.constant 0 : i32
      %dma_start3A_47 = tpu.memref_slice %arg7[%dma_start3A_45, %dma_start3A_46] : memref<128x128xf32, #tpu.memory_space<vmem>> -> memref<128x128xf32, #tpu.memory_space<vmem>>
      tpu.enqueue_dma source(%dma_start3A_47 : memref<128x128xf32, #tpu.memory_space<vmem>>) target(%dma_start3A_44 : memref<128x128xf32, #tpu.memory_space<vmem_shared>>) target_semaphore(%run_scoped3A : memref<!tpu.dma_semaphore, #tpu.memory_space<semaphore_mem>>)
      %dma_wait3A = arith.constant 0 : i32
      %dma_wait3A_48 = arith.constant 0 : i32
      %dma_wait3A_49 = tpu.memref_slice %arg7[%dma_wait3A, %dma_wait3A_48] : memref<128x128xf32, #tpu.memory_space<vmem>> -> memref<128x128xf32, #tpu.memory_space<vmem>>
      %dma_wait3A_50 = arith.constant 0 : i32
      %dma_wait3A_51 = tpu.memref_slice %arg11[%add3A_14, %dma_wait3A_50] : memref<10112x128xf32, #tpu.memory_space<vmem_shared>> -> memref<128x128xf32, #tpu.memory_space<vmem_shared>>
      %dma_wait3A_52 = arith.constant 0 : i32
      %dma_wait3A_53 = tpu.memref_slice %arg11[%add3A_14, %dma_wait3A_52] : memref<10112x128xf32, #tpu.memory_space<vmem_shared>> -> memref<128x128xf32, #tpu.memory_space<vmem_shared>>
      %dma_wait3A_54 = arith.constant 0 : i32
      %dma_wait3A_55 = arith.constant 0 : i32
      %dma_wait3A_56 = tpu.memref_slice %arg7[%dma_wait3A_54, %dma_wait3A_55] : memref<128x128xf32, #tpu.memory_space<vmem>> -> memref<128x128xf32, #tpu.memory_space<vmem>>
      tpu.wait_dma2 semaphore(%run_scoped3A : memref<!tpu.dma_semaphore, #tpu.memory_space<semaphore_mem>>) src(%dma_wait3A_56 : memref<128x128xf32, #tpu.memory_space<vmem>>) dst(%dma_wait3A_53 : memref<128x128xf32, #tpu.memory_space<vmem_shared>>)
      tpu.yield
    }) : () -> ()
    %mul3A_15 = arith.constant 632 : i32
    %mul3A_16 = arith.muli %arg1, %mul3A_15 : i32
    %add3A_17 = arith.constant 256 : i32
    %add3A_18 = arith.addi %mul3A_16, %add3A_17 : i32
    "tpu.region"() ({
      %run_scoped3A = tpu.sem_alloc : memref<!tpu.dma_semaphore, #tpu.memory_space<semaphore_mem>>
      %dma_start3A = arith.constant 0 : i32
      %dma_start3A_39 = arith.constant 0 : i32
      %dma_start3A_40 = tpu.memref_slice %arg7[%dma_start3A, %dma_start3A_39] : memref<128x128xf32, #tpu.memory_space<vmem>> -> memref<128x128xf32, #tpu.memory_space<vmem>>
      %dma_start3A_41 = arith.constant 0 : i32
      %dma_start3A_42 = tpu.memref_slice %arg11[%add3A_18, %dma_start3A_41] : memref<10112x128xf32, #tpu.memory_space<vmem_shared>> -> memref<128x128xf32, #tpu.memory_space<vmem_shared>>
      %dma_start3A_43 = arith.constant 0 : i32
      %dma_start3A_44 = tpu.memref_slice %arg11[%add3A_18, %dma_start3A_43] : memref<10112x128xf32, #tpu.memory_space<vmem_shared>> -> memref<128x128xf32, #tpu.memory_space<vmem_shared>>
      %dma_start3A_45 = arith.constant 0 : i32
      %dma_start3A_46 = arith.constant 0 : i32
      %dma_start3A_47 = tpu.memref_slice %arg7[%dma_start3A_45, %dma_start3A_46] : memref<128x128xf32, #tpu.memory_space<vmem>> -> memref<128x128xf32, #tpu.memory_space<vmem>>
      tpu.enqueue_dma source(%dma_start3A_47 : memref<128x128xf32, #tpu.memory_space<vmem>>) target(%dma_start3A_44 : memref<128x128xf32, #tpu.memory_space<vmem_shared>>) target_semaphore(%run_scoped3A : memref<!tpu.dma_semaphore, #tpu.memory_space<semaphore_mem>>)
      %dma_wait3A = arith.constant 0 : i32
      %dma_wait3A_48 = arith.constant 0 : i32
      %dma_wait3A_49 = tpu.memref_slice %arg7[%dma_wait3A, %dma_wait3A_48] : memref<128x128xf32, #tpu.memory_space<vmem>> -> memref<128x128xf32, #tpu.memory_space<vmem>>
      %dma_wait3A_50 = arith.constant 0 : i32
      %dma_wait3A_51 = tpu.memref_slice %arg11[%add3A_18, %dma_wait3A_50] : memref<10112x128xf32, #tpu.memory_space<vmem_shared>> -> memref<128x128xf32, #tpu.memory_space<vmem_shared>>
      %dma_wait3A_52 = arith.constant 0 : i32
      %dma_wait3A_53 = tpu.memref_slice %arg11[%add3A_18, %dma_wait3A_52] : memref<10112x128xf32, #tpu.memory_space<vmem_shared>> -> memref<128x128xf32, #tpu.memory_space<vmem_shared>>
      %dma_wait3A_54 = arith.constant 0 : i32
      %dma_wait3A_55 = arith.constant 0 : i32
      %dma_wait3A_56 = tpu.memref_slice %arg7[%dma_wait3A_54, %dma_wait3A_55] : memref<128x128xf32, #tpu.memory_space<vmem>> -> memref<128x128xf32, #tpu.memory_space<vmem>>
      tpu.wait_dma2 semaphore(%run_scoped3A : memref<!tpu.dma_semaphore, #tpu.memory_space<semaphore_mem>>) src(%dma_wait3A_56 : memref<128x128xf32, #tpu.memory_space<vmem>>) dst(%dma_wait3A_53 : memref<128x128xf32, #tpu.memory_space<vmem_shared>>)
      tpu.yield
    }) : () -> ()
    %mul3A_19 = arith.constant 632 : i32
    %mul3A_20 = arith.muli %arg1, %mul3A_19 : i32
    %add3A_21 = arith.constant 384 : i32
    %add3A_22 = arith.addi %mul3A_20, %add3A_21 : i32
    "tpu.region"() ({
      %run_scoped3A = tpu.sem_alloc : memref<!tpu.dma_semaphore, #tpu.memory_space<semaphore_mem>>
      %dma_start3A = arith.constant 0 : i32
      %dma_start3A_39 = arith.constant 0 : i32
      %dma_start3A_40 = tpu.memref_slice %arg7[%dma_start3A, %dma_start3A_39] : memref<128x128xf32, #tpu.memory_space<vmem>> -> memref<128x128xf32, #tpu.memory_space<vmem>>
      %dma_start3A_41 = arith.constant 0 : i32
      %dma_start3A_42 = tpu.memref_slice %arg11[%add3A_22, %dma_start3A_41] : memref<10112x128xf32, #tpu.memory_space<vmem_shared>> -> memref<128x128xf32, #tpu.memory_space<vmem_shared>>
      %dma_start3A_43 = arith.constant 0 : i32
      %dma_start3A_44 = tpu.memref_slice %arg11[%add3A_22, %dma_start3A_43] : memref<10112x128xf32, #tpu.memory_space<vmem_shared>> -> memref<128x128xf32, #tpu.memory_space<vmem_shared>>
      %dma_start3A_45 = arith.constant 0 : i32
      %dma_start3A_46 = arith.constant 0 : i32
      %dma_start3A_47 = tpu.memref_slice %arg7[%dma_start3A_45, %dma_start3A_46] : memref<128x128xf32, #tpu.memory_space<vmem>> -> memref<128x128xf32, #tpu.memory_space<vmem>>
      tpu.enqueue_dma source(%dma_start3A_47 : memref<128x128xf32, #tpu.memory_space<vmem>>) target(%dma_start3A_44 : memref<128x128xf32, #tpu.memory_space<vmem_shared>>) target_semaphore(%run_scoped3A : memref<!tpu.dma_semaphore, #tpu.memory_space<semaphore_mem>>)
      %dma_wait3A = arith.constant 0 : i32
      %dma_wait3A_48 = arith.constant 0 : i32
      %dma_wait3A_49 = tpu.memref_slice %arg7[%dma_wait3A, %dma_wait3A_48] : memref<128x128xf32, #tpu.memory_space<vmem>> -> memref<128x128xf32, #tpu.memory_space<vmem>>
      %dma_wait3A_50 = arith.constant 0 : i32
      %dma_wait3A_51 = tpu.memref_slice %arg11[%add3A_22, %dma_wait3A_50] : memref<10112x128xf32, #tpu.memory_space<vmem_shared>> -> memref<128x128xf32, #tpu.memory_space<vmem_shared>>
      %dma_wait3A_52 = arith.constant 0 : i32
      %dma_wait3A_53 = tpu.memref_slice %arg11[%add3A_22, %dma_wait3A_52] : memref<10112x128xf32, #tpu.memory_space<vmem_shared>> -> memref<128x128xf32, #tpu.memory_space<vmem_shared>>
      %dma_wait3A_54 = arith.constant 0 : i32
      %dma_wait3A_55 = arith.constant 0 : i32
      %dma_wait3A_56 = tpu.memref_slice %arg7[%dma_wait3A_54, %dma_wait3A_55] : memref<128x128xf32, #tpu.memory_space<vmem>> -> memref<128x128xf32, #tpu.memory_space<vmem>>
      tpu.wait_dma2 semaphore(%run_scoped3A : memref<!tpu.dma_semaphore, #tpu.memory_space<semaphore_mem>>) src(%dma_wait3A_56 : memref<128x128xf32, #tpu.memory_space<vmem>>) dst(%dma_wait3A_53 : memref<128x128xf32, #tpu.memory_space<vmem_shared>>)
      tpu.yield
    }) : () -> ()
    %mul3A_23 = arith.constant 632 : i32
    %mul3A_24 = arith.muli %arg1, %mul3A_23 : i32
    %add3A_25 = arith.constant 512 : i32
    %add3A_26 = arith.addi %mul3A_24, %add3A_25 : i32
    "tpu.region"() ({
      %run_scoped3A = tpu.sem_alloc : memref<!tpu.dma_semaphore, #tpu.memory_space<semaphore_mem>>
      %dma_start3A = arith.constant 0 : i32
      %dma_start3A_39 = arith.constant 0 : i32
      %dma_start3A_40 = tpu.memref_slice %arg7[%dma_start3A, %dma_start3A_39] : memref<128x128xf32, #tpu.memory_space<vmem>> -> memref<120x128xf32, #tpu.memory_space<vmem>>
      %dma_start3A_41 = arith.constant 0 : i32
      %dma_start3A_42 = tpu.memref_slice %arg11[%add3A_26, %dma_start3A_41] : memref<10112x128xf32, #tpu.memory_space<vmem_shared>> -> memref<120x128xf32, #tpu.memory_space<vmem_shared>>
      %dma_start3A_43 = arith.constant 0 : i32
      %dma_start3A_44 = tpu.memref_slice %arg11[%add3A_26, %dma_start3A_43] : memref<10112x128xf32, #tpu.memory_space<vmem_shared>> -> memref<120x128xf32, #tpu.memory_space<vmem_shared>>
      %dma_start3A_45 = arith.constant 0 : i32
      %dma_start3A_46 = arith.constant 0 : i32
      %dma_start3A_47 = tpu.memref_slice %arg7[%dma_start3A_45, %dma_start3A_46] : memref<128x128xf32, #tpu.memory_space<vmem>> -> memref<120x128xf32, #tpu.memory_space<vmem>>
      tpu.enqueue_dma source(%dma_start3A_47 : memref<120x128xf32, #tpu.memory_space<vmem>>) target(%dma_start3A_44 : memref<120x128xf32, #tpu.memory_space<vmem_shared>>) target_semaphore(%run_scoped3A : memref<!tpu.dma_semaphore, #tpu.memory_space<semaphore_mem>>)
      %dma_wait3A = arith.constant 0 : i32
      %dma_wait3A_48 = arith.constant 0 : i32
      %dma_wait3A_49 = tpu.memref_slice %arg7[%dma_wait3A, %dma_wait3A_48] : memref<128x128xf32, #tpu.memory_space<vmem>> -> memref<120x128xf32, #tpu.memory_space<vmem>>
      %dma_wait3A_50 = arith.constant 0 : i32
      %dma_wait3A_51 = tpu.memref_slice %arg11[%add3A_26, %dma_wait3A_50] : memref<10112x128xf32, #tpu.memory_space<vmem_shared>> -> memref<120x128xf32, #tpu.memory_space<vmem_shared>>
      %dma_wait3A_52 = arith.constant 0 : i32
      %dma_wait3A_53 = tpu.memref_slice %arg11[%add3A_26, %dma_wait3A_52] : memref<10112x128xf32, #tpu.memory_space<vmem_shared>> -> memref<120x128xf32, #tpu.memory_space<vmem_shared>>
      %dma_wait3A_54 = arith.constant 0 : i32
      %dma_wait3A_55 = arith.constant 0 : i32
      %dma_wait3A_56 = tpu.memref_slice %arg7[%dma_wait3A_54, %dma_wait3A_55] : memref<128x128xf32, #tpu.memory_space<vmem>> -> memref<120x128xf32, #tpu.memory_space<vmem>>
      tpu.wait_dma2 semaphore(%run_scoped3A : memref<!tpu.dma_semaphore, #tpu.memory_space<semaphore_mem>>) src(%dma_wait3A_56 : memref<120x128xf32, #tpu.memory_space<vmem>>) dst(%dma_wait3A_53 : memref<120x128xf32, #tpu.memory_space<vmem_shared>>)
      tpu.yield
    }) : () -> ()
    %barrier3A = arith.constant 0 : index
    tpu.barrier barrier_id(%barrier3A)
    %scan3A_27 = arith.constant 0 : i32
    %scan3A_28 = arith.constant 0 : i32
    %scan3A_29 = arith.constant 40 : i32
    %scan3A_30 = arith.addi %scan3A_28, %scan3A_29 : i32
    %scan3A_31 = arith.constant 1 : i32
    %scan3A_32 = scf.for %scan3A_39 = %scan3A_28 to %scan3A_30 step %scan3A_31 iter_args(%scan3A_40 = %scan3A_27) -> (i32)  : i32 {
      %mul3A_41 = arith.constant 80 : i32
      %mul3A_42 = arith.muli %add3A, %mul3A_41 : i32
      %mul3A_43 = arith.constant 2 : i32
      %mul3A_44 = arith.muli %mul3A_43, %scan3A_39 : i32
      %add3A_45 = arith.addi %mul3A_42, %mul3A_44 : i32
      %add3A_46 = arith.constant 1 : i32
      %add3A_47 = arith.addi %add3A_45, %add3A_46 : i32
      "tpu.region"() ({
        %run_scoped3A = tpu.sem_alloc : memref<!tpu.dma_semaphore, #tpu.memory_space<semaphore_mem>>
        %dma_start3A_95 = arith.constant 0 : i32
        %dma_start3A_96 = tpu.memref_slice %arg2[%add3A_45, %dma_start3A_95] : memref<2560x128xi32, #tpu.memory_space<hbm>> -> memref<1x128xi32, #tpu.memory_space<hbm>>
        %dma_start3A_97 = arith.constant 0 : i32
        %dma_start3A_98 = tpu.memref_slice %arg2[%add3A_45, %dma_start3A_97] : memref<2560x128xi32, #tpu.memory_space<hbm>> -> memref<1x128xi32, #tpu.memory_space<hbm>>
        tpu.enqueue_dma source(%dma_start3A_98 : memref<1x128xi32, #tpu.memory_space<hbm>>) target(%arg5 : memref<1x128xi32, #tpu.memory_space<vmem>>) target_semaphore(%run_scoped3A : memref<!tpu.dma_semaphore, #tpu.memory_space<semaphore_mem>>)
        %dma_wait3A_99 = arith.constant 0 : i32
        %dma_wait3A_100 = tpu.memref_slice %arg2[%add3A_45, %dma_wait3A_99] : memref<2560x128xi32, #tpu.memory_space<hbm>> -> memref<1x128xi32, #tpu.memory_space<hbm>>
        %dma_wait3A_101 = arith.constant 0 : i32
        %dma_wait3A_102 = tpu.memref_slice %arg2[%add3A_45, %dma_wait3A_101] : memref<2560x128xi32, #tpu.memory_space<hbm>> -> memref<1x128xi32, #tpu.memory_space<hbm>>
        tpu.wait_dma2 semaphore(%run_scoped3A : memref<!tpu.dma_semaphore, #tpu.memory_space<semaphore_mem>>) src(%dma_wait3A_102 : memref<1x128xi32, #tpu.memory_space<hbm>>) dst(%arg5 : memref<1x128xi32, #tpu.memory_space<vmem>>)
        tpu.yield
      }) : () -> ()
      "tpu.region"() ({
        %run_scoped3A = tpu.sem_alloc : memref<!tpu.dma_semaphore, #tpu.memory_space<semaphore_mem>>
        %dma_start3A_95 = arith.constant 0 : i32
        %dma_start3A_96 = tpu.memref_slice %arg2[%add3A_47, %dma_start3A_95] : memref<2560x128xi32, #tpu.memory_space<hbm>> -> memref<1x128xi32, #tpu.memory_space<hbm>>
        %dma_start3A_97 = arith.constant 0 : i32
        %dma_start3A_98 = tpu.memref_slice %arg2[%add3A_47, %dma_start3A_97] : memref<2560x128xi32, #tpu.memory_space<hbm>> -> memref<1x128xi32, #tpu.memory_space<hbm>>
        tpu.enqueue_dma source(%dma_start3A_98 : memref<1x128xi32, #tpu.memory_space<hbm>>) target(%arg6 : memref<1x128xi32, #tpu.memory_space<vmem>>) target_semaphore(%run_scoped3A : memref<!tpu.dma_semaphore, #tpu.memory_space<semaphore_mem>>)
        %dma_wait3A_99 = arith.constant 0 : i32
        %dma_wait3A_100 = tpu.memref_slice %arg2[%add3A_47, %dma_wait3A_99] : memref<2560x128xi32, #tpu.memory_space<hbm>> -> memref<1x128xi32, #tpu.memory_space<hbm>>
        %dma_wait3A_101 = arith.constant 0 : i32
        %dma_wait3A_102 = tpu.memref_slice %arg2[%add3A_47, %dma_wait3A_101] : memref<2560x128xi32, #tpu.memory_space<hbm>> -> memref<1x128xi32, #tpu.memory_space<hbm>>
        tpu.wait_dma2 semaphore(%run_scoped3A : memref<!tpu.dma_semaphore, #tpu.memory_space<semaphore_mem>>) src(%dma_wait3A_102 : memref<1x128xi32, #tpu.memory_space<hbm>>) dst(%arg6 : memref<1x128xi32, #tpu.memory_space<vmem>>)
        tpu.yield
      }) : () -> ()
      %mul3A_48 = arith.constant 128 : i32
      %mul3A_49 = arith.muli %add3A_45, %mul3A_48 : i32
      %dma_start3A = arith.constant 0 : i32
      %dma_start3A_50 = tpu.memref_slice %arg3[%mul3A_49, %dma_start3A] : memref<327680x128xf32, #tpu.memory_space<hbm>> -> memref<128x128xf32, #tpu.memory_space<hbm>>
      %dma_start3A_51 = arith.constant 0 : i32
      %dma_start3A_52 = tpu.memref_slice %arg3[%mul3A_49, %dma_start3A_51] : memref<327680x128xf32, #tpu.memory_space<hbm>> -> memref<128x128xf32, #tpu.memory_space<hbm>>
      tpu.enqueue_dma source(%dma_start3A_52 : memref<128x128xf32, #tpu.memory_space<hbm>>) target(%arg7 : memref<128x128xf32, #tpu.memory_space<vmem>>) target_semaphore(%arg9 : memref<!tpu.dma_semaphore, #tpu.memory_space<semaphore_mem>>)
      %mul3A_53 = arith.constant 128 : i32
      %mul3A_54 = arith.muli %add3A_47, %mul3A_53 : i32
      %dma_start3A_55 = arith.constant 0 : i32
      %dma_start3A_56 = tpu.memref_slice %arg3[%mul3A_54, %dma_start3A_55] : memref<327680x128xf32, #tpu.memory_space<hbm>> -> memref<128x128xf32, #tpu.memory_space<hbm>>
      %dma_start3A_57 = arith.constant 0 : i32
      %dma_start3A_58 = tpu.memref_slice %arg3[%mul3A_54, %dma_start3A_57] : memref<327680x128xf32, #tpu.memory_space<hbm>> -> memref<128x128xf32, #tpu.memory_space<hbm>>
      tpu.enqueue_dma source(%dma_start3A_58 : memref<128x128xf32, #tpu.memory_space<hbm>>) target(%arg8 : memref<128x128xf32, #tpu.memory_space<vmem>>) target_semaphore(%arg10 : memref<!tpu.dma_semaphore, #tpu.memory_space<semaphore_mem>>)
      %dma_wait3A = arith.constant 0 : i32
      %dma_wait3A_59 = tpu.memref_slice %arg3[%mul3A_49, %dma_wait3A] : memref<327680x128xf32, #tpu.memory_space<hbm>> -> memref<128x128xf32, #tpu.memory_space<hbm>>
      %dma_wait3A_60 = arith.constant 0 : i32
      %dma_wait3A_61 = tpu.memref_slice %arg3[%mul3A_49, %dma_wait3A_60] : memref<327680x128xf32, #tpu.memory_space<hbm>> -> memref<128x128xf32, #tpu.memory_space<hbm>>
      tpu.wait_dma2 semaphore(%arg9 : memref<!tpu.dma_semaphore, #tpu.memory_space<semaphore_mem>>) src(%dma_wait3A_61 : memref<128x128xf32, #tpu.memory_space<hbm>>) dst(%arg7 : memref<128x128xf32, #tpu.memory_space<vmem>>)
      %dma_start3A_62 = arith.constant 0 : i32
      %dma_start3A_63 = arith.constant 0 : i32
      %dma_start3A_64 = tpu.memref_slice %arg5[%dma_start3A_62, %dma_start3A_63] : memref<1x128xi32, #tpu.memory_space<vmem>> -> memref<1x128xi32, #tpu.memory_space<vmem>>
      %dma_start3A_65 = tpu.memref_squeeze %dma_start3A_64 : memref<1x128xi32, #tpu.memory_space<vmem>> -> memref<128xi32, #tpu.memory_space<vmem>>
      %dma_start3A_66 = arith.constant 0 : i32
      %dma_start3A_67 = arith.constant 0 : i32
      %dma_start3A_68 = tpu.memref_slice %arg11[%dma_start3A_66, %dma_start3A_67] : memref<10112x128xf32, #tpu.memory_space<vmem_shared>> -> memref<10112x128xf32, #tpu.memory_space<vmem_shared>>
      tpu.enqueue_indirect_dma source(%arg7 : memref<128x128xf32, #tpu.memory_space<vmem>>) target(%dma_start3A_68 : memref<10112x128xf32, #tpu.memory_space<vmem_shared>>) offsets(%dma_start3A_65 : memref<128xi32, #tpu.memory_space<vmem>>) semaphore(%arg9 : memref<!tpu.dma_semaphore, #tpu.memory_space<semaphore_mem>>) {add = true}
      %dma_wait3A_69 = arith.constant 0 : i32
      %dma_wait3A_70 = tpu.memref_slice %arg3[%mul3A_54, %dma_wait3A_69] : memref<327680x128xf32, #tpu.memory_space<hbm>> -> memref<128x128xf32, #tpu.memory_space<hbm>>
      %dma_wait3A_71 = arith.constant 0 : i32
      %dma_wait3A_72 = tpu.memref_slice %arg3[%mul3A_54, %dma_wait3A_71] : memref<327680x128xf32, #tpu.memory_space<hbm>> -> memref<128x128xf32, #tpu.memory_space<hbm>>
      tpu.wait_dma2 semaphore(%arg10 : memref<!tpu.dma_semaphore, #tpu.memory_space<semaphore_mem>>) src(%dma_wait3A_72 : memref<128x128xf32, #tpu.memory_space<hbm>>) dst(%arg8 : memref<128x128xf32, #tpu.memory_space<vmem>>)
      %dma_start3A_73 = arith.constant 0 : i32
      %dma_start3A_74 = arith.constant 0 : i32
      %dma_start3A_75 = tpu.memref_slice %arg6[%dma_start3A_73, %dma_start3A_74] : memref<1x128xi32, #tpu.memory_space<vmem>> -> memref<1x128xi32, #tpu.memory_space<vmem>>
      %dma_start3A_76 = tpu.memref_squeeze %dma_start3A_75 : memref<1x128xi32, #tpu.memory_space<vmem>> -> memref<128xi32, #tpu.memory_space<vmem>>
      %dma_start3A_77 = arith.constant 0 : i32
      %dma_start3A_78 = arith.constant 0 : i32
      %dma_start3A_79 = tpu.memref_slice %arg11[%dma_start3A_77, %dma_start3A_78] : memref<10112x128xf32, #tpu.memory_space<vmem_shared>> -> memref<10112x128xf32, #tpu.memory_space<vmem_shared>>
      tpu.enqueue_indirect_dma source(%arg8 : memref<128x128xf32, #tpu.memory_space<vmem>>) target(%dma_start3A_79 : memref<10112x128xf32, #tpu.memory_space<vmem_shared>>) offsets(%dma_start3A_76 : memref<128xi32, #tpu.memory_space<vmem>>) semaphore(%arg10 : memref<!tpu.dma_semaphore, #tpu.memory_space<semaphore_mem>>) {add = true}
      %dma_wait3A_80 = arith.constant 0 : i32
      %dma_wait3A_81 = arith.constant 0 : i32
      %dma_wait3A_82 = tpu.memref_slice %arg5[%dma_wait3A_80, %dma_wait3A_81] : memref<1x128xi32, #tpu.memory_space<vmem>> -> memref<1x128xi32, #tpu.memory_space<vmem>>
      %dma_wait3A_83 = tpu.memref_squeeze %dma_wait3A_82 : memref<1x128xi32, #tpu.memory_space<vmem>> -> memref<128xi32, #tpu.memory_space<vmem>>
      %dma_wait3A_84 = arith.constant 0 : i32
      %dma_wait3A_85 = arith.constant 0 : i32
      %dma_wait3A_86 = tpu.memref_slice %arg11[%dma_wait3A_84, %dma_wait3A_85] : memref<10112x128xf32, #tpu.memory_space<vmem_shared>> -> memref<10112x128xf32, #tpu.memory_space<vmem_shared>>
      tpu.wait_indirect_dma semaphore(%arg9 : memref<!tpu.dma_semaphore, #tpu.memory_space<semaphore_mem>>) src(%arg7 : memref<128x128xf32, #tpu.memory_space<vmem>>) dst(%dma_wait3A_86 : memref<10112x128xf32, #tpu.memory_space<vmem_shared>>)
      %dma_wait3A_87 = arith.constant 0 : i32
      %dma_wait3A_88 = arith.constant 0 : i32
      %dma_wait3A_89 = tpu.memref_slice %arg6[%dma_wait3A_87, %dma_wait3A_88] : memref<1x128xi32, #tpu.memory_space<vmem>> -> memref<1x128xi32, #tpu.memory_space<vmem>>
      %dma_wait3A_90 = tpu.memref_squeeze %dma_wait3A_89 : memref<1x128xi32, #tpu.memory_space<vmem>> -> memref<128xi32, #tpu.memory_space<vmem>>
      %dma_wait3A_91 = arith.constant 0 : i32
      %dma_wait3A_92 = arith.constant 0 : i32
      %dma_wait3A_93 = tpu.memref_slice %arg11[%dma_wait3A_91, %dma_wait3A_92] : memref<10112x128xf32, #tpu.memory_space<vmem_shared>> -> memref<10112x128xf32, #tpu.memory_space<vmem_shared>>
      tpu.wait_indirect_dma semaphore(%arg10 : memref<!tpu.dma_semaphore, #tpu.memory_space<semaphore_mem>>) src(%arg8 : memref<128x128xf32, #tpu.memory_space<vmem>>) dst(%dma_wait3A_93 : memref<10112x128xf32, #tpu.memory_space<vmem_shared>>)
      %scan3A_94 = arith.constant 0 : i32
      scf.yield %scan3A_94 : i32
    }
    %scan3A_33 = arith.constant 40 : i32
    %barrier3A_34 = arith.constant 0 : index
    tpu.barrier barrier_id(%barrier3A_34)
    %mul3A_35 = arith.constant 632 : i32
    %mul3A_36 = arith.muli %arg1, %mul3A_35 : i32
    %mul3A_37 = arith.constant 632 : i32
    %mul3A_38 = arith.muli %arg1, %mul3A_37 : i32
    "tpu.region"() ({
      %run_scoped3A = tpu.sem_alloc : memref<!tpu.dma_semaphore, #tpu.memory_space<semaphore_mem>>
      %dma_start3A = arith.constant 0 : i32
      %dma_start3A_39 = tpu.memref_slice %arg4[%arg0, %mul3A_38, %dma_start3A] : memref<2x10112x128xf32, #tpu.memory_space<hbm>> -> memref<1x632x128xf32, #tpu.memory_space<hbm>>
      %dma_start3A_40 = tpu.memref_squeeze %dma_start3A_39 : memref<1x632x128xf32, #tpu.memory_space<hbm>> -> memref<632x128xf32, #tpu.memory_space<hbm>>
      %dma_start3A_41 = arith.constant 0 : i32
      %dma_start3A_42 = tpu.memref_slice %arg11[%mul3A_36, %dma_start3A_41] : memref<10112x128xf32, #tpu.memory_space<vmem_shared>> -> memref<632x128xf32, #tpu.memory_space<vmem_shared>>
      tpu.enqueue_dma source(%dma_start3A_42 : memref<632x128xf32, #tpu.memory_space<vmem_shared>>) target(%dma_start3A_40 : memref<632x128xf32, #tpu.memory_space<hbm>>) target_semaphore(%run_scoped3A : memref<!tpu.dma_semaphore, #tpu.memory_space<semaphore_mem>>)
      %dma_wait3A = arith.constant 0 : i32
      %dma_wait3A_43 = tpu.memref_slice %arg4[%arg0, %mul3A_38, %dma_wait3A] : memref<2x10112x128xf32, #tpu.memory_space<hbm>> -> memref<1x632x128xf32, #tpu.memory_space<hbm>>
      %dma_wait3A_44 = tpu.memref_squeeze %dma_wait3A_43 : memref<1x632x128xf32, #tpu.memory_space<hbm>> -> memref<632x128xf32, #tpu.memory_space<hbm>>
      %dma_wait3A_45 = arith.constant 0 : i32
      %dma_wait3A_46 = tpu.memref_slice %arg11[%mul3A_36, %dma_wait3A_45] : memref<10112x128xf32, #tpu.memory_space<vmem_shared>> -> memref<632x128xf32, #tpu.memory_space<vmem_shared>>
      tpu.wait_dma2 semaphore(%run_scoped3A : memref<!tpu.dma_semaphore, #tpu.memory_space<semaphore_mem>>) src(%dma_wait3A_46 : memref<632x128xf32, #tpu.memory_space<vmem_shared>>) dst(%dma_wait3A_44 : memref<632x128xf32, #tpu.memory_space<hbm>>)
      tpu.yield
    }) : () -> ()
    return
  }
}

#map = affine_map<(d0, d1) -> (0, 0)>
module attributes {stable_mosaic.version = 14 : i64} {
  func.func @_gather_body(%arg0: i32, %arg1: i32, %arg2: memref<2560x128xi32, #tpu.memory_space<hbm>>, %arg3: memref<10000x128xf32, #tpu.memory_space<hbm>>, %arg4: memref<327680x128xf32, #tpu.memory_space<hbm>>, %arg5: memref<2x128xi32, #tpu.memory_space<vmem>>, %arg6: memref<2x128xi32, #tpu.memory_space<vmem>>, %arg7: memref<256x128xf32, #tpu.memory_space<vmem>>, %arg8: memref<256x128xf32, #tpu.memory_space<vmem>>, %arg9: memref<!tpu.dma_semaphore, #tpu.memory_space<semaphore_mem>>, %arg10: memref<!tpu.dma_semaphore, #tpu.memory_space<semaphore_mem>>, %arg11: memref<!tpu.dma_semaphore, #tpu.memory_space<semaphore_mem>>) attributes {dimension_semantics = [#tpu.dimension_semantics<core_parallel>, #tpu.dimension_semantics<subcore_parallel>], iteration_bounds = array<i64: 2, 16>, scalar_prefetch = 0 : i64, scratch_operands = 7 : i64, tpu.core_type = #tpu.core_type<sc_vector_subcore>, window_params = [{transform_indices = #map}, {transform_indices = #map}, {transform_indices = #map}]} {
    %mul3A = arith.constant 2 : i32
    %mul3A_0 = arith.muli %arg1, %mul3A : i32
    %add3A = arith.addi %mul3A_0, %arg0 : i32
    %scan3A = arith.constant 0 : i32
    %scan3A_1 = arith.constant 0 : i32
    %scan3A_2 = arith.constant 20 : i32
    %scan3A_3 = arith.addi %scan3A_1, %scan3A_2 : i32
    %scan3A_4 = arith.constant 1 : i32
    %scan3A_5 = scf.for %scan3A_7 = %scan3A_1 to %scan3A_3 step %scan3A_4 iter_args(%scan3A_8 = %scan3A) -> (i32)  : i32 {
      %mul3A_9 = arith.constant 40 : i32
      %mul3A_10 = arith.muli %add3A, %mul3A_9 : i32
      %mul3A_11 = arith.constant 2 : i32
      %mul3A_12 = arith.muli %mul3A_11, %scan3A_7 : i32
      %add3A_13 = arith.addi %mul3A_10, %mul3A_12 : i32
      %add3A_14 = arith.constant 1 : i32
      %add3A_15 = arith.addi %add3A_13, %add3A_14 : i32
      %mul3A_16 = arith.constant 2 : i32
      %mul3A_17 = arith.muli %add3A_13, %mul3A_16 : i32
      "tpu.region"() ({
        %run_scoped3A = tpu.sem_alloc : memref<!tpu.dma_semaphore, #tpu.memory_space<semaphore_mem>>
        %dma_start3A_119 = arith.constant 0 : i32
        %dma_start3A_120 = tpu.memref_slice %arg2[%mul3A_17, %dma_start3A_119] : memref<2560x128xi32, #tpu.memory_space<hbm>> -> memref<2x128xi32, #tpu.memory_space<hbm>>
        %dma_start3A_121 = arith.constant 0 : i32
        %dma_start3A_122 = tpu.memref_slice %arg2[%mul3A_17, %dma_start3A_121] : memref<2560x128xi32, #tpu.memory_space<hbm>> -> memref<2x128xi32, #tpu.memory_space<hbm>>
        tpu.enqueue_dma source(%dma_start3A_122 : memref<2x128xi32, #tpu.memory_space<hbm>>) target(%arg5 : memref<2x128xi32, #tpu.memory_space<vmem>>) target_semaphore(%run_scoped3A : memref<!tpu.dma_semaphore, #tpu.memory_space<semaphore_mem>>)
        %dma_wait3A_123 = arith.constant 0 : i32
        %dma_wait3A_124 = tpu.memref_slice %arg2[%mul3A_17, %dma_wait3A_123] : memref<2560x128xi32, #tpu.memory_space<hbm>> -> memref<2x128xi32, #tpu.memory_space<hbm>>
        %dma_wait3A_125 = arith.constant 0 : i32
        %dma_wait3A_126 = tpu.memref_slice %arg2[%mul3A_17, %dma_wait3A_125] : memref<2560x128xi32, #tpu.memory_space<hbm>> -> memref<2x128xi32, #tpu.memory_space<hbm>>
        tpu.wait_dma2 semaphore(%run_scoped3A : memref<!tpu.dma_semaphore, #tpu.memory_space<semaphore_mem>>) src(%dma_wait3A_126 : memref<2x128xi32, #tpu.memory_space<hbm>>) dst(%arg5 : memref<2x128xi32, #tpu.memory_space<vmem>>)
        tpu.yield
      }) : () -> ()
      %mul3A_18 = arith.constant 2 : i32
      %mul3A_19 = arith.muli %add3A_15, %mul3A_18 : i32
      "tpu.region"() ({
        %run_scoped3A = tpu.sem_alloc : memref<!tpu.dma_semaphore, #tpu.memory_space<semaphore_mem>>
        %dma_start3A_119 = arith.constant 0 : i32
        %dma_start3A_120 = tpu.memref_slice %arg2[%mul3A_19, %dma_start3A_119] : memref<2560x128xi32, #tpu.memory_space<hbm>> -> memref<2x128xi32, #tpu.memory_space<hbm>>
        %dma_start3A_121 = arith.constant 0 : i32
        %dma_start3A_122 = tpu.memref_slice %arg2[%mul3A_19, %dma_start3A_121] : memref<2560x128xi32, #tpu.memory_space<hbm>> -> memref<2x128xi32, #tpu.memory_space<hbm>>
        tpu.enqueue_dma source(%dma_start3A_122 : memref<2x128xi32, #tpu.memory_space<hbm>>) target(%arg6 : memref<2x128xi32, #tpu.memory_space<vmem>>) target_semaphore(%run_scoped3A : memref<!tpu.dma_semaphore, #tpu.memory_space<semaphore_mem>>)
        %dma_wait3A_123 = arith.constant 0 : i32
        %dma_wait3A_124 = tpu.memref_slice %arg2[%mul3A_19, %dma_wait3A_123] : memref<2560x128xi32, #tpu.memory_space<hbm>> -> memref<2x128xi32, #tpu.memory_space<hbm>>
        %dma_wait3A_125 = arith.constant 0 : i32
        %dma_wait3A_126 = tpu.memref_slice %arg2[%mul3A_19, %dma_wait3A_125] : memref<2560x128xi32, #tpu.memory_space<hbm>> -> memref<2x128xi32, #tpu.memory_space<hbm>>
        tpu.wait_dma2 semaphore(%run_scoped3A : memref<!tpu.dma_semaphore, #tpu.memory_space<semaphore_mem>>) src(%dma_wait3A_126 : memref<2x128xi32, #tpu.memory_space<hbm>>) dst(%arg6 : memref<2x128xi32, #tpu.memory_space<vmem>>)
        tpu.yield
      }) : () -> ()
      %dma_start3A = arith.constant 0 : i32
      %dma_start3A_20 = arith.constant 0 : i32
      %dma_start3A_21 = arith.constant 0 : i32
      %dma_start3A_22 = tpu.memref_slice %arg7[%dma_start3A_20, %dma_start3A_21] : memref<256x128xf32, #tpu.memory_space<vmem>> -> memref<128x128xf32, #tpu.memory_space<vmem>>
      %dma_start3A_23 = arith.constant 0 : i32
      %dma_start3A_24 = tpu.memref_slice %arg5[%dma_start3A, %dma_start3A_23] : memref<2x128xi32, #tpu.memory_space<vmem>> -> memref<1x128xi32, #tpu.memory_space<vmem>>
      %dma_start3A_25 = tpu.memref_squeeze %dma_start3A_24 : memref<1x128xi32, #tpu.memory_space<vmem>> -> memref<128xi32, #tpu.memory_space<vmem>>
      %dma_start3A_26 = arith.constant 0 : i32
      %dma_start3A_27 = arith.constant 0 : i32
      %dma_start3A_28 = tpu.memref_slice %arg3[%dma_start3A_26, %dma_start3A_27] : memref<10000x128xf32, #tpu.memory_space<hbm>> -> memref<10000x128xf32, #tpu.memory_space<hbm>>
      tpu.enqueue_indirect_dma source(%dma_start3A_28 : memref<10000x128xf32, #tpu.memory_space<hbm>>) target(%dma_start3A_22 : memref<128x128xf32, #tpu.memory_space<vmem>>) offsets(%dma_start3A_25 : memref<128xi32, #tpu.memory_space<vmem>>) semaphore(%arg9 : memref<!tpu.dma_semaphore, #tpu.memory_space<semaphore_mem>>)
      %dma_start3A_29 = arith.constant 1 : i32
      %dma_start3A_30 = arith.constant 128 : i32
      %dma_start3A_31 = arith.constant 0 : i32
      %dma_start3A_32 = tpu.memref_slice %arg7[%dma_start3A_30, %dma_start3A_31] : memref<256x128xf32, #tpu.memory_space<vmem>> -> memref<128x128xf32, #tpu.memory_space<vmem>>
      %dma_start3A_33 = arith.constant 0 : i32
      %dma_start3A_34 = tpu.memref_slice %arg5[%dma_start3A_29, %dma_start3A_33] : memref<2x128xi32, #tpu.memory_space<vmem>> -> memref<1x128xi32, #tpu.memory_space<vmem>>
      %dma_start3A_35 = tpu.memref_squeeze %dma_start3A_34 : memref<1x128xi32, #tpu.memory_space<vmem>> -> memref<128xi32, #tpu.memory_space<vmem>>
      %dma_start3A_36 = arith.constant 0 : i32
      %dma_start3A_37 = arith.constant 0 : i32
      %dma_start3A_38 = tpu.memref_slice %arg3[%dma_start3A_36, %dma_start3A_37] : memref<10000x128xf32, #tpu.memory_space<hbm>> -> memref<10000x128xf32, #tpu.memory_space<hbm>>
      tpu.enqueue_indirect_dma source(%dma_start3A_38 : memref<10000x128xf32, #tpu.memory_space<hbm>>) target(%dma_start3A_32 : memref<128x128xf32, #tpu.memory_space<vmem>>) offsets(%dma_start3A_35 : memref<128xi32, #tpu.memory_space<vmem>>) semaphore(%arg9 : memref<!tpu.dma_semaphore, #tpu.memory_space<semaphore_mem>>)
      %dma_start3A_39 = arith.constant 0 : i32
      %dma_start3A_40 = arith.constant 0 : i32
      %dma_start3A_41 = arith.constant 0 : i32
      %dma_start3A_42 = tpu.memref_slice %arg8[%dma_start3A_40, %dma_start3A_41] : memref<256x128xf32, #tpu.memory_space<vmem>> -> memref<128x128xf32, #tpu.memory_space<vmem>>
      %dma_start3A_43 = arith.constant 0 : i32
      %dma_start3A_44 = tpu.memref_slice %arg6[%dma_start3A_39, %dma_start3A_43] : memref<2x128xi32, #tpu.memory_space<vmem>> -> memref<1x128xi32, #tpu.memory_space<vmem>>
      %dma_start3A_45 = tpu.memref_squeeze %dma_start3A_44 : memref<1x128xi32, #tpu.memory_space<vmem>> -> memref<128xi32, #tpu.memory_space<vmem>>
      %dma_start3A_46 = arith.constant 0 : i32
      %dma_start3A_47 = arith.constant 0 : i32
      %dma_start3A_48 = tpu.memref_slice %arg3[%dma_start3A_46, %dma_start3A_47] : memref<10000x128xf32, #tpu.memory_space<hbm>> -> memref<10000x128xf32, #tpu.memory_space<hbm>>
      tpu.enqueue_indirect_dma source(%dma_start3A_48 : memref<10000x128xf32, #tpu.memory_space<hbm>>) target(%dma_start3A_42 : memref<128x128xf32, #tpu.memory_space<vmem>>) offsets(%dma_start3A_45 : memref<128xi32, #tpu.memory_space<vmem>>) semaphore(%arg10 : memref<!tpu.dma_semaphore, #tpu.memory_space<semaphore_mem>>)
      %dma_start3A_49 = arith.constant 1 : i32
      %dma_start3A_50 = arith.constant 128 : i32
      %dma_start3A_51 = arith.constant 0 : i32
      %dma_start3A_52 = tpu.memref_slice %arg8[%dma_start3A_50, %dma_start3A_51] : memref<256x128xf32, #tpu.memory_space<vmem>> -> memref<128x128xf32, #tpu.memory_space<vmem>>
      %dma_start3A_53 = arith.constant 0 : i32
      %dma_start3A_54 = tpu.memref_slice %arg6[%dma_start3A_49, %dma_start3A_53] : memref<2x128xi32, #tpu.memory_space<vmem>> -> memref<1x128xi32, #tpu.memory_space<vmem>>
      %dma_start3A_55 = tpu.memref_squeeze %dma_start3A_54 : memref<1x128xi32, #tpu.memory_space<vmem>> -> memref<128xi32, #tpu.memory_space<vmem>>
      %dma_start3A_56 = arith.constant 0 : i32
      %dma_start3A_57 = arith.constant 0 : i32
      %dma_start3A_58 = tpu.memref_slice %arg3[%dma_start3A_56, %dma_start3A_57] : memref<10000x128xf32, #tpu.memory_space<hbm>> -> memref<10000x128xf32, #tpu.memory_space<hbm>>
      tpu.enqueue_indirect_dma source(%dma_start3A_58 : memref<10000x128xf32, #tpu.memory_space<hbm>>) target(%dma_start3A_52 : memref<128x128xf32, #tpu.memory_space<vmem>>) offsets(%dma_start3A_55 : memref<128xi32, #tpu.memory_space<vmem>>) semaphore(%arg10 : memref<!tpu.dma_semaphore, #tpu.memory_space<semaphore_mem>>)
      %dma_wait3A = arith.constant 0 : i32
      %dma_wait3A_59 = arith.constant 0 : i32
      %dma_wait3A_60 = arith.constant 0 : i32
      %dma_wait3A_61 = tpu.memref_slice %arg7[%dma_wait3A_59, %dma_wait3A_60] : memref<256x128xf32, #tpu.memory_space<vmem>> -> memref<128x128xf32, #tpu.memory_space<vmem>>
      %dma_wait3A_62 = arith.constant 0 : i32
      %dma_wait3A_63 = tpu.memref_slice %arg5[%dma_wait3A, %dma_wait3A_62] : memref<2x128xi32, #tpu.memory_space<vmem>> -> memref<1x128xi32, #tpu.memory_space<vmem>>
      %dma_wait3A_64 = tpu.memref_squeeze %dma_wait3A_63 : memref<1x128xi32, #tpu.memory_space<vmem>> -> memref<128xi32, #tpu.memory_space<vmem>>
      %dma_wait3A_65 = arith.constant 0 : i32
      %dma_wait3A_66 = arith.constant 0 : i32
      %dma_wait3A_67 = tpu.memref_slice %arg3[%dma_wait3A_65, %dma_wait3A_66] : memref<10000x128xf32, #tpu.memory_space<hbm>> -> memref<10000x128xf32, #tpu.memory_space<hbm>>
      tpu.wait_indirect_dma semaphore(%arg9 : memref<!tpu.dma_semaphore, #tpu.memory_space<semaphore_mem>>) src(%dma_wait3A_67 : memref<10000x128xf32, #tpu.memory_space<hbm>>) dst(%dma_wait3A_61 : memref<128x128xf32, #tpu.memory_space<vmem>>)
      %dma_wait3A_68 = arith.constant 1 : i32
      %dma_wait3A_69 = arith.constant 128 : i32
      %dma_wait3A_70 = arith.constant 0 : i32
      %dma_wait3A_71 = tpu.memref_slice %arg7[%dma_wait3A_69, %dma_wait3A_70] : memref<256x128xf32, #tpu.memory_space<vmem>> -> memref<128x128xf32, #tpu.memory_space<vmem>>
      %dma_wait3A_72 = arith.constant 0 : i32
      %dma_wait3A_73 = tpu.memref_slice %arg5[%dma_wait3A_68, %dma_wait3A_72] : memref<2x128xi32, #tpu.memory_space<vmem>> -> memref<1x128xi32, #tpu.memory_space<vmem>>
      %dma_wait3A_74 = tpu.memref_squeeze %dma_wait3A_73 : memref<1x128xi32, #tpu.memory_space<vmem>> -> memref<128xi32, #tpu.memory_space<vmem>>
      %dma_wait3A_75 = arith.constant 0 : i32
      %dma_wait3A_76 = arith.constant 0 : i32
      %dma_wait3A_77 = tpu.memref_slice %arg3[%dma_wait3A_75, %dma_wait3A_76] : memref<10000x128xf32, #tpu.memory_space<hbm>> -> memref<10000x128xf32, #tpu.memory_space<hbm>>
      tpu.wait_indirect_dma semaphore(%arg9 : memref<!tpu.dma_semaphore, #tpu.memory_space<semaphore_mem>>) src(%dma_wait3A_77 : memref<10000x128xf32, #tpu.memory_space<hbm>>) dst(%dma_wait3A_71 : memref<128x128xf32, #tpu.memory_space<vmem>>)
      %mul3A_78 = arith.constant 256 : i32
      %mul3A_79 = arith.muli %add3A_13, %mul3A_78 : i32
      %dma_start3A_80 = arith.constant 0 : i32
      %dma_start3A_81 = tpu.memref_slice %arg4[%mul3A_79, %dma_start3A_80] : memref<327680x128xf32, #tpu.memory_space<hbm>> -> memref<256x128xf32, #tpu.memory_space<hbm>>
      %dma_start3A_82 = arith.constant 0 : i32
      %dma_start3A_83 = tpu.memref_slice %arg4[%mul3A_79, %dma_start3A_82] : memref<327680x128xf32, #tpu.memory_space<hbm>> -> memref<256x128xf32, #tpu.memory_space<hbm>>
      tpu.enqueue_dma source(%arg7 : memref<256x128xf32, #tpu.memory_space<vmem>>) target(%dma_start3A_83 : memref<256x128xf32, #tpu.memory_space<hbm>>) target_semaphore(%arg11 : memref<!tpu.dma_semaphore, #tpu.memory_space<semaphore_mem>>)
      %dma_wait3A_84 = arith.constant 0 : i32
      %dma_wait3A_85 = arith.constant 0 : i32
      %dma_wait3A_86 = arith.constant 0 : i32
      %dma_wait3A_87 = tpu.memref_slice %arg8[%dma_wait3A_85, %dma_wait3A_86] : memref<256x128xf32, #tpu.memory_space<vmem>> -> memref<128x128xf32, #tpu.memory_space<vmem>>
      %dma_wait3A_88 = arith.constant 0 : i32
      %dma_wait3A_89 = tpu.memref_slice %arg6[%dma_wait3A_84, %dma_wait3A_88] : memref<2x128xi32, #tpu.memory_space<vmem>> -> memref<1x128xi32, #tpu.memory_space<vmem>>
      %dma_wait3A_90 = tpu.memref_squeeze %dma_wait3A_89 : memref<1x128xi32, #tpu.memory_space<vmem>> -> memref<128xi32, #tpu.memory_space<vmem>>
      %dma_wait3A_91 = arith.constant 0 : i32
      %dma_wait3A_92 = arith.constant 0 : i32
      %dma_wait3A_93 = tpu.memref_slice %arg3[%dma_wait3A_91, %dma_wait3A_92] : memref<10000x128xf32, #tpu.memory_space<hbm>> -> memref<10000x128xf32, #tpu.memory_space<hbm>>
      tpu.wait_indirect_dma semaphore(%arg10 : memref<!tpu.dma_semaphore, #tpu.memory_space<semaphore_mem>>) src(%dma_wait3A_93 : memref<10000x128xf32, #tpu.memory_space<hbm>>) dst(%dma_wait3A_87 : memref<128x128xf32, #tpu.memory_space<vmem>>)
      %dma_wait3A_94 = arith.constant 1 : i32
      %dma_wait3A_95 = arith.constant 128 : i32
      %dma_wait3A_96 = arith.constant 0 : i32
      %dma_wait3A_97 = tpu.memref_slice %arg8[%dma_wait3A_95, %dma_wait3A_96] : memref<256x128xf32, #tpu.memory_space<vmem>> -> memref<128x128xf32, #tpu.memory_space<vmem>>
      %dma_wait3A_98 = arith.constant 0 : i32
      %dma_wait3A_99 = tpu.memref_slice %arg6[%dma_wait3A_94, %dma_wait3A_98] : memref<2x128xi32, #tpu.memory_space<vmem>> -> memref<1x128xi32, #tpu.memory_space<vmem>>
      %dma_wait3A_100 = tpu.memref_squeeze %dma_wait3A_99 : memref<1x128xi32, #tpu.memory_space<vmem>> -> memref<128xi32, #tpu.memory_space<vmem>>
      %dma_wait3A_101 = arith.constant 0 : i32
      %dma_wait3A_102 = arith.constant 0 : i32
      %dma_wait3A_103 = tpu.memref_slice %arg3[%dma_wait3A_101, %dma_wait3A_102] : memref<10000x128xf32, #tpu.memory_space<hbm>> -> memref<10000x128xf32, #tpu.memory_space<hbm>>
      tpu.wait_indirect_dma semaphore(%arg10 : memref<!tpu.dma_semaphore, #tpu.memory_space<semaphore_mem>>) src(%dma_wait3A_103 : memref<10000x128xf32, #tpu.memory_space<hbm>>) dst(%dma_wait3A_97 : memref<128x128xf32, #tpu.memory_space<vmem>>)
      %mul3A_104 = arith.constant 256 : i32
      %mul3A_105 = arith.muli %add3A_15, %mul3A_104 : i32
      %dma_start3A_106 = arith.constant 0 : i32
      %dma_start3A_107 = tpu.memref_slice %arg4[%mul3A_105, %dma_start3A_106] : memref<327680x128xf32, #tpu.memory_space<hbm>> -> memref<256x128xf32, #tpu.memory_space<hbm>>
      %dma_start3A_108 = arith.constant 0 : i32
      %dma_start3A_109 = tpu.memref_slice %arg4[%mul3A_105, %dma_start3A_108] : memref<327680x128xf32, #tpu.memory_space<hbm>> -> memref<256x128xf32, #tpu.memory_space<hbm>>
      tpu.enqueue_dma source(%arg8 : memref<256x128xf32, #tpu.memory_space<vmem>>) target(%dma_start3A_109 : memref<256x128xf32, #tpu.memory_space<hbm>>) target_semaphore(%arg11 : memref<!tpu.dma_semaphore, #tpu.memory_space<semaphore_mem>>)
      %dma_wait3A_110 = arith.constant 0 : i32
      %dma_wait3A_111 = tpu.memref_slice %arg4[%mul3A_79, %dma_wait3A_110] : memref<327680x128xf32, #tpu.memory_space<hbm>> -> memref<256x128xf32, #tpu.memory_space<hbm>>
      %dma_wait3A_112 = arith.constant 0 : i32
      %dma_wait3A_113 = tpu.memref_slice %arg4[%mul3A_79, %dma_wait3A_112] : memref<327680x128xf32, #tpu.memory_space<hbm>> -> memref<256x128xf32, #tpu.memory_space<hbm>>
      tpu.wait_dma2 semaphore(%arg11 : memref<!tpu.dma_semaphore, #tpu.memory_space<semaphore_mem>>) src(%arg7 : memref<256x128xf32, #tpu.memory_space<vmem>>) dst(%dma_wait3A_113 : memref<256x128xf32, #tpu.memory_space<hbm>>)
      %dma_wait3A_114 = arith.constant 0 : i32
      %dma_wait3A_115 = tpu.memref_slice %arg4[%mul3A_105, %dma_wait3A_114] : memref<327680x128xf32, #tpu.memory_space<hbm>> -> memref<256x128xf32, #tpu.memory_space<hbm>>
      %dma_wait3A_116 = arith.constant 0 : i32
      %dma_wait3A_117 = tpu.memref_slice %arg4[%mul3A_105, %dma_wait3A_116] : memref<327680x128xf32, #tpu.memory_space<hbm>> -> memref<256x128xf32, #tpu.memory_space<hbm>>
      tpu.wait_dma2 semaphore(%arg11 : memref<!tpu.dma_semaphore, #tpu.memory_space<semaphore_mem>>) src(%arg8 : memref<256x128xf32, #tpu.memory_space<vmem>>) dst(%dma_wait3A_117 : memref<256x128xf32, #tpu.memory_space<hbm>>)
      %scan3A_118 = arith.constant 0 : i32
      scf.yield %scan3A_118 : i32
    }
    %scan3A_6 = arith.constant 20 : i32
    return
  }
}

#map = affine_map<(d0, d1) -> (0, 0)>
module attributes {stable_mosaic.version = 14 : i64} {
  func.func @_emb_body(%arg0: i32, %arg1: i32, %arg2: memref<128x128xi32, #tpu.memory_space<hbm>>, %arg3: memref<128x128xi32, #tpu.memory_space<hbm>>, %arg4: memref<2560x128xi32, #tpu.memory_space<hbm>>, %arg5: memref<2560x128xi32, #tpu.memory_space<hbm>>, %arg6: memref<53228x128xf32, #tpu.memory_space<hbm>>, %arg7: memref<16384x128xf32, #tpu.memory_space<hbm>>, %arg8: memref<327680x128xf32, #tpu.memory_space<hbm>>, %arg9: memref<1x128xi32, #tpu.memory_space<vmem>>, %arg10: memref<1x128xi32, #tpu.memory_space<vmem>>, %arg11: memref<1x128xi32, #tpu.memory_space<vmem>>, %arg12: memref<1x128xi32, #tpu.memory_space<vmem>>, %arg13: memref<128x128xf32, #tpu.memory_space<vmem>>, %arg14: memref<128x128xf32, #tpu.memory_space<vmem>>, %arg15: memref<128x128xf32, #tpu.memory_space<vmem>>, %arg16: memref<128x128xf32, #tpu.memory_space<vmem>>, %arg17: memref<!tpu.dma_semaphore, #tpu.memory_space<semaphore_mem>>, %arg18: memref<!tpu.dma_semaphore, #tpu.memory_space<semaphore_mem>>, %arg19: memref<!tpu.dma_semaphore, #tpu.memory_space<semaphore_mem>>) attributes {dimension_semantics = [#tpu.dimension_semantics<core_parallel>, #tpu.dimension_semantics<subcore_parallel>], iteration_bounds = array<i64: 2, 16>, scalar_prefetch = 0 : i64, scratch_operands = 11 : i64, tpu.core_type = #tpu.core_type<sc_vector_subcore>, window_params = [{transform_indices = #map}, {transform_indices = #map}, {transform_indices = #map}, {transform_indices = #map}, {transform_indices = #map}, {transform_indices = #map}, {transform_indices = #map}]} {
    %mul3A = arith.constant 2 : i32
    %mul3A_0 = arith.muli %arg1, %mul3A : i32
    %add3A = arith.addi %mul3A_0, %arg0 : i32
    %scan3A = arith.constant 0 : i32
    %scan3A_1 = arith.constant 0 : i32
    %scan3A_2 = arith.constant 2 : i32
    %scan3A_3 = arith.addi %scan3A_1, %scan3A_2 : i32
    %scan3A_4 = arith.constant 1 : i32
    %scan3A_5 = scf.for %scan3A_14 = %scan3A_1 to %scan3A_3 step %scan3A_4 iter_args(%scan3A_15 = %scan3A) -> (i32)  : i32 {
      %mul3A_16 = arith.constant 4 : i32
      %mul3A_17 = arith.muli %add3A, %mul3A_16 : i32
      %mul3A_18 = arith.constant 2 : i32
      %mul3A_19 = arith.muli %mul3A_18, %scan3A_14 : i32
      %add3A_20 = arith.addi %mul3A_17, %mul3A_19 : i32
      %add3A_21 = arith.constant 1 : i32
      %add3A_22 = arith.addi %add3A_20, %add3A_21 : i32
      "tpu.region"() ({
        %run_scoped3A = tpu.sem_alloc : memref<!tpu.dma_semaphore, #tpu.memory_space<semaphore_mem>>
        %dma_start3A_112 = arith.constant 0 : i32
        %dma_start3A_113 = tpu.memref_slice %arg2[%add3A_20, %dma_start3A_112] : memref<128x128xi32, #tpu.memory_space<hbm>> -> memref<1x128xi32, #tpu.memory_space<hbm>>
        %dma_start3A_114 = arith.constant 0 : i32
        %dma_start3A_115 = tpu.memref_slice %arg2[%add3A_20, %dma_start3A_114] : memref<128x128xi32, #tpu.memory_space<hbm>> -> memref<1x128xi32, #tpu.memory_space<hbm>>
        tpu.enqueue_dma source(%dma_start3A_115 : memref<1x128xi32, #tpu.memory_space<hbm>>) target(%arg9 : memref<1x128xi32, #tpu.memory_space<vmem>>) target_semaphore(%run_scoped3A : memref<!tpu.dma_semaphore, #tpu.memory_space<semaphore_mem>>)
        %dma_wait3A_116 = arith.constant 0 : i32
        %dma_wait3A_117 = tpu.memref_slice %arg2[%add3A_20, %dma_wait3A_116] : memref<128x128xi32, #tpu.memory_space<hbm>> -> memref<1x128xi32, #tpu.memory_space<hbm>>
        %dma_wait3A_118 = arith.constant 0 : i32
        %dma_wait3A_119 = tpu.memref_slice %arg2[%add3A_20, %dma_wait3A_118] : memref<128x128xi32, #tpu.memory_space<hbm>> -> memref<1x128xi32, #tpu.memory_space<hbm>>
        tpu.wait_dma2 semaphore(%run_scoped3A : memref<!tpu.dma_semaphore, #tpu.memory_space<semaphore_mem>>) src(%dma_wait3A_119 : memref<1x128xi32, #tpu.memory_space<hbm>>) dst(%arg9 : memref<1x128xi32, #tpu.memory_space<vmem>>)
        tpu.yield
      }) : () -> ()
      "tpu.region"() ({
        %run_scoped3A = tpu.sem_alloc : memref<!tpu.dma_semaphore, #tpu.memory_space<semaphore_mem>>
        %dma_start3A_112 = arith.constant 0 : i32
        %dma_start3A_113 = tpu.memref_slice %arg3[%add3A_20, %dma_start3A_112] : memref<128x128xi32, #tpu.memory_space<hbm>> -> memref<1x128xi32, #tpu.memory_space<hbm>>
        %dma_start3A_114 = arith.constant 0 : i32
        %dma_start3A_115 = tpu.memref_slice %arg3[%add3A_20, %dma_start3A_114] : memref<128x128xi32, #tpu.memory_space<hbm>> -> memref<1x128xi32, #tpu.memory_space<hbm>>
        tpu.enqueue_dma source(%dma_start3A_115 : memref<1x128xi32, #tpu.memory_space<hbm>>) target(%arg10 : memref<1x128xi32, #tpu.memory_space<vmem>>) target_semaphore(%run_scoped3A : memref<!tpu.dma_semaphore, #tpu.memory_space<semaphore_mem>>)
        %dma_wait3A_116 = arith.constant 0 : i32
        %dma_wait3A_117 = tpu.memref_slice %arg3[%add3A_20, %dma_wait3A_116] : memref<128x128xi32, #tpu.memory_space<hbm>> -> memref<1x128xi32, #tpu.memory_space<hbm>>
        %dma_wait3A_118 = arith.constant 0 : i32
        %dma_wait3A_119 = tpu.memref_slice %arg3[%add3A_20, %dma_wait3A_118] : memref<128x128xi32, #tpu.memory_space<hbm>> -> memref<1x128xi32, #tpu.memory_space<hbm>>
        tpu.wait_dma2 semaphore(%run_scoped3A : memref<!tpu.dma_semaphore, #tpu.memory_space<semaphore_mem>>) src(%dma_wait3A_119 : memref<1x128xi32, #tpu.memory_space<hbm>>) dst(%arg10 : memref<1x128xi32, #tpu.memory_space<vmem>>)
        tpu.yield
      }) : () -> ()
      "tpu.region"() ({
        %run_scoped3A = tpu.sem_alloc : memref<!tpu.dma_semaphore, #tpu.memory_space<semaphore_mem>>
        %dma_start3A_112 = arith.constant 0 : i32
        %dma_start3A_113 = tpu.memref_slice %arg2[%add3A_22, %dma_start3A_112] : memref<128x128xi32, #tpu.memory_space<hbm>> -> memref<1x128xi32, #tpu.memory_space<hbm>>
        %dma_start3A_114 = arith.constant 0 : i32
        %dma_start3A_115 = tpu.memref_slice %arg2[%add3A_22, %dma_start3A_114] : memref<128x128xi32, #tpu.memory_space<hbm>> -> memref<1x128xi32, #tpu.memory_space<hbm>>
        tpu.enqueue_dma source(%dma_start3A_115 : memref<1x128xi32, #tpu.memory_space<hbm>>) target(%arg11 : memref<1x128xi32, #tpu.memory_space<vmem>>) target_semaphore(%run_scoped3A : memref<!tpu.dma_semaphore, #tpu.memory_space<semaphore_mem>>)
        %dma_wait3A_116 = arith.constant 0 : i32
        %dma_wait3A_117 = tpu.memref_slice %arg2[%add3A_22, %dma_wait3A_116] : memref<128x128xi32, #tpu.memory_space<hbm>> -> memref<1x128xi32, #tpu.memory_space<hbm>>
        %dma_wait3A_118 = arith.constant 0 : i32
        %dma_wait3A_119 = tpu.memref_slice %arg2[%add3A_22, %dma_wait3A_118] : memref<128x128xi32, #tpu.memory_space<hbm>> -> memref<1x128xi32, #tpu.memory_space<hbm>>
        tpu.wait_dma2 semaphore(%run_scoped3A : memref<!tpu.dma_semaphore, #tpu.memory_space<semaphore_mem>>) src(%dma_wait3A_119 : memref<1x128xi32, #tpu.memory_space<hbm>>) dst(%arg11 : memref<1x128xi32, #tpu.memory_space<vmem>>)
        tpu.yield
      }) : () -> ()
      "tpu.region"() ({
        %run_scoped3A = tpu.sem_alloc : memref<!tpu.dma_semaphore, #tpu.memory_space<semaphore_mem>>
        %dma_start3A_112 = arith.constant 0 : i32
        %dma_start3A_113 = tpu.memref_slice %arg3[%add3A_22, %dma_start3A_112] : memref<128x128xi32, #tpu.memory_space<hbm>> -> memref<1x128xi32, #tpu.memory_space<hbm>>
        %dma_start3A_114 = arith.constant 0 : i32
        %dma_start3A_115 = tpu.memref_slice %arg3[%add3A_22, %dma_start3A_114] : memref<128x128xi32, #tpu.memory_space<hbm>> -> memref<1x128xi32, #tpu.memory_space<hbm>>
        tpu.enqueue_dma source(%dma_start3A_115 : memref<1x128xi32, #tpu.memory_space<hbm>>) target(%arg12 : memref<1x128xi32, #tpu.memory_space<vmem>>) target_semaphore(%run_scoped3A : memref<!tpu.dma_semaphore, #tpu.memory_space<semaphore_mem>>)
        %dma_wait3A_116 = arith.constant 0 : i32
        %dma_wait3A_117 = tpu.memref_slice %arg3[%add3A_22, %dma_wait3A_116] : memref<128x128xi32, #tpu.memory_space<hbm>> -> memref<1x128xi32, #tpu.memory_space<hbm>>
        %dma_wait3A_118 = arith.constant 0 : i32
        %dma_wait3A_119 = tpu.memref_slice %arg3[%add3A_22, %dma_wait3A_118] : memref<128x128xi32, #tpu.memory_space<hbm>> -> memref<1x128xi32, #tpu.memory_space<hbm>>
        tpu.wait_dma2 semaphore(%run_scoped3A : memref<!tpu.dma_semaphore, #tpu.memory_space<semaphore_mem>>) src(%dma_wait3A_119 : memref<1x128xi32, #tpu.memory_space<hbm>>) dst(%arg12 : memref<1x128xi32, #tpu.memory_space<vmem>>)
        tpu.yield
      }) : () -> ()
      %dma_start3A = arith.constant 0 : i32
      %dma_start3A_23 = arith.constant 0 : i32
      %dma_start3A_24 = tpu.memref_slice %arg9[%dma_start3A, %dma_start3A_23] : memref<1x128xi32, #tpu.memory_space<vmem>> -> memref<1x128xi32, #tpu.memory_space<vmem>>
      %dma_start3A_25 = tpu.memref_squeeze %dma_start3A_24 : memref<1x128xi32, #tpu.memory_space<vmem>> -> memref<128xi32, #tpu.memory_space<vmem>>
      %dma_start3A_26 = arith.constant 0 : i32
      %dma_start3A_27 = arith.constant 0 : i32
      %dma_start3A_28 = tpu.memref_slice %arg6[%dma_start3A_26, %dma_start3A_27] : memref<53228x128xf32, #tpu.memory_space<hbm>> -> memref<53228x128xf32, #tpu.memory_space<hbm>>
      tpu.enqueue_indirect_dma source(%dma_start3A_28 : memref<53228x128xf32, #tpu.memory_space<hbm>>) target(%arg13 : memref<128x128xf32, #tpu.memory_space<vmem>>) offsets(%dma_start3A_25 : memref<128xi32, #tpu.memory_space<vmem>>) semaphore(%arg17 : memref<!tpu.dma_semaphore, #tpu.memory_space<semaphore_mem>>)
      %dma_start3A_29 = arith.constant 0 : i32
      %dma_start3A_30 = arith.constant 0 : i32
      %dma_start3A_31 = tpu.memref_slice %arg10[%dma_start3A_29, %dma_start3A_30] : memref<1x128xi32, #tpu.memory_space<vmem>> -> memref<1x128xi32, #tpu.memory_space<vmem>>
      %dma_start3A_32 = tpu.memref_squeeze %dma_start3A_31 : memref<1x128xi32, #tpu.memory_space<vmem>> -> memref<128xi32, #tpu.memory_space<vmem>>
      %dma_start3A_33 = arith.constant 0 : i32
      %dma_start3A_34 = arith.constant 0 : i32
      %dma_start3A_35 = tpu.memref_slice %arg6[%dma_start3A_33, %dma_start3A_34] : memref<53228x128xf32, #tpu.memory_space<hbm>> -> memref<53228x128xf32, #tpu.memory_space<hbm>>
      tpu.enqueue_indirect_dma source(%dma_start3A_35 : memref<53228x128xf32, #tpu.memory_space<hbm>>) target(%arg14 : memref<128x128xf32, #tpu.memory_space<vmem>>) offsets(%dma_start3A_32 : memref<128xi32, #tpu.memory_space<vmem>>) semaphore(%arg17 : memref<!tpu.dma_semaphore, #tpu.memory_space<semaphore_mem>>)
      %dma_start3A_36 = arith.constant 0 : i32
      %dma_start3A_37 = arith.constant 0 : i32
      %dma_start3A_38 = tpu.memref_slice %arg11[%dma_start3A_36, %dma_start3A_37] : memref<1x128xi32, #tpu.memory_space<vmem>> -> memref<1x128xi32, #tpu.memory_space<vmem>>
      %dma_start3A_39 = tpu.memref_squeeze %dma_start3A_38 : memref<1x128xi32, #tpu.memory_space<vmem>> -> memref<128xi32, #tpu.memory_space<vmem>>
      %dma_start3A_40 = arith.constant 0 : i32
      %dma_start3A_41 = arith.constant 0 : i32
      %dma_start3A_42 = tpu.memref_slice %arg6[%dma_start3A_40, %dma_start3A_41] : memref<53228x128xf32, #tpu.memory_space<hbm>> -> memref<53228x128xf32, #tpu.memory_space<hbm>>
      tpu.enqueue_indirect_dma source(%dma_start3A_42 : memref<53228x128xf32, #tpu.memory_space<hbm>>) target(%arg15 : memref<128x128xf32, #tpu.memory_space<vmem>>) offsets(%dma_start3A_39 : memref<128xi32, #tpu.memory_space<vmem>>) semaphore(%arg18 : memref<!tpu.dma_semaphore, #tpu.memory_space<semaphore_mem>>)
      %dma_start3A_43 = arith.constant 0 : i32
      %dma_start3A_44 = arith.constant 0 : i32
      %dma_start3A_45 = tpu.memref_slice %arg12[%dma_start3A_43, %dma_start3A_44] : memref<1x128xi32, #tpu.memory_space<vmem>> -> memref<1x128xi32, #tpu.memory_space<vmem>>
      %dma_start3A_46 = tpu.memref_squeeze %dma_start3A_45 : memref<1x128xi32, #tpu.memory_space<vmem>> -> memref<128xi32, #tpu.memory_space<vmem>>
      %dma_start3A_47 = arith.constant 0 : i32
      %dma_start3A_48 = arith.constant 0 : i32
      %dma_start3A_49 = tpu.memref_slice %arg6[%dma_start3A_47, %dma_start3A_48] : memref<53228x128xf32, #tpu.memory_space<hbm>> -> memref<53228x128xf32, #tpu.memory_space<hbm>>
      tpu.enqueue_indirect_dma source(%dma_start3A_49 : memref<53228x128xf32, #tpu.memory_space<hbm>>) target(%arg16 : memref<128x128xf32, #tpu.memory_space<vmem>>) offsets(%dma_start3A_46 : memref<128xi32, #tpu.memory_space<vmem>>) semaphore(%arg18 : memref<!tpu.dma_semaphore, #tpu.memory_space<semaphore_mem>>)
      %dma_wait3A = arith.constant 0 : i32
      %dma_wait3A_50 = arith.constant 0 : i32
      %dma_wait3A_51 = tpu.memref_slice %arg9[%dma_wait3A, %dma_wait3A_50] : memref<1x128xi32, #tpu.memory_space<vmem>> -> memref<1x128xi32, #tpu.memory_space<vmem>>
      %dma_wait3A_52 = tpu.memref_squeeze %dma_wait3A_51 : memref<1x128xi32, #tpu.memory_space<vmem>> -> memref<128xi32, #tpu.memory_space<vmem>>
      %dma_wait3A_53 = arith.constant 0 : i32
      %dma_wait3A_54 = arith.constant 0 : i32
      %dma_wait3A_55 = tpu.memref_slice %arg6[%dma_wait3A_53, %dma_wait3A_54] : memref<53228x128xf32, #tpu.memory_space<hbm>> -> memref<53228x128xf32, #tpu.memory_space<hbm>>
      tpu.wait_indirect_dma semaphore(%arg17 : memref<!tpu.dma_semaphore, #tpu.memory_space<semaphore_mem>>) src(%dma_wait3A_55 : memref<53228x128xf32, #tpu.memory_space<hbm>>) dst(%arg13 : memref<128x128xf32, #tpu.memory_space<vmem>>)
      %dma_wait3A_56 = arith.constant 0 : i32
      %dma_wait3A_57 = arith.constant 0 : i32
      %dma_wait3A_58 = tpu.memref_slice %arg10[%dma_wait3A_56, %dma_wait3A_57] : memref<1x128xi32, #tpu.memory_space<vmem>> -> memref<1x128xi32, #tpu.memory_space<vmem>>
      %dma_wait3A_59 = tpu.memref_squeeze %dma_wait3A_58 : memref<1x128xi32, #tpu.memory_space<vmem>> -> memref<128xi32, #tpu.memory_space<vmem>>
      %dma_wait3A_60 = arith.constant 0 : i32
      %dma_wait3A_61 = arith.constant 0 : i32
      %dma_wait3A_62 = tpu.memref_slice %arg6[%dma_wait3A_60, %dma_wait3A_61] : memref<53228x128xf32, #tpu.memory_space<hbm>> -> memref<53228x128xf32, #tpu.memory_space<hbm>>
      tpu.wait_indirect_dma semaphore(%arg17 : memref<!tpu.dma_semaphore, #tpu.memory_space<semaphore_mem>>) src(%dma_wait3A_62 : memref<53228x128xf32, #tpu.memory_space<hbm>>) dst(%arg14 : memref<128x128xf32, #tpu.memory_space<vmem>>)
      %scan3A_63 = arith.constant 0 : i32
      %scan3A_64 = arith.constant 0 : i32
      %scan3A_65 = arith.constant 128 : i32
      %scan3A_66 = arith.addi %scan3A_64, %scan3A_65 : i32
      %scan3A_67 = arith.constant 1 : i32
      %scan3A_68 = scf.for %scan3A_112 = %scan3A_64 to %scan3A_66 step %scan3A_67 iter_args(%scan3A_113 = %scan3A_63) -> (i32)  : i32 {
        %get3A = arith.index_cast %scan3A_112 : i32 to index
        %get3A_114 = arith.constant 0 : index
        %get3A_115 = tpu.vector_load %arg13[%get3A, %get3A_114] {strides = array<i32>} : memref<128x128xf32, #tpu.memory_space<vmem>>, vector<1x16xf32>,
        %get3A_116 = vector.shape_cast %get3A_115 : vector<1x16xf32> to vector<16xf32>
        %get3A_117 = arith.index_cast %scan3A_112 : i32 to index
        %get3A_118 = arith.constant 0 : index
        %get3A_119 = tpu.vector_load %arg14[%get3A_117, %get3A_118] {strides = array<i32>} : memref<128x128xf32, #tpu.memory_space<vmem>>, vector<1x16xf32>,
        %get3A_120 = vector.shape_cast %get3A_119 : vector<1x16xf32> to vector<16xf32>
        %add3A_121 = arith.addf %get3A_116, %get3A_120 : vector<16xf32>
        %mul3A_122 = arith.constant 5.000000e-01 : f32
        %mul3A_123 = vector.broadcast %mul3A_122 : f32 to vector<16xf32>
        %mul3A_124 = arith.mulf %add3A_121, %mul3A_123 : vector<16xf32>
        %swap3A = arith.index_cast %scan3A_112 : i32 to index
        %swap3A_125 = arith.constant 0 : index
        %swap3A_126 = tpu.vector_load %arg13[%swap3A, %swap3A_125] {strides = array<i32>} : memref<128x128xf32, #tpu.memory_space<vmem>>, vector<1x16xf32>,
        %swap3A_127 = vector.shape_cast %swap3A_126 : vector<1x16xf32> to vector<16xf32>
        %swap3A_128 = vector.shape_cast %mul3A_124 : vector<16xf32> to vector<1x16xf32>
        tpu.vector_store %arg13[%swap3A, %swap3A_125], %swap3A_128 {strides = array<i32>} : memref<128x128xf32, #tpu.memory_space<vmem>>, vector<1x16xf32>,
        %get3A_129 = arith.index_cast %scan3A_112 : i32 to index
        %get3A_130 = arith.constant 16 : index
        %get3A_131 = tpu.vector_load %arg13[%get3A_129, %get3A_130] {strides = array<i32>} : memref<128x128xf32, #tpu.memory_space<vmem>>, vector<1x16xf32>,
        %get3A_132 = vector.shape_cast %get3A_131 : vector<1x16xf32> to vector<16xf32>
        %get3A_133 = arith.index_cast %scan3A_112 : i32 to index
        %get3A_134 = arith.constant 16 : index
        %get3A_135 = tpu.vector_load %arg14[%get3A_133, %get3A_134] {strides = array<i32>} : memref<128x128xf32, #tpu.memory_space<vmem>>, vector<1x16xf32>,
        %get3A_136 = vector.shape_cast %get3A_135 : vector<1x16xf32> to vector<16xf32>
        %add3A_137 = arith.addf %get3A_132, %get3A_136 : vector<16xf32>
        %mul3A_138 = arith.constant 5.000000e-01 : f32
        %mul3A_139 = vector.broadcast %mul3A_138 : f32 to vector<16xf32>
        %mul3A_140 = arith.mulf %add3A_137, %mul3A_139 : vector<16xf32>
        %swap3A_141 = arith.index_cast %scan3A_112 : i32 to index
        %swap3A_142 = arith.constant 16 : index
        %swap3A_143 = tpu.vector_load %arg13[%swap3A_141, %swap3A_142] {strides = array<i32>} : memref<128x128xf32, #tpu.memory_space<vmem>>, vector<1x16xf32>,
        %swap3A_144 = vector.shape_cast %swap3A_143 : vector<1x16xf32> to vector<16xf32>
        %swap3A_145 = vector.shape_cast %mul3A_140 : vector<16xf32> to vector<1x16xf32>
        tpu.vector_store %arg13[%swap3A_141, %swap3A_142], %swap3A_145 {strides = array<i32>} : memref<128x128xf32, #tpu.memory_space<vmem>>, vector<1x16xf32>,
        %get3A_146 = arith.index_cast %scan3A_112 : i32 to index
        %get3A_147 = arith.constant 32 : index
        %get3A_148 = tpu.vector_load %arg13[%get3A_146, %get3A_147] {strides = array<i32>} : memref<128x128xf32, #tpu.memory_space<vmem>>, vector<1x16xf32>,
        %get3A_149 = vector.shape_cast %get3A_148 : vector<1x16xf32> to vector<16xf32>
        %get3A_150 = arith.index_cast %scan3A_112 : i32 to index
        %get3A_151 = arith.constant 32 : index
        %get3A_152 = tpu.vector_load %arg14[%get3A_150, %get3A_151] {strides = array<i32>} : memref<128x128xf32, #tpu.memory_space<vmem>>, vector<1x16xf32>,
        %get3A_153 = vector.shape_cast %get3A_152 : vector<1x16xf32> to vector<16xf32>
        %add3A_154 = arith.addf %get3A_149, %get3A_153 : vector<16xf32>
        %mul3A_155 = arith.constant 5.000000e-01 : f32
        %mul3A_156 = vector.broadcast %mul3A_155 : f32 to vector<16xf32>
        %mul3A_157 = arith.mulf %add3A_154, %mul3A_156 : vector<16xf32>
        %swap3A_158 = arith.index_cast %scan3A_112 : i32 to index
        %swap3A_159 = arith.constant 32 : index
        %swap3A_160 = tpu.vector_load %arg13[%swap3A_158, %swap3A_159] {strides = array<i32>} : memref<128x128xf32, #tpu.memory_space<vmem>>, vector<1x16xf32>,
        %swap3A_161 = vector.shape_cast %swap3A_160 : vector<1x16xf32> to vector<16xf32>
        %swap3A_162 = vector.shape_cast %mul3A_157 : vector<16xf32> to vector<1x16xf32>
        tpu.vector_store %arg13[%swap3A_158, %swap3A_159], %swap3A_162 {strides = array<i32>} : memref<128x128xf32, #tpu.memory_space<vmem>>, vector<1x16xf32>,
        %get3A_163 = arith.index_cast %scan3A_112 : i32 to index
        %get3A_164 = arith.constant 48 : index
        %get3A_165 = tpu.vector_load %arg13[%get3A_163, %get3A_164] {strides = array<i32>} : memref<128x128xf32, #tpu.memory_space<vmem>>, vector<1x16xf32>,
        %get3A_166 = vector.shape_cast %get3A_165 : vector<1x16xf32> to vector<16xf32>
        %get3A_167 = arith.index_cast %scan3A_112 : i32 to index
        %get3A_168 = arith.constant 48 : index
        %get3A_169 = tpu.vector_load %arg14[%get3A_167, %get3A_168] {strides = array<i32>} : memref<128x128xf32, #tpu.memory_space<vmem>>, vector<1x16xf32>,
        %get3A_170 = vector.shape_cast %get3A_169 : vector<1x16xf32> to vector<16xf32>
        %add3A_171 = arith.addf %get3A_166, %get3A_170 : vector<16xf32>
        %mul3A_172 = arith.constant 5.000000e-01 : f32
        %mul3A_173 = vector.broadcast %mul3A_172 : f32 to vector<16xf32>
        %mul3A_174 = arith.mulf %add3A_171, %mul3A_173 : vector<16xf32>
        %swap3A_175 = arith.index_cast %scan3A_112 : i32 to index
        %swap3A_176 = arith.constant 48 : index
        %swap3A_177 = tpu.vector_load %arg13[%swap3A_175, %swap3A_176] {strides = array<i32>} : memref<128x128xf32, #tpu.memory_space<vmem>>, vector<1x16xf32>,
        %swap3A_178 = vector.shape_cast %swap3A_177 : vector<1x16xf32> to vector<16xf32>
        %swap3A_179 = vector.shape_cast %mul3A_174 : vector<16xf32> to vector<1x16xf32>
        tpu.vector_store %arg13[%swap3A_175, %swap3A_176], %swap3A_179 {strides = array<i32>} : memref<128x128xf32, #tpu.memory_space<vmem>>, vector<1x16xf32>,
        %get3A_180 = arith.index_cast %scan3A_112 : i32 to index
        %get3A_181 = arith.constant 64 : index
        %get3A_182 = tpu.vector_load %arg13[%get3A_180, %get3A_181] {strides = array<i32>} : memref<128x128xf32, #tpu.memory_space<vmem>>, vector<1x16xf32>,
        %get3A_183 = vector.shape_cast %get3A_182 : vector<1x16xf32> to vector<16xf32>
        %get3A_184 = arith.index_cast %scan3A_112 : i32 to index
        %get3A_185 = arith.constant 64 : index
        %get3A_186 = tpu.vector_load %arg14[%get3A_184, %get3A_185] {strides = array<i32>} : memref<128x128xf32, #tpu.memory_space<vmem>>, vector<1x16xf32>,
        %get3A_187 = vector.shape_cast %get3A_186 : vector<1x16xf32> to vector<16xf32>
        %add3A_188 = arith.addf %get3A_183, %get3A_187 : vector<16xf32>
        %mul3A_189 = arith.constant 5.000000e-01 : f32
        %mul3A_190 = vector.broadcast %mul3A_189 : f32 to vector<16xf32>
        %mul3A_191 = arith.mulf %add3A_188, %mul3A_190 : vector<16xf32>
        %swap3A_192 = arith.index_cast %scan3A_112 : i32 to index
        %swap3A_193 = arith.constant 64 : index
        %swap3A_194 = tpu.vector_load %arg13[%swap3A_192, %swap3A_193] {strides = array<i32>} : memref<128x128xf32, #tpu.memory_space<vmem>>, vector<1x16xf32>,
        %swap3A_195 = vector.shape_cast %swap3A_194 : vector<1x16xf32> to vector<16xf32>
        %swap3A_196 = vector.shape_cast %mul3A_191 : vector<16xf32> to vector<1x16xf32>
        tpu.vector_store %arg13[%swap3A_192, %swap3A_193], %swap3A_196 {strides = array<i32>} : memref<128x128xf32, #tpu.memory_space<vmem>>, vector<1x16xf32>,
        %get3A_197 = arith.index_cast %scan3A_112 : i32 to index
        %get3A_198 = arith.constant 80 : index
        %get3A_199 = tpu.vector_load %arg13[%get3A_197, %get3A_198] {strides = array<i32>} : memref<128x128xf32, #tpu.memory_space<vmem>>, vector<1x16xf32>,
        %get3A_200 = vector.shape_cast %get3A_199 : vector<1x16xf32> to vector<16xf32>
        %get3A_201 = arith.index_cast %scan3A_112 : i32 to index
        %get3A_202 = arith.constant 80 : index
        %get3A_203 = tpu.vector_load %arg14[%get3A_201, %get3A_202] {strides = array<i32>} : memref<128x128xf32, #tpu.memory_space<vmem>>, vector<1x16xf32>,
        %get3A_204 = vector.shape_cast %get3A_203 : vector<1x16xf32> to vector<16xf32>
        %add3A_205 = arith.addf %get3A_200, %get3A_204 : vector<16xf32>
        %mul3A_206 = arith.constant 5.000000e-01 : f32
        %mul3A_207 = vector.broadcast %mul3A_206 : f32 to vector<16xf32>
        %mul3A_208 = arith.mulf %add3A_205, %mul3A_207 : vector<16xf32>
        %swap3A_209 = arith.index_cast %scan3A_112 : i32 to index
        %swap3A_210 = arith.constant 80 : index
        %swap3A_211 = tpu.vector_load %arg13[%swap3A_209, %swap3A_210] {strides = array<i32>} : memref<128x128xf32, #tpu.memory_space<vmem>>, vector<1x16xf32>,
        %swap3A_212 = vector.shape_cast %swap3A_211 : vector<1x16xf32> to vector<16xf32>
        %swap3A_213 = vector.shape_cast %mul3A_208 : vector<16xf32> to vector<1x16xf32>
        tpu.vector_store %arg13[%swap3A_209, %swap3A_210], %swap3A_213 {strides = array<i32>} : memref<128x128xf32, #tpu.memory_space<vmem>>, vector<1x16xf32>,
        %get3A_214 = arith.index_cast %scan3A_112 : i32 to index
        %get3A_215 = arith.constant 96 : index
        %get3A_216 = tpu.vector_load %arg13[%get3A_214, %get3A_215] {strides = array<i32>} : memref<128x128xf32, #tpu.memory_space<vmem>>, vector<1x16xf32>,
        %get3A_217 = vector.shape_cast %get3A_216 : vector<1x16xf32> to vector<16xf32>
        %get3A_218 = arith.index_cast %scan3A_112 : i32 to index
        %get3A_219 = arith.constant 96 : index
        %get3A_220 = tpu.vector_load %arg14[%get3A_218, %get3A_219] {strides = array<i32>} : memref<128x128xf32, #tpu.memory_space<vmem>>, vector<1x16xf32>,
        %get3A_221 = vector.shape_cast %get3A_220 : vector<1x16xf32> to vector<16xf32>
        %add3A_222 = arith.addf %get3A_217, %get3A_221 : vector<16xf32>
        %mul3A_223 = arith.constant 5.000000e-01 : f32
        %mul3A_224 = vector.broadcast %mul3A_223 : f32 to vector<16xf32>
        %mul3A_225 = arith.mulf %add3A_222, %mul3A_224 : vector<16xf32>
        %swap3A_226 = arith.index_cast %scan3A_112 : i32 to index
        %swap3A_227 = arith.constant 96 : index
        %swap3A_228 = tpu.vector_load %arg13[%swap3A_226, %swap3A_227] {strides = array<i32>} : memref<128x128xf32, #tpu.memory_space<vmem>>, vector<1x16xf32>,
        %swap3A_229 = vector.shape_cast %swap3A_228 : vector<1x16xf32> to vector<16xf32>
        %swap3A_230 = vector.shape_cast %mul3A_225 : vector<16xf32> to vector<1x16xf32>
        tpu.vector_store %arg13[%swap3A_226, %swap3A_227], %swap3A_230 {strides = array<i32>} : memref<128x128xf32, #tpu.memory_space<vmem>>, vector<1x16xf32>,
        %get3A_231 = arith.index_cast %scan3A_112 : i32 to index
        %get3A_232 = arith.constant 112 : index
        %get3A_233 = tpu.vector_load %arg13[%get3A_231, %get3A_232] {strides = array<i32>} : memref<128x128xf32, #tpu.memory_space<vmem>>, vector<1x16xf32>,
        %get3A_234 = vector.shape_cast %get3A_233 : vector<1x16xf32> to vector<16xf32>
        %get3A_235 = arith.index_cast %scan3A_112 : i32 to index
        %get3A_236 = arith.constant 112 : index
        %get3A_237 = tpu.vector_load %arg14[%get3A_235, %get3A_236] {strides = array<i32>} : memref<128x128xf32, #tpu.memory_space<vmem>>, vector<1x16xf32>,
        %get3A_238 = vector.shape_cast %get3A_237 : vector<1x16xf32> to vector<16xf32>
        %add3A_239 = arith.addf %get3A_234, %get3A_238 : vector<16xf32>
        %mul3A_240 = arith.constant 5.000000e-01 : f32
        %mul3A_241 = vector.broadcast %mul3A_240 : f32 to vector<16xf32>
        %mul3A_242 = arith.mulf %add3A_239, %mul3A_241 : vector<16xf32>
        %swap3A_243 = arith.index_cast %scan3A_112 : i32 to index
        %swap3A_244 = arith.constant 112 : index
        %swap3A_245 = tpu.vector_load %arg13[%swap3A_243, %swap3A_244] {strides = array<i32>} : memref<128x128xf32, #tpu.memory_space<vmem>>, vector<1x16xf32>,
        %swap3A_246 = vector.shape_cast %swap3A_245 : vector<1x16xf32> to vector<16xf32>
        %swap3A_247 = vector.shape_cast %mul3A_242 : vector<16xf32> to vector<1x16xf32>
        tpu.vector_store %arg13[%swap3A_243, %swap3A_244], %swap3A_247 {strides = array<i32>} : memref<128x128xf32, #tpu.memory_space<vmem>>, vector<1x16xf32>,
        %scan3A_248 = arith.constant 0 : i32
        scf.yield %scan3A_248 : i32
      }
      %scan3A_69 = arith.constant 128 : i32
      %mul3A_70 = arith.constant 128 : i32
      %mul3A_71 = arith.muli %add3A_20, %mul3A_70 : i32
      %dma_start3A_72 = arith.constant 0 : i32
      %dma_start3A_73 = tpu.memref_slice %arg7[%mul3A_71, %dma_start3A_72] : memref<16384x128xf32, #tpu.memory_space<hbm>> -> memref<128x128xf32, #tpu.memory_space<hbm>>
      %dma_start3A_74 = arith.constant 0 : i32
      %dma_start3A_75 = tpu.memref_slice %arg7[%mul3A_71, %dma_start3A_74] : memref<16384x128xf32, #tpu.memory_space<hbm>> -> memref<128x128xf32, #tpu.memory_space<hbm>>
      tpu.enqueue_dma source(%arg13 : memref<128x128xf32, #tpu.memory_space<vmem>>) target(%dma_start3A_75 : memref<128x128xf32, #tpu.memory_space<hbm>>) target_semaphore(%arg19 : memref<!tpu.dma_semaphore, #tpu.memory_space<semaphore_mem>>)
      %dma_wait3A_76 = arith.constant 0 : i32
      %dma_wait3A_77 = arith.constant 0 : i32
      %dma_wait3A_78 = tpu.memref_slice %arg11[%dma_wait3A_76, %dma_wait3A_77] : memref<1x128xi32, #tpu.memory_space<vmem>> -> memref<1x128xi32, #tpu.memory_space<vmem>>
      %dma_wait3A_79 = tpu.memref_squeeze %dma_wait3A_78 : memref<1x128xi32, #tpu.memory_space<vmem>> -> memref<128xi32, #tpu.memory_space<vmem>>
      %dma_wait3A_80 = arith.constant 0 : i32
      %dma_wait3A_81 = arith.constant 0 : i32
      %dma_wait3A_82 = tpu.memref_slice %arg6[%dma_wait3A_80, %dma_wait3A_81] : memref<53228x128xf32, #tpu.memory_space<hbm>> -> memref<53228x128xf32, #tpu.memory_space<hbm>>
      tpu.wait_indirect_dma semaphore(%arg18 : memref<!tpu.dma_semaphore, #tpu.memory_space<semaphore_mem>>) src(%dma_wait3A_82 : memref<53228x128xf32, #tpu.memory_space<hbm>>) dst(%arg15 : memref<128x128xf32, #tpu.memory_space<vmem>>)
      %dma_wait3A_83 = arith.constant 0 : i32
      %dma_wait3A_84 = arith.constant 0 : i32
      %dma_wait3A_85 = tpu.memref_slice %arg12[%dma_wait3A_83, %dma_wait3A_84] : memref<1x128xi32, #tpu.memory_space<vmem>> -> memref<1x128xi32, #tpu.memory_space<vmem>>
      %dma_wait3A_86 = tpu.memref_squeeze %dma_wait3A_85 : memref<1x128xi32, #tpu.memory_space<vmem>> -> memref<128xi32, #tpu.memory_space<vmem>>
      %dma_wait3A_87 = arith.constant 0 : i32
      %dma_wait3A_88 = arith.constant 0 : i32
      %dma_wait3A_89 = tpu.memref_slice %arg6[%dma_wait3A_87, %dma_wait3A_88] : memref<53228x128xf32, #tpu.memory_space<hbm>> -> memref<53228x128xf32, #tpu.memory_space<hbm>>
      tpu.wait_indirect_dma semaphore(%arg18 : memref<!tpu.dma_semaphore, #tpu.memory_space<semaphore_mem>>) src(%dma_wait3A_89 : memref<53228x128xf32, #tpu.memory_space<hbm>>) dst(%arg16 : memref<128x128xf32, #tpu.memory_space<vmem>>)
      %scan3A_90 = arith.constant 0 : i32
      %scan3A_91 = arith.constant 0 : i32
      %scan3A_92 = arith.constant 128 : i32
      %scan3A_93 = arith.addi %scan3A_91, %scan3A_92 : i32
      %scan3A_94 = arith.constant 1 : i32
      %scan3A_95 = scf.for %scan3A_112 = %scan3A_91 to %scan3A_93 step %scan3A_94 iter_args(%scan3A_113 = %scan3A_90) -> (i32)  : i32 {
        %get3A = arith.index_cast %scan3A_112 : i32 to index
        %get3A_114 = arith.constant 0 : index
        %get3A_115 = tpu.vector_load %arg15[%get3A, %get3A_114] {strides = array<i32>} : memref<128x128xf32, #tpu.memory_space<vmem>>, vector<1x16xf32>,
        %get3A_116 = vector.shape_cast %get3A_115 : vector<1x16xf32> to vector<16xf32>
        %get3A_117 = arith.index_cast %scan3A_112 : i32 to index
        %get3A_118 = arith.constant 0 : index
        %get3A_119 = tpu.vector_load %arg16[%get3A_117, %get3A_118] {strides = array<i32>} : memref<128x128xf32, #tpu.memory_space<vmem>>, vector<1x16xf32>,
        %get3A_120 = vector.shape_cast %get3A_119 : vector<1x16xf32> to vector<16xf32>
        %add3A_121 = arith.addf %get3A_116, %get3A_120 : vector<16xf32>
        %mul3A_122 = arith.constant 5.000000e-01 : f32
        %mul3A_123 = vector.broadcast %mul3A_122 : f32 to vector<16xf32>
        %mul3A_124 = arith.mulf %add3A_121, %mul3A_123 : vector<16xf32>
        %swap3A = arith.index_cast %scan3A_112 : i32 to index
        %swap3A_125 = arith.constant 0 : index
        %swap3A_126 = tpu.vector_load %arg15[%swap3A, %swap3A_125] {strides = array<i32>} : memref<128x128xf32, #tpu.memory_space<vmem>>, vector<1x16xf32>,
        %swap3A_127 = vector.shape_cast %swap3A_126 : vector<1x16xf32> to vector<16xf32>
        %swap3A_128 = vector.shape_cast %mul3A_124 : vector<16xf32> to vector<1x16xf32>
        tpu.vector_store %arg15[%swap3A, %swap3A_125], %swap3A_128 {strides = array<i32>} : memref<128x128xf32, #tpu.memory_space<vmem>>, vector<1x16xf32>,
        %get3A_129 = arith.index_cast %scan3A_112 : i32 to index
        %get3A_130 = arith.constant 16 : index
        %get3A_131 = tpu.vector_load %arg15[%get3A_129, %get3A_130] {strides = array<i32>} : memref<128x128xf32, #tpu.memory_space<vmem>>, vector<1x16xf32>,
        %get3A_132 = vector.shape_cast %get3A_131 : vector<1x16xf32> to vector<16xf32>
        %get3A_133 = arith.index_cast %scan3A_112 : i32 to index
        %get3A_134 = arith.constant 16 : index
        %get3A_135 = tpu.vector_load %arg16[%get3A_133, %get3A_134] {strides = array<i32>} : memref<128x128xf32, #tpu.memory_space<vmem>>, vector<1x16xf32>,
        %get3A_136 = vector.shape_cast %get3A_135 : vector<1x16xf32> to vector<16xf32>
        %add3A_137 = arith.addf %get3A_132, %get3A_136 : vector<16xf32>
        %mul3A_138 = arith.constant 5.000000e-01 : f32
        %mul3A_139 = vector.broadcast %mul3A_138 : f32 to vector<16xf32>
        %mul3A_140 = arith.mulf %add3A_137, %mul3A_139 : vector<16xf32>
        %swap3A_141 = arith.index_cast %scan3A_112 : i32 to index
        %swap3A_142 = arith.constant 16 : index
        %swap3A_143 = tpu.vector_load %arg15[%swap3A_141, %swap3A_142] {strides = array<i32>} : memref<128x128xf32, #tpu.memory_space<vmem>>, vector<1x16xf32>,
        %swap3A_144 = vector.shape_cast %swap3A_143 : vector<1x16xf32> to vector<16xf32>
        %swap3A_145 = vector.shape_cast %mul3A_140 : vector<16xf32> to vector<1x16xf32>
        tpu.vector_store %arg15[%swap3A_141, %swap3A_142], %swap3A_145 {strides = array<i32>} : memref<128x128xf32, #tpu.memory_space<vmem>>, vector<1x16xf32>,
        %get3A_146 = arith.index_cast %scan3A_112 : i32 to index
        %get3A_147 = arith.constant 32 : index
        %get3A_148 = tpu.vector_load %arg15[%get3A_146, %get3A_147] {strides = array<i32>} : memref<128x128xf32, #tpu.memory_space<vmem>>, vector<1x16xf32>,
        %get3A_149 = vector.shape_cast %get3A_148 : vector<1x16xf32> to vector<16xf32>
        %get3A_150 = arith.index_cast %scan3A_112 : i32 to index
        %get3A_151 = arith.constant 32 : index
        %get3A_152 = tpu.vector_load %arg16[%get3A_150, %get3A_151] {strides = array<i32>} : memref<128x128xf32, #tpu.memory_space<vmem>>, vector<1x16xf32>,
        %get3A_153 = vector.shape_cast %get3A_152 : vector<1x16xf32> to vector<16xf32>
        %add3A_154 = arith.addf %get3A_149, %get3A_153 : vector<16xf32>
        %mul3A_155 = arith.constant 5.000000e-01 : f32
        %mul3A_156 = vector.broadcast %mul3A_155 : f32 to vector<16xf32>
        %mul3A_157 = arith.mulf %add3A_154, %mul3A_156 : vector<16xf32>
        %swap3A_158 = arith.index_cast %scan3A_112 : i32 to index
        %swap3A_159 = arith.constant 32 : index
        %swap3A_160 = tpu.vector_load %arg15[%swap3A_158, %swap3A_159] {strides = array<i32>} : memref<128x128xf32, #tpu.memory_space<vmem>>, vector<1x16xf32>,
        %swap3A_161 = vector.shape_cast %swap3A_160 : vector<1x16xf32> to vector<16xf32>
        %swap3A_162 = vector.shape_cast %mul3A_157 : vector<16xf32> to vector<1x16xf32>
        tpu.vector_store %arg15[%swap3A_158, %swap3A_159], %swap3A_162 {strides = array<i32>} : memref<128x128xf32, #tpu.memory_space<vmem>>, vector<1x16xf32>,
        %get3A_163 = arith.index_cast %scan3A_112 : i32 to index
        %get3A_164 = arith.constant 48 : index
        %get3A_165 = tpu.vector_load %arg15[%get3A_163, %get3A_164] {strides = array<i32>} : memref<128x128xf32, #tpu.memory_space<vmem>>, vector<1x16xf32>,
        %get3A_166 = vector.shape_cast %get3A_165 : vector<1x16xf32> to vector<16xf32>
        %get3A_167 = arith.index_cast %scan3A_112 : i32 to index
        %get3A_168 = arith.constant 48 : index
        %get3A_169 = tpu.vector_load %arg16[%get3A_167, %get3A_168] {strides = array<i32>} : memref<128x128xf32, #tpu.memory_space<vmem>>, vector<1x16xf32>,
        %get3A_170 = vector.shape_cast %get3A_169 : vector<1x16xf32> to vector<16xf32>
        %add3A_171 = arith.addf %get3A_166, %get3A_170 : vector<16xf32>
        %mul3A_172 = arith.constant 5.000000e-01 : f32
        %mul3A_173 = vector.broadcast %mul3A_172 : f32 to vector<16xf32>
        %mul3A_174 = arith.mulf %add3A_171, %mul3A_173 : vector<16xf32>
        %swap3A_175 = arith.index_cast %scan3A_112 : i32 to index
        %swap3A_176 = arith.constant 48 : index
        %swap3A_177 = tpu.vector_load %arg15[%swap3A_175, %swap3A_176] {strides = array<i32>} : memref<128x128xf32, #tpu.memory_space<vmem>>, vector<1x16xf32>,
        %swap3A_178 = vector.shape_cast %swap3A_177 : vector<1x16xf32> to vector<16xf32>
        %swap3A_179 = vector.shape_cast %mul3A_174 : vector<16xf32> to vector<1x16xf32>
        tpu.vector_store %arg15[%swap3A_175, %swap3A_176], %swap3A_179 {strides = array<i32>} : memref<128x128xf32, #tpu.memory_space<vmem>>, vector<1x16xf32>,
        %get3A_180 = arith.index_cast %scan3A_112 : i32 to index
        %get3A_181 = arith.constant 64 : index
        %get3A_182 = tpu.vector_load %arg15[%get3A_180, %get3A_181] {strides = array<i32>} : memref<128x128xf32, #tpu.memory_space<vmem>>, vector<1x16xf32>,
        %get3A_183 = vector.shape_cast %get3A_182 : vector<1x16xf32> to vector<16xf32>
        %get3A_184 = arith.index_cast %scan3A_112 : i32 to index
        %get3A_185 = arith.constant 64 : index
        %get3A_186 = tpu.vector_load %arg16[%get3A_184, %get3A_185] {strides = array<i32>} : memref<128x128xf32, #tpu.memory_space<vmem>>, vector<1x16xf32>,
        %get3A_187 = vector.shape_cast %get3A_186 : vector<1x16xf32> to vector<16xf32>
        %add3A_188 = arith.addf %get3A_183, %get3A_187 : vector<16xf32>
        %mul3A_189 = arith.constant 5.000000e-01 : f32
        %mul3A_190 = vector.broadcast %mul3A_189 : f32 to vector<16xf32>
        %mul3A_191 = arith.mulf %add3A_188, %mul3A_190 : vector<16xf32>
        %swap3A_192 = arith.index_cast %scan3A_112 : i32 to index
        %swap3A_193 = arith.constant 64 : index
        %swap3A_194 = tpu.vector_load %arg15[%swap3A_192, %swap3A_193] {strides = array<i32>} : memref<128x128xf32, #tpu.memory_space<vmem>>, vector<1x16xf32>,
        %swap3A_195 = vector.shape_cast %swap3A_194 : vector<1x16xf32> to vector<16xf32>
        %swap3A_196 = vector.shape_cast %mul3A_191 : vector<16xf32> to vector<1x16xf32>
        tpu.vector_store %arg15[%swap3A_192, %swap3A_193], %swap3A_196 {strides = array<i32>} : memref<128x128xf32, #tpu.memory_space<vmem>>, vector<1x16xf32>,
        %get3A_197 = arith.index_cast %scan3A_112 : i32 to index
        %get3A_198 = arith.constant 80 : index
        %get3A_199 = tpu.vector_load %arg15[%get3A_197, %get3A_198] {strides = array<i32>} : memref<128x128xf32, #tpu.memory_space<vmem>>, vector<1x16xf32>,
        %get3A_200 = vector.shape_cast %get3A_199 : vector<1x16xf32> to vector<16xf32>
        %get3A_201 = arith.index_cast %scan3A_112 : i32 to index
        %get3A_202 = arith.constant 80 : index
        %get3A_203 = tpu.vector_load %arg16[%get3A_201, %get3A_202] {strides = array<i32>} : memref<128x128xf32, #tpu.memory_space<vmem>>, vector<1x16xf32>,
        %get3A_204 = vector.shape_cast %get3A_203 : vector<1x16xf32> to vector<16xf32>
        %add3A_205 = arith.addf %get3A_200, %get3A_204 : vector<16xf32>
        %mul3A_206 = arith.constant 5.000000e-01 : f32
        %mul3A_207 = vector.broadcast %mul3A_206 : f32 to vector<16xf32>
        %mul3A_208 = arith.mulf %add3A_205, %mul3A_207 : vector<16xf32>
        %swap3A_209 = arith.index_cast %scan3A_112 : i32 to index
        %swap3A_210 = arith.constant 80 : index
        %swap3A_211 = tpu.vector_load %arg15[%swap3A_209, %swap3A_210] {strides = array<i32>} : memref<128x128xf32, #tpu.memory_space<vmem>>, vector<1x16xf32>,
        %swap3A_212 = vector.shape_cast %swap3A_211 : vector<1x16xf32> to vector<16xf32>
        %swap3A_213 = vector.shape_cast %mul3A_208 : vector<16xf32> to vector<1x16xf32>
        tpu.vector_store %arg15[%swap3A_209, %swap3A_210], %swap3A_213 {strides = array<i32>} : memref<128x128xf32, #tpu.memory_space<vmem>>, vector<1x16xf32>,
        %get3A_214 = arith.index_cast %scan3A_112 : i32 to index
        %get3A_215 = arith.constant 96 : index
        %get3A_216 = tpu.vector_load %arg15[%get3A_214, %get3A_215] {strides = array<i32>} : memref<128x128xf32, #tpu.memory_space<vmem>>, vector<1x16xf32>,
        %get3A_217 = vector.shape_cast %get3A_216 : vector<1x16xf32> to vector<16xf32>
        %get3A_218 = arith.index_cast %scan3A_112 : i32 to index
        %get3A_219 = arith.constant 96 : index
        %get3A_220 = tpu.vector_load %arg16[%get3A_218, %get3A_219] {strides = array<i32>} : memref<128x128xf32, #tpu.memory_space<vmem>>, vector<1x16xf32>,
        %get3A_221 = vector.shape_cast %get3A_220 : vector<1x16xf32> to vector<16xf32>
        %add3A_222 = arith.addf %get3A_217, %get3A_221 : vector<16xf32>
        %mul3A_223 = arith.constant 5.000000e-01 : f32
        %mul3A_224 = vector.broadcast %mul3A_223 : f32 to vector<16xf32>
        %mul3A_225 = arith.mulf %add3A_222, %mul3A_224 : vector<16xf32>
        %swap3A_226 = arith.index_cast %scan3A_112 : i32 to index
        %swap3A_227 = arith.constant 96 : index
        %swap3A_228 = tpu.vector_load %arg15[%swap3A_226, %swap3A_227] {strides = array<i32>} : memref<128x128xf32, #tpu.memory_space<vmem>>, vector<1x16xf32>,
        %swap3A_229 = vector.shape_cast %swap3A_228 : vector<1x16xf32> to vector<16xf32>
        %swap3A_230 = vector.shape_cast %mul3A_225 : vector<16xf32> to vector<1x16xf32>
        tpu.vector_store %arg15[%swap3A_226, %swap3A_227], %swap3A_230 {strides = array<i32>} : memref<128x128xf32, #tpu.memory_space<vmem>>, vector<1x16xf32>,
        %get3A_231 = arith.index_cast %scan3A_112 : i32 to index
        %get3A_232 = arith.constant 112 : index
        %get3A_233 = tpu.vector_load %arg15[%get3A_231, %get3A_232] {strides = array<i32>} : memref<128x128xf32, #tpu.memory_space<vmem>>, vector<1x16xf32>,
        %get3A_234 = vector.shape_cast %get3A_233 : vector<1x16xf32> to vector<16xf32>
        %get3A_235 = arith.index_cast %scan3A_112 : i32 to index
        %get3A_236 = arith.constant 112 : index
        %get3A_237 = tpu.vector_load %arg16[%get3A_235, %get3A_236] {strides = array<i32>} : memref<128x128xf32, #tpu.memory_space<vmem>>, vector<1x16xf32>,
        %get3A_238 = vector.shape_cast %get3A_237 : vector<1x16xf32> to vector<16xf32>
        %add3A_239 = arith.addf %get3A_234, %get3A_238 : vector<16xf32>
        %mul3A_240 = arith.constant 5.000000e-01 : f32
        %mul3A_241 = vector.broadcast %mul3A_240 : f32 to vector<16xf32>
        %mul3A_242 = arith.mulf %add3A_239, %mul3A_241 : vector<16xf32>
        %swap3A_243 = arith.index_cast %scan3A_112 : i32 to index
        %swap3A_244 = arith.constant 112 : index
        %swap3A_245 = tpu.vector_load %arg15[%swap3A_243, %swap3A_244] {strides = array<i32>} : memref<128x128xf32, #tpu.memory_space<vmem>>, vector<1x16xf32>,
        %swap3A_246 = vector.shape_cast %swap3A_245 : vector<1x16xf32> to vector<16xf32>
        %swap3A_247 = vector.shape_cast %mul3A_242 : vector<16xf32> to vector<1x16xf32>
        tpu.vector_store %arg15[%swap3A_243, %swap3A_244], %swap3A_247 {strides = array<i32>} : memref<128x128xf32, #tpu.memory_space<vmem>>, vector<1x16xf32>,
        %scan3A_248 = arith.constant 0 : i32
        scf.yield %scan3A_248 : i32
      }
      %scan3A_96 = arith.constant 128 : i32
      %mul3A_97 = arith.constant 128 : i32
      %mul3A_98 = arith.muli %add3A_22, %mul3A_97 : i32
      %dma_start3A_99 = arith.constant 0 : i32
      %dma_start3A_100 = tpu.memref_slice %arg7[%mul3A_98, %dma_start3A_99] : memref<16384x128xf32, #tpu.memory_space<hbm>> -> memref<128x128xf32, #tpu.memory_space<hbm>>
      %dma_start3A_101 = arith.constant 0 : i32
      %dma_start3A_102 = tpu.memref_slice %arg7[%mul3A_98, %dma_start3A_101] : memref<16384x128xf32, #tpu.memory_space<hbm>> -> memref<128x128xf32, #tpu.memory_space<hbm>>
      tpu.enqueue_dma source(%arg15 : memref<128x128xf32, #tpu.memory_space<vmem>>) target(%dma_start3A_102 : memref<128x128xf32, #tpu.memory_space<hbm>>) target_semaphore(%arg19 : memref<!tpu.dma_semaphore, #tpu.memory_space<semaphore_mem>>)
      %dma_wait3A_103 = arith.constant 0 : i32
      %dma_wait3A_104 = tpu.memref_slice %arg7[%mul3A_71, %dma_wait3A_103] : memref<16384x128xf32, #tpu.memory_space<hbm>> -> memref<128x128xf32, #tpu.memory_space<hbm>>
      %dma_wait3A_105 = arith.constant 0 : i32
      %dma_wait3A_106 = tpu.memref_slice %arg7[%mul3A_71, %dma_wait3A_105] : memref<16384x128xf32, #tpu.memory_space<hbm>> -> memref<128x128xf32, #tpu.memory_space<hbm>>
      tpu.wait_dma2 semaphore(%arg19 : memref<!tpu.dma_semaphore, #tpu.memory_space<semaphore_mem>>) src(%arg13 : memref<128x128xf32, #tpu.memory_space<vmem>>) dst(%dma_wait3A_106 : memref<128x128xf32, #tpu.memory_space<hbm>>)
      %dma_wait3A_107 = arith.constant 0 : i32
      %dma_wait3A_108 = tpu.memref_slice %arg7[%mul3A_98, %dma_wait3A_107] : memref<16384x128xf32, #tpu.memory_space<hbm>> -> memref<128x128xf32, #tpu.memory_space<hbm>>
      %dma_wait3A_109 = arith.constant 0 : i32
      %dma_wait3A_110 = tpu.memref_slice %arg7[%mul3A_98, %dma_wait3A_109] : memref<16384x128xf32, #tpu.memory_space<hbm>> -> memref<128x128xf32, #tpu.memory_space<hbm>>
      tpu.wait_dma2 semaphore(%arg19 : memref<!tpu.dma_semaphore, #tpu.memory_space<semaphore_mem>>) src(%arg15 : memref<128x128xf32, #tpu.memory_space<vmem>>) dst(%dma_wait3A_110 : memref<128x128xf32, #tpu.memory_space<hbm>>)
      %scan3A_111 = arith.constant 0 : i32
      scf.yield %scan3A_111 : i32
    }
    %scan3A_6 = arith.constant 2 : i32
    %scan3A_7 = arith.constant 0 : i32
    %scan3A_8 = arith.constant 0 : i32
    %scan3A_9 = arith.constant 40 : i32
    %scan3A_10 = arith.addi %scan3A_8, %scan3A_9 : i32
    %scan3A_11 = arith.constant 1 : i32
    %scan3A_12 = scf.for %scan3A_14 = %scan3A_8 to %scan3A_10 step %scan3A_11 iter_args(%scan3A_15 = %scan3A_7) -> (i32)  : i32 {
      %mul3A_16 = arith.constant 80 : i32
      %mul3A_17 = arith.muli %add3A, %mul3A_16 : i32
      %mul3A_18 = arith.constant 2 : i32
      %mul3A_19 = arith.muli %mul3A_18, %scan3A_14 : i32
      %add3A_20 = arith.addi %mul3A_17, %mul3A_19 : i32
      %add3A_21 = arith.constant 1 : i32
      %add3A_22 = arith.addi %add3A_20, %add3A_21 : i32
      "tpu.region"() ({
        %run_scoped3A = tpu.sem_alloc : memref<!tpu.dma_semaphore, #tpu.memory_space<semaphore_mem>>
        %dma_start3A_112 = arith.constant 0 : i32
        %dma_start3A_113 = tpu.memref_slice %arg4[%add3A_20, %dma_start3A_112] : memref<2560x128xi32, #tpu.memory_space<hbm>> -> memref<1x128xi32, #tpu.memory_space<hbm>>
        %dma_start3A_114 = arith.constant 0 : i32
        %dma_start3A_115 = tpu.memref_slice %arg4[%add3A_20, %dma_start3A_114] : memref<2560x128xi32, #tpu.memory_space<hbm>> -> memref<1x128xi32, #tpu.memory_space<hbm>>
        tpu.enqueue_dma source(%dma_start3A_115 : memref<1x128xi32, #tpu.memory_space<hbm>>) target(%arg9 : memref<1x128xi32, #tpu.memory_space<vmem>>) target_semaphore(%run_scoped3A : memref<!tpu.dma_semaphore, #tpu.memory_space<semaphore_mem>>)
        %dma_wait3A_116 = arith.constant 0 : i32
        %dma_wait3A_117 = tpu.memref_slice %arg4[%add3A_20, %dma_wait3A_116] : memref<2560x128xi32, #tpu.memory_space<hbm>> -> memref<1x128xi32, #tpu.memory_space<hbm>>
        %dma_wait3A_118 = arith.constant 0 : i32
        %dma_wait3A_119 = tpu.memref_slice %arg4[%add3A_20, %dma_wait3A_118] : memref<2560x128xi32, #tpu.memory_space<hbm>> -> memref<1x128xi32, #tpu.memory_space<hbm>>
        tpu.wait_dma2 semaphore(%run_scoped3A : memref<!tpu.dma_semaphore, #tpu.memory_space<semaphore_mem>>) src(%dma_wait3A_119 : memref<1x128xi32, #tpu.memory_space<hbm>>) dst(%arg9 : memref<1x128xi32, #tpu.memory_space<vmem>>)
        tpu.yield
      }) : () -> ()
      "tpu.region"() ({
        %run_scoped3A = tpu.sem_alloc : memref<!tpu.dma_semaphore, #tpu.memory_space<semaphore_mem>>
        %dma_start3A_112 = arith.constant 0 : i32
        %dma_start3A_113 = tpu.memref_slice %arg5[%add3A_20, %dma_start3A_112] : memref<2560x128xi32, #tpu.memory_space<hbm>> -> memref<1x128xi32, #tpu.memory_space<hbm>>
        %dma_start3A_114 = arith.constant 0 : i32
        %dma_start3A_115 = tpu.memref_slice %arg5[%add3A_20, %dma_start3A_114] : memref<2560x128xi32, #tpu.memory_space<hbm>> -> memref<1x128xi32, #tpu.memory_space<hbm>>
        tpu.enqueue_dma source(%dma_start3A_115 : memref<1x128xi32, #tpu.memory_space<hbm>>) target(%arg10 : memref<1x128xi32, #tpu.memory_space<vmem>>) target_semaphore(%run_scoped3A : memref<!tpu.dma_semaphore, #tpu.memory_space<semaphore_mem>>)
        %dma_wait3A_116 = arith.constant 0 : i32
        %dma_wait3A_117 = tpu.memref_slice %arg5[%add3A_20, %dma_wait3A_116] : memref<2560x128xi32, #tpu.memory_space<hbm>> -> memref<1x128xi32, #tpu.memory_space<hbm>>
        %dma_wait3A_118 = arith.constant 0 : i32
        %dma_wait3A_119 = tpu.memref_slice %arg5[%add3A_20, %dma_wait3A_118] : memref<2560x128xi32, #tpu.memory_space<hbm>> -> memref<1x128xi32, #tpu.memory_space<hbm>>
        tpu.wait_dma2 semaphore(%run_scoped3A : memref<!tpu.dma_semaphore, #tpu.memory_space<semaphore_mem>>) src(%dma_wait3A_119 : memref<1x128xi32, #tpu.memory_space<hbm>>) dst(%arg10 : memref<1x128xi32, #tpu.memory_space<vmem>>)
        tpu.yield
      }) : () -> ()
      "tpu.region"() ({
        %run_scoped3A = tpu.sem_alloc : memref<!tpu.dma_semaphore, #tpu.memory_space<semaphore_mem>>
        %dma_start3A_112 = arith.constant 0 : i32
        %dma_start3A_113 = tpu.memref_slice %arg4[%add3A_22, %dma_start3A_112] : memref<2560x128xi32, #tpu.memory_space<hbm>> -> memref<1x128xi32, #tpu.memory_space<hbm>>
        %dma_start3A_114 = arith.constant 0 : i32
        %dma_start3A_115 = tpu.memref_slice %arg4[%add3A_22, %dma_start3A_114] : memref<2560x128xi32, #tpu.memory_space<hbm>> -> memref<1x128xi32, #tpu.memory_space<hbm>>
        tpu.enqueue_dma source(%dma_start3A_115 : memref<1x128xi32, #tpu.memory_space<hbm>>) target(%arg11 : memref<1x128xi32, #tpu.memory_space<vmem>>) target_semaphore(%run_scoped3A : memref<!tpu.dma_semaphore, #tpu.memory_space<semaphore_mem>>)
        %dma_wait3A_116 = arith.constant 0 : i32
        %dma_wait3A_117 = tpu.memref_slice %arg4[%add3A_22, %dma_wait3A_116] : memref<2560x128xi32, #tpu.memory_space<hbm>> -> memref<1x128xi32, #tpu.memory_space<hbm>>
        %dma_wait3A_118 = arith.constant 0 : i32
        %dma_wait3A_119 = tpu.memref_slice %arg4[%add3A_22, %dma_wait3A_118] : memref<2560x128xi32, #tpu.memory_space<hbm>> -> memref<1x128xi32, #tpu.memory_space<hbm>>
        tpu.wait_dma2 semaphore(%run_scoped3A : memref<!tpu.dma_semaphore, #tpu.memory_space<semaphore_mem>>) src(%dma_wait3A_119 : memref<1x128xi32, #tpu.memory_space<hbm>>) dst(%arg11 : memref<1x128xi32, #tpu.memory_space<vmem>>)
        tpu.yield
      }) : () -> ()
      "tpu.region"() ({
        %run_scoped3A = tpu.sem_alloc : memref<!tpu.dma_semaphore, #tpu.memory_space<semaphore_mem>>
        %dma_start3A_112 = arith.constant 0 : i32
        %dma_start3A_113 = tpu.memref_slice %arg5[%add3A_22, %dma_start3A_112] : memref<2560x128xi32, #tpu.memory_space<hbm>> -> memref<1x128xi32, #tpu.memory_space<hbm>>
        %dma_start3A_114 = arith.constant 0 : i32
        %dma_start3A_115 = tpu.memref_slice %arg5[%add3A_22, %dma_start3A_114] : memref<2560x128xi32, #tpu.memory_space<hbm>> -> memref<1x128xi32, #tpu.memory_space<hbm>>
        tpu.enqueue_dma source(%dma_start3A_115 : memref<1x128xi32, #tpu.memory_space<hbm>>) target(%arg12 : memref<1x128xi32, #tpu.memory_space<vmem>>) target_semaphore(%run_scoped3A : memref<!tpu.dma_semaphore, #tpu.memory_space<semaphore_mem>>)
        %dma_wait3A_116 = arith.constant 0 : i32
        %dma_wait3A_117 = tpu.memref_slice %arg5[%add3A_22, %dma_wait3A_116] : memref<2560x128xi32, #tpu.memory_space<hbm>> -> memref<1x128xi32, #tpu.memory_space<hbm>>
        %dma_wait3A_118 = arith.constant 0 : i32
        %dma_wait3A_119 = tpu.memref_slice %arg5[%add3A_22, %dma_wait3A_118] : memref<2560x128xi32, #tpu.memory_space<hbm>> -> memref<1x128xi32, #tpu.memory_space<hbm>>
        tpu.wait_dma2 semaphore(%run_scoped3A : memref<!tpu.dma_semaphore, #tpu.memory_space<semaphore_mem>>) src(%dma_wait3A_119 : memref<1x128xi32, #tpu.memory_space<hbm>>) dst(%arg12 : memref<1x128xi32, #tpu.memory_space<vmem>>)
        tpu.yield
      }) : () -> ()
      %dma_start3A = arith.constant 0 : i32
      %dma_start3A_23 = arith.constant 0 : i32
      %dma_start3A_24 = tpu.memref_slice %arg9[%dma_start3A, %dma_start3A_23] : memref<1x128xi32, #tpu.memory_space<vmem>> -> memref<1x128xi32, #tpu.memory_space<vmem>>
      %dma_start3A_25 = tpu.memref_squeeze %dma_start3A_24 : memref<1x128xi32, #tpu.memory_space<vmem>> -> memref<128xi32, #tpu.memory_space<vmem>>
      %dma_start3A_26 = arith.constant 0 : i32
      %dma_start3A_27 = arith.constant 0 : i32
      %dma_start3A_28 = tpu.memref_slice %arg6[%dma_start3A_26, %dma_start3A_27] : memref<53228x128xf32, #tpu.memory_space<hbm>> -> memref<53228x128xf32, #tpu.memory_space<hbm>>
      tpu.enqueue_indirect_dma source(%dma_start3A_28 : memref<53228x128xf32, #tpu.memory_space<hbm>>) target(%arg13 : memref<128x128xf32, #tpu.memory_space<vmem>>) offsets(%dma_start3A_25 : memref<128xi32, #tpu.memory_space<vmem>>) semaphore(%arg17 : memref<!tpu.dma_semaphore, #tpu.memory_space<semaphore_mem>>)
      %dma_start3A_29 = arith.constant 0 : i32
      %dma_start3A_30 = arith.constant 0 : i32
      %dma_start3A_31 = tpu.memref_slice %arg10[%dma_start3A_29, %dma_start3A_30] : memref<1x128xi32, #tpu.memory_space<vmem>> -> memref<1x128xi32, #tpu.memory_space<vmem>>
      %dma_start3A_32 = tpu.memref_squeeze %dma_start3A_31 : memref<1x128xi32, #tpu.memory_space<vmem>> -> memref<128xi32, #tpu.memory_space<vmem>>
      %dma_start3A_33 = arith.constant 0 : i32
      %dma_start3A_34 = arith.constant 0 : i32
      %dma_start3A_35 = tpu.memref_slice %arg6[%dma_start3A_33, %dma_start3A_34] : memref<53228x128xf32, #tpu.memory_space<hbm>> -> memref<53228x128xf32, #tpu.memory_space<hbm>>
      tpu.enqueue_indirect_dma source(%dma_start3A_35 : memref<53228x128xf32, #tpu.memory_space<hbm>>) target(%arg14 : memref<128x128xf32, #tpu.memory_space<vmem>>) offsets(%dma_start3A_32 : memref<128xi32, #tpu.memory_space<vmem>>) semaphore(%arg17 : memref<!tpu.dma_semaphore, #tpu.memory_space<semaphore_mem>>)
      %dma_start3A_36 = arith.constant 0 : i32
      %dma_start3A_37 = arith.constant 0 : i32
      %dma_start3A_38 = tpu.memref_slice %arg11[%dma_start3A_36, %dma_start3A_37] : memref<1x128xi32, #tpu.memory_space<vmem>> -> memref<1x128xi32, #tpu.memory_space<vmem>>
      %dma_start3A_39 = tpu.memref_squeeze %dma_start3A_38 : memref<1x128xi32, #tpu.memory_space<vmem>> -> memref<128xi32, #tpu.memory_space<vmem>>
      %dma_start3A_40 = arith.constant 0 : i32
      %dma_start3A_41 = arith.constant 0 : i32
      %dma_start3A_42 = tpu.memref_slice %arg6[%dma_start3A_40, %dma_start3A_41] : memref<53228x128xf32, #tpu.memory_space<hbm>> -> memref<53228x128xf32, #tpu.memory_space<hbm>>
      tpu.enqueue_indirect_dma source(%dma_start3A_42 : memref<53228x128xf32, #tpu.memory_space<hbm>>) target(%arg15 : memref<128x128xf32, #tpu.memory_space<vmem>>) offsets(%dma_start3A_39 : memref<128xi32, #tpu.memory_space<vmem>>) semaphore(%arg18 : memref<!tpu.dma_semaphore, #tpu.memory_space<semaphore_mem>>)
      %dma_start3A_43 = arith.constant 0 : i32
      %dma_start3A_44 = arith.constant 0 : i32
      %dma_start3A_45 = tpu.memref_slice %arg12[%dma_start3A_43, %dma_start3A_44] : memref<1x128xi32, #tpu.memory_space<vmem>> -> memref<1x128xi32, #tpu.memory_space<vmem>>
      %dma_start3A_46 = tpu.memref_squeeze %dma_start3A_45 : memref<1x128xi32, #tpu.memory_space<vmem>> -> memref<128xi32, #tpu.memory_space<vmem>>
      %dma_start3A_47 = arith.constant 0 : i32
      %dma_start3A_48 = arith.constant 0 : i32
      %dma_start3A_49 = tpu.memref_slice %arg6[%dma_start3A_47, %dma_start3A_48] : memref<53228x128xf32, #tpu.memory_space<hbm>> -> memref<53228x128xf32, #tpu.memory_space<hbm>>
      tpu.enqueue_indirect_dma source(%dma_start3A_49 : memref<53228x128xf32, #tpu.memory_space<hbm>>) target(%arg16 : memref<128x128xf32, #tpu.memory_space<vmem>>) offsets(%dma_start3A_46 : memref<128xi32, #tpu.memory_space<vmem>>) semaphore(%arg18 : memref<!tpu.dma_semaphore, #tpu.memory_space<semaphore_mem>>)
      %dma_wait3A = arith.constant 0 : i32
      %dma_wait3A_50 = arith.constant 0 : i32
      %dma_wait3A_51 = tpu.memref_slice %arg9[%dma_wait3A, %dma_wait3A_50] : memref<1x128xi32, #tpu.memory_space<vmem>> -> memref<1x128xi32, #tpu.memory_space<vmem>>
      %dma_wait3A_52 = tpu.memref_squeeze %dma_wait3A_51 : memref<1x128xi32, #tpu.memory_space<vmem>> -> memref<128xi32, #tpu.memory_space<vmem>>
      %dma_wait3A_53 = arith.constant 0 : i32
      %dma_wait3A_54 = arith.constant 0 : i32
      %dma_wait3A_55 = tpu.memref_slice %arg6[%dma_wait3A_53, %dma_wait3A_54] : memref<53228x128xf32, #tpu.memory_space<hbm>> -> memref<53228x128xf32, #tpu.memory_space<hbm>>
      tpu.wait_indirect_dma semaphore(%arg17 : memref<!tpu.dma_semaphore, #tpu.memory_space<semaphore_mem>>) src(%dma_wait3A_55 : memref<53228x128xf32, #tpu.memory_space<hbm>>) dst(%arg13 : memref<128x128xf32, #tpu.memory_space<vmem>>)
      %dma_wait3A_56 = arith.constant 0 : i32
      %dma_wait3A_57 = arith.constant 0 : i32
      %dma_wait3A_58 = tpu.memref_slice %arg10[%dma_wait3A_56, %dma_wait3A_57] : memref<1x128xi32, #tpu.memory_space<vmem>> -> memref<1x128xi32, #tpu.memory_space<vmem>>
      %dma_wait3A_59 = tpu.memref_squeeze %dma_wait3A_58 : memref<1x128xi32, #tpu.memory_space<vmem>> -> memref<128xi32, #tpu.memory_space<vmem>>
      %dma_wait3A_60 = arith.constant 0 : i32
      %dma_wait3A_61 = arith.constant 0 : i32
      %dma_wait3A_62 = tpu.memref_slice %arg6[%dma_wait3A_60, %dma_wait3A_61] : memref<53228x128xf32, #tpu.memory_space<hbm>> -> memref<53228x128xf32, #tpu.memory_space<hbm>>
      tpu.wait_indirect_dma semaphore(%arg17 : memref<!tpu.dma_semaphore, #tpu.memory_space<semaphore_mem>>) src(%dma_wait3A_62 : memref<53228x128xf32, #tpu.memory_space<hbm>>) dst(%arg14 : memref<128x128xf32, #tpu.memory_space<vmem>>)
      %scan3A_63 = arith.constant 0 : i32
      %scan3A_64 = arith.constant 0 : i32
      %scan3A_65 = arith.constant 128 : i32
      %scan3A_66 = arith.addi %scan3A_64, %scan3A_65 : i32
      %scan3A_67 = arith.constant 1 : i32
      %scan3A_68 = scf.for %scan3A_112 = %scan3A_64 to %scan3A_66 step %scan3A_67 iter_args(%scan3A_113 = %scan3A_63) -> (i32)  : i32 {
        %get3A = arith.index_cast %scan3A_112 : i32 to index
        %get3A_114 = arith.constant 0 : index
        %get3A_115 = tpu.vector_load %arg13[%get3A, %get3A_114] {strides = array<i32>} : memref<128x128xf32, #tpu.memory_space<vmem>>, vector<1x16xf32>,
        %get3A_116 = vector.shape_cast %get3A_115 : vector<1x16xf32> to vector<16xf32>
        %get3A_117 = arith.index_cast %scan3A_112 : i32 to index
        %get3A_118 = arith.constant 0 : index
        %get3A_119 = tpu.vector_load %arg14[%get3A_117, %get3A_118] {strides = array<i32>} : memref<128x128xf32, #tpu.memory_space<vmem>>, vector<1x16xf32>,
        %get3A_120 = vector.shape_cast %get3A_119 : vector<1x16xf32> to vector<16xf32>
        %add3A_121 = arith.addf %get3A_116, %get3A_120 : vector<16xf32>
        %mul3A_122 = arith.constant 5.000000e-01 : f32
        %mul3A_123 = vector.broadcast %mul3A_122 : f32 to vector<16xf32>
        %mul3A_124 = arith.mulf %add3A_121, %mul3A_123 : vector<16xf32>
        %swap3A = arith.index_cast %scan3A_112 : i32 to index
        %swap3A_125 = arith.constant 0 : index
        %swap3A_126 = tpu.vector_load %arg13[%swap3A, %swap3A_125] {strides = array<i32>} : memref<128x128xf32, #tpu.memory_space<vmem>>, vector<1x16xf32>,
        %swap3A_127 = vector.shape_cast %swap3A_126 : vector<1x16xf32> to vector<16xf32>
        %swap3A_128 = vector.shape_cast %mul3A_124 : vector<16xf32> to vector<1x16xf32>
        tpu.vector_store %arg13[%swap3A, %swap3A_125], %swap3A_128 {strides = array<i32>} : memref<128x128xf32, #tpu.memory_space<vmem>>, vector<1x16xf32>,
        %get3A_129 = arith.index_cast %scan3A_112 : i32 to index
        %get3A_130 = arith.constant 16 : index
        %get3A_131 = tpu.vector_load %arg13[%get3A_129, %get3A_130] {strides = array<i32>} : memref<128x128xf32, #tpu.memory_space<vmem>>, vector<1x16xf32>,
        %get3A_132 = vector.shape_cast %get3A_131 : vector<1x16xf32> to vector<16xf32>
        %get3A_133 = arith.index_cast %scan3A_112 : i32 to index
        %get3A_134 = arith.constant 16 : index
        %get3A_135 = tpu.vector_load %arg14[%get3A_133, %get3A_134] {strides = array<i32>} : memref<128x128xf32, #tpu.memory_space<vmem>>, vector<1x16xf32>,
        %get3A_136 = vector.shape_cast %get3A_135 : vector<1x16xf32> to vector<16xf32>
        %add3A_137 = arith.addf %get3A_132, %get3A_136 : vector<16xf32>
        %mul3A_138 = arith.constant 5.000000e-01 : f32
        %mul3A_139 = vector.broadcast %mul3A_138 : f32 to vector<16xf32>
        %mul3A_140 = arith.mulf %add3A_137, %mul3A_139 : vector<16xf32>
        %swap3A_141 = arith.index_cast %scan3A_112 : i32 to index
        %swap3A_142 = arith.constant 16 : index
        %swap3A_143 = tpu.vector_load %arg13[%swap3A_141, %swap3A_142] {strides = array<i32>} : memref<128x128xf32, #tpu.memory_space<vmem>>, vector<1x16xf32>,
        %swap3A_144 = vector.shape_cast %swap3A_143 : vector<1x16xf32> to vector<16xf32>
        %swap3A_145 = vector.shape_cast %mul3A_140 : vector<16xf32> to vector<1x16xf32>
        tpu.vector_store %arg13[%swap3A_141, %swap3A_142], %swap3A_145 {strides = array<i32>} : memref<128x128xf32, #tpu.memory_space<vmem>>, vector<1x16xf32>,
        %get3A_146 = arith.index_cast %scan3A_112 : i32 to index
        %get3A_147 = arith.constant 32 : index
        %get3A_148 = tpu.vector_load %arg13[%get3A_146, %get3A_147] {strides = array<i32>} : memref<128x128xf32, #tpu.memory_space<vmem>>, vector<1x16xf32>,
        %get3A_149 = vector.shape_cast %get3A_148 : vector<1x16xf32> to vector<16xf32>
        %get3A_150 = arith.index_cast %scan3A_112 : i32 to index
        %get3A_151 = arith.constant 32 : index
        %get3A_152 = tpu.vector_load %arg14[%get3A_150, %get3A_151] {strides = array<i32>} : memref<128x128xf32, #tpu.memory_space<vmem>>, vector<1x16xf32>,
        %get3A_153 = vector.shape_cast %get3A_152 : vector<1x16xf32> to vector<16xf32>
        %add3A_154 = arith.addf %get3A_149, %get3A_153 : vector<16xf32>
        %mul3A_155 = arith.constant 5.000000e-01 : f32
        %mul3A_156 = vector.broadcast %mul3A_155 : f32 to vector<16xf32>
        %mul3A_157 = arith.mulf %add3A_154, %mul3A_156 : vector<16xf32>
        %swap3A_158 = arith.index_cast %scan3A_112 : i32 to index
        %swap3A_159 = arith.constant 32 : index
        %swap3A_160 = tpu.vector_load %arg13[%swap3A_158, %swap3A_159] {strides = array<i32>} : memref<128x128xf32, #tpu.memory_space<vmem>>, vector<1x16xf32>,
        %swap3A_161 = vector.shape_cast %swap3A_160 : vector<1x16xf32> to vector<16xf32>
        %swap3A_162 = vector.shape_cast %mul3A_157 : vector<16xf32> to vector<1x16xf32>
        tpu.vector_store %arg13[%swap3A_158, %swap3A_159], %swap3A_162 {strides = array<i32>} : memref<128x128xf32, #tpu.memory_space<vmem>>, vector<1x16xf32>,
        %get3A_163 = arith.index_cast %scan3A_112 : i32 to index
        %get3A_164 = arith.constant 48 : index
        %get3A_165 = tpu.vector_load %arg13[%get3A_163, %get3A_164] {strides = array<i32>} : memref<128x128xf32, #tpu.memory_space<vmem>>, vector<1x16xf32>,
        %get3A_166 = vector.shape_cast %get3A_165 : vector<1x16xf32> to vector<16xf32>
        %get3A_167 = arith.index_cast %scan3A_112 : i32 to index
        %get3A_168 = arith.constant 48 : index
        %get3A_169 = tpu.vector_load %arg14[%get3A_167, %get3A_168] {strides = array<i32>} : memref<128x128xf32, #tpu.memory_space<vmem>>, vector<1x16xf32>,
        %get3A_170 = vector.shape_cast %get3A_169 : vector<1x16xf32> to vector<16xf32>
        %add3A_171 = arith.addf %get3A_166, %get3A_170 : vector<16xf32>
        %mul3A_172 = arith.constant 5.000000e-01 : f32
        %mul3A_173 = vector.broadcast %mul3A_172 : f32 to vector<16xf32>
        %mul3A_174 = arith.mulf %add3A_171, %mul3A_173 : vector<16xf32>
        %swap3A_175 = arith.index_cast %scan3A_112 : i32 to index
        %swap3A_176 = arith.constant 48 : index
        %swap3A_177 = tpu.vector_load %arg13[%swap3A_175, %swap3A_176] {strides = array<i32>} : memref<128x128xf32, #tpu.memory_space<vmem>>, vector<1x16xf32>,
        %swap3A_178 = vector.shape_cast %swap3A_177 : vector<1x16xf32> to vector<16xf32>
        %swap3A_179 = vector.shape_cast %mul3A_174 : vector<16xf32> to vector<1x16xf32>
        tpu.vector_store %arg13[%swap3A_175, %swap3A_176], %swap3A_179 {strides = array<i32>} : memref<128x128xf32, #tpu.memory_space<vmem>>, vector<1x16xf32>,
        %get3A_180 = arith.index_cast %scan3A_112 : i32 to index
        %get3A_181 = arith.constant 64 : index
        %get3A_182 = tpu.vector_load %arg13[%get3A_180, %get3A_181] {strides = array<i32>} : memref<128x128xf32, #tpu.memory_space<vmem>>, vector<1x16xf32>,
        %get3A_183 = vector.shape_cast %get3A_182 : vector<1x16xf32> to vector<16xf32>
        %get3A_184 = arith.index_cast %scan3A_112 : i32 to index
        %get3A_185 = arith.constant 64 : index
        %get3A_186 = tpu.vector_load %arg14[%get3A_184, %get3A_185] {strides = array<i32>} : memref<128x128xf32, #tpu.memory_space<vmem>>, vector<1x16xf32>,
        %get3A_187 = vector.shape_cast %get3A_186 : vector<1x16xf32> to vector<16xf32>
        %add3A_188 = arith.addf %get3A_183, %get3A_187 : vector<16xf32>
        %mul3A_189 = arith.constant 5.000000e-01 : f32
        %mul3A_190 = vector.broadcast %mul3A_189 : f32 to vector<16xf32>
        %mul3A_191 = arith.mulf %add3A_188, %mul3A_190 : vector<16xf32>
        %swap3A_192 = arith.index_cast %scan3A_112 : i32 to index
        %swap3A_193 = arith.constant 64 : index
        %swap3A_194 = tpu.vector_load %arg13[%swap3A_192, %swap3A_193] {strides = array<i32>} : memref<128x128xf32, #tpu.memory_space<vmem>>, vector<1x16xf32>,
        %swap3A_195 = vector.shape_cast %swap3A_194 : vector<1x16xf32> to vector<16xf32>
        %swap3A_196 = vector.shape_cast %mul3A_191 : vector<16xf32> to vector<1x16xf32>
        tpu.vector_store %arg13[%swap3A_192, %swap3A_193], %swap3A_196 {strides = array<i32>} : memref<128x128xf32, #tpu.memory_space<vmem>>, vector<1x16xf32>,
        %get3A_197 = arith.index_cast %scan3A_112 : i32 to index
        %get3A_198 = arith.constant 80 : index
        %get3A_199 = tpu.vector_load %arg13[%get3A_197, %get3A_198] {strides = array<i32>} : memref<128x128xf32, #tpu.memory_space<vmem>>, vector<1x16xf32>,
        %get3A_200 = vector.shape_cast %get3A_199 : vector<1x16xf32> to vector<16xf32>
        %get3A_201 = arith.index_cast %scan3A_112 : i32 to index
        %get3A_202 = arith.constant 80 : index
        %get3A_203 = tpu.vector_load %arg14[%get3A_201, %get3A_202] {strides = array<i32>} : memref<128x128xf32, #tpu.memory_space<vmem>>, vector<1x16xf32>,
        %get3A_204 = vector.shape_cast %get3A_203 : vector<1x16xf32> to vector<16xf32>
        %add3A_205 = arith.addf %get3A_200, %get3A_204 : vector<16xf32>
        %mul3A_206 = arith.constant 5.000000e-01 : f32
        %mul3A_207 = vector.broadcast %mul3A_206 : f32 to vector<16xf32>
        %mul3A_208 = arith.mulf %add3A_205, %mul3A_207 : vector<16xf32>
        %swap3A_209 = arith.index_cast %scan3A_112 : i32 to index
        %swap3A_210 = arith.constant 80 : index
        %swap3A_211 = tpu.vector_load %arg13[%swap3A_209, %swap3A_210] {strides = array<i32>} : memref<128x128xf32, #tpu.memory_space<vmem>>, vector<1x16xf32>,
        %swap3A_212 = vector.shape_cast %swap3A_211 : vector<1x16xf32> to vector<16xf32>
        %swap3A_213 = vector.shape_cast %mul3A_208 : vector<16xf32> to vector<1x16xf32>
        tpu.vector_store %arg13[%swap3A_209, %swap3A_210], %swap3A_213 {strides = array<i32>} : memref<128x128xf32, #tpu.memory_space<vmem>>, vector<1x16xf32>,
        %get3A_214 = arith.index_cast %scan3A_112 : i32 to index
        %get3A_215 = arith.constant 96 : index
        %get3A_216 = tpu.vector_load %arg13[%get3A_214, %get3A_215] {strides = array<i32>} : memref<128x128xf32, #tpu.memory_space<vmem>>, vector<1x16xf32>,
        %get3A_217 = vector.shape_cast %get3A_216 : vector<1x16xf32> to vector<16xf32>
        %get3A_218 = arith.index_cast %scan3A_112 : i32 to index
        %get3A_219 = arith.constant 96 : index
        %get3A_220 = tpu.vector_load %arg14[%get3A_218, %get3A_219] {strides = array<i32>} : memref<128x128xf32, #tpu.memory_space<vmem>>, vector<1x16xf32>,
        %get3A_221 = vector.shape_cast %get3A_220 : vector<1x16xf32> to vector<16xf32>
        %add3A_222 = arith.addf %get3A_217, %get3A_221 : vector<16xf32>
        %mul3A_223 = arith.constant 5.000000e-01 : f32
        %mul3A_224 = vector.broadcast %mul3A_223 : f32 to vector<16xf32>
        %mul3A_225 = arith.mulf %add3A_222, %mul3A_224 : vector<16xf32>
        %swap3A_226 = arith.index_cast %scan3A_112 : i32 to index
        %swap3A_227 = arith.constant 96 : index
        %swap3A_228 = tpu.vector_load %arg13[%swap3A_226, %swap3A_227] {strides = array<i32>} : memref<128x128xf32, #tpu.memory_space<vmem>>, vector<1x16xf32>,
        %swap3A_229 = vector.shape_cast %swap3A_228 : vector<1x16xf32> to vector<16xf32>
        %swap3A_230 = vector.shape_cast %mul3A_225 : vector<16xf32> to vector<1x16xf32>
        tpu.vector_store %arg13[%swap3A_226, %swap3A_227], %swap3A_230 {strides = array<i32>} : memref<128x128xf32, #tpu.memory_space<vmem>>, vector<1x16xf32>,
        %get3A_231 = arith.index_cast %scan3A_112 : i32 to index
        %get3A_232 = arith.constant 112 : index
        %get3A_233 = tpu.vector_load %arg13[%get3A_231, %get3A_232] {strides = array<i32>} : memref<128x128xf32, #tpu.memory_space<vmem>>, vector<1x16xf32>,
        %get3A_234 = vector.shape_cast %get3A_233 : vector<1x16xf32> to vector<16xf32>
        %get3A_235 = arith.index_cast %scan3A_112 : i32 to index
        %get3A_236 = arith.constant 112 : index
        %get3A_237 = tpu.vector_load %arg14[%get3A_235, %get3A_236] {strides = array<i32>} : memref<128x128xf32, #tpu.memory_space<vmem>>, vector<1x16xf32>,
        %get3A_238 = vector.shape_cast %get3A_237 : vector<1x16xf32> to vector<16xf32>
        %add3A_239 = arith.addf %get3A_234, %get3A_238 : vector<16xf32>
        %mul3A_240 = arith.constant 5.000000e-01 : f32
        %mul3A_241 = vector.broadcast %mul3A_240 : f32 to vector<16xf32>
        %mul3A_242 = arith.mulf %add3A_239, %mul3A_241 : vector<16xf32>
        %swap3A_243 = arith.index_cast %scan3A_112 : i32 to index
        %swap3A_244 = arith.constant 112 : index
        %swap3A_245 = tpu.vector_load %arg13[%swap3A_243, %swap3A_244] {strides = array<i32>} : memref<128x128xf32, #tpu.memory_space<vmem>>, vector<1x16xf32>,
        %swap3A_246 = vector.shape_cast %swap3A_245 : vector<1x16xf32> to vector<16xf32>
        %swap3A_247 = vector.shape_cast %mul3A_242 : vector<16xf32> to vector<1x16xf32>
        tpu.vector_store %arg13[%swap3A_243, %swap3A_244], %swap3A_247 {strides = array<i32>} : memref<128x128xf32, #tpu.memory_space<vmem>>, vector<1x16xf32>,
        %scan3A_248 = arith.constant 0 : i32
        scf.yield %scan3A_248 : i32
      }
      %scan3A_69 = arith.constant 128 : i32
      %mul3A_70 = arith.constant 128 : i32
      %mul3A_71 = arith.muli %add3A_20, %mul3A_70 : i32
      %dma_start3A_72 = arith.constant 0 : i32
      %dma_start3A_73 = tpu.memref_slice %arg8[%mul3A_71, %dma_start3A_72] : memref<327680x128xf32, #tpu.memory_space<hbm>> -> memref<128x128xf32, #tpu.memory_space<hbm>>
      %dma_start3A_74 = arith.constant 0 : i32
      %dma_start3A_75 = tpu.memref_slice %arg8[%mul3A_71, %dma_start3A_74] : memref<327680x128xf32, #tpu.memory_space<hbm>> -> memref<128x128xf32, #tpu.memory_space<hbm>>
      tpu.enqueue_dma source(%arg13 : memref<128x128xf32, #tpu.memory_space<vmem>>) target(%dma_start3A_75 : memref<128x128xf32, #tpu.memory_space<hbm>>) target_semaphore(%arg19 : memref<!tpu.dma_semaphore, #tpu.memory_space<semaphore_mem>>)
      %dma_wait3A_76 = arith.constant 0 : i32
      %dma_wait3A_77 = arith.constant 0 : i32
      %dma_wait3A_78 = tpu.memref_slice %arg11[%dma_wait3A_76, %dma_wait3A_77] : memref<1x128xi32, #tpu.memory_space<vmem>> -> memref<1x128xi32, #tpu.memory_space<vmem>>
      %dma_wait3A_79 = tpu.memref_squeeze %dma_wait3A_78 : memref<1x128xi32, #tpu.memory_space<vmem>> -> memref<128xi32, #tpu.memory_space<vmem>>
      %dma_wait3A_80 = arith.constant 0 : i32
      %dma_wait3A_81 = arith.constant 0 : i32
      %dma_wait3A_82 = tpu.memref_slice %arg6[%dma_wait3A_80, %dma_wait3A_81] : memref<53228x128xf32, #tpu.memory_space<hbm>> -> memref<53228x128xf32, #tpu.memory_space<hbm>>
      tpu.wait_indirect_dma semaphore(%arg18 : memref<!tpu.dma_semaphore, #tpu.memory_space<semaphore_mem>>) src(%dma_wait3A_82 : memref<53228x128xf32, #tpu.memory_space<hbm>>) dst(%arg15 : memref<128x128xf32, #tpu.memory_space<vmem>>)
      %dma_wait3A_83 = arith.constant 0 : i32
      %dma_wait3A_84 = arith.constant 0 : i32
      %dma_wait3A_85 = tpu.memref_slice %arg12[%dma_wait3A_83, %dma_wait3A_84] : memref<1x128xi32, #tpu.memory_space<vmem>> -> memref<1x128xi32, #tpu.memory_space<vmem>>
      %dma_wait3A_86 = tpu.memref_squeeze %dma_wait3A_85 : memref<1x128xi32, #tpu.memory_space<vmem>> -> memref<128xi32, #tpu.memory_space<vmem>>
      %dma_wait3A_87 = arith.constant 0 : i32
      %dma_wait3A_88 = arith.constant 0 : i32
      %dma_wait3A_89 = tpu.memref_slice %arg6[%dma_wait3A_87, %dma_wait3A_88] : memref<53228x128xf32, #tpu.memory_space<hbm>> -> memref<53228x128xf32, #tpu.memory_space<hbm>>
      tpu.wait_indirect_dma semaphore(%arg18 : memref<!tpu.dma_semaphore, #tpu.memory_space<semaphore_mem>>) src(%dma_wait3A_89 : memref<53228x128xf32, #tpu.memory_space<hbm>>) dst(%arg16 : memref<128x128xf32, #tpu.memory_space<vmem>>)
      %scan3A_90 = arith.constant 0 : i32
      %scan3A_91 = arith.constant 0 : i32
      %scan3A_92 = arith.constant 128 : i32
      %scan3A_93 = arith.addi %scan3A_91, %scan3A_92 : i32
      %scan3A_94 = arith.constant 1 : i32
      %scan3A_95 = scf.for %scan3A_112 = %scan3A_91 to %scan3A_93 step %scan3A_94 iter_args(%scan3A_113 = %scan3A_90) -> (i32)  : i32 {
        %get3A = arith.index_cast %scan3A_112 : i32 to index
        %get3A_114 = arith.constant 0 : index
        %get3A_115 = tpu.vector_load %arg15[%get3A, %get3A_114] {strides = array<i32>} : memref<128x128xf32, #tpu.memory_space<vmem>>, vector<1x16xf32>,
        %get3A_116 = vector.shape_cast %get3A_115 : vector<1x16xf32> to vector<16xf32>
        %get3A_117 = arith.index_cast %scan3A_112 : i32 to index
        %get3A_118 = arith.constant 0 : index
        %get3A_119 = tpu.vector_load %arg16[%get3A_117, %get3A_118] {strides = array<i32>} : memref<128x128xf32, #tpu.memory_space<vmem>>, vector<1x16xf32>,
        %get3A_120 = vector.shape_cast %get3A_119 : vector<1x16xf32> to vector<16xf32>
        %add3A_121 = arith.addf %get3A_116, %get3A_120 : vector<16xf32>
        %mul3A_122 = arith.constant 5.000000e-01 : f32
        %mul3A_123 = vector.broadcast %mul3A_122 : f32 to vector<16xf32>
        %mul3A_124 = arith.mulf %add3A_121, %mul3A_123 : vector<16xf32>
        %swap3A = arith.index_cast %scan3A_112 : i32 to index
        %swap3A_125 = arith.constant 0 : index
        %swap3A_126 = tpu.vector_load %arg15[%swap3A, %swap3A_125] {strides = array<i32>} : memref<128x128xf32, #tpu.memory_space<vmem>>, vector<1x16xf32>,
        %swap3A_127 = vector.shape_cast %swap3A_126 : vector<1x16xf32> to vector<16xf32>
        %swap3A_128 = vector.shape_cast %mul3A_124 : vector<16xf32> to vector<1x16xf32>
        tpu.vector_store %arg15[%swap3A, %swap3A_125], %swap3A_128 {strides = array<i32>} : memref<128x128xf32, #tpu.memory_space<vmem>>, vector<1x16xf32>,
        %get3A_129 = arith.index_cast %scan3A_112 : i32 to index
        %get3A_130 = arith.constant 16 : index
        %get3A_131 = tpu.vector_load %arg15[%get3A_129, %get3A_130] {strides = array<i32>} : memref<128x128xf32, #tpu.memory_space<vmem>>, vector<1x16xf32>,
        %get3A_132 = vector.shape_cast %get3A_131 : vector<1x16xf32> to vector<16xf32>
        %get3A_133 = arith.index_cast %scan3A_112 : i32 to index
        %get3A_134 = arith.constant 16 : index
        %get3A_135 = tpu.vector_load %arg16[%get3A_133, %get3A_134] {strides = array<i32>} : memref<128x128xf32, #tpu.memory_space<vmem>>, vector<1x16xf32>,
        %get3A_136 = vector.shape_cast %get3A_135 : vector<1x16xf32> to vector<16xf32>
        %add3A_137 = arith.addf %get3A_132, %get3A_136 : vector<16xf32>
        %mul3A_138 = arith.constant 5.000000e-01 : f32
        %mul3A_139 = vector.broadcast %mul3A_138 : f32 to vector<16xf32>
        %mul3A_140 = arith.mulf %add3A_137, %mul3A_139 : vector<16xf32>
        %swap3A_141 = arith.index_cast %scan3A_112 : i32 to index
        %swap3A_142 = arith.constant 16 : index
        %swap3A_143 = tpu.vector_load %arg15[%swap3A_141, %swap3A_142] {strides = array<i32>} : memref<128x128xf32, #tpu.memory_space<vmem>>, vector<1x16xf32>,
        %swap3A_144 = vector.shape_cast %swap3A_143 : vector<1x16xf32> to vector<16xf32>
        %swap3A_145 = vector.shape_cast %mul3A_140 : vector<16xf32> to vector<1x16xf32>
        tpu.vector_store %arg15[%swap3A_141, %swap3A_142], %swap3A_145 {strides = array<i32>} : memref<128x128xf32, #tpu.memory_space<vmem>>, vector<1x16xf32>,
        %get3A_146 = arith.index_cast %scan3A_112 : i32 to index
        %get3A_147 = arith.constant 32 : index
        %get3A_148 = tpu.vector_load %arg15[%get3A_146, %get3A_147] {strides = array<i32>} : memref<128x128xf32, #tpu.memory_space<vmem>>, vector<1x16xf32>,
        %get3A_149 = vector.shape_cast %get3A_148 : vector<1x16xf32> to vector<16xf32>
        %get3A_150 = arith.index_cast %scan3A_112 : i32 to index
        %get3A_151 = arith.constant 32 : index
        %get3A_152 = tpu.vector_load %arg16[%get3A_150, %get3A_151] {strides = array<i32>} : memref<128x128xf32, #tpu.memory_space<vmem>>, vector<1x16xf32>,
        %get3A_153 = vector.shape_cast %get3A_152 : vector<1x16xf32> to vector<16xf32>
        %add3A_154 = arith.addf %get3A_149, %get3A_153 : vector<16xf32>
        %mul3A_155 = arith.constant 5.000000e-01 : f32
        %mul3A_156 = vector.broadcast %mul3A_155 : f32 to vector<16xf32>
        %mul3A_157 = arith.mulf %add3A_154, %mul3A_156 : vector<16xf32>
        %swap3A_158 = arith.index_cast %scan3A_112 : i32 to index
        %swap3A_159 = arith.constant 32 : index
        %swap3A_160 = tpu.vector_load %arg15[%swap3A_158, %swap3A_159] {strides = array<i32>} : memref<128x128xf32, #tpu.memory_space<vmem>>, vector<1x16xf32>,
        %swap3A_161 = vector.shape_cast %swap3A_160 : vector<1x16xf32> to vector<16xf32>
        %swap3A_162 = vector.shape_cast %mul3A_157 : vector<16xf32> to vector<1x16xf32>
        tpu.vector_store %arg15[%swap3A_158, %swap3A_159], %swap3A_162 {strides = array<i32>} : memref<128x128xf32, #tpu.memory_space<vmem>>, vector<1x16xf32>,
        %get3A_163 = arith.index_cast %scan3A_112 : i32 to index
        %get3A_164 = arith.constant 48 : index
        %get3A_165 = tpu.vector_load %arg15[%get3A_163, %get3A_164] {strides = array<i32>} : memref<128x128xf32, #tpu.memory_space<vmem>>, vector<1x16xf32>,
        %get3A_166 = vector.shape_cast %get3A_165 : vector<1x16xf32> to vector<16xf32>
        %get3A_167 = arith.index_cast %scan3A_112 : i32 to index
        %get3A_168 = arith.constant 48 : index
        %get3A_169 = tpu.vector_load %arg16[%get3A_167, %get3A_168] {strides = array<i32>} : memref<128x128xf32, #tpu.memory_space<vmem>>, vector<1x16xf32>,
        %get3A_170 = vector.shape_cast %get3A_169 : vector<1x16xf32> to vector<16xf32>
        %add3A_171 = arith.addf %get3A_166, %get3A_170 : vector<16xf32>
        %mul3A_172 = arith.constant 5.000000e-01 : f32
        %mul3A_173 = vector.broadcast %mul3A_172 : f32 to vector<16xf32>
        %mul3A_174 = arith.mulf %add3A_171, %mul3A_173 : vector<16xf32>
        %swap3A_175 = arith.index_cast %scan3A_112 : i32 to index
        %swap3A_176 = arith.constant 48 : index
        %swap3A_177 = tpu.vector_load %arg15[%swap3A_175, %swap3A_176] {strides = array<i32>} : memref<128x128xf32, #tpu.memory_space<vmem>>, vector<1x16xf32>,
        %swap3A_178 = vector.shape_cast %swap3A_177 : vector<1x16xf32> to vector<16xf32>
        %swap3A_179 = vector.shape_cast %mul3A_174 : vector<16xf32> to vector<1x16xf32>
        tpu.vector_store %arg15[%swap3A_175, %swap3A_176], %swap3A_179 {strides = array<i32>} : memref<128x128xf32, #tpu.memory_space<vmem>>, vector<1x16xf32>,
        %get3A_180 = arith.index_cast %scan3A_112 : i32 to index
        %get3A_181 = arith.constant 64 : index
        %get3A_182 = tpu.vector_load %arg15[%get3A_180, %get3A_181] {strides = array<i32>} : memref<128x128xf32, #tpu.memory_space<vmem>>, vector<1x16xf32>,
        %get3A_183 = vector.shape_cast %get3A_182 : vector<1x16xf32> to vector<16xf32>
        %get3A_184 = arith.index_cast %scan3A_112 : i32 to index
        %get3A_185 = arith.constant 64 : index
        %get3A_186 = tpu.vector_load %arg16[%get3A_184, %get3A_185] {strides = array<i32>} : memref<128x128xf32, #tpu.memory_space<vmem>>, vector<1x16xf32>,
        %get3A_187 = vector.shape_cast %get3A_186 : vector<1x16xf32> to vector<16xf32>
        %add3A_188 = arith.addf %get3A_183, %get3A_187 : vector<16xf32>
        %mul3A_189 = arith.constant 5.000000e-01 : f32
        %mul3A_190 = vector.broadcast %mul3A_189 : f32 to vector<16xf32>
        %mul3A_191 = arith.mulf %add3A_188, %mul3A_190 : vector<16xf32>
        %swap3A_192 = arith.index_cast %scan3A_112 : i32 to index
        %swap3A_193 = arith.constant 64 : index
        %swap3A_194 = tpu.vector_load %arg15[%swap3A_192, %swap3A_193] {strides = array<i32>} : memref<128x128xf32, #tpu.memory_space<vmem>>, vector<1x16xf32>,
        %swap3A_195 = vector.shape_cast %swap3A_194 : vector<1x16xf32> to vector<16xf32>
        %swap3A_196 = vector.shape_cast %mul3A_191 : vector<16xf32> to vector<1x16xf32>
        tpu.vector_store %arg15[%swap3A_192, %swap3A_193], %swap3A_196 {strides = array<i32>} : memref<128x128xf32, #tpu.memory_space<vmem>>, vector<1x16xf32>,
        %get3A_197 = arith.index_cast %scan3A_112 : i32 to index
        %get3A_198 = arith.constant 80 : index
        %get3A_199 = tpu.vector_load %arg15[%get3A_197, %get3A_198] {strides = array<i32>} : memref<128x128xf32, #tpu.memory_space<vmem>>, vector<1x16xf32>,
        %get3A_200 = vector.shape_cast %get3A_199 : vector<1x16xf32> to vector<16xf32>
        %get3A_201 = arith.index_cast %scan3A_112 : i32 to index
        %get3A_202 = arith.constant 80 : index
        %get3A_203 = tpu.vector_load %arg16[%get3A_201, %get3A_202] {strides = array<i32>} : memref<128x128xf32, #tpu.memory_space<vmem>>, vector<1x16xf32>,
        %get3A_204 = vector.shape_cast %get3A_203 : vector<1x16xf32> to vector<16xf32>
        %add3A_205 = arith.addf %get3A_200, %get3A_204 : vector<16xf32>
        %mul3A_206 = arith.constant 5.000000e-01 : f32
        %mul3A_207 = vector.broadcast %mul3A_206 : f32 to vector<16xf32>
        %mul3A_208 = arith.mulf %add3A_205, %mul3A_207 : vector<16xf32>
        %swap3A_209 = arith.index_cast %scan3A_112 : i32 to index
        %swap3A_210 = arith.constant 80 : index
        %swap3A_211 = tpu.vector_load %arg15[%swap3A_209, %swap3A_210] {strides = array<i32>} : memref<128x128xf32, #tpu.memory_space<vmem>>, vector<1x16xf32>,
        %swap3A_212 = vector.shape_cast %swap3A_211 : vector<1x16xf32> to vector<16xf32>
        %swap3A_213 = vector.shape_cast %mul3A_208 : vector<16xf32> to vector<1x16xf32>
        tpu.vector_store %arg15[%swap3A_209, %swap3A_210], %swap3A_213 {strides = array<i32>} : memref<128x128xf32, #tpu.memory_space<vmem>>, vector<1x16xf32>,
        %get3A_214 = arith.index_cast %scan3A_112 : i32 to index
        %get3A_215 = arith.constant 96 : index
        %get3A_216 = tpu.vector_load %arg15[%get3A_214, %get3A_215] {strides = array<i32>} : memref<128x128xf32, #tpu.memory_space<vmem>>, vector<1x16xf32>,
        %get3A_217 = vector.shape_cast %get3A_216 : vector<1x16xf32> to vector<16xf32>
        %get3A_218 = arith.index_cast %scan3A_112 : i32 to index
        %get3A_219 = arith.constant 96 : index
        %get3A_220 = tpu.vector_load %arg16[%get3A_218, %get3A_219] {strides = array<i32>} : memref<128x128xf32, #tpu.memory_space<vmem>>, vector<1x16xf32>,
        %get3A_221 = vector.shape_cast %get3A_220 : vector<1x16xf32> to vector<16xf32>
        %add3A_222 = arith.addf %get3A_217, %get3A_221 : vector<16xf32>
        %mul3A_223 = arith.constant 5.000000e-01 : f32
        %mul3A_224 = vector.broadcast %mul3A_223 : f32 to vector<16xf32>
        %mul3A_225 = arith.mulf %add3A_222, %mul3A_224 : vector<16xf32>
        %swap3A_226 = arith.index_cast %scan3A_112 : i32 to index
        %swap3A_227 = arith.constant 96 : index
        %swap3A_228 = tpu.vector_load %arg15[%swap3A_226, %swap3A_227] {strides = array<i32>} : memref<128x128xf32, #tpu.memory_space<vmem>>, vector<1x16xf32>,
        %swap3A_229 = vector.shape_cast %swap3A_228 : vector<1x16xf32> to vector<16xf32>
        %swap3A_230 = vector.shape_cast %mul3A_225 : vector<16xf32> to vector<1x16xf32>
        tpu.vector_store %arg15[%swap3A_226, %swap3A_227], %swap3A_230 {strides = array<i32>} : memref<128x128xf32, #tpu.memory_space<vmem>>, vector<1x16xf32>,
        %get3A_231 = arith.index_cast %scan3A_112 : i32 to index
        %get3A_232 = arith.constant 112 : index
        %get3A_233 = tpu.vector_load %arg15[%get3A_231, %get3A_232] {strides = array<i32>} : memref<128x128xf32, #tpu.memory_space<vmem>>, vector<1x16xf32>,
        %get3A_234 = vector.shape_cast %get3A_233 : vector<1x16xf32> to vector<16xf32>
        %get3A_235 = arith.index_cast %scan3A_112 : i32 to index
        %get3A_236 = arith.constant 112 : index
        %get3A_237 = tpu.vector_load %arg16[%get3A_235, %get3A_236] {strides = array<i32>} : memref<128x128xf32, #tpu.memory_space<vmem>>, vector<1x16xf32>,
        %get3A_238 = vector.shape_cast %get3A_237 : vector<1x16xf32> to vector<16xf32>
        %add3A_239 = arith.addf %get3A_234, %get3A_238 : vector<16xf32>
        %mul3A_240 = arith.constant 5.000000e-01 : f32
        %mul3A_241 = vector.broadcast %mul3A_240 : f32 to vector<16xf32>
        %mul3A_242 = arith.mulf %add3A_239, %mul3A_241 : vector<16xf32>
        %swap3A_243 = arith.index_cast %scan3A_112 : i32 to index
        %swap3A_244 = arith.constant 112 : index
        %swap3A_245 = tpu.vector_load %arg15[%swap3A_243, %swap3A_244] {strides = array<i32>} : memref<128x128xf32, #tpu.memory_space<vmem>>, vector<1x16xf32>,
        %swap3A_246 = vector.shape_cast %swap3A_245 : vector<1x16xf32> to vector<16xf32>
        %swap3A_247 = vector.shape_cast %mul3A_242 : vector<16xf32> to vector<1x16xf32>
        tpu.vector_store %arg15[%swap3A_243, %swap3A_244], %swap3A_247 {strides = array<i32>} : memref<128x128xf32, #tpu.memory_space<vmem>>, vector<1x16xf32>,
        %scan3A_248 = arith.constant 0 : i32
        scf.yield %scan3A_248 : i32
      }
      %scan3A_96 = arith.constant 128 : i32
      %mul3A_97 = arith.constant 128 : i32
      %mul3A_98 = arith.muli %add3A_22, %mul3A_97 : i32
      %dma_start3A_99 = arith.constant 0 : i32
      %dma_start3A_100 = tpu.memref_slice %arg8[%mul3A_98, %dma_start3A_99] : memref<327680x128xf32, #tpu.memory_space<hbm>> -> memref<128x128xf32, #tpu.memory_space<hbm>>
      %dma_start3A_101 = arith.constant 0 : i32
      %dma_start3A_102 = tpu.memref_slice %arg8[%mul3A_98, %dma_start3A_101] : memref<327680x128xf32, #tpu.memory_space<hbm>> -> memref<128x128xf32, #tpu.memory_space<hbm>>
      tpu.enqueue_dma source(%arg15 : memref<128x128xf32, #tpu.memory_space<vmem>>) target(%dma_start3A_102 : memref<128x128xf32, #tpu.memory_space<hbm>>) target_semaphore(%arg19 : memref<!tpu.dma_semaphore, #tpu.memory_space<semaphore_mem>>)
      %dma_wait3A_103 = arith.constant 0 : i32
      %dma_wait3A_104 = tpu.memref_slice %arg8[%mul3A_71, %dma_wait3A_103] : memref<327680x128xf32, #tpu.memory_space<hbm>> -> memref<128x128xf32, #tpu.memory_space<hbm>>
      %dma_wait3A_105 = arith.constant 0 : i32
      %dma_wait3A_106 = tpu.memref_slice %arg8[%mul3A_71, %dma_wait3A_105] : memref<327680x128xf32, #tpu.memory_space<hbm>> -> memref<128x128xf32, #tpu.memory_space<hbm>>
      tpu.wait_dma2 semaphore(%arg19 : memref<!tpu.dma_semaphore, #tpu.memory_space<semaphore_mem>>) src(%arg13 : memref<128x128xf32, #tpu.memory_space<vmem>>) dst(%dma_wait3A_106 : memref<128x128xf32, #tpu.memory_space<hbm>>)
      %dma_wait3A_107 = arith.constant 0 : i32
      %dma_wait3A_108 = tpu.memref_slice %arg8[%mul3A_98, %dma_wait3A_107] : memref<327680x128xf32, #tpu.memory_space<hbm>> -> memref<128x128xf32, #tpu.memory_space<hbm>>
      %dma_wait3A_109 = arith.constant 0 : i32
      %dma_wait3A_110 = tpu.memref_slice %arg8[%mul3A_98, %dma_wait3A_109] : memref<327680x128xf32, #tpu.memory_space<hbm>> -> memref<128x128xf32, #tpu.memory_space<hbm>>
      tpu.wait_dma2 semaphore(%arg19 : memref<!tpu.dma_semaphore, #tpu.memory_space<semaphore_mem>>) src(%arg15 : memref<128x128xf32, #tpu.memory_space<vmem>>) dst(%dma_wait3A_110 : memref<128x128xf32, #tpu.memory_space<hbm>>)
      %scan3A_111 = arith.constant 0 : i32
      scf.yield %scan3A_111 : i32
    }
    %scan3A_13 = arith.constant 40 : i32
    return
  }
}

#map = affine_map<(d0, d1) -> (0, 0)>
#map1 = affine_map<(d0, d1) -> (0, 0, 0)>
module attributes {stable_mosaic.version = 14 : i64} {
  func.func @_scatter_body(%arg0: i32, %arg1: i32, %arg2: memref<2560x128xi32, #tpu.memory_space<hbm>>, %arg3: memref<327680x128xf32, #tpu.memory_space<hbm>>, %arg4: memref<2x10112x128xf32, #tpu.memory_space<hbm>>, %arg5: memref<1x128xi32, #tpu.memory_space<vmem>>, %arg6: memref<1x128xi32, #tpu.memory_space<vmem>>, %arg7: memref<128x128xf32, #tpu.memory_space<vmem>>, %arg8: memref<128x128xf32, #tpu.memory_space<vmem>>, %arg9: memref<!tpu.dma_semaphore, #tpu.memory_space<semaphore_mem>>, %arg10: memref<!tpu.dma_semaphore, #tpu.memory_space<semaphore_mem>>, %arg11: memref<10112x128xf32, #tpu.memory_space<vmem_shared>>) attributes {dimension_semantics = [#tpu.dimension_semantics<core_parallel>, #tpu.dimension_semantics<subcore_parallel>], iteration_bounds = array<i64: 2, 16>, scalar_prefetch = 0 : i64, scratch_operands = 7 : i64, tpu.core_type = #tpu.core_type<sc_vector_subcore>, window_params = [{transform_indices = #map}, {transform_indices = #map}, {transform_indices = #map1}]} {
    %mul3A = arith.constant 2 : i32
    %mul3A_0 = arith.muli %arg1, %mul3A : i32
    %add3A = arith.addi %mul3A_0, %arg0 : i32
    %scan3A = arith.constant 0 : i32
    %scan3A_1 = arith.constant 0 : i32
    %scan3A_2 = arith.constant 128 : i32
    %scan3A_3 = arith.addi %scan3A_1, %scan3A_2 : i32
    %scan3A_4 = arith.constant 1 : i32
    %scan3A_5 = scf.for %scan3A_39 = %scan3A_1 to %scan3A_3 step %scan3A_4 iter_args(%scan3A_40 = %scan3A) -> (i32)  : i32 {
      %broadcast_in_dim3A = arith.constant 0.000000e+00 : f32
      %broadcast_in_dim3A_41 = vector.broadcast %broadcast_in_dim3A : f32 to vector<16xf32>
      %swap3A = arith.index_cast %scan3A_39 : i32 to index
      %swap3A_42 = arith.constant 0 : index
      %swap3A_43 = tpu.vector_load %arg7[%swap3A, %swap3A_42] {strides = array<i32>} : memref<128x128xf32, #tpu.memory_space<vmem>>, vector<1x16xf32>,
      %swap3A_44 = vector.shape_cast %swap3A_43 : vector<1x16xf32> to vector<16xf32>
      %swap3A_45 = vector.shape_cast %broadcast_in_dim3A_41 : vector<16xf32> to vector<1x16xf32>
      tpu.vector_store %arg7[%swap3A, %swap3A_42], %swap3A_45 {strides = array<i32>} : memref<128x128xf32, #tpu.memory_space<vmem>>, vector<1x16xf32>,
      %broadcast_in_dim3A_46 = arith.constant 0.000000e+00 : f32
      %broadcast_in_dim3A_47 = vector.broadcast %broadcast_in_dim3A_46 : f32 to vector<16xf32>
      %swap3A_48 = arith.index_cast %scan3A_39 : i32 to index
      %swap3A_49 = arith.constant 16 : index
      %swap3A_50 = tpu.vector_load %arg7[%swap3A_48, %swap3A_49] {strides = array<i32>} : memref<128x128xf32, #tpu.memory_space<vmem>>, vector<1x16xf32>,
      %swap3A_51 = vector.shape_cast %swap3A_50 : vector<1x16xf32> to vector<16xf32>
      %swap3A_52 = vector.shape_cast %broadcast_in_dim3A_47 : vector<16xf32> to vector<1x16xf32>
      tpu.vector_store %arg7[%swap3A_48, %swap3A_49], %swap3A_52 {strides = array<i32>} : memref<128x128xf32, #tpu.memory_space<vmem>>, vector<1x16xf32>,
      %broadcast_in_dim3A_53 = arith.constant 0.000000e+00 : f32
      %broadcast_in_dim3A_54 = vector.broadcast %broadcast_in_dim3A_53 : f32 to vector<16xf32>
      %swap3A_55 = arith.index_cast %scan3A_39 : i32 to index
      %swap3A_56 = arith.constant 32 : index
      %swap3A_57 = tpu.vector_load %arg7[%swap3A_55, %swap3A_56] {strides = array<i32>} : memref<128x128xf32, #tpu.memory_space<vmem>>, vector<1x16xf32>,
      %swap3A_58 = vector.shape_cast %swap3A_57 : vector<1x16xf32> to vector<16xf32>
      %swap3A_59 = vector.shape_cast %broadcast_in_dim3A_54 : vector<16xf32> to vector<1x16xf32>
      tpu.vector_store %arg7[%swap3A_55, %swap3A_56], %swap3A_59 {strides = array<i32>} : memref<128x128xf32, #tpu.memory_space<vmem>>, vector<1x16xf32>,
      %broadcast_in_dim3A_60 = arith.constant 0.000000e+00 : f32
      %broadcast_in_dim3A_61 = vector.broadcast %broadcast_in_dim3A_60 : f32 to vector<16xf32>
      %swap3A_62 = arith.index_cast %scan3A_39 : i32 to index
      %swap3A_63 = arith.constant 48 : index
      %swap3A_64 = tpu.vector_load %arg7[%swap3A_62, %swap3A_63] {strides = array<i32>} : memref<128x128xf32, #tpu.memory_space<vmem>>, vector<1x16xf32>,
      %swap3A_65 = vector.shape_cast %swap3A_64 : vector<1x16xf32> to vector<16xf32>
      %swap3A_66 = vector.shape_cast %broadcast_in_dim3A_61 : vector<16xf32> to vector<1x16xf32>
      tpu.vector_store %arg7[%swap3A_62, %swap3A_63], %swap3A_66 {strides = array<i32>} : memref<128x128xf32, #tpu.memory_space<vmem>>, vector<1x16xf32>,
      %broadcast_in_dim3A_67 = arith.constant 0.000000e+00 : f32
      %broadcast_in_dim3A_68 = vector.broadcast %broadcast_in_dim3A_67 : f32 to vector<16xf32>
      %swap3A_69 = arith.index_cast %scan3A_39 : i32 to index
      %swap3A_70 = arith.constant 64 : index
      %swap3A_71 = tpu.vector_load %arg7[%swap3A_69, %swap3A_70] {strides = array<i32>} : memref<128x128xf32, #tpu.memory_space<vmem>>, vector<1x16xf32>,
      %swap3A_72 = vector.shape_cast %swap3A_71 : vector<1x16xf32> to vector<16xf32>
      %swap3A_73 = vector.shape_cast %broadcast_in_dim3A_68 : vector<16xf32> to vector<1x16xf32>
      tpu.vector_store %arg7[%swap3A_69, %swap3A_70], %swap3A_73 {strides = array<i32>} : memref<128x128xf32, #tpu.memory_space<vmem>>, vector<1x16xf32>,
      %broadcast_in_dim3A_74 = arith.constant 0.000000e+00 : f32
      %broadcast_in_dim3A_75 = vector.broadcast %broadcast_in_dim3A_74 : f32 to vector<16xf32>
      %swap3A_76 = arith.index_cast %scan3A_39 : i32 to index
      %swap3A_77 = arith.constant 80 : index
      %swap3A_78 = tpu.vector_load %arg7[%swap3A_76, %swap3A_77] {strides = array<i32>} : memref<128x128xf32, #tpu.memory_space<vmem>>, vector<1x16xf32>,
      %swap3A_79 = vector.shape_cast %swap3A_78 : vector<1x16xf32> to vector<16xf32>
      %swap3A_80 = vector.shape_cast %broadcast_in_dim3A_75 : vector<16xf32> to vector<1x16xf32>
      tpu.vector_store %arg7[%swap3A_76, %swap3A_77], %swap3A_80 {strides = array<i32>} : memref<128x128xf32, #tpu.memory_space<vmem>>, vector<1x16xf32>,
      %broadcast_in_dim3A_81 = arith.constant 0.000000e+00 : f32
      %broadcast_in_dim3A_82 = vector.broadcast %broadcast_in_dim3A_81 : f32 to vector<16xf32>
      %swap3A_83 = arith.index_cast %scan3A_39 : i32 to index
      %swap3A_84 = arith.constant 96 : index
      %swap3A_85 = tpu.vector_load %arg7[%swap3A_83, %swap3A_84] {strides = array<i32>} : memref<128x128xf32, #tpu.memory_space<vmem>>, vector<1x16xf32>,
      %swap3A_86 = vector.shape_cast %swap3A_85 : vector<1x16xf32> to vector<16xf32>
      %swap3A_87 = vector.shape_cast %broadcast_in_dim3A_82 : vector<16xf32> to vector<1x16xf32>
      tpu.vector_store %arg7[%swap3A_83, %swap3A_84], %swap3A_87 {strides = array<i32>} : memref<128x128xf32, #tpu.memory_space<vmem>>, vector<1x16xf32>,
      %broadcast_in_dim3A_88 = arith.constant 0.000000e+00 : f32
      %broadcast_in_dim3A_89 = vector.broadcast %broadcast_in_dim3A_88 : f32 to vector<16xf32>
      %swap3A_90 = arith.index_cast %scan3A_39 : i32 to index
      %swap3A_91 = arith.constant 112 : index
      %swap3A_92 = tpu.vector_load %arg7[%swap3A_90, %swap3A_91] {strides = array<i32>} : memref<128x128xf32, #tpu.memory_space<vmem>>, vector<1x16xf32>,
      %swap3A_93 = vector.shape_cast %swap3A_92 : vector<1x16xf32> to vector<16xf32>
      %swap3A_94 = vector.shape_cast %broadcast_in_dim3A_89 : vector<16xf32> to vector<1x16xf32>
      tpu.vector_store %arg7[%swap3A_90, %swap3A_91], %swap3A_94 {strides = array<i32>} : memref<128x128xf32, #tpu.memory_space<vmem>>, vector<1x16xf32>,
      %scan3A_95 = arith.constant 0 : i32
      scf.yield %scan3A_95 : i32
    }
    %scan3A_6 = arith.constant 128 : i32
    %mul3A_7 = arith.constant 632 : i32
    %mul3A_8 = arith.muli %arg1, %mul3A_7 : i32
    %add3A_9 = arith.constant 0 : i32
    %add3A_10 = arith.addi %mul3A_8, %add3A_9 : i32
    "tpu.region"() ({
      %run_scoped3A = tpu.sem_alloc : memref<!tpu.dma_semaphore, #tpu.memory_space<semaphore_mem>>
      %dma_start3A = arith.constant 0 : i32
      %dma_start3A_39 = arith.constant 0 : i32
      %dma_start3A_40 = tpu.memref_slice %arg7[%dma_start3A, %dma_start3A_39] : memref<128x128xf32, #tpu.memory_space<vmem>> -> memref<128x128xf32, #tpu.memory_space<vmem>>
      %dma_start3A_41 = arith.constant 0 : i32
      %dma_start3A_42 = tpu.memref_slice %arg11[%add3A_10, %dma_start3A_41] : memref<10112x128xf32, #tpu.memory_space<vmem_shared>> -> memref<128x128xf32, #tpu.memory_space<vmem_shared>>
      %dma_start3A_43 = arith.constant 0 : i32
      %dma_start3A_44 = tpu.memref_slice %arg11[%add3A_10, %dma_start3A_43] : memref<10112x128xf32, #tpu.memory_space<vmem_shared>> -> memref<128x128xf32, #tpu.memory_space<vmem_shared>>
      %dma_start3A_45 = arith.constant 0 : i32
      %dma_start3A_46 = arith.constant 0 : i32
      %dma_start3A_47 = tpu.memref_slice %arg7[%dma_start3A_45, %dma_start3A_46] : memref<128x128xf32, #tpu.memory_space<vmem>> -> memref<128x128xf32, #tpu.memory_space<vmem>>
      tpu.enqueue_dma source(%dma_start3A_47 : memref<128x128xf32, #tpu.memory_space<vmem>>) target(%dma_start3A_44 : memref<128x128xf32, #tpu.memory_space<vmem_shared>>) target_semaphore(%run_scoped3A : memref<!tpu.dma_semaphore, #tpu.memory_space<semaphore_mem>>)
      %dma_wait3A = arith.constant 0 : i32
      %dma_wait3A_48 = arith.constant 0 : i32
      %dma_wait3A_49 = tpu.memref_slice %arg7[%dma_wait3A, %dma_wait3A_48] : memref<128x128xf32, #tpu.memory_space<vmem>> -> memref<128x128xf32, #tpu.memory_space<vmem>>
      %dma_wait3A_50 = arith.constant 0 : i32
      %dma_wait3A_51 = tpu.memref_slice %arg11[%add3A_10, %dma_wait3A_50] : memref<10112x128xf32, #tpu.memory_space<vmem_shared>> -> memref<128x128xf32, #tpu.memory_space<vmem_shared>>
      %dma_wait3A_52 = arith.constant 0 : i32
      %dma_wait3A_53 = tpu.memref_slice %arg11[%add3A_10, %dma_wait3A_52] : memref<10112x128xf32, #tpu.memory_space<vmem_shared>> -> memref<128x128xf32, #tpu.memory_space<vmem_shared>>
      %dma_wait3A_54 = arith.constant 0 : i32
      %dma_wait3A_55 = arith.constant 0 : i32
      %dma_wait3A_56 = tpu.memref_slice %arg7[%dma_wait3A_54, %dma_wait3A_55] : memref<128x128xf32, #tpu.memory_space<vmem>> -> memref<128x128xf32, #tpu.memory_space<vmem>>
      tpu.wait_dma2 semaphore(%run_scoped3A : memref<!tpu.dma_semaphore, #tpu.memory_space<semaphore_mem>>) src(%dma_wait3A_56 : memref<128x128xf32, #tpu.memory_space<vmem>>) dst(%dma_wait3A_53 : memref<128x128xf32, #tpu.memory_space<vmem_shared>>)
      tpu.yield
    }) : () -> ()
    %mul3A_11 = arith.constant 632 : i32
    %mul3A_12 = arith.muli %arg1, %mul3A_11 : i32
    %add3A_13 = arith.constant 128 : i32
    %add3A_14 = arith.addi %mul3A_12, %add3A_13 : i32
    "tpu.region"() ({
      %run_scoped3A = tpu.sem_alloc : memref<!tpu.dma_semaphore, #tpu.memory_space<semaphore_mem>>
      %dma_start3A = arith.constant 0 : i32
      %dma_start3A_39 = arith.constant 0 : i32
      %dma_start3A_40 = tpu.memref_slice %arg7[%dma_start3A, %dma_start3A_39] : memref<128x128xf32, #tpu.memory_space<vmem>> -> memref<128x128xf32, #tpu.memory_space<vmem>>
      %dma_start3A_41 = arith.constant 0 : i32
      %dma_start3A_42 = tpu.memref_slice %arg11[%add3A_14, %dma_start3A_41] : memref<10112x128xf32, #tpu.memory_space<vmem_shared>> -> memref<128x128xf32, #tpu.memory_space<vmem_shared>>
      %dma_start3A_43 = arith.constant 0 : i32
      %dma_start3A_44 = tpu.memref_slice %arg11[%add3A_14, %dma_start3A_43] : memref<10112x128xf32, #tpu.memory_space<vmem_shared>> -> memref<128x128xf32, #tpu.memory_space<vmem_shared>>
      %dma_start3A_45 = arith.constant 0 : i32
      %dma_start3A_46 = arith.constant 0 : i32
      %dma_start3A_47 = tpu.memref_slice %arg7[%dma_start3A_45, %dma_start3A_46] : memref<128x128xf32, #tpu.memory_space<vmem>> -> memref<128x128xf32, #tpu.memory_space<vmem>>
      tpu.enqueue_dma source(%dma_start3A_47 : memref<128x128xf32, #tpu.memory_space<vmem>>) target(%dma_start3A_44 : memref<128x128xf32, #tpu.memory_space<vmem_shared>>) target_semaphore(%run_scoped3A : memref<!tpu.dma_semaphore, #tpu.memory_space<semaphore_mem>>)
      %dma_wait3A = arith.constant 0 : i32
      %dma_wait3A_48 = arith.constant 0 : i32
      %dma_wait3A_49 = tpu.memref_slice %arg7[%dma_wait3A, %dma_wait3A_48] : memref<128x128xf32, #tpu.memory_space<vmem>> -> memref<128x128xf32, #tpu.memory_space<vmem>>
      %dma_wait3A_50 = arith.constant 0 : i32
      %dma_wait3A_51 = tpu.memref_slice %arg11[%add3A_14, %dma_wait3A_50] : memref<10112x128xf32, #tpu.memory_space<vmem_shared>> -> memref<128x128xf32, #tpu.memory_space<vmem_shared>>
      %dma_wait3A_52 = arith.constant 0 : i32
      %dma_wait3A_53 = tpu.memref_slice %arg11[%add3A_14, %dma_wait3A_52] : memref<10112x128xf32, #tpu.memory_space<vmem_shared>> -> memref<128x128xf32, #tpu.memory_space<vmem_shared>>
      %dma_wait3A_54 = arith.constant 0 : i32
      %dma_wait3A_55 = arith.constant 0 : i32
      %dma_wait3A_56 = tpu.memref_slice %arg7[%dma_wait3A_54, %dma_wait3A_55] : memref<128x128xf32, #tpu.memory_space<vmem>> -> memref<128x128xf32, #tpu.memory_space<vmem>>
      tpu.wait_dma2 semaphore(%run_scoped3A : memref<!tpu.dma_semaphore, #tpu.memory_space<semaphore_mem>>) src(%dma_wait3A_56 : memref<128x128xf32, #tpu.memory_space<vmem>>) dst(%dma_wait3A_53 : memref<128x128xf32, #tpu.memory_space<vmem_shared>>)
      tpu.yield
    }) : () -> ()
    %mul3A_15 = arith.constant 632 : i32
    %mul3A_16 = arith.muli %arg1, %mul3A_15 : i32
    %add3A_17 = arith.constant 256 : i32
    %add3A_18 = arith.addi %mul3A_16, %add3A_17 : i32
    "tpu.region"() ({
      %run_scoped3A = tpu.sem_alloc : memref<!tpu.dma_semaphore, #tpu.memory_space<semaphore_mem>>
      %dma_start3A = arith.constant 0 : i32
      %dma_start3A_39 = arith.constant 0 : i32
      %dma_start3A_40 = tpu.memref_slice %arg7[%dma_start3A, %dma_start3A_39] : memref<128x128xf32, #tpu.memory_space<vmem>> -> memref<128x128xf32, #tpu.memory_space<vmem>>
      %dma_start3A_41 = arith.constant 0 : i32
      %dma_start3A_42 = tpu.memref_slice %arg11[%add3A_18, %dma_start3A_41] : memref<10112x128xf32, #tpu.memory_space<vmem_shared>> -> memref<128x128xf32, #tpu.memory_space<vmem_shared>>
      %dma_start3A_43 = arith.constant 0 : i32
      %dma_start3A_44 = tpu.memref_slice %arg11[%add3A_18, %dma_start3A_43] : memref<10112x128xf32, #tpu.memory_space<vmem_shared>> -> memref<128x128xf32, #tpu.memory_space<vmem_shared>>
      %dma_start3A_45 = arith.constant 0 : i32
      %dma_start3A_46 = arith.constant 0 : i32
      %dma_start3A_47 = tpu.memref_slice %arg7[%dma_start3A_45, %dma_start3A_46] : memref<128x128xf32, #tpu.memory_space<vmem>> -> memref<128x128xf32, #tpu.memory_space<vmem>>
      tpu.enqueue_dma source(%dma_start3A_47 : memref<128x128xf32, #tpu.memory_space<vmem>>) target(%dma_start3A_44 : memref<128x128xf32, #tpu.memory_space<vmem_shared>>) target_semaphore(%run_scoped3A : memref<!tpu.dma_semaphore, #tpu.memory_space<semaphore_mem>>)
      %dma_wait3A = arith.constant 0 : i32
      %dma_wait3A_48 = arith.constant 0 : i32
      %dma_wait3A_49 = tpu.memref_slice %arg7[%dma_wait3A, %dma_wait3A_48] : memref<128x128xf32, #tpu.memory_space<vmem>> -> memref<128x128xf32, #tpu.memory_space<vmem>>
      %dma_wait3A_50 = arith.constant 0 : i32
      %dma_wait3A_51 = tpu.memref_slice %arg11[%add3A_18, %dma_wait3A_50] : memref<10112x128xf32, #tpu.memory_space<vmem_shared>> -> memref<128x128xf32, #tpu.memory_space<vmem_shared>>
      %dma_wait3A_52 = arith.constant 0 : i32
      %dma_wait3A_53 = tpu.memref_slice %arg11[%add3A_18, %dma_wait3A_52] : memref<10112x128xf32, #tpu.memory_space<vmem_shared>> -> memref<128x128xf32, #tpu.memory_space<vmem_shared>>
      %dma_wait3A_54 = arith.constant 0 : i32
      %dma_wait3A_55 = arith.constant 0 : i32
      %dma_wait3A_56 = tpu.memref_slice %arg7[%dma_wait3A_54, %dma_wait3A_55] : memref<128x128xf32, #tpu.memory_space<vmem>> -> memref<128x128xf32, #tpu.memory_space<vmem>>
      tpu.wait_dma2 semaphore(%run_scoped3A : memref<!tpu.dma_semaphore, #tpu.memory_space<semaphore_mem>>) src(%dma_wait3A_56 : memref<128x128xf32, #tpu.memory_space<vmem>>) dst(%dma_wait3A_53 : memref<128x128xf32, #tpu.memory_space<vmem_shared>>)
      tpu.yield
    }) : () -> ()
    %mul3A_19 = arith.constant 632 : i32
    %mul3A_20 = arith.muli %arg1, %mul3A_19 : i32
    %add3A_21 = arith.constant 384 : i32
    %add3A_22 = arith.addi %mul3A_20, %add3A_21 : i32
    "tpu.region"() ({
      %run_scoped3A = tpu.sem_alloc : memref<!tpu.dma_semaphore, #tpu.memory_space<semaphore_mem>>
      %dma_start3A = arith.constant 0 : i32
      %dma_start3A_39 = arith.constant 0 : i32
      %dma_start3A_40 = tpu.memref_slice %arg7[%dma_start3A, %dma_start3A_39] : memref<128x128xf32, #tpu.memory_space<vmem>> -> memref<128x128xf32, #tpu.memory_space<vmem>>
      %dma_start3A_41 = arith.constant 0 : i32
      %dma_start3A_42 = tpu.memref_slice %arg11[%add3A_22, %dma_start3A_41] : memref<10112x128xf32, #tpu.memory_space<vmem_shared>> -> memref<128x128xf32, #tpu.memory_space<vmem_shared>>
      %dma_start3A_43 = arith.constant 0 : i32
      %dma_start3A_44 = tpu.memref_slice %arg11[%add3A_22, %dma_start3A_43] : memref<10112x128xf32, #tpu.memory_space<vmem_shared>> -> memref<128x128xf32, #tpu.memory_space<vmem_shared>>
      %dma_start3A_45 = arith.constant 0 : i32
      %dma_start3A_46 = arith.constant 0 : i32
      %dma_start3A_47 = tpu.memref_slice %arg7[%dma_start3A_45, %dma_start3A_46] : memref<128x128xf32, #tpu.memory_space<vmem>> -> memref<128x128xf32, #tpu.memory_space<vmem>>
      tpu.enqueue_dma source(%dma_start3A_47 : memref<128x128xf32, #tpu.memory_space<vmem>>) target(%dma_start3A_44 : memref<128x128xf32, #tpu.memory_space<vmem_shared>>) target_semaphore(%run_scoped3A : memref<!tpu.dma_semaphore, #tpu.memory_space<semaphore_mem>>)
      %dma_wait3A = arith.constant 0 : i32
      %dma_wait3A_48 = arith.constant 0 : i32
      %dma_wait3A_49 = tpu.memref_slice %arg7[%dma_wait3A, %dma_wait3A_48] : memref<128x128xf32, #tpu.memory_space<vmem>> -> memref<128x128xf32, #tpu.memory_space<vmem>>
      %dma_wait3A_50 = arith.constant 0 : i32
      %dma_wait3A_51 = tpu.memref_slice %arg11[%add3A_22, %dma_wait3A_50] : memref<10112x128xf32, #tpu.memory_space<vmem_shared>> -> memref<128x128xf32, #tpu.memory_space<vmem_shared>>
      %dma_wait3A_52 = arith.constant 0 : i32
      %dma_wait3A_53 = tpu.memref_slice %arg11[%add3A_22, %dma_wait3A_52] : memref<10112x128xf32, #tpu.memory_space<vmem_shared>> -> memref<128x128xf32, #tpu.memory_space<vmem_shared>>
      %dma_wait3A_54 = arith.constant 0 : i32
      %dma_wait3A_55 = arith.constant 0 : i32
      %dma_wait3A_56 = tpu.memref_slice %arg7[%dma_wait3A_54, %dma_wait3A_55] : memref<128x128xf32, #tpu.memory_space<vmem>> -> memref<128x128xf32, #tpu.memory_space<vmem>>
      tpu.wait_dma2 semaphore(%run_scoped3A : memref<!tpu.dma_semaphore, #tpu.memory_space<semaphore_mem>>) src(%dma_wait3A_56 : memref<128x128xf32, #tpu.memory_space<vmem>>) dst(%dma_wait3A_53 : memref<128x128xf32, #tpu.memory_space<vmem_shared>>)
      tpu.yield
    }) : () -> ()
    %mul3A_23 = arith.constant 632 : i32
    %mul3A_24 = arith.muli %arg1, %mul3A_23 : i32
    %add3A_25 = arith.constant 512 : i32
    %add3A_26 = arith.addi %mul3A_24, %add3A_25 : i32
    "tpu.region"() ({
      %run_scoped3A = tpu.sem_alloc : memref<!tpu.dma_semaphore, #tpu.memory_space<semaphore_mem>>
      %dma_start3A = arith.constant 0 : i32
      %dma_start3A_39 = arith.constant 0 : i32
      %dma_start3A_40 = tpu.memref_slice %arg7[%dma_start3A, %dma_start3A_39] : memref<128x128xf32, #tpu.memory_space<vmem>> -> memref<120x128xf32, #tpu.memory_space<vmem>>
      %dma_start3A_41 = arith.constant 0 : i32
      %dma_start3A_42 = tpu.memref_slice %arg11[%add3A_26, %dma_start3A_41] : memref<10112x128xf32, #tpu.memory_space<vmem_shared>> -> memref<120x128xf32, #tpu.memory_space<vmem_shared>>
      %dma_start3A_43 = arith.constant 0 : i32
      %dma_start3A_44 = tpu.memref_slice %arg11[%add3A_26, %dma_start3A_43] : memref<10112x128xf32, #tpu.memory_space<vmem_shared>> -> memref<120x128xf32, #tpu.memory_space<vmem_shared>>
      %dma_start3A_45 = arith.constant 0 : i32
      %dma_start3A_46 = arith.constant 0 : i32
      %dma_start3A_47 = tpu.memref_slice %arg7[%dma_start3A_45, %dma_start3A_46] : memref<128x128xf32, #tpu.memory_space<vmem>> -> memref<120x128xf32, #tpu.memory_space<vmem>>
      tpu.enqueue_dma source(%dma_start3A_47 : memref<120x128xf32, #tpu.memory_space<vmem>>) target(%dma_start3A_44 : memref<120x128xf32, #tpu.memory_space<vmem_shared>>) target_semaphore(%run_scoped3A : memref<!tpu.dma_semaphore, #tpu.memory_space<semaphore_mem>>)
      %dma_wait3A = arith.constant 0 : i32
      %dma_wait3A_48 = arith.constant 0 : i32
      %dma_wait3A_49 = tpu.memref_slice %arg7[%dma_wait3A, %dma_wait3A_48] : memref<128x128xf32, #tpu.memory_space<vmem>> -> memref<120x128xf32, #tpu.memory_space<vmem>>
      %dma_wait3A_50 = arith.constant 0 : i32
      %dma_wait3A_51 = tpu.memref_slice %arg11[%add3A_26, %dma_wait3A_50] : memref<10112x128xf32, #tpu.memory_space<vmem_shared>> -> memref<120x128xf32, #tpu.memory_space<vmem_shared>>
      %dma_wait3A_52 = arith.constant 0 : i32
      %dma_wait3A_53 = tpu.memref_slice %arg11[%add3A_26, %dma_wait3A_52] : memref<10112x128xf32, #tpu.memory_space<vmem_shared>> -> memref<120x128xf32, #tpu.memory_space<vmem_shared>>
      %dma_wait3A_54 = arith.constant 0 : i32
      %dma_wait3A_55 = arith.constant 0 : i32
      %dma_wait3A_56 = tpu.memref_slice %arg7[%dma_wait3A_54, %dma_wait3A_55] : memref<128x128xf32, #tpu.memory_space<vmem>> -> memref<120x128xf32, #tpu.memory_space<vmem>>
      tpu.wait_dma2 semaphore(%run_scoped3A : memref<!tpu.dma_semaphore, #tpu.memory_space<semaphore_mem>>) src(%dma_wait3A_56 : memref<120x128xf32, #tpu.memory_space<vmem>>) dst(%dma_wait3A_53 : memref<120x128xf32, #tpu.memory_space<vmem_shared>>)
      tpu.yield
    }) : () -> ()
    %barrier3A = arith.constant 0 : index
    tpu.barrier barrier_id(%barrier3A)
    %scan3A_27 = arith.constant 0 : i32
    %scan3A_28 = arith.constant 0 : i32
    %scan3A_29 = arith.constant 40 : i32
    %scan3A_30 = arith.addi %scan3A_28, %scan3A_29 : i32
    %scan3A_31 = arith.constant 1 : i32
    %scan3A_32 = scf.for %scan3A_39 = %scan3A_28 to %scan3A_30 step %scan3A_31 iter_args(%scan3A_40 = %scan3A_27) -> (i32)  : i32 {
      %mul3A_41 = arith.constant 80 : i32
      %mul3A_42 = arith.muli %add3A, %mul3A_41 : i32
      %mul3A_43 = arith.constant 2 : i32
      %mul3A_44 = arith.muli %mul3A_43, %scan3A_39 : i32
      %add3A_45 = arith.addi %mul3A_42, %mul3A_44 : i32
      %add3A_46 = arith.constant 1 : i32
      %add3A_47 = arith.addi %add3A_45, %add3A_46 : i32
      "tpu.region"() ({
        %run_scoped3A = tpu.sem_alloc : memref<!tpu.dma_semaphore, #tpu.memory_space<semaphore_mem>>
        %dma_start3A_95 = arith.constant 0 : i32
        %dma_start3A_96 = tpu.memref_slice %arg2[%add3A_45, %dma_start3A_95] : memref<2560x128xi32, #tpu.memory_space<hbm>> -> memref<1x128xi32, #tpu.memory_space<hbm>>
        %dma_start3A_97 = arith.constant 0 : i32
        %dma_start3A_98 = tpu.memref_slice %arg2[%add3A_45, %dma_start3A_97] : memref<2560x128xi32, #tpu.memory_space<hbm>> -> memref<1x128xi32, #tpu.memory_space<hbm>>
        tpu.enqueue_dma source(%dma_start3A_98 : memref<1x128xi32, #tpu.memory_space<hbm>>) target(%arg5 : memref<1x128xi32, #tpu.memory_space<vmem>>) target_semaphore(%run_scoped3A : memref<!tpu.dma_semaphore, #tpu.memory_space<semaphore_mem>>)
        %dma_wait3A_99 = arith.constant 0 : i32
        %dma_wait3A_100 = tpu.memref_slice %arg2[%add3A_45, %dma_wait3A_99] : memref<2560x128xi32, #tpu.memory_space<hbm>> -> memref<1x128xi32, #tpu.memory_space<hbm>>
        %dma_wait3A_101 = arith.constant 0 : i32
        %dma_wait3A_102 = tpu.memref_slice %arg2[%add3A_45, %dma_wait3A_101] : memref<2560x128xi32, #tpu.memory_space<hbm>> -> memref<1x128xi32, #tpu.memory_space<hbm>>
        tpu.wait_dma2 semaphore(%run_scoped3A : memref<!tpu.dma_semaphore, #tpu.memory_space<semaphore_mem>>) src(%dma_wait3A_102 : memref<1x128xi32, #tpu.memory_space<hbm>>) dst(%arg5 : memref<1x128xi32, #tpu.memory_space<vmem>>)
        tpu.yield
      }) : () -> ()
      "tpu.region"() ({
        %run_scoped3A = tpu.sem_alloc : memref<!tpu.dma_semaphore, #tpu.memory_space<semaphore_mem>>
        %dma_start3A_95 = arith.constant 0 : i32
        %dma_start3A_96 = tpu.memref_slice %arg2[%add3A_47, %dma_start3A_95] : memref<2560x128xi32, #tpu.memory_space<hbm>> -> memref<1x128xi32, #tpu.memory_space<hbm>>
        %dma_start3A_97 = arith.constant 0 : i32
        %dma_start3A_98 = tpu.memref_slice %arg2[%add3A_47, %dma_start3A_97] : memref<2560x128xi32, #tpu.memory_space<hbm>> -> memref<1x128xi32, #tpu.memory_space<hbm>>
        tpu.enqueue_dma source(%dma_start3A_98 : memref<1x128xi32, #tpu.memory_space<hbm>>) target(%arg6 : memref<1x128xi32, #tpu.memory_space<vmem>>) target_semaphore(%run_scoped3A : memref<!tpu.dma_semaphore, #tpu.memory_space<semaphore_mem>>)
        %dma_wait3A_99 = arith.constant 0 : i32
        %dma_wait3A_100 = tpu.memref_slice %arg2[%add3A_47, %dma_wait3A_99] : memref<2560x128xi32, #tpu.memory_space<hbm>> -> memref<1x128xi32, #tpu.memory_space<hbm>>
        %dma_wait3A_101 = arith.constant 0 : i32
        %dma_wait3A_102 = tpu.memref_slice %arg2[%add3A_47, %dma_wait3A_101] : memref<2560x128xi32, #tpu.memory_space<hbm>> -> memref<1x128xi32, #tpu.memory_space<hbm>>
        tpu.wait_dma2 semaphore(%run_scoped3A : memref<!tpu.dma_semaphore, #tpu.memory_space<semaphore_mem>>) src(%dma_wait3A_102 : memref<1x128xi32, #tpu.memory_space<hbm>>) dst(%arg6 : memref<1x128xi32, #tpu.memory_space<vmem>>)
        tpu.yield
      }) : () -> ()
      %mul3A_48 = arith.constant 128 : i32
      %mul3A_49 = arith.muli %add3A_45, %mul3A_48 : i32
      %dma_start3A = arith.constant 0 : i32
      %dma_start3A_50 = tpu.memref_slice %arg3[%mul3A_49, %dma_start3A] : memref<327680x128xf32, #tpu.memory_space<hbm>> -> memref<128x128xf32, #tpu.memory_space<hbm>>
      %dma_start3A_51 = arith.constant 0 : i32
      %dma_start3A_52 = tpu.memref_slice %arg3[%mul3A_49, %dma_start3A_51] : memref<327680x128xf32, #tpu.memory_space<hbm>> -> memref<128x128xf32, #tpu.memory_space<hbm>>
      tpu.enqueue_dma source(%dma_start3A_52 : memref<128x128xf32, #tpu.memory_space<hbm>>) target(%arg7 : memref<128x128xf32, #tpu.memory_space<vmem>>) target_semaphore(%arg9 : memref<!tpu.dma_semaphore, #tpu.memory_space<semaphore_mem>>)
      %mul3A_53 = arith.constant 128 : i32
      %mul3A_54 = arith.muli %add3A_47, %mul3A_53 : i32
      %dma_start3A_55 = arith.constant 0 : i32
      %dma_start3A_56 = tpu.memref_slice %arg3[%mul3A_54, %dma_start3A_55] : memref<327680x128xf32, #tpu.memory_space<hbm>> -> memref<128x128xf32, #tpu.memory_space<hbm>>
      %dma_start3A_57 = arith.constant 0 : i32
      %dma_start3A_58 = tpu.memref_slice %arg3[%mul3A_54, %dma_start3A_57] : memref<327680x128xf32, #tpu.memory_space<hbm>> -> memref<128x128xf32, #tpu.memory_space<hbm>>
      tpu.enqueue_dma source(%dma_start3A_58 : memref<128x128xf32, #tpu.memory_space<hbm>>) target(%arg8 : memref<128x128xf32, #tpu.memory_space<vmem>>) target_semaphore(%arg10 : memref<!tpu.dma_semaphore, #tpu.memory_space<semaphore_mem>>)
      %dma_wait3A = arith.constant 0 : i32
      %dma_wait3A_59 = tpu.memref_slice %arg3[%mul3A_49, %dma_wait3A] : memref<327680x128xf32, #tpu.memory_space<hbm>> -> memref<128x128xf32, #tpu.memory_space<hbm>>
      %dma_wait3A_60 = arith.constant 0 : i32
      %dma_wait3A_61 = tpu.memref_slice %arg3[%mul3A_49, %dma_wait3A_60] : memref<327680x128xf32, #tpu.memory_space<hbm>> -> memref<128x128xf32, #tpu.memory_space<hbm>>
      tpu.wait_dma2 semaphore(%arg9 : memref<!tpu.dma_semaphore, #tpu.memory_space<semaphore_mem>>) src(%dma_wait3A_61 : memref<128x128xf32, #tpu.memory_space<hbm>>) dst(%arg7 : memref<128x128xf32, #tpu.memory_space<vmem>>)
      %dma_start3A_62 = arith.constant 0 : i32
      %dma_start3A_63 = arith.constant 0 : i32
      %dma_start3A_64 = tpu.memref_slice %arg5[%dma_start3A_62, %dma_start3A_63] : memref<1x128xi32, #tpu.memory_space<vmem>> -> memref<1x128xi32, #tpu.memory_space<vmem>>
      %dma_start3A_65 = tpu.memref_squeeze %dma_start3A_64 : memref<1x128xi32, #tpu.memory_space<vmem>> -> memref<128xi32, #tpu.memory_space<vmem>>
      %dma_start3A_66 = arith.constant 0 : i32
      %dma_start3A_67 = arith.constant 0 : i32
      %dma_start3A_68 = tpu.memref_slice %arg11[%dma_start3A_66, %dma_start3A_67] : memref<10112x128xf32, #tpu.memory_space<vmem_shared>> -> memref<10112x128xf32, #tpu.memory_space<vmem_shared>>
      tpu.enqueue_indirect_dma source(%arg7 : memref<128x128xf32, #tpu.memory_space<vmem>>) target(%dma_start3A_68 : memref<10112x128xf32, #tpu.memory_space<vmem_shared>>) offsets(%dma_start3A_65 : memref<128xi32, #tpu.memory_space<vmem>>) semaphore(%arg9 : memref<!tpu.dma_semaphore, #tpu.memory_space<semaphore_mem>>) {add = true}
      %dma_wait3A_69 = arith.constant 0 : i32
      %dma_wait3A_70 = tpu.memref_slice %arg3[%mul3A_54, %dma_wait3A_69] : memref<327680x128xf32, #tpu.memory_space<hbm>> -> memref<128x128xf32, #tpu.memory_space<hbm>>
      %dma_wait3A_71 = arith.constant 0 : i32
      %dma_wait3A_72 = tpu.memref_slice %arg3[%mul3A_54, %dma_wait3A_71] : memref<327680x128xf32, #tpu.memory_space<hbm>> -> memref<128x128xf32, #tpu.memory_space<hbm>>
      tpu.wait_dma2 semaphore(%arg10 : memref<!tpu.dma_semaphore, #tpu.memory_space<semaphore_mem>>) src(%dma_wait3A_72 : memref<128x128xf32, #tpu.memory_space<hbm>>) dst(%arg8 : memref<128x128xf32, #tpu.memory_space<vmem>>)
      %dma_start3A_73 = arith.constant 0 : i32
      %dma_start3A_74 = arith.constant 0 : i32
      %dma_start3A_75 = tpu.memref_slice %arg6[%dma_start3A_73, %dma_start3A_74] : memref<1x128xi32, #tpu.memory_space<vmem>> -> memref<1x128xi32, #tpu.memory_space<vmem>>
      %dma_start3A_76 = tpu.memref_squeeze %dma_start3A_75 : memref<1x128xi32, #tpu.memory_space<vmem>> -> memref<128xi32, #tpu.memory_space<vmem>>
      %dma_start3A_77 = arith.constant 0 : i32
      %dma_start3A_78 = arith.constant 0 : i32
      %dma_start3A_79 = tpu.memref_slice %arg11[%dma_start3A_77, %dma_start3A_78] : memref<10112x128xf32, #tpu.memory_space<vmem_shared>> -> memref<10112x128xf32, #tpu.memory_space<vmem_shared>>
      tpu.enqueue_indirect_dma source(%arg8 : memref<128x128xf32, #tpu.memory_space<vmem>>) target(%dma_start3A_79 : memref<10112x128xf32, #tpu.memory_space<vmem_shared>>) offsets(%dma_start3A_76 : memref<128xi32, #tpu.memory_space<vmem>>) semaphore(%arg10 : memref<!tpu.dma_semaphore, #tpu.memory_space<semaphore_mem>>) {add = true}
      %dma_wait3A_80 = arith.constant 0 : i32
      %dma_wait3A_81 = arith.constant 0 : i32
      %dma_wait3A_82 = tpu.memref_slice %arg5[%dma_wait3A_80, %dma_wait3A_81] : memref<1x128xi32, #tpu.memory_space<vmem>> -> memref<1x128xi32, #tpu.memory_space<vmem>>
      %dma_wait3A_83 = tpu.memref_squeeze %dma_wait3A_82 : memref<1x128xi32, #tpu.memory_space<vmem>> -> memref<128xi32, #tpu.memory_space<vmem>>
      %dma_wait3A_84 = arith.constant 0 : i32
      %dma_wait3A_85 = arith.constant 0 : i32
      %dma_wait3A_86 = tpu.memref_slice %arg11[%dma_wait3A_84, %dma_wait3A_85] : memref<10112x128xf32, #tpu.memory_space<vmem_shared>> -> memref<10112x128xf32, #tpu.memory_space<vmem_shared>>
      tpu.wait_indirect_dma semaphore(%arg9 : memref<!tpu.dma_semaphore, #tpu.memory_space<semaphore_mem>>) src(%arg7 : memref<128x128xf32, #tpu.memory_space<vmem>>) dst(%dma_wait3A_86 : memref<10112x128xf32, #tpu.memory_space<vmem_shared>>)
      %dma_wait3A_87 = arith.constant 0 : i32
      %dma_wait3A_88 = arith.constant 0 : i32
      %dma_wait3A_89 = tpu.memref_slice %arg6[%dma_wait3A_87, %dma_wait3A_88] : memref<1x128xi32, #tpu.memory_space<vmem>> -> memref<1x128xi32, #tpu.memory_space<vmem>>
      %dma_wait3A_90 = tpu.memref_squeeze %dma_wait3A_89 : memref<1x128xi32, #tpu.memory_space<vmem>> -> memref<128xi32, #tpu.memory_space<vmem>>
      %dma_wait3A_91 = arith.constant 0 : i32
      %dma_wait3A_92 = arith.constant 0 : i32
      %dma_wait3A_93 = tpu.memref_slice %arg11[%dma_wait3A_91, %dma_wait3A_92] : memref<10112x128xf32, #tpu.memory_space<vmem_shared>> -> memref<10112x128xf32, #tpu.memory_space<vmem_shared>>
      tpu.wait_indirect_dma semaphore(%arg10 : memref<!tpu.dma_semaphore, #tpu.memory_space<semaphore_mem>>) src(%arg8 : memref<128x128xf32, #tpu.memory_space<vmem>>) dst(%dma_wait3A_93 : memref<10112x128xf32, #tpu.memory_space<vmem_shared>>)
      %scan3A_94 = arith.constant 0 : i32
      scf.yield %scan3A_94 : i32
    }
    %scan3A_33 = arith.constant 40 : i32
    %barrier3A_34 = arith.constant 0 : index
    tpu.barrier barrier_id(%barrier3A_34)
    %mul3A_35 = arith.constant 632 : i32
    %mul3A_36 = arith.muli %arg1, %mul3A_35 : i32
    %mul3A_37 = arith.constant 632 : i32
    %mul3A_38 = arith.muli %arg1, %mul3A_37 : i32
    "tpu.region"() ({
      %run_scoped3A = tpu.sem_alloc : memref<!tpu.dma_semaphore, #tpu.memory_space<semaphore_mem>>
      %dma_start3A = arith.constant 0 : i32
      %dma_start3A_39 = tpu.memref_slice %arg4[%arg0, %mul3A_38, %dma_start3A] : memref<2x10112x128xf32, #tpu.memory_space<hbm>> -> memref<1x632x128xf32, #tpu.memory_space<hbm>>
      %dma_start3A_40 = tpu.memref_squeeze %dma_start3A_39 : memref<1x632x128xf32, #tpu.memory_space<hbm>> -> memref<632x128xf32, #tpu.memory_space<hbm>>
      %dma_start3A_41 = arith.constant 0 : i32
      %dma_start3A_42 = tpu.memref_slice %arg11[%mul3A_36, %dma_start3A_41] : memref<10112x128xf32, #tpu.memory_space<vmem_shared>> -> memref<632x128xf32, #tpu.memory_space<vmem_shared>>
      tpu.enqueue_dma source(%dma_start3A_42 : memref<632x128xf32, #tpu.memory_space<vmem_shared>>) target(%dma_start3A_40 : memref<632x128xf32, #tpu.memory_space<hbm>>) target_semaphore(%run_scoped3A : memref<!tpu.dma_semaphore, #tpu.memory_space<semaphore_mem>>)
      %dma_wait3A = arith.constant 0 : i32
      %dma_wait3A_43 = tpu.memref_slice %arg4[%arg0, %mul3A_38, %dma_wait3A] : memref<2x10112x128xf32, #tpu.memory_space<hbm>> -> memref<1x632x128xf32, #tpu.memory_space<hbm>>
      %dma_wait3A_44 = tpu.memref_squeeze %dma_wait3A_43 : memref<1x632x128xf32, #tpu.memory_space<hbm>> -> memref<632x128xf32, #tpu.memory_space<hbm>>
      %dma_wait3A_45 = arith.constant 0 : i32
      %dma_wait3A_46 = tpu.memref_slice %arg11[%mul3A_36, %dma_wait3A_45] : memref<10112x128xf32, #tpu.memory_space<vmem_shared>> -> memref<632x128xf32, #tpu.memory_space<vmem_shared>>
      tpu.wait_dma2 semaphore(%run_scoped3A : memref<!tpu.dma_semaphore, #tpu.memory_space<semaphore_mem>>) src(%dma_wait3A_46 : memref<632x128xf32, #tpu.memory_space<vmem_shared>>) dst(%dma_wait3A_44 : memref<632x128xf32, #tpu.memory_space<hbm>>)
      tpu.yield
    }) : () -> ()
    return
  }
}

module attributes {stable_mosaic.version = 14 : i64} {
  func.func @_edge_tc_body(%arg0: i32, %arg1: memref<2000x128xf32, #tpu.memory_space<vmem>>, %arg2: memref<2000x128xf32, #tpu.memory_space<vmem>>, %arg3: memref<128x128xf32, #tpu.memory_space<vmem>>, %arg4: memref<128x128xf32, #tpu.memory_space<vmem>>, %arg5: memref<2000x128xf32, #tpu.memory_space<vmem>>, %arg6: memref<2000x128xf32, #tpu.memory_space<vmem>>) attributes {dimension_semantics = [#tpu.dimension_semantics<parallel>], iteration_bounds = array<i64: 160>, scalar_prefetch = 0 : i64, scratch_operands = 0 : i64, tpu.core_type = #tpu.core_type<tc>, window_params = [{transform_indices = @transform_0, window_bounds = array<i64: 2000, 128>}, {transform_indices = @transform_1, window_bounds = array<i64: 2000, 128>}, {pipeline_mode = #tpu.pipeline_mode<synchronous>, transform_indices = @transform_2, window_bounds = array<i64: 128, 128>}, {pipeline_mode = #tpu.pipeline_mode<synchronous>, transform_indices = @transform_3, window_bounds = array<i64: 128, 128>}, {transform_indices = @transform_4, window_bounds = array<i64: 2000, 128>}, {transform_indices = @transform_5, window_bounds = array<i64: 2000, 128>}]} {
    %get3A = arith.constant 0 : index
    %get3A_0 = arith.constant 0 : index
    %get3A_1 = vector.load %arg2[%get3A, %get3A_0] : memref<2000x128xf32, #tpu.memory_space<vmem>>, vector<2000x128xf32>
    %get3A_2 = arith.constant 0 : index
    %get3A_3 = arith.constant 0 : index
    %get3A_4 = vector.load %arg1[%get3A_2, %get3A_3] : memref<2000x128xf32, #tpu.memory_space<vmem>>, vector<2000x128xf32>
    %add3A = arith.addf %get3A_4, %get3A_1 : vector<2000x128xf32>
    %get3A_5 = arith.constant 0 : index
    %get3A_6 = arith.constant 0 : index
    %get3A_7 = vector.load %arg3[%get3A_5, %get3A_6] : memref<128x128xf32, #tpu.memory_space<vmem>>, vector<128x128xf32>
    %dot_general3A = arith.constant dense<0.000000e+00> : vector<2000x128xf32>
    %dot_general3A_8 = tpu.matmul %add3A, %get3A_7, %dot_general3A {dimension_numbers = #tpu.dot_dimension_numbers<[1], [0], [0], [1], [0, 0, 1, 1], [], []>, transpose_lhs_hint = false} : vector<2000x128xf32>, vector<128x128xf32>, vector<2000x128xf32> -> vector<2000x128xf32>
    %max3A = arith.constant 0.000000e+00 : f32
    %max3A_9 = vector.broadcast %max3A : f32 to vector<2000x128xf32>
    %max3A_10 = arith.maximumf %dot_general3A_8, %max3A_9 : vector<2000x128xf32>
    %swap3A = arith.constant 0 : index
    %swap3A_11 = arith.constant 0 : index
    %swap3A_12 = vector.load %arg5[%swap3A, %swap3A_11] : memref<2000x128xf32, #tpu.memory_space<vmem>>, vector<2000x128xf32>
    tpu.vector_store %arg5[%swap3A, %swap3A_11], %max3A_10 {strides = array<i32>} : memref<2000x128xf32, #tpu.memory_space<vmem>>, vector<2000x128xf32>,
    %get3A_13 = arith.constant 0 : index
    %get3A_14 = arith.constant 0 : index
    %get3A_15 = vector.load %arg4[%get3A_13, %get3A_14] : memref<128x128xf32, #tpu.memory_space<vmem>>, vector<128x128xf32>
    %dot_general3A_16 = arith.constant dense<0.000000e+00> : vector<2000x128xf32>
    %dot_general3A_17 = tpu.matmul %get3A_1, %get3A_15, %dot_general3A_16 {dimension_numbers = #tpu.dot_dimension_numbers<[1], [0], [0], [1], [0, 0, 1, 1], [], []>, transpose_lhs_hint = false} : vector<2000x128xf32>, vector<128x128xf32>, vector<2000x128xf32> -> vector<2000x128xf32>
    %add3A_18 = arith.addf %dot_general3A_17, %max3A_10 : vector<2000x128xf32>
    %max3A_19 = arith.constant 0.000000e+00 : f32
    %max3A_20 = vector.broadcast %max3A_19 : f32 to vector<2000x128xf32>
    %max3A_21 = arith.maximumf %add3A_18, %max3A_20 : vector<2000x128xf32>
    %swap3A_22 = arith.constant 0 : index
    %swap3A_23 = arith.constant 0 : index
    %swap3A_24 = vector.load %arg6[%swap3A_22, %swap3A_23] : memref<2000x128xf32, #tpu.memory_space<vmem>>, vector<2000x128xf32>
    tpu.vector_store %arg6[%swap3A_22, %swap3A_23], %max3A_21 {strides = array<i32>} : memref<2000x128xf32, #tpu.memory_space<vmem>>, vector<2000x128xf32>,
    return
  }
  func.func @transform_0(%arg0: i32) -> (i32, i32) {
    %c0_i32 = arith.constant 0 : i32
    %c0_i32_0 = arith.constant 0 : i32
    return %arg0, %c0_i32 : i32, i32
  }
  func.func @transform_1(%arg0: i32) -> (i32, i32) {
    %c0_i32 = arith.constant 0 : i32
    %c0_i32_0 = arith.constant 0 : i32
    return %arg0, %c0_i32 : i32, i32
  }
  func.func @transform_2(%arg0: i32) -> (i32, i32) {
    %c0_i32 = arith.constant 0 : i32
    %c0_i32_0 = arith.constant 0 : i32
    %c0_i32_1 = arith.constant 0 : i32
    return %c0_i32, %c0_i32_0 : i32, i32
  }
  func.func @transform_3(%arg0: i32) -> (i32, i32) {
    %c0_i32 = arith.constant 0 : i32
    %c0_i32_0 = arith.constant 0 : i32
    %c0_i32_1 = arith.constant 0 : i32
    return %c0_i32, %c0_i32_0 : i32, i32
  }
  func.func @transform_4(%arg0: i32) -> (i32, i32) {
    %c0_i32 = arith.constant 0 : i32
    %c0_i32_0 = arith.constant 0 : i32
    return %arg0, %c0_i32 : i32, i32
  }
  func.func @transform_5(%arg0: i32) -> (i32, i32) {
    %c0_i32 = arith.constant 0 : i32
    %c0_i32_0 = arith.constant 0 : i32
    return %arg0, %c0_i32 : i32, i32
  }
}

module attributes {stable_mosaic.version = 14 : i64} {
  func.func @_node_tc_body(%arg0: i32, %arg1: memref<2000x128xf32, #tpu.memory_space<vmem>>, %arg2: memref<128x128xf32, #tpu.memory_space<vmem>>, %arg3: memref<2x2000x128xf32, #tpu.memory_space<vmem>>, %arg4: memref<2000x128xf32, #tpu.memory_space<vmem>>) attributes {dimension_semantics = [#tpu.dimension_semantics<parallel>], iteration_bounds = array<i64: 5>, scalar_prefetch = 0 : i64, scratch_operands = 0 : i64, tpu.core_type = #tpu.core_type<tc>, window_params = [{transform_indices = @transform_0, window_bounds = array<i64: 2000, 128>}, {pipeline_mode = #tpu.pipeline_mode<synchronous>, transform_indices = @transform_1, window_bounds = array<i64: 128, 128>}, {transform_indices = @transform_2, window_bounds = array<i64: 2, 2000, 128>}, {transform_indices = @transform_3, window_bounds = array<i64: 2000, 128>}]} {
    %get3A = arith.constant 0 : index
    %get3A_0 = arith.constant 0 : index
    %get3A_1 = arith.constant 0 : index
    %get3A_2 = vector.load %arg3[%get3A, %get3A_0, %get3A_1] : memref<2x2000x128xf32, #tpu.memory_space<vmem>>, vector<1x2000x128xf32>
    %get3A_3 = vector.shape_cast %get3A_2 : vector<1x2000x128xf32> to vector<2000x128xf32>
    %get3A_4 = arith.constant 1 : index
    %get3A_5 = arith.constant 0 : index
    %get3A_6 = arith.constant 0 : index
    %get3A_7 = vector.load %arg3[%get3A_4, %get3A_5, %get3A_6] : memref<2x2000x128xf32, #tpu.memory_space<vmem>>, vector<1x2000x128xf32>
    %get3A_8 = vector.shape_cast %get3A_7 : vector<1x2000x128xf32> to vector<2000x128xf32>
    %add3A = arith.addf %get3A_3, %get3A_8 : vector<2000x128xf32>
    %get3A_9 = arith.constant 0 : index
    %get3A_10 = arith.constant 0 : index
    %get3A_11 = vector.load %arg1[%get3A_9, %get3A_10] : memref<2000x128xf32, #tpu.memory_space<vmem>>, vector<2000x128xf32>
    %get3A_12 = arith.constant 0 : index
    %get3A_13 = arith.constant 0 : index
    %get3A_14 = vector.load %arg2[%get3A_12, %get3A_13] : memref<128x128xf32, #tpu.memory_space<vmem>>, vector<128x128xf32>
    %dot_general3A = arith.constant dense<0.000000e+00> : vector<2000x128xf32>
    %dot_general3A_15 = tpu.matmul %get3A_11, %get3A_14, %dot_general3A {dimension_numbers = #tpu.dot_dimension_numbers<[1], [0], [0], [1], [0, 0, 1, 1], [], []>, transpose_lhs_hint = false} : vector<2000x128xf32>, vector<128x128xf32>, vector<2000x128xf32> -> vector<2000x128xf32>
    %add3A_16 = arith.addf %dot_general3A_15, %add3A : vector<2000x128xf32>
    %max3A = arith.constant 0.000000e+00 : f32
    %max3A_17 = vector.broadcast %max3A : f32 to vector<2000x128xf32>
    %max3A_18 = arith.maximumf %add3A_16, %max3A_17 : vector<2000x128xf32>
    %swap3A = arith.constant 0 : index
    %swap3A_19 = arith.constant 0 : index
    %swap3A_20 = vector.load %arg4[%swap3A, %swap3A_19] : memref<2000x128xf32, #tpu.memory_space<vmem>>, vector<2000x128xf32>
    tpu.vector_store %arg4[%swap3A, %swap3A_19], %max3A_18 {strides = array<i32>} : memref<2000x128xf32, #tpu.memory_space<vmem>>, vector<2000x128xf32>,
    return
  }
  func.func @transform_0(%arg0: i32) -> (i32, i32) {
    %c0_i32 = arith.constant 0 : i32
    %c0_i32_0 = arith.constant 0 : i32
    return %arg0, %c0_i32 : i32, i32
  }
  func.func @transform_1(%arg0: i32) -> (i32, i32) {
    %c0_i32 = arith.constant 0 : i32
    %c0_i32_0 = arith.constant 0 : i32
    %c0_i32_1 = arith.constant 0 : i32
    return %c0_i32, %c0_i32_0 : i32, i32
  }
  func.func @transform_2(%arg0: i32) -> (i32, i32, i32) {
    %c0_i32 = arith.constant 0 : i32
    %c0_i32_0 = arith.constant 0 : i32
    %c0_i32_1 = arith.constant 0 : i32
    return %c0_i32, %arg0, %c0_i32_0 : i32, i32, i32
  }
  func.func @transform_3(%arg0: i32) -> (i32, i32) {
    %c0_i32 = arith.constant 0 : i32
    %c0_i32_0 = arith.constant 0 : i32
    return %arg0, %c0_i32 : i32, i32
  }
}

module attributes {stable_mosaic.version = 14 : i64} {
  func.func @_edge_tc_body(%arg0: i32, %arg1: memref<2000x128xf32, #tpu.memory_space<vmem>>, %arg2: memref<2000x128xf32, #tpu.memory_space<vmem>>, %arg3: memref<128x128xf32, #tpu.memory_space<vmem>>, %arg4: memref<128x128xf32, #tpu.memory_space<vmem>>, %arg5: memref<2000x128xf32, #tpu.memory_space<vmem>>, %arg6: memref<2000x128xf32, #tpu.memory_space<vmem>>) attributes {dimension_semantics = [#tpu.dimension_semantics<parallel>], iteration_bounds = array<i64: 160>, scalar_prefetch = 0 : i64, scratch_operands = 0 : i64, tpu.core_type = #tpu.core_type<tc>, window_params = [{transform_indices = @transform_0, window_bounds = array<i64: 2000, 128>}, {transform_indices = @transform_1, window_bounds = array<i64: 2000, 128>}, {pipeline_mode = #tpu.pipeline_mode<synchronous>, transform_indices = @transform_2, window_bounds = array<i64: 128, 128>}, {pipeline_mode = #tpu.pipeline_mode<synchronous>, transform_indices = @transform_3, window_bounds = array<i64: 128, 128>}, {transform_indices = @transform_4, window_bounds = array<i64: 2000, 128>}, {transform_indices = @transform_5, window_bounds = array<i64: 2000, 128>}]} {
    %get3A = arith.constant 0 : index
    %get3A_0 = arith.constant 0 : index
    %get3A_1 = vector.load %arg2[%get3A, %get3A_0] : memref<2000x128xf32, #tpu.memory_space<vmem>>, vector<2000x128xf32>
    %get3A_2 = arith.constant 0 : index
    %get3A_3 = arith.constant 0 : index
    %get3A_4 = vector.load %arg1[%get3A_2, %get3A_3] : memref<2000x128xf32, #tpu.memory_space<vmem>>, vector<2000x128xf32>
    %add3A = arith.addf %get3A_4, %get3A_1 : vector<2000x128xf32>
    %get3A_5 = arith.constant 0 : index
    %get3A_6 = arith.constant 0 : index
    %get3A_7 = vector.load %arg3[%get3A_5, %get3A_6] : memref<128x128xf32, #tpu.memory_space<vmem>>, vector<128x128xf32>
    %dot_general3A = arith.constant dense<0.000000e+00> : vector<2000x128xf32>
    %dot_general3A_8 = tpu.matmul %add3A, %get3A_7, %dot_general3A {dimension_numbers = #tpu.dot_dimension_numbers<[1], [0], [0], [1], [0, 0, 1, 1], [], []>, transpose_lhs_hint = false} : vector<2000x128xf32>, vector<128x128xf32>, vector<2000x128xf32> -> vector<2000x128xf32>
    %max3A = arith.constant 0.000000e+00 : f32
    %max3A_9 = vector.broadcast %max3A : f32 to vector<2000x128xf32>
    %max3A_10 = arith.maximumf %dot_general3A_8, %max3A_9 : vector<2000x128xf32>
    %swap3A = arith.constant 0 : index
    %swap3A_11 = arith.constant 0 : index
    %swap3A_12 = vector.load %arg5[%swap3A, %swap3A_11] : memref<2000x128xf32, #tpu.memory_space<vmem>>, vector<2000x128xf32>
    tpu.vector_store %arg5[%swap3A, %swap3A_11], %max3A_10 {strides = array<i32>} : memref<2000x128xf32, #tpu.memory_space<vmem>>, vector<2000x128xf32>,
    %get3A_13 = arith.constant 0 : index
    %get3A_14 = arith.constant 0 : index
    %get3A_15 = vector.load %arg4[%get3A_13, %get3A_14] : memref<128x128xf32, #tpu.memory_space<vmem>>, vector<128x128xf32>
    %dot_general3A_16 = arith.constant dense<0.000000e+00> : vector<2000x128xf32>
    %dot_general3A_17 = tpu.matmul %get3A_1, %get3A_15, %dot_general3A_16 {dimension_numbers = #tpu.dot_dimension_numbers<[1], [0], [0], [1], [0, 0, 1, 1], [], []>, transpose_lhs_hint = false} : vector<2000x128xf32>, vector<128x128xf32>, vector<2000x128xf32> -> vector<2000x128xf32>
    %add3A_18 = arith.addf %dot_general3A_17, %max3A_10 : vector<2000x128xf32>
    %max3A_19 = arith.constant 0.000000e+00 : f32
    %max3A_20 = vector.broadcast %max3A_19 : f32 to vector<2000x128xf32>
    %max3A_21 = arith.maximumf %add3A_18, %max3A_20 : vector<2000x128xf32>
    %swap3A_22 = arith.constant 0 : index
    %swap3A_23 = arith.constant 0 : index
    %swap3A_24 = vector.load %arg6[%swap3A_22, %swap3A_23] : memref<2000x128xf32, #tpu.memory_space<vmem>>, vector<2000x128xf32>
    tpu.vector_store %arg6[%swap3A_22, %swap3A_23], %max3A_21 {strides = array<i32>} : memref<2000x128xf32, #tpu.memory_space<vmem>>, vector<2000x128xf32>,
    return
  }
  func.func @transform_0(%arg0: i32) -> (i32, i32) {
    %c0_i32 = arith.constant 0 : i32
    %c0_i32_0 = arith.constant 0 : i32
    return %arg0, %c0_i32 : i32, i32
  }
  func.func @transform_1(%arg0: i32) -> (i32, i32) {
    %c0_i32 = arith.constant 0 : i32
    %c0_i32_0 = arith.constant 0 : i32
    return %arg0, %c0_i32 : i32, i32
  }
  func.func @transform_2(%arg0: i32) -> (i32, i32) {
    %c0_i32 = arith.constant 0 : i32
    %c0_i32_0 = arith.constant 0 : i32
    %c0_i32_1 = arith.constant 0 : i32
    return %c0_i32, %c0_i32_0 : i32, i32
  }
  func.func @transform_3(%arg0: i32) -> (i32, i32) {
    %c0_i32 = arith.constant 0 : i32
    %c0_i32_0 = arith.constant 0 : i32
    %c0_i32_1 = arith.constant 0 : i32
    return %c0_i32, %c0_i32_0 : i32, i32
  }
  func.func @transform_4(%arg0: i32) -> (i32, i32) {
    %c0_i32 = arith.constant 0 : i32
    %c0_i32_0 = arith.constant 0 : i32
    return %arg0, %c0_i32 : i32, i32
  }
  func.func @transform_5(%arg0: i32) -> (i32, i32) {
    %add3A = arith.constant 5 : i32
    %add3A_0 = arith.addi %arg0, %add3A : i32
    %c0_i32 = arith.constant 0 : i32
    %c0_i32_1 = arith.constant 0 : i32
    return %add3A_0, %c0_i32 : i32, i32
  }
}

module attributes {stable_mosaic.version = 14 : i64} {
  func.func @_node_final_body(%arg0: i32, %arg1: memref<2000x128xf32, #tpu.memory_space<vmem>>, %arg2: memref<2000x128xf32, #tpu.memory_space<vmem>>, %arg3: memref<128x128xf32, #tpu.memory_space<vmem>>, %arg4: memref<2x2000x128xf32, #tpu.memory_space<vmem>>, %arg5: memref<2000x128xf32, #tpu.memory_space<vmem>>) attributes {dimension_semantics = [#tpu.dimension_semantics<parallel>], iteration_bounds = array<i64: 5>, scalar_prefetch = 0 : i64, scratch_operands = 0 : i64, tpu.core_type = #tpu.core_type<tc>, window_params = [{transform_indices = @transform_0, window_bounds = array<i64: 2000, 128>}, {transform_indices = @transform_1, window_bounds = array<i64: 2000, 128>}, {pipeline_mode = #tpu.pipeline_mode<synchronous>, transform_indices = @transform_2, window_bounds = array<i64: 128, 128>}, {transform_indices = @transform_3, window_bounds = array<i64: 2, 2000, 128>}, {transform_indices = @transform_4, window_bounds = array<i64: 2000, 128>}]} {
    %get3A = arith.constant 0 : index
    %get3A_0 = arith.constant 0 : index
    %get3A_1 = arith.constant 0 : index
    %get3A_2 = vector.load %arg4[%get3A, %get3A_0, %get3A_1] : memref<2x2000x128xf32, #tpu.memory_space<vmem>>, vector<1x2000x128xf32>
    %get3A_3 = vector.shape_cast %get3A_2 : vector<1x2000x128xf32> to vector<2000x128xf32>
    %get3A_4 = arith.constant 1 : index
    %get3A_5 = arith.constant 0 : index
    %get3A_6 = arith.constant 0 : index
    %get3A_7 = vector.load %arg4[%get3A_4, %get3A_5, %get3A_6] : memref<2x2000x128xf32, #tpu.memory_space<vmem>>, vector<1x2000x128xf32>
    %get3A_8 = vector.shape_cast %get3A_7 : vector<1x2000x128xf32> to vector<2000x128xf32>
    %add3A = arith.addf %get3A_3, %get3A_8 : vector<2000x128xf32>
    %get3A_9 = arith.constant 0 : index
    %get3A_10 = arith.constant 0 : index
    %get3A_11 = vector.load %arg2[%get3A_9, %get3A_10] : memref<2000x128xf32, #tpu.memory_space<vmem>>, vector<2000x128xf32>
    %get3A_12 = arith.constant 0 : index
    %get3A_13 = arith.constant 0 : index
    %get3A_14 = vector.load %arg3[%get3A_12, %get3A_13] : memref<128x128xf32, #tpu.memory_space<vmem>>, vector<128x128xf32>
    %dot_general3A = arith.constant dense<0.000000e+00> : vector<2000x128xf32>
    %dot_general3A_15 = tpu.matmul %get3A_11, %get3A_14, %dot_general3A {dimension_numbers = #tpu.dot_dimension_numbers<[1], [0], [0], [1], [0, 0, 1, 1], [], []>, transpose_lhs_hint = false} : vector<2000x128xf32>, vector<128x128xf32>, vector<2000x128xf32> -> vector<2000x128xf32>
    %add3A_16 = arith.addf %dot_general3A_15, %add3A : vector<2000x128xf32>
    %max3A = arith.constant 0.000000e+00 : f32
    %max3A_17 = vector.broadcast %max3A : f32 to vector<2000x128xf32>
    %max3A_18 = arith.maximumf %add3A_16, %max3A_17 : vector<2000x128xf32>
    %swap3A = arith.constant 0 : index
    %swap3A_19 = arith.constant 0 : index
    %swap3A_20 = vector.load %arg5[%swap3A, %swap3A_19] : memref<2000x128xf32, #tpu.memory_space<vmem>>, vector<2000x128xf32>
    tpu.vector_store %arg5[%swap3A, %swap3A_19], %max3A_18 {strides = array<i32>} : memref<2000x128xf32, #tpu.memory_space<vmem>>, vector<2000x128xf32>,
    return
  }
  func.func @transform_0(%arg0: i32) -> (i32, i32) {
    %c0_i32 = arith.constant 0 : i32
    %c0_i32_0 = arith.constant 0 : i32
    return %arg0, %c0_i32 : i32, i32
  }
  func.func @transform_1(%arg0: i32) -> (i32, i32) {
    %c0_i32 = arith.constant 0 : i32
    %c0_i32_0 = arith.constant 0 : i32
    return %arg0, %c0_i32 : i32, i32
  }
  func.func @transform_2(%arg0: i32) -> (i32, i32) {
    %c0_i32 = arith.constant 0 : i32
    %c0_i32_0 = arith.constant 0 : i32
    %c0_i32_1 = arith.constant 0 : i32
    return %c0_i32, %c0_i32_0 : i32, i32
  }
  func.func @transform_3(%arg0: i32) -> (i32, i32, i32) {
    %c0_i32 = arith.constant 0 : i32
    %c0_i32_0 = arith.constant 0 : i32
    %c0_i32_1 = arith.constant 0 : i32
    return %c0_i32, %arg0, %c0_i32_0 : i32, i32, i32
  }
  func.func @transform_4(%arg0: i32) -> (i32, i32) {
    %c0_i32 = arith.constant 0 : i32
    %c0_i32_0 = arith.constant 0 : i32
    return %arg0, %c0_i32 : i32, i32
  }
}

</mosaic_0001>

<sc_bundles>
// kernel: kernel.11.cloned.1.call-start
scs
__scs_entry_jumppad:
0x0: {  	(pc) =	sbr.rel $0x88, $3  }
0x1: {  	(tag) =	ssettag $0x0;
	lr =	simm.s32 $0x1  }
0x2: {  	[smem:$0x3F98] =	sst lr;
	_ =	strace $0xD0000000  }
0x3: {  	_ = 	snop  }
0x4: {  	_ = 	snop  }
0x5: {  	_ = 	snop  }
0x6: {  	_ = 	snop  }
0x7: {  	_ = 	snop  }
__scs_overlays_trampoline_lowered:
0x8: {  	[smem:$0x3FA7] =	sst s0  }
0x9: {  	[smem:$0x3FA8] =	sst s1  }
0xa: {  	[smem:$0x3FA9] =	sst s2  }
0xb: {  	[smem:$0x3FAA] =	sst s3  }
0xc: {  	[smem:$0x3FAB] =	sst s4  }
0xd: {  	[smem:$0x3FAC] =	sst s5  }
0xe: {  	[smem:$0x3FAD] =	sst s6  }
0xf: {  	[smem:$0x3FAE] =	sst s7  }
0x10: {  	[smem:$0x3FAF] =	sst s8  }
0x11: {  	[smem:$0x3FB0] =	sst s9;
	s0 =	simm.s32 @!p0 $0x0  }
0x12: {  	s1 =	sld [smem:$0x3F96];
	s0 =	simm.s32 @p0 $0x1  }
0x13: {  	[smem:$0x3FB1] =	sst s0;
	s0 =	simm.s32 @!p1 $0x0  }
0x14: {  	s2 =	sld [smem:$0x3F95];
	s0 =	simm.s32 @p1 $0x1  }
0x15: {  	[smem:$0x3FB2] =	sst s0;
	s0 =	simm.s32 @!p2 $0x0  }
0x16: {  	s3 =	sld [smem:$0x3FDB];
	s0 =	simm.s32 @p2 $0x1  }
0x17: {  	s4 =	simm.s32 $0x1BF5;
	[smem:$0x3FB4] =	sst s0  }
0x18: {  	s0 =	sld [smem:$0x3F97];
	_ =	swait.ge [sflag:s4], $0x0  }
0x19: {  	s7 =	sld [smem:$0x3F98]  }
0x1a: {  	s8 =	sadd.s32 $0xFFFFE003, lr  }
0x1b: {  	s9 =	sadd.s32 $0xFFFFFEF7, lr;
	s5 =	simm.s32 $0xFFFFFFFF;
	p2 =	slt.u32 s8, $0xFFFFF086  }
0x1c: {  	p1 =	slt.u32 s9, $0xF7A;
	s5 =	simm.s32 @!p2 $0x0  }
0x1d: {  	s5 =	simm.s32 @p1 $0x1;
	p0 =	seq.s32 s7, s2  }
0x1e: {  	s7 =	smul.u32 @!p0 $0xF7A, s2;
	p2 =	seq.s32 @!p0 s5, $0x0  }
0x1f: {  	s9 =	smul.u32 $0xF7A, s1;
	s8 =	simm.s32 @!p0 $0x1BF5;
	p2 =	por !p2, p0  }
0x20: {  	[sflag:s8] =	ssyncset.s32 @!p0 $0xFFFFF086;
	s6 =	sadd.s32 @!p0 s3, s7;
	s7 =	simm.s32 @!p0 $0x108  }
0x21: {  	s3 =	sadd.s32 s3, s9;
	s6 =	sadd.s32 @!p0 $0x88, s6;
	s7 =	simm.s32 @p2 $0x1082  }
0x22: {  	[simem:s7], [sflag:s8] =	dma.local @!p0 [hbm:s6], $0xF7A  }
0x23: {  	s9 =	sor.u32 $0xD0000000, s2;
	s6 =	simm.s32 $0x108;
	_ =	swait.ge @!p0 [sflag:s8], $0x0  }
0x24: {  	s3 =	sadd.s32 $0x88, s3;
	s6 =	simm.s32 @!p1 $0x1082;
	[sflag:s4] =	ssyncset.s32 $0xFFFFF086  }
0x25: {  	[simem:s6], [sflag:s4] =	dma.local [hbm:s3], $0xF7A  }
0x26: {  	[smem:$0x3F98] =	sst s1;
	(tag) =	ssettag s2;
	_ =	strace s9  }
0x27: {  	s1 =	sld [smem:$0x3FA8]  }
0x28: {  	s2 =	sld [smem:$0x3FA9]  }
0x29: {  	s4 =	sld [smem:$0x3FAB]  }
0x2a: {  	p0 =	seq.s32 s5, $0x0;
	s5 =	sld [smem:$0x3FAC]  }
0x2b: {  	s6 =	sld [smem:$0x3FAD]  }
0x2c: {  	s7 =	sld [smem:$0x3FAE]  }
0x2d: {  	s3 =	simm.s32 $0x108;
	s8 =	sld [smem:$0x3FAF]  }
0x2e: {  	s3 =	simm.s32 @!p0 $0x1082;
	s9 =	sld [smem:$0x3FB0]  }
0x2f: {  	lr =	sadd.s32 s0, s3;
	s0 =	sld [smem:$0x3FA7]  }
0x30: {  	s3 =	sld [smem:$0x3FAA]  }
0x31: {  	[smem:$0x3FB3] =	sst s10  }
0x32: {  	s10 =	sld [smem:$0x3FB1];
	_ =	sdelay $0x3  }
0x33: {  	p0 =	seq.s32 s10, $0x1;
	s10 =	sld [smem:$0x3FB3];
	_ =	sdelay $0x3  }
0x34: {  	[smem:$0x3FB3] =	sst s10  }
0x35: {  	s10 =	sld [smem:$0x3FB2];
	_ =	sdelay $0x3  }
0x36: {  	p1 =	seq.s32 s10, $0x1;
	s10 =	sld [smem:$0x3FB3];
	_ =	sdelay $0x3  }
0x37: {  	[smem:$0x3FB3] =	sst s10  }
0x38: {  	s10 =	sld [smem:$0x3FB4]  }
0x39: {  	_ = 	snop;
	(pc) =	sbr.ind lr, $3  }
0x3a: {  	_ = 	snop  }
0x3b: {  	_ = 	snop  }
0x3c: {  	p2 =	seq.s32 s10, $0x1;
	s10 =	sld [smem:$0x3FB3]  }
0x3d: {  	_ =	shalt  }
0x3e: {  	_ =	shalt  }
0x3f: {  	_ =	shalt  }
0x40: {  	_ =	shalt  }
0x41: {  	_ =	shalt  }
0x42: {  	_ =	shalt  }
0x43: {  	_ =	shalt  }
0x44: {  	_ =	shalt  }
0x45: {  	_ =	shalt  }
0x46: {  	_ =	shalt  }
0x47: {  	_ =	shalt  }
0x48: {  	_ =	shalt  }
0x49: {  	_ =	shalt  }
0x4a: {  	_ =	shalt  }
0x4b: {  	_ =	shalt  }
0x4c: {  	_ =	shalt  }
0x4d: {  	_ =	shalt  }
0x4e: {  	_ =	shalt  }
0x4f: {  	_ =	shalt  }
0x50: {  	_ =	shalt  }
0x51: {  	_ =	shalt  }
0x52: {  	_ =	shalt  }
0x53: {  	_ =	shalt  }
0x54: {  	_ =	shalt  }
0x55: {  	_ =	shalt  }
0x56: {  	_ =	shalt  }
0x57: {  	_ =	shalt  }
0x58: {  	_ =	shalt  }
0x59: {  	_ =	shalt  }
0x5a: {  	_ =	shalt  }
0x5b: {  	_ =	shalt  }
0x5c: {  	_ =	shalt  }
0x5d: {  	_ =	shalt  }
0x5e: {  	_ =	shalt  }
0x5f: {  	_ =	shalt  }
0x60: {  	_ =	shalt  }
0x61: {  	_ =	shalt  }
0x62: {  	_ =	shalt  }
0x63: {  	_ =	shalt  }
0x64: {  	_ =	shalt  }
0x65: {  	_ =	shalt  }
0x66: {  	_ =	shalt  }
0x67: {  	_ =	shalt  }
0x68: {  	_ =	shalt  }
0x69: {  	_ =	shalt  }
0x6a: {  	_ =	shalt  }
0x6b: {  	_ =	shalt  }
0x6c: {  	_ =	shalt  }
0x6d: {  	_ =	shalt  }
0x6e: {  	_ =	shalt  }
0x6f: {  	_ =	shalt  }
0x70: {  	_ =	shalt  }
0x71: {  	_ =	shalt  }
0x72: {  	_ =	shalt  }
0x73: {  	_ =	shalt  }
0x74: {  	_ =	shalt  }
0x75: {  	_ =	shalt  }
0x76: {  	_ =	shalt  }
0x77: {  	_ =	shalt  }
0x78: {  	_ =	shalt  }
0x79: {  	_ =	shalt  }
0x7a: {  	_ =	shalt  }
0x7b: {  	_ =	shalt  }
0x7c: {  	_ =	shalt  }
0x7d: {  	_ =	shalt  }
0x7e: {  	_ =	shalt  }
0x7f: {  	_ =	shalt  }
0x80: {  	_ =	shalt  }
0x81: {  	_ =	shalt  }
0x82: {  	_ =	shalt  }
0x83: {  	_ =	shalt  }
0x84: {  	_ =	shalt  }
0x85: {  	_ =	shalt  }
0x86: {  	_ =	shalt  }
0x87: {  	_ =	shalt  }
.Lfunc_end0:
.L_simem_size_0:
called_computation_lowered:
.L_overlay_start_0:
0x88: {  	s2 =	sld [smem:$0x3FD9]  }
0x89: {  	s3 =	sld [smem:$0x3FFE];
	_ =	sdelay $0x1  }
0x8a: {  	s1 =	srdreg.scid  }
0x8b: {  	s0 =	sand.u32 $0x1, s1  }
0x8c: {  	s17 =	sshll.u32 s0, $0xA;
	s2 =	sadd.s32 s3, s2  }
0x8d: {  	s2 =	sadd.s32 s2, s17  }
0x8e: {  	[smem:$0x3FBF] =	sst s2  }
0x8f: {  	_ = 	snop  }
0x90: {  	s2 =	sld [smem:$0x3FC7]  }
0x91: {  	s18 =	sld [smem:$0x3FD0];
	(tm) =	ssettm $0x1  }
0x92: {  	s4 =	sld [smem:$0x3FFB];
	_ =	sdelay $0x3  }
0x93: {  	_ =	strace s4  }
0x94: {  	s4 =	sld [smem:$0x3FFC];
	_ =	sdelay $0x3  }
0x95: {  	_ =	strace s4  }
0x96: {  	s4 =	sld [smem:$0x3FFD];
	_ =	sdelay $0x3  }
0x97: {  	_ =	strace s4  }
0x98: {  	_ =	strace $0x8FFFFFFF  }
0x99: {  	s19 =	sld [smem:$0x3FDB];
	_ =	sdelay $0x1  }
0x9a: {  	s5 =	simm.s32 $_scs_section_size  }
0x9b: {  	s6 =	simm.s32 $_size__tile_overlayer_lowered;
	s7 =	simm.s32 $_tile_overlayer_lowered  }
0x9c: {  	s22 =	simm.s32 $0x1BFF;
	s21 =	sshll.u32 s7, $0x1;
	s4 =	sadd.s32 s5, s19  }
0x9d: {  	s8 =	simm.s32 $0x0;
	s20 =	sshll.u32 s6, $0x1;
	s6 =	sadd.s32 s21, s4  }
0x9e: {  	[timem:s8], [sflag:s22] =	dma.local [hbm:s6], s20  }
0x9f: {  	_ =	swait.ge [sflag:s22], s20  }
0xa0: {  	s5 =	ssub.s32 $0x0, s20;
	[sflag:s22] =	ssyncset.done $0x0  }
0xa1: {  	[sflag:s22] =	ssyncadd.s32 s5;
	_ =	sdelay $0x1  }
0xa2: {  	s23 =	simm.s32 $0x1B8B  }
0xa3: {  	_ =	swait.ge [sflag:s23], $0x1  }
0xa4: {  	[sflag:s23] =	ssyncset.done $0x0  }
0xa5: {  	s25 =	simm.s32 $0x1B8E;
	s24 =	sld [smem:$0x3FFE];
	[sflag:s23] =	ssyncadd.s32 $0xFFFFFFFF  }
0xa6: {  	s26 =	simm.s32 $execute0_lowered;
	[smem:$0x3FD2] =	sst s25  }
0xa7: {  	s6 =	sshll.u32 s26, $0x1;
	_ =	strace $0x80000046;
	[dreg:$0x1] =	wrdreg $0xFFFFFFFF  }
0xa8: {  	s28 =	simm.s32 $_size_execute0_lowered;
	s4 =	sadd.s32 s4, s6;
	[dreg:$0x0] =	wrdreg $0x0  }
0xa9: {  	s6 =	sshll.u32 s28, $0x1;
	[dreg:$0x2] =	wrdreg s4  }
0xaa: {  	[dreg:$0x3] =	wrdreg s6  }
0xab: {  	[dreg:$0x4] =	wrdreg $0xC0  }
0xac: {  	_ =	task [dreg:s8], $0x5FFFF  }
0xad: {  	[dreg:$0x1] =	wrdreg $0xFFFFFFFF  }
0xae: {  	[dreg:$0x0] =	wrdreg $0x60  }
0xaf: {  	[dreg:$0x2] =	wrdreg s24  }
0xb0: {  	[dreg:$0x3] =	wrdreg s18  }
0xb1: {  	[dreg:$0x4] =	wrdreg s2  }
0xb2: {  	[dreg:$0x5] =	wrdreg $0x9  }
0xb3: {  	_ =	task.clear_ibuf [dreg:s8], $0x6FFFF;
	_ =	strace $0x90000046  }
0xb4: {  	s29 =	simm.s32 $0x9;
	_ =	strace $0x80000048  }
0xb5: {  	_ =	swait.ge [sflag:s29], $0x1  }
0xb6: {  	[sflag:s29] =	ssyncadd.s32 $0xFFFFFFFF  }
0xb7: {  	_ =	strace $0x90000048  }
0xb8: {  	_ =	sfence  }
0xb9: {  	s30 =	sld [smem:$0x0];
	_ =	sdelay $0x2  }
0xba: {  	s31 =	sshll.u32 s1, $0xD;
	s1 =	sshrl.u32 s1, $0x2  }
0xbb: {  	s3 =	sand.u32 $0x4000, s31;
	s1 =	sadd.s32 s1, s30  }
0xbc: {  	s0 =	sor.u32 s3, s0;
	s1 =	sshll.u32 s1, $0x11  }
0xbd: {  	s0 =	sor.u32 s1, s0  }
0xbe: {  	s0 =	sadd.s32 $0x8F2B, s0  }
0xbf: {  	[sflag:s0] =	ssyncadd.remote.s32 $0x1  }
0xc0: {  	_ =	sfence.sel $0xFFFF  }
0xc1: {  	[dreg:$0x0] =	wrdreg $0xFFFFFFFF;
	(pc) =	sbr.abs _section_cstart, $3  }
0xc2: {  	[dreg:$0x1] =	wrdreg $0xFFFFFFFF  }
0xc3: {  	_ =	task.clear_ibuf [dreg:s8], $0x2FFFF;
	_ =	strace $0x9FFFFFFF  }
0xc4: {  	(tm) =	ssettm $0x7FFFFFFF  }
0xc5: {  	_ =	shalt  }
tec
execute0_lowered:
.L_overlay_start_1:
0x0: {  	(tag) =	ssettag $0x1  }
0x1: {  	s0 =	rddreg [dreg:$0x0]  }
0x2: {  	s1 =	rddreg [dreg:$0x1]  }
0x3: {  	s2 =	rddreg [dreg:$0x2];
	s3 =	simm.s32 $0x0;
	s7 =	srdreg.scid  }
0x4: {  	s4 =	stileid.u32;
	s14 =	simm.s32 $0x4;
	s15 =	simm.s32 $0x80  }
0x5: {  	s16 =	simm.s32 $0x100;
	s17 =	simm.s32 $0x180;
	s18 =	simm.s32 $0x200  }
0x6: {  	s19 =	simm.s32 $0x4200;
	s20 =	simm.s32 $0x8200;
	s21 =	simm.s32 $0xC200  }
0x7: {  	s22 =	simm.s32 $0x1;
	s23 =	simm.s32 $0x2;
	s24 =	simm.s32 $0x3  }
0x8: {  	s25 =	simm.s32 $0x0;
	[smem:$0x7FF] =	sst s3;
	s5 =	sadd.s32 $0x2400, s0  }
0x9: {  	s6 =	sadd.s32 $0x1C00, s0;
	s9 =	sand.u32 $0x1, s7;
	s7 =	sadd.s32 $0x2C00, s0  }
0xa: {  	s11 =	sshll.u32 s4, $0x1;
	s8 =	sadd.s32 $0x50CC00, s0;
	s10 =	ssub.s32 $0x2, s9  }
0xb: {  	_ =	strace $0x80000047;
	s13 =	sor.u32 s9, s11;
	s12 =	sshrl.u32 s10, $0x1  }
0xc: {  	s9 =	sadd.s32 $0xCC00, s0;
	s11 =	sshll.u32 s4, $0x7;
	s31 =	ssub.s32 s10, s12  }
0xd: {  	s10 =	sshll.u32 s13, $0x2;
	s12 =	smul.u32 $0x50, s13;
	s13 =	smax.u32 s31, $0x1  }
.LBB2_1:
0xe: {  	p1 =	por $0x1, $0x1;
	s0 =	simm.s32 $0x0  }
.LBB2_2:
0xf: {  	s28 =	sor.u32 s10, s0  }
0x10: {  	s0 =	sshll.u32 s28, $0x4  }
0x11: {  	s0 =	sand.u32 $0x60, s0  }
0x12: {  	s0 =	sor.u32 s11, s0  }
0x13: {  	s29 =	simm.s32 $0x0;
	s26 =	sadd.s32 s5, s0  }
0x14: {  	[tilespmem:s29], [sflag:$0x4] =	stream.linear.gather [hbm4b:s26+s29], $0x80, $0x38;
	[tilespmem:$0x10200] =	vst v63  }
0x15: {  	_ =	swait.ge [sflag:s14], $0x80  }
0x16: {  	s26 =	sor.u32 $0x1, s28;
	[sflag:s14] =	ssyncset.done $0x0  }
0x17: {  	s0 =	sadd.s32 s6, s0;
	s31 =	sshll.u32 s26, $0x4;
	[sflag:s14] =	ssyncadd.s32 $0xFFFFFF80  }
0x18: {  	[tilespmem:s15], [sflag:$0x4] =	stream.linear.gather [hbm4b:s0+s29], $0x80, $0x38;
	[tilespmem:$0x10200] =	vst v63  }
0x19: {  	s0 =	sand.u32 $0x70, s31;
	_ =	swait.ge [sflag:s14], $0x80  }
0x1a: {  	s0 =	sor.u32 s11, s0;
	[sflag:s14] =	ssyncset.done $0x0  }
0x1b: {  	s30 =	sadd.s32 s5, s0;
	[sflag:s14] =	ssyncadd.s32 $0xFFFFFF80  }
0x1c: {  	[tilespmem:s16], [sflag:$0x4] =	stream.linear.gather [hbm4b:s30+s29], $0x80, $0x38;
	[tilespmem:$0x10200] =	vst v63  }
0x1d: {  	_ =	swait.ge [sflag:s14], $0x80  }
0x1e: {  	[sflag:s14] =	ssyncset.done $0x0  }
0x1f: {  	s0 =	sadd.s32 s6, s0;
	[sflag:s14] =	ssyncadd.s32 $0xFFFFFF80  }
0x20: {  	[tilespmem:s17], [sflag:$0x4] =	stream.linear.gather [hbm4b:s0+s29], $0x80, $0x38;
	[tilespmem:$0x10200] =	vst v63  }
0x21: {  	_ =	swait.ge [sflag:s14], $0x80  }
0x22: {  	[sflag:s14] =	ssyncset.done $0x0  }
0x23: {  	[sflag:s14] =	ssyncadd.s32 $0xFFFFFF80  }
0x24: {  	[tilespmem:s18], [sflag:$0x1] =	stream.indirect.gather [hbm4b:s2+s15], $0x80, s29, s15, $0xb8;
	[tilespmem:$0x10200] =	vst v63  }
0x25: {  	_ = 	snop  }
0x26: {  	[tilespmem:s19], [sflag:$0x1] =	stream.indirect.gather [hbm4b:s2+s15], $0x80, s15, s15, $0xb8;
	[tilespmem:$0x10200] =	vst v63  }
0x27: {  	_ = 	snop  }
0x28: {  	[tilespmem:s20], [sflag:$0x2] =	stream.indirect.gather [hbm4b:s2+s15], $0x80, s16, s15, $0xb8;
	[tilespmem:$0x10200] =	vst v63  }
0x29: {  	_ = 	snop  }
0x2a: {  	[tilespmem:s21], [sflag:$0x2] =	stream.indirect.gather [hbm4b:s2+s15], $0x80, s17, s15, $0xb8;
	[tilespmem:$0x10200] =	vst v63  }
0x2b: {  	_ =	swait.ge [sflag:s22], $0x4000  }
0x2c: {  	[sflag:s22] =	ssyncset.done $0x0  }
0x2d: {  	[sflag:s22] =	ssyncadd.s32 $0xFFFFC000  }
0x2e: {  	_ =	swait.ge [sflag:s22], $0x4000  }
0x2f: {  	[sflag:s22] =	ssyncset.done $0x0  }
0x30: {  	s29 =	simm.s32 $0x0;
	[sflag:s22] =	ssyncadd.s32 $0xFFFFC000  }
0x31: {  	v6 =	vld [tilespmem:s29+$0x4200]  }
0x32: {  	v11 =	vld [tilespmem:s29+$0x4210]  }
0x33: {  	v5 =	vld [tilespmem:s29+$0x4220]  }
0x34: {  	v4 =	vld [tilespmem:s29+$0x4230]  }
0x35: {  	v3 =	vld [tilespmem:s29+$0x4240]  }
0x36: {  	v2 =	vld [tilespmem:s29+$0x4250]  }
0x37: {  	v1 =	vld [tilespmem:s29+$0x4260]  }
0x38: {  	v0 =	vld [tilespmem:s29+$0x4270]  }
0x39: {  	v12 =	vld [tilespmem:s29+$0x200]  }
0x3a: {  	v13 =	vld [tilespmem:s29+$0x210]  }
0x3b: {  	v10 =	vld [tilespmem:s29+$0x220]  }
0x3c: {  	v9 =	vld [tilespmem:s29+$0x230]  }
0x3d: {  	v8 =	vld [tilespmem:s29+$0x240]  }
0x3e: {  	v7 =	vld [tilespmem:s29+$0x250];
	v12 =	vadd.f32 v6, v12  }
0x3f: {  	p0 =	por p1, p1;
	s30 =	simm.s32 $0x200;
	v11 =	vadd.f32 v11, v13;
	v6 =	vld [tilespmem:s29+$0x260]  }
.LBB2_3:
0x40: {  	s0 =	sshra.s32 s30, $0x2;
	p1 =	sne.s32 s30, $0xFE00;
	v12 =	vmul.f32 $5.000000000e-01, v12;
	v5 =	vadd.f32 v5, v10;
	v10 =	vld [tilespmem:s29+$0x270]  }
0x41: {  	v13 =	vld [tilespmem:s0+$0x4200];
	v11 =	vmul.f32 $5.000000000e-01, v11;
	v4 =	vadd.f32 v4, v9  }
0x42: {  	v14 =	vld [tilespmem:s0+$0x4210];
	[tilespmem:s29+$0x200] =	vst v12;
	v9 =	vmul.f32 $5.000000000e-01, v5;
	v3 =	vadd.f32 v3, v8  }
0x43: {  	v5 =	vld [tilespmem:s0+$0x4220];
	[tilespmem:s29+$0x210] =	vst v11;
	v8 =	vmul.f32 $5.000000000e-01, v4;
	v2 =	vadd.f32 v2, v7  }
0x44: {  	v4 =	vld [tilespmem:s0+$0x4230];
	[tilespmem:s29+$0x220] =	vst v9;
	v7 =	vmul.f32 $5.000000000e-01, v3;
	v1 =	vadd.f32 v1, v6  }
0x45: {  	v3 =	vld [tilespmem:s0+$0x4240];
	[tilespmem:s29+$0x230] =	vst v8;
	v6 =	vmul.f32 $5.000000000e-01, v2;
	v0 =	vadd.f32 v0, v10  }
0x46: {  	v2 =	vld [tilespmem:s0+$0x4250];
	[tilespmem:s29+$0x240] =	vst v7;
	v7 =	vmul.f32 $5.000000000e-01, v1  }
0x47: {  	v1 =	vld [tilespmem:s0+$0x4260];
	[tilespmem:s29+$0x250] =	vst v6;
	v6 =	vmul.f32 $5.000000000e-01, v0  }
0x48: {  	v0 =	vld [tilespmem:s0+$0x4270];
	[tilespmem:s29+$0x260] =	vst v7  }
0x49: {  	v7 =	vld [tilespmem:s0+$0x200];
	[tilespmem:s29+$0x270] =	vst v6;
	s29 =	smov.u32 s0  }
0x4a: {  	v6 =	vld [tilespmem:s29+$0x210]  }
.Ltmp0:
0x4b: {  	v10 =	vld [tilespmem:s29+$0x220];
	(pc) =	sbr.rel @p1 .LBB2_3-.Ltmp0, $4  }
0x4c: {  	v9 =	vld [tilespmem:s29+$0x230]  }
0x4d: {  	v8 =	vld [tilespmem:s29+$0x240]  }
0x4e: {  	v12 =	vadd.f32 v13, v7;
	v7 =	vld [tilespmem:s29+$0x250]  }
0x4f: {  	s30 =	sadd.s32 $0x200, s30;
	v11 =	vadd.f32 v14, v6;
	v6 =	vld [tilespmem:s29+$0x260]  }
0x50: {  	v12 =	vmul.f32 $5.000000000e-01, v12;
	v5 =	vadd.f32 v5, v10;
	v10 =	vld [tilespmem:s29+$0x270]  }
0x51: {  	v11 =	vmul.f32 $5.000000000e-01, v11;
	v4 =	vadd.f32 v4, v9  }
0x52: {  	[tilespmem:s29+$0x200] =	vst v12;
	v5 =	vmul.f32 $5.000000000e-01, v5;
	v3 =	vadd.f32 v3, v8  }
0x53: {  	[tilespmem:s29+$0x210] =	vst v11;
	v4 =	vmul.f32 $5.000000000e-01, v4;
	v2 =	vadd.f32 v2, v7  }
0x54: {  	[tilespmem:s29+$0x220] =	vst v5;
	v3 =	vmul.f32 $5.000000000e-01, v3;
	v1 =	vadd.f32 v1, v6  }
0x55: {  	[tilespmem:s29+$0x230] =	vst v4;
	v2 =	vmul.f32 $5.000000000e-01, v2;
	v0 =	vadd.f32 v0, v10  }
0x56: {  	[tilespmem:s29+$0x240] =	vst v3;
	v1 =	vmul.f32 $5.000000000e-01, v1  }
0x57: {  	[tilespmem:s29+$0x250] =	vst v2;
	v0 =	vmul.f32 $5.000000000e-01, v0  }
0x58: {  	s0 =	sshll.u32 s28, $0xB;
	[tilespmem:s29+$0x260] =	vst v1  }
0x59: {  	s28 =	simm.s32 $0x0;
	s0 =	sadd.s32 s8, s0;
	[tilespmem:s29+$0x270] =	vst v0  }
0x5a: {  	[hbm4b:s0+s28] =	stream.linear.scatter [tilespmem:s18], [sflag:$0x3], $0x4000, $0x38;
	[tilespmem:$0x10200] =	vst v63  }
0x5b: {  	_ =	swait.ge [sflag:s23], $0x4000  }
0x5c: {  	[sflag:s23] =	ssyncset.done $0x0  }
0x5d: {  	[sflag:s23] =	ssyncadd.s32 $0xFFFFC000  }
0x5e: {  	_ =	swait.ge [sflag:s23], $0x4000  }
0x5f: {  	[sflag:s23] =	ssyncset.done $0x0  }
0x60: {  	s28 =	simm.s32 $0x0;
	[sflag:s23] =	ssyncadd.s32 $0xFFFFC000  }
0x61: {  	v6 =	vld [tilespmem:s28+$0xC200]  }
0x62: {  	v11 =	vld [tilespmem:s28+$0xC210]  }
0x63: {  	v5 =	vld [tilespmem:s28+$0xC220]  }
0x64: {  	v4 =	vld [tilespmem:s28+$0xC230]  }
0x65: {  	v3 =	vld [tilespmem:s28+$0xC240]  }
0x66: {  	v2 =	vld [tilespmem:s28+$0xC250]  }
0x67: {  	v1 =	vld [tilespmem:s28+$0xC260]  }
0x68: {  	v0 =	vld [tilespmem:s28+$0xC270]  }
0x69: {  	v12 =	vld [tilespmem:s28+$0x8200]  }
0x6a: {  	v13 =	vld [tilespmem:s28+$0x8210]  }
0x6b: {  	v10 =	vld [tilespmem:s28+$0x8220]  }
0x6c: {  	v9 =	vld [tilespmem:s28+$0x8230]  }
0x6d: {  	v8 =	vld [tilespmem:s28+$0x8240]  }
0x6e: {  	v7 =	vld [tilespmem:s28+$0x8250];
	v12 =	vadd.f32 v6, v12  }
0x6f: {  	s29 =	simm.s32 $0x200;
	v11 =	vadd.f32 v11, v13;
	v6 =	vld [tilespmem:s28+$0x8260]  }
.LBB2_5:
0x70: {  	s0 =	sshra.s32 s29, $0x2;
	p1 =	sne.s32 s29, $0xFE00;
	v12 =	vmul.f32 $5.000000000e-01, v12;
	v5 =	vadd.f32 v5, v10;
	v10 =	vld [tilespmem:s28+$0x8270]  }
0x71: {  	v13 =	vld [tilespmem:s0+$0xC200];
	v11 =	vmul.f32 $5.000000000e-01, v11;
	v4 =	vadd.f32 v4, v9  }
0x72: {  	v14 =	vld [tilespmem:s0+$0xC210];
	[tilespmem:s28+$0x8200] =	vst v12;
	v9 =	vmul.f32 $5.000000000e-01, v5;
	v3 =	vadd.f32 v3, v8  }
0x73: {  	v5 =	vld [tilespmem:s0+$0xC220];
	[tilespmem:s28+$0x8210] =	vst v11;
	v8 =	vmul.f32 $5.000000000e-01, v4;
	v2 =	vadd.f32 v2, v7  }
0x74: {  	v4 =	vld [tilespmem:s0+$0xC230];
	[tilespmem:s28+$0x8220] =	vst v9;
	v7 =	vmul.f32 $5.000000000e-01, v3;
	v1 =	vadd.f32 v1, v6  }
0x75: {  	v3 =	vld [tilespmem:s0+$0xC240];
	[tilespmem:s28+$0x8230] =	vst v8;
	v6 =	vmul.f32 $5.000000000e-01, v2;
	v0 =	vadd.f32 v0, v10  }
0x76: {  	v2 =	vld [tilespmem:s0+$0xC250];
	[tilespmem:s28+$0x8240] =	vst v7;
	v7 =	vmul.f32 $5.000000000e-01, v1  }
0x77: {  	v1 =	vld [tilespmem:s0+$0xC260];
	[tilespmem:s28+$0x8250] =	vst v6;
	v6 =	vmul.f32 $5.000000000e-01, v0  }
0x78: {  	v0 =	vld [tilespmem:s0+$0xC270];
	[tilespmem:s28+$0x8260] =	vst v7  }
0x79: {  	v7 =	vld [tilespmem:s0+$0x8200];
	[tilespmem:s28+$0x8270] =	vst v6;
	s28 =	smov.u32 s0  }
0x7a: {  	v6 =	vld [tilespmem:s28+$0x8210]  }
.Ltmp1:
0x7b: {  	v10 =	vld [tilespmem:s28+$0x8220];
	(pc) =	sbr.rel @p1 .LBB2_5-.Ltmp1, $4  }
0x7c: {  	v9 =	vld [tilespmem:s28+$0x8230]  }
0x7d: {  	v8 =	vld [tilespmem:s28+$0x8240]  }
0x7e: {  	v12 =	vadd.f32 v13, v7;
	v7 =	vld [tilespmem:s28+$0x8250]  }
0x7f: {  	s29 =	sadd.s32 $0x200, s29;
	v11 =	vadd.f32 v14, v6;
	v6 =	vld [tilespmem:s28+$0x8260]  }
0x80: {  	v12 =	vmul.f32 $5.000000000e-01, v12;
	v5 =	vadd.f32 v5, v10;
	v63 =	vld [tilespmem:s28+$0x8270]  }
0x81: {  	v11 =	vmul.f32 $5.000000000e-01, v11;
	v4 =	vadd.f32 v4, v9  }
0x82: {  	[tilespmem:s28+$0x8200] =	vst v12;
	v5 =	vmul.f32 $5.000000000e-01, v5;
	v3 =	vadd.f32 v3, v8  }
0x83: {  	[tilespmem:s28+$0x8210] =	vst v11;
	v4 =	vmul.f32 $5.000000000e-01, v4;
	v2 =	vadd.f32 v2, v7  }
0x84: {  	[tilespmem:s28+$0x8220] =	vst v5;
	v3 =	vmul.f32 $5.000000000e-01, v3;
	v1 =	vadd.f32 v1, v6  }
0x85: {  	[tilespmem:s28+$0x8230] =	vst v4;
	v2 =	vmul.f32 $5.000000000e-01, v2;
	v0 =	vadd.f32 v0, v63  }
0x86: {  	[tilespmem:s28+$0x8240] =	vst v3;
	v1 =	vmul.f32 $5.000000000e-01, v1  }
0x87: {  	s0 =	sshll.u32 s26, $0xB;
	[tilespmem:s28+$0x8250] =	vst v2;
	v0 =	vmul.f32 $5.000000000e-01, v0  }
0x88: {  	s0 =	sand.u32 $0x1FFFF800, s0;
	[tilespmem:s28+$0x8260] =	vst v1  }
0x89: {  	s26 =	simm.s32 $0x0;
	s0 =	sadd.s32 s8, s0;
	[tilespmem:s28+$0x8270] =	vst v0  }
0x8a: {  	[hbm4b:s0+s26] =	stream.linear.scatter [tilespmem:s20], [sflag:$0x3], $0x4000, $0x38;
	[tilespmem:$0x10200] =	vst v63  }
0x8b: {  	_ =	swait.ge [sflag:s24], $0x4000  }
.Ltmp2:
0x8c: {  	[sflag:s24] =	ssyncset.done $0x0;
	(pc) =	sbr.rel @p0 .LBB2_2-.Ltmp2, $4  }
0x8d: {  	[sflag:s24] =	ssyncadd.s32 $0xFFFFC000  }
0x8e: {  	_ =	swait.ge [sflag:s24], $0x4000  }
0x8f: {  	[sflag:s24] =	ssyncset.done $0x0  }
0x90: {  	p1 =	por $0x0, $0x0;
	s0 =	simm.s32 $0x2;
	[sflag:s24] =	ssyncadd.s32 $0xFFFFC000  }
0x91: {  	s28 =	simm.s32 $0x0  }
.LBB2_8:
0x92: {  	s0 =	sshll.u32 s28, $0x1  }
0x93: {  	s30 =	sadd.s32 s12, s0  }
0x94: {  	s29 =	sshll.u32 s28, $0x5;
	s0 =	sshll.u32 s30, $0x4  }
0x95: {  	s29 =	sand.u32 $0x60, s29;
	s0 =	sand.u32 $0xFFFFF80, s0  }
0x96: {  	s31 =	sor.u32 s29, s0  }
0x97: {  	s29 =	sadd.s32 s7, s31  }
0x98: {  	[tilespmem:s26], [sflag:$0x4] =	stream.linear.gather [hbm4b:s29+s26], $0x80, $0x38;
	[tilespmem:$0x10200] =	vst v63  }
0x99: {  	_ =	swait.ge [sflag:s14], $0x80  }
0x9a: {  	[sflag:s14] =	ssyncset.done $0x0  }
0x9b: {  	s31 =	sadd.s32 s1, s31;
	s29 =	sor.u32 $0x1, s30;
	[sflag:s14] =	ssyncadd.s32 $0xFFFFFF80  }
0x9c: {  	[tilespmem:s15], [sflag:$0x4] =	stream.linear.gather [hbm4b:s31+s26], $0x80, $0x38;
	[tilespmem:$0x10200] =	vst v63  }
0x9d: {  	s31 =	sshll.u32 s29, $0x4  }
0x9e: {  	_ =	swait.ge [sflag:s14], $0x80;
	s31 =	sand.u32 $0x70, s31  }
0x9f: {  	[sflag:s14] =	ssyncset.done $0x0;
	s0 =	sor.u32 s0, s31  }
0xa0: {  	[sflag:s14] =	ssyncadd.s32 $0xFFFFFF80;
	s31 =	sadd.s32 s7, s0  }
0xa1: {  	[tilespmem:s16], [sflag:$0x4] =	stream.linear.gather [hbm4b:s31+s26], $0x80, $0x38;
	[tilespmem:$0x10200] =	vst v63  }
0xa2: {  	_ =	swait.ge [sflag:s14], $0x80  }
0xa3: {  	[sflag:s14] =	ssyncset.done $0x0  }
0xa4: {  	s0 =	sadd.s32 s1, s0;
	[sflag:s14] =	ssyncadd.s32 $0xFFFFFF80  }
0xa5: {  	[tilespmem:s17], [sflag:$0x4] =	stream.linear.gather [hbm4b:s0+s26], $0x80, $0x38;
	[tilespmem:$0x10200] =	vst v63  }
0xa6: {  	_ =	swait.ge [sflag:s14], $0x80  }
0xa7: {  	[sflag:s14] =	ssyncset.done $0x0  }
0xa8: {  	[sflag:s14] =	ssyncadd.s32 $0xFFFFFF80  }
0xa9: {  	[tilespmem:s18], [sflag:$0x1] =	stream.indirect.gather [hbm4b:s2+s15], $0x80, s26, s15, $0xb8;
	[tilespmem:$0x10200] =	vst v63  }
0xaa: {  	_ = 	snop  }
0xab: {  	[tilespmem:s19], [sflag:$0x1] =	stream.indirect.gather [hbm4b:s2+s15], $0x80, s15, s15, $0xb8;
	[tilespmem:$0x10200] =	vst v63  }
0xac: {  	_ = 	snop  }
0xad: {  	[tilespmem:s20], [sflag:$0x2] =	stream.indirect.gather [hbm4b:s2+s15], $0x80, s16, s15, $0xb8;
	[tilespmem:$0x10200] =	vst v63  }
0xae: {  	_ = 	snop  }
0xaf: {  	[tilespmem:s21], [sflag:$0x2] =	stream.indirect.gather [hbm4b:s2+s15], $0x80, s17, s15, $0xb8;
	[tilespmem:$0x10200] =	vst v63  }
0xb0: {  	_ =	swait.ge [sflag:s22], $0x4000  }
0xb1: {  	[sflag:s22] =	ssyncset.done $0x0  }
0xb2: {  	[sflag:s22] =	ssyncadd.s32 $0xFFFFC000  }
0xb3: {  	_ =	swait.ge [sflag:s22], $0x4000  }
0xb4: {  	[sflag:s22] =	ssyncset.done $0x0  }
0xb5: {  	s31 =	simm.s32 $0x0;
	[sflag:s22] =	ssyncadd.s32 $0xFFFFC000  }
0xb6: {  	v6 =	vld [tilespmem:s31+$0x4200]  }
0xb7: {  	v11 =	vld [tilespmem:s31+$0x4210]  }
0xb8: {  	v5 =	vld [tilespmem:s31+$0x4220]  }
0xb9: {  	v4 =	vld [tilespmem:s31+$0x4230]  }
0xba: {  	v3 =	vld [tilespmem:s31+$0x4240]  }
0xbb: {  	v2 =	vld [tilespmem:s31+$0x4250]  }
0xbc: {  	v1 =	vld [tilespmem:s31+$0x4260]  }
0xbd: {  	v0 =	vld [tilespmem:s31+$0x4270]  }
0xbe: {  	v12 =	vld [tilespmem:s31+$0x200]  }
0xbf: {  	v13 =	vld [tilespmem:s31+$0x210]  }
0xc0: {  	v10 =	vld [tilespmem:s31+$0x220]  }
0xc1: {  	v9 =	vld [tilespmem:s31+$0x230]  }
0xc2: {  	v8 =	vld [tilespmem:s31+$0x240]  }
0xc3: {  	v7 =	vld [tilespmem:s31+$0x250];
	v12 =	vadd.f32 v6, v12  }
0xc4: {  	s0 =	simm.s32 $0x200;
	v11 =	vadd.f32 v11, v13;
	v6 =	vld [tilespmem:s31+$0x260]  }
.LBB2_9:
0xc5: {  	s4 =	sshra.s32 s0, $0x2;
	p0 =	sne.s32 s0, $0xFE00;
	v12 =	vmul.f32 $5.000000000e-01, v12;
	v5 =	vadd.f32 v5, v10;
	v10 =	vld [tilespmem:s31+$0x270]  }
0xc6: {  	v13 =	vld [tilespmem:s4+$0x4200];
	v11 =	vmul.f32 $5.000000000e-01, v11;
	v4 =	vadd.f32 v4, v9  }
0xc7: {  	v14 =	vld [tilespmem:s4+$0x4210];
	[tilespmem:s31+$0x200] =	vst v12;
	v9 =	vmul.f32 $5.000000000e-01, v5;
	v3 =	vadd.f32 v3, v8  }
0xc8: {  	v5 =	vld [tilespmem:s4+$0x4220];
	[tilespmem:s31+$0x210] =	vst v11;
	v8 =	vmul.f32 $5.000000000e-01, v4;
	v2 =	vadd.f32 v2, v7  }
0xc9: {  	v4 =	vld [tilespmem:s4+$0x4230];
	[tilespmem:s31+$0x220] =	vst v9;
	v7 =	vmul.f32 $5.000000000e-01, v3;
	v1 =	vadd.f32 v1, v6  }
0xca: {  	v3 =	vld [tilespmem:s4+$0x4240];
	[tilespmem:s31+$0x230] =	vst v8;
	v6 =	vmul.f32 $5.000000000e-01, v2;
	v0 =	vadd.f32 v0, v10  }
0xcb: {  	v2 =	vld [tilespmem:s4+$0x4250];
	[tilespmem:s31+$0x240] =	vst v7;
	v7 =	vmul.f32 $5.000000000e-01, v1  }
0xcc: {  	v1 =	vld [tilespmem:s4+$0x4260];
	[tilespmem:s31+$0x250] =	vst v6;
	v6 =	vmul.f32 $5.000000000e-01, v0  }
0xcd: {  	v0 =	vld [tilespmem:s4+$0x4270];
	[tilespmem:s31+$0x260] =	vst v7  }
0xce: {  	v7 =	vld [tilespmem:s4+$0x200];
	[tilespmem:s31+$0x270] =	vst v6;
	s31 =	smov.u32 s4  }
0xcf: {  	v6 =	vld [tilespmem:s31+$0x210]  }
.Ltmp3:
0xd0: {  	v10 =	vld [tilespmem:s31+$0x220];
	(pc) =	sbr.rel @p0 .LBB2_9-.Ltmp3, $4  }
0xd1: {  	v9 =	vld [tilespmem:s31+$0x230]  }
0xd2: {  	v8 =	vld [tilespmem:s31+$0x240]  }
0xd3: {  	v12 =	vadd.f32 v13, v7;
	v7 =	vld [tilespmem:s31+$0x250]  }
0xd4: {  	s0 =	sadd.s32 $0x200, s0;
	v11 =	vadd.f32 v14, v6;
	v6 =	vld [tilespmem:s31+$0x260]  }
0xd5: {  	v12 =	vmul.f32 $5.000000000e-01, v12;
	v5 =	vadd.f32 v5, v10;
	v10 =	vld [tilespmem:s31+$0x270]  }
0xd6: {  	v11 =	vmul.f32 $5.000000000e-01, v11;
	v4 =	vadd.f32 v4, v9  }
0xd7: {  	[tilespmem:s31+$0x200] =	vst v12;
	v5 =	vmul.f32 $5.000000000e-01, v5;
	v3 =	vadd.f32 v3, v8  }
0xd8: {  	[tilespmem:s31+$0x210] =	vst v11;
	v4 =	vmul.f32 $5.000000000e-01, v4;
	v2 =	vadd.f32 v2, v7  }
0xd9: {  	[tilespmem:s31+$0x220] =	vst v5;
	v3 =	vmul.f32 $5.000000000e-01, v3;
	v1 =	vadd.f32 v1, v6  }
0xda: {  	[tilespmem:s31+$0x230] =	vst v4;
	v2 =	vmul.f32 $5.000000000e-01, v2;
	v0 =	vadd.f32 v0, v10  }
0xdb: {  	[tilespmem:s31+$0x240] =	vst v3;
	v1 =	vmul.f32 $5.000000000e-01, v1  }
0xdc: {  	[tilespmem:s31+$0x250] =	vst v2;
	v0 =	vmul.f32 $5.000000000e-01, v0  }
0xdd: {  	s0 =	sshll.u32 s30, $0xB;
	[tilespmem:s31+$0x260] =	vst v1  }
0xde: {  	s4 =	simm.s32 $0x0;
	s0 =	sadd.s32 s9, s0;
	[tilespmem:s31+$0x270] =	vst v0  }
0xdf: {  	[hbm4b:s0+s4] =	stream.linear.scatter [tilespmem:s18], [sflag:$0x3], $0x4000, $0x38;
	[tilespmem:$0x10200] =	vst v63  }
0xe0: {  	_ =	swait.ge [sflag:s23], $0x4000  }
0xe1: {  	[sflag:s23] =	ssyncset.done $0x0  }
0xe2: {  	[sflag:s23] =	ssyncadd.s32 $0xFFFFC000  }
0xe3: {  	_ =	swait.ge [sflag:s23], $0x4000  }
0xe4: {  	[sflag:s23] =	ssyncset.done $0x0  }
0xe5: {  	s30 =	simm.s32 $0x0;
	[sflag:s23] =	ssyncadd.s32 $0xFFFFC000  }
0xe6: {  	v6 =	vld [tilespmem:s30+$0xC200]  }
0xe7: {  	v11 =	vld [tilespmem:s30+$0xC210]  }
0xe8: {  	v5 =	vld [tilespmem:s30+$0xC220]  }
0xe9: {  	v4 =	vld [tilespmem:s30+$0xC230]  }
0xea: {  	v3 =	vld [tilespmem:s30+$0xC240]  }
0xeb: {  	v2 =	vld [tilespmem:s30+$0xC250]  }
0xec: {  	v1 =	vld [tilespmem:s30+$0xC260]  }
0xed: {  	v0 =	vld [tilespmem:s30+$0xC270]  }
0xee: {  	v12 =	vld [tilespmem:s30+$0x8200]  }
0xef: {  	v13 =	vld [tilespmem:s30+$0x8210]  }
0xf0: {  	v10 =	vld [tilespmem:s30+$0x8220]  }
0xf1: {  	v9 =	vld [tilespmem:s30+$0x8230]  }
0xf2: {  	v8 =	vld [tilespmem:s30+$0x8240]  }
0xf3: {  	v7 =	vld [tilespmem:s30+$0x8250];
	v12 =	vadd.f32 v6, v12  }
0xf4: {  	s0 =	simm.s32 $0x200;
	v11 =	vadd.f32 v11, v13;
	v6 =	vld [tilespmem:s30+$0x8260]  }
.LBB2_11:
0xf5: {  	s4 =	sshra.s32 s0, $0x2;
	p0 =	sne.s32 s0, $0xFE00;
	v12 =	vmul.f32 $5.000000000e-01, v12;
	v5 =	vadd.f32 v5, v10;
	v10 =	vld [tilespmem:s30+$0x8270]  }
0xf6: {  	v13 =	vld [tilespmem:s4+$0xC200];
	v11 =	vmul.f32 $5.000000000e-01, v11;
	v4 =	vadd.f32 v4, v9  }
0xf7: {  	v14 =	vld [tilespmem:s4+$0xC210];
	[tilespmem:s30+$0x8200] =	vst v12;
	v9 =	vmul.f32 $5.000000000e-01, v5;
	v3 =	vadd.f32 v3, v8  }
0xf8: {  	v5 =	vld [tilespmem:s4+$0xC220];
	[tilespmem:s30+$0x8210] =	vst v11;
	v8 =	vmul.f32 $5.000000000e-01, v4;
	v2 =	vadd.f32 v2, v7  }
0xf9: {  	v4 =	vld [tilespmem:s4+$0xC230];
	[tilespmem:s30+$0x8220] =	vst v9;
	v7 =	vmul.f32 $5.000000000e-01, v3;
	v1 =	vadd.f32 v1, v6  }
0xfa: {  	v3 =	vld [tilespmem:s4+$0xC240];
	[tilespmem:s30+$0x8230] =	vst v8;
	v6 =	vmul.f32 $5.000000000e-01, v2;
	v0 =	vadd.f32 v0, v10  }
0xfb: {  	v2 =	vld [tilespmem:s4+$0xC250];
	[tilespmem:s30+$0x8240] =	vst v7;
	v7 =	vmul.f32 $5.000000000e-01, v1  }
0xfc: {  	v1 =	vld [tilespmem:s4+$0xC260];
	[tilespmem:s30+$0x8250] =	vst v6;
	v6 =	vmul.f32 $5.000000000e-01, v0  }
0xfd: {  	v0 =	vld [tilespmem:s4+$0xC270];
	[tilespmem:s30+$0x8260] =	vst v7  }
0xfe: {  	v7 =	vld [tilespmem:s4+$0x8200];
	[tilespmem:s30+$0x8270] =	vst v6;
	s30 =	smov.u32 s4  }
0xff: {  	v6 =	vld [tilespmem:s30+$0x8210]  }
.Ltmp4:
0x100: {  	v10 =	vld [tilespmem:s30+$0x8220];
	(pc) =	sbr.rel @p0 .LBB2_11-.Ltmp4, $4  }
0x101: {  	v9 =	vld [tilespmem:s30+$0x8230]  }
0x102: {  	v8 =	vld [tilespmem:s30+$0x8240]  }
0x103: {  	v12 =	vadd.f32 v13, v7;
	v7 =	vld [tilespmem:s30+$0x8250]  }
0x104: {  	s0 =	sadd.s32 $0x200, s0;
	v11 =	vadd.f32 v14, v6;
	v6 =	vld [tilespmem:s30+$0x8260]  }
0x105: {  	v12 =	vmul.f32 $5.000000000e-01, v12;
	v5 =	vadd.f32 v5, v10;
	v63 =	vld [tilespmem:s30+$0x8270]  }
0x106: {  	v11 =	vmul.f32 $5.000000000e-01, v11;
	v4 =	vadd.f32 v4, v9  }
0x107: {  	[tilespmem:s30+$0x8200] =	vst v12;
	v5 =	vmul.f32 $5.000000000e-01, v5;
	v3 =	vadd.f32 v3, v8  }
0x108: {  	[tilespmem:s30+$0x8210] =	vst v11;
	v4 =	vmul.f32 $5.000000000e-01, v4;
	v2 =	vadd.f32 v2, v7  }
0x109: {  	[tilespmem:s30+$0x8220] =	vst v5;
	v3 =	vmul.f32 $5.000000000e-01, v3;
	v1 =	vadd.f32 v1, v6  }
0x10a: {  	[tilespmem:s30+$0x8230] =	vst v4;
	v2 =	vmul.f32 $5.000000000e-01, v2;
	v0 =	vadd.f32 v0, v63  }
0x10b: {  	[tilespmem:s30+$0x8240] =	vst v3;
	v1 =	vmul.f32 $5.000000000e-01, v1  }
0x10c: {  	s0 =	sshll.u32 s29, $0xB;
	[tilespmem:s30+$0x8250] =	vst v2;
	v0 =	vmul.f32 $5.000000000e-01, v0  }
0x10d: {  	s0 =	sand.u32 $0x1FFFF800, s0;
	[tilespmem:s30+$0x8260] =	vst v1  }
0x10e: {  	s28 =	sadd.s32 $0x1, s28;
	s0 =	sadd.s32 s9, s0;
	[tilespmem:s30+$0x8270] =	vst v0  }
0x10f: {  	[hbm4b:s0+s3] =	stream.linear.scatter [tilespmem:s20], [sflag:$0x3], $0x4000, $0x38;
	[tilespmem:$0x10200] =	vst v63  }
0x110: {  	p0 =	sne.s32 s28, $0x28;
	_ =	swait.ge [sflag:s24], $0x4000  }
.Ltmp5:
0x111: {  	[sflag:s24] =	ssyncset.done $0x0;
	(pc) =	sbr.rel @p0 .LBB2_8-.Ltmp5, $4  }
0x112: {  	[sflag:s24] =	ssyncadd.s32 $0xFFFFC000  }
0x113: {  	_ =	swait.ge [sflag:s24], $0x4000  }
0x114: {  	[sflag:s24] =	ssyncset.done $0x0  }
0x115: {  	[sflag:s24] =	ssyncadd.s32 $0xFFFFC000  }
0x116: {  	s25 =	sadd.s32 $0x1, s25  }
0x117: {  	p0 =	sne.s32 s25, s13  }
.Ltmp6:
0x118: {  	_ = 	snop;
	(pc) =	sbr.rel @p0 .LBB2_1-.Ltmp6, $1  }
0x119: {  	_ =	sdelay $0x3  }
0x11a: {  	_ =	sfence.sel $0x180000  }
0x11b: {  	[bflag:$0x0] =	sbarrier.arrive $0xFFFF  }
0x11c: {  	_ =	strace $0x90000047  }
0x11d: {  	s0 =	stileid.u32;
	[bflag:$0x2] =	sbarrier.arrive $0xFFFF  }
0x11e: {  	p0 =	sne.s32 s0, $0x0;
	s0 =	rddreg [dreg:$0x3]  }
0x11f: {  	s0 =	sadd.s32 @!p0 $0x100000, s0  }
0x120: {  	[sflag:s0] =	ssyncadd.tile.s32 @!p0 $0x1;
	_ =	shalt  }
.Lfunc_end2:
_tile_overlayer_lowered:
.L_overlay_start_2:
0x121: {  	(tag) =	ssettag $0x2  }
0x122: {  	s0 =	rddreg [dreg:$0x0];
	s2 =	stileid.u32  }
0x123: {  	s1 =	rddreg [dreg:$0x1];
	p0 =	sne.s32 s2, $0x0  }
0x124: {  	s3 =	rddreg [dreg:$0x2];
	[bflag:$0x3] =	sbarrier.arrive $0xFFFF;
	s2 =	simm.s32 @!p0 $0x1C04  }
0x125: {  	[timem:s3], [sflag:s2] =	dma.local @!p0 [hbm:s0], s1  }
0x126: {  	s0 =	simm.s32 @!p0 $0x4  }
0x127: {  	_ =	swait.ge @!p0 [sflag:s0], s1  }
0x128: {  	s1 =	ssub.s32 @!p0 $0x0, s1;
	[sflag:s0] =	ssyncset.done @!p0 $0x0  }
0x129: {  	[sflag:s0] =	ssyncadd.s32 @!p0 s1  }
0x12a: {  	[bflag:$0x3] =	sbarrier.arrive $0xFFFF  }
0x12b: {  	_ =	shalt  }

// kernel: kernel.14.cloned.1.call-start
scs
__scs_entry_jumppad:
0x0: {  	(pc) =	sbr.rel $0x88, $3  }
0x1: {  	(tag) =	ssettag $0x0;
	lr =	simm.s32 $0x1  }
0x2: {  	[smem:$0x3F98] =	sst lr;
	_ =	strace $0xD0000000  }
0x3: {  	_ = 	snop  }
0x4: {  	_ = 	snop  }
0x5: {  	_ = 	snop  }
0x6: {  	_ = 	snop  }
0x7: {  	_ = 	snop  }
__scs_overlays_trampoline_lowered:
0x8: {  	[smem:$0x3FA7] =	sst s0  }
0x9: {  	[smem:$0x3FA8] =	sst s1  }
0xa: {  	[smem:$0x3FA9] =	sst s2  }
0xb: {  	[smem:$0x3FAA] =	sst s3  }
0xc: {  	[smem:$0x3FAB] =	sst s4  }
0xd: {  	[smem:$0x3FAC] =	sst s5  }
0xe: {  	[smem:$0x3FAD] =	sst s6  }
0xf: {  	[smem:$0x3FAE] =	sst s7  }
0x10: {  	[smem:$0x3FAF] =	sst s8  }
0x11: {  	[smem:$0x3FB0] =	sst s9;
	s0 =	simm.s32 @!p0 $0x0  }
0x12: {  	s1 =	sld [smem:$0x3F96];
	s0 =	simm.s32 @p0 $0x1  }
0x13: {  	[smem:$0x3FB1] =	sst s0;
	s0 =	simm.s32 @!p1 $0x0  }
0x14: {  	s2 =	sld [smem:$0x3F95];
	s0 =	simm.s32 @p1 $0x1  }
0x15: {  	[smem:$0x3FB2] =	sst s0;
	s0 =	simm.s32 @!p2 $0x0  }
0x16: {  	s3 =	sld [smem:$0x3FDB];
	s0 =	simm.s32 @p2 $0x1  }
0x17: {  	s4 =	simm.s32 $0x1BF5;
	[smem:$0x3FB4] =	sst s0  }
0x18: {  	s0 =	sld [smem:$0x3F97];
	_ =	swait.ge [sflag:s4], $0x0  }
0x19: {  	s7 =	sld [smem:$0x3F98]  }
0x1a: {  	s8 =	sadd.s32 $0xFFFFE003, lr  }
0x1b: {  	s9 =	sadd.s32 $0xFFFFFEF7, lr;
	s5 =	simm.s32 $0xFFFFFFFF;
	p2 =	slt.u32 s8, $0xFFFFF086  }
0x1c: {  	p1 =	slt.u32 s9, $0xF7A;
	s5 =	simm.s32 @!p2 $0x0  }
0x1d: {  	s5 =	simm.s32 @p1 $0x1;
	p0 =	seq.s32 s7, s2  }
0x1e: {  	s7 =	smul.u32 @!p0 $0xF7A, s2;
	p2 =	seq.s32 @!p0 s5, $0x0  }
0x1f: {  	s9 =	smul.u32 $0xF7A, s1;
	s8 =	simm.s32 @!p0 $0x1BF5;
	p2 =	por !p2, p0  }
0x20: {  	[sflag:s8] =	ssyncset.s32 @!p0 $0xFFFFF086;
	s6 =	sadd.s32 @!p0 s3, s7;
	s7 =	simm.s32 @!p0 $0x108  }
0x21: {  	s3 =	sadd.s32 s3, s9;
	s6 =	sadd.s32 @!p0 $0x88, s6;
	s7 =	simm.s32 @p2 $0x1082  }
0x22: {  	[simem:s7], [sflag:s8] =	dma.local @!p0 [hbm:s6], $0xF7A  }
0x23: {  	s9 =	sor.u32 $0xD0000000, s2;
	s6 =	simm.s32 $0x108;
	_ =	swait.ge @!p0 [sflag:s8], $0x0  }
0x24: {  	s3 =	sadd.s32 $0x88, s3;
	s6 =	simm.s32 @!p1 $0x1082;
	[sflag:s4] =	ssyncset.s32 $0xFFFFF086  }
0x25: {  	[simem:s6], [sflag:s4] =	dma.local [hbm:s3], $0xF7A  }
0x26: {  	[smem:$0x3F98] =	sst s1;
	(tag) =	ssettag s2;
	_ =	strace s9  }
0x27: {  	s1 =	sld [smem:$0x3FA8]  }
0x28: {  	s2 =	sld [smem:$0x3FA9]  }
0x29: {  	s4 =	sld [smem:$0x3FAB]  }
0x2a: {  	p0 =	seq.s32 s5, $0x0;
	s5 =	sld [smem:$0x3FAC]  }
0x2b: {  	s6 =	sld [smem:$0x3FAD]  }
0x2c: {  	s7 =	sld [smem:$0x3FAE]  }
0x2d: {  	s3 =	simm.s32 $0x108;
	s8 =	sld [smem:$0x3FAF]  }
0x2e: {  	s3 =	simm.s32 @!p0 $0x1082;
	s9 =	sld [smem:$0x3FB0]  }
0x2f: {  	lr =	sadd.s32 s0, s3;
	s0 =	sld [smem:$0x3FA7]  }
0x30: {  	s3 =	sld [smem:$0x3FAA]  }
0x31: {  	[smem:$0x3FB3] =	sst s10  }
0x32: {  	s10 =	sld [smem:$0x3FB1];
	_ =	sdelay $0x3  }
0x33: {  	p0 =	seq.s32 s10, $0x1;
	s10 =	sld [smem:$0x3FB3];
	_ =	sdelay $0x3  }
0x34: {  	[smem:$0x3FB3] =	sst s10  }
0x35: {  	s10 =	sld [smem:$0x3FB2];
	_ =	sdelay $0x3  }
0x36: {  	p1 =	seq.s32 s10, $0x1;
	s10 =	sld [smem:$0x3FB3];
	_ =	sdelay $0x3  }
0x37: {  	[smem:$0x3FB3] =	sst s10  }
0x38: {  	s10 =	sld [smem:$0x3FB4]  }
0x39: {  	_ = 	snop;
	(pc) =	sbr.ind lr, $3  }
0x3a: {  	_ = 	snop  }
0x3b: {  	_ = 	snop  }
0x3c: {  	p2 =	seq.s32 s10, $0x1;
	s10 =	sld [smem:$0x3FB3]  }
0x3d: {  	_ =	shalt  }
0x3e: {  	_ =	shalt  }
0x3f: {  	_ =	shalt  }
0x40: {  	_ =	shalt  }
0x41: {  	_ =	shalt  }
0x42: {  	_ =	shalt  }
0x43: {  	_ =	shalt  }
0x44: {  	_ =	shalt  }
0x45: {  	_ =	shalt  }
0x46: {  	_ =	shalt  }
0x47: {  	_ =	shalt  }
0x48: {  	_ =	shalt  }
0x49: {  	_ =	shalt  }
0x4a: {  	_ =	shalt  }
0x4b: {  	_ =	shalt  }
0x4c: {  	_ =	shalt  }
0x4d: {  	_ =	shalt  }
0x4e: {  	_ =	shalt  }
0x4f: {  	_ =	shalt  }
0x50: {  	_ =	shalt  }
0x51: {  	_ =	shalt  }
0x52: {  	_ =	shalt  }
0x53: {  	_ =	shalt  }
0x54: {  	_ =	shalt  }
0x55: {  	_ =	shalt  }
0x56: {  	_ =	shalt  }
0x57: {  	_ =	shalt  }
0x58: {  	_ =	shalt  }
0x59: {  	_ =	shalt  }
0x5a: {  	_ =	shalt  }
0x5b: {  	_ =	shalt  }
0x5c: {  	_ =	shalt  }
0x5d: {  	_ =	shalt  }
0x5e: {  	_ =	shalt  }
0x5f: {  	_ =	shalt  }
0x60: {  	_ =	shalt  }
0x61: {  	_ =	shalt  }
0x62: {  	_ =	shalt  }
0x63: {  	_ =	shalt  }
0x64: {  	_ =	shalt  }
0x65: {  	_ =	shalt  }
0x66: {  	_ =	shalt  }
0x67: {  	_ =	shalt  }
0x68: {  	_ =	shalt  }
0x69: {  	_ =	shalt  }
0x6a: {  	_ =	shalt  }
0x6b: {  	_ =	shalt  }
0x6c: {  	_ =	shalt  }
0x6d: {  	_ =	shalt  }
0x6e: {  	_ =	shalt  }
0x6f: {  	_ =	shalt  }
0x70: {  	_ =	shalt  }
0x71: {  	_ =	shalt  }
0x72: {  	_ =	shalt  }
0x73: {  	_ =	shalt  }
0x74: {  	_ =	shalt  }
0x75: {  	_ =	shalt  }
0x76: {  	_ =	shalt  }
0x77: {  	_ =	shalt  }
0x78: {  	_ =	shalt  }
0x79: {  	_ =	shalt  }
0x7a: {  	_ =	shalt  }
0x7b: {  	_ =	shalt  }
0x7c: {  	_ =	shalt  }
0x7d: {  	_ =	shalt  }
0x7e: {  	_ =	shalt  }
0x7f: {  	_ =	shalt  }
0x80: {  	_ =	shalt  }
0x81: {  	_ =	shalt  }
0x82: {  	_ =	shalt  }
0x83: {  	_ =	shalt  }
0x84: {  	_ =	shalt  }
0x85: {  	_ =	shalt  }
0x86: {  	_ =	shalt  }
0x87: {  	_ =	shalt  }
.Lfunc_end0:
.L_simem_size_0:
called_computation.1_lowered:
.L_overlay_start_0:
0x88: {  	s2 =	sld [smem:$0x3FD9]  }
0x89: {  	s3 =	sld [smem:$0x3FFE];
	_ =	sdelay $0x1  }
0x8a: {  	s1 =	srdreg.scid  }
0x8b: {  	s0 =	sand.u32 $0x1, s1  }
0x8c: {  	s16 =	sshll.u32 s0, $0xA;
	s2 =	sadd.s32 s3, s2  }
0x8d: {  	s2 =	sadd.s32 s2, s16  }
0x8e: {  	[smem:$0x3FBF] =	sst s2  }
0x8f: {  	_ = 	snop  }
0x90: {  	(tm) =	ssettm $0x1  }
0x91: {  	s17 =	sld [smem:$0x3FFB];
	_ =	sdelay $0x3  }
0x92: {  	_ =	strace s17  }
0x93: {  	s2 =	sld [smem:$0x3FFC];
	_ =	sdelay $0x3  }
0x94: {  	_ =	strace s2  }
0x95: {  	s2 =	sld [smem:$0x3FFD];
	_ =	sdelay $0x3  }
0x96: {  	_ =	strace s2  }
0x97: {  	_ =	strace $0x8FFFFFFF  }
0x98: {  	s18 =	sld [smem:$0x3FDB];
	_ =	sdelay $0x1  }
0x99: {  	s19 =	simm.s32 $_scs_section_size  }
0x9a: {  	s4 =	simm.s32 $_size__tile_overlayer_lowered;
	s5 =	simm.s32 $_tile_overlayer_lowered  }
0x9b: {  	s22 =	simm.s32 $0x1BFF;
	s21 =	sshll.u32 s5, $0x1;
	s2 =	sadd.s32 s19, s18  }
0x9c: {  	s6 =	simm.s32 $0x0;
	s20 =	sshll.u32 s4, $0x1;
	s4 =	sadd.s32 s21, s2  }
0x9d: {  	[timem:s6], [sflag:s22] =	dma.local [hbm:s4], s20  }
0x9e: {  	_ =	swait.ge [sflag:s22], s20  }
0x9f: {  	s3 =	ssub.s32 $0x0, s20;
	[sflag:s22] =	ssyncset.done $0x0  }
0xa0: {  	[sflag:s22] =	ssyncadd.s32 s3;
	_ =	sdelay $0x1  }
0xa1: {  	s23 =	simm.s32 $0x1B8B  }
0xa2: {  	_ =	swait.ge [sflag:s23], $0x1  }
0xa3: {  	[sflag:s23] =	ssyncset.done $0x0  }
0xa4: {  	s25 =	simm.s32 $0x1B8E;
	s24 =	sld [smem:$0x3FFE];
	[sflag:s23] =	ssyncadd.s32 $0xFFFFFFFF  }
0xa5: {  	s26 =	simm.s32 $execute0_lowered;
	[smem:$0x3FD2] =	sst s25  }
0xa6: {  	s4 =	sshll.u32 s26, $0x1;
	_ =	strace $0x80000049;
	[dreg:$0x1] =	wrdreg $0xFFFFFFFF  }
0xa7: {  	s28 =	simm.s32 $_size_execute0_lowered;
	s2 =	sadd.s32 s2, s4;
	[dreg:$0x0] =	wrdreg $0x0  }
0xa8: {  	s4 =	sshll.u32 s28, $0x1;
	[dreg:$0x2] =	wrdreg s2  }
0xa9: {  	[dreg:$0x3] =	wrdreg s4  }
0xaa: {  	[dreg:$0x4] =	wrdreg $0xC0  }
0xab: {  	_ =	task [dreg:s6], $0x5FFFF  }
0xac: {  	[dreg:$0x1] =	wrdreg $0xFFFFFFFF  }
0xad: {  	[dreg:$0x0] =	wrdreg $0x60  }
0xae: {  	[dreg:$0x2] =	wrdreg s24  }
0xaf: {  	[dreg:$0x3] =	wrdreg $0x9  }
0xb0: {  	_ =	task.clear_ibuf [dreg:s6], $0x4FFFF;
	_ =	strace $0x90000049  }
0xb1: {  	s29 =	simm.s32 $0x9;
	_ =	strace $0x8000004B  }
0xb2: {  	_ =	swait.ge [sflag:s29], $0x1  }
0xb3: {  	[sflag:s29] =	ssyncadd.s32 $0xFFFFFFFF  }
0xb4: {  	_ =	strace $0x9000004B  }
0xb5: {  	_ =	sfence  }
0xb6: {  	s30 =	sld [smem:$0x0];
	_ =	sdelay $0x2  }
0xb7: {  	s31 =	sshll.u32 s1, $0xD;
	s1 =	sshrl.u32 s1, $0x2  }
0xb8: {  	s3 =	sand.u32 $0x4000, s31;
	s1 =	sadd.s32 s1, s30  }
0xb9: {  	s0 =	sor.u32 s3, s0;
	s1 =	sshll.u32 s1, $0x11  }
0xba: {  	s0 =	sor.u32 s1, s0  }
0xbb: {  	s0 =	sadd.s32 $0x8F2B, s0  }
0xbc: {  	[sflag:s0] =	ssyncadd.remote.s32 $0x1  }
0xbd: {  	_ =	sfence.sel $0xFFFF  }
0xbe: {  	[dreg:$0x0] =	wrdreg $0xFFFFFFFF;
	(pc) =	sbr.abs _section_cstart, $3  }
0xbf: {  	[dreg:$0x1] =	wrdreg $0xFFFFFFFF  }
0xc0: {  	_ =	task.clear_ibuf [dreg:s6], $0x2FFFF;
	_ =	strace $0x9FFFFFFF  }
0xc1: {  	(tm) =	ssettm $0x7FFFFFFF  }
tec
execute0_lowered:
.L_overlay_start_1:
0x0: {  	(tag) =	ssettag $0x1  }
0x1: {  	s5 =	rddreg [dreg:$0x0]  }
0x2: {  	s0 =	rddreg [dreg:$0x1];
	s2 =	simm.s32 $0x0;
	s1 =	stileid.u32  }
0x3: {  	s4 =	srdreg.scid;
	s14 =	simm.s32 $0x8200;
	s15 =	simm.s32 $0x180  }
0x4: {  	s16 =	simm.s32 $0xC200;
	s17 =	simm.s32 $0x1;
	s6 =	smul.u32 $0x50000, s1  }
0x5: {  	s18 =	simm.s32 $0x2;
	s19 =	simm.s32 $0x3;
	s8 =	smul.u32 $0x50, s1  }
0x6: {  	s3 =	sadd.s32 $0x54CC00, s5;
	s7 =	sand.u32 $0x1, s4;
	s13 =	smul.u32 $0xA00, s1  }
0x7: {  	s20 =	simm.s32 $0x0;
	s4 =	sadd.s32 $0x50CC00, s5;
	s9 =	smul.u32 $0x28, s7  }
0x8: {  	[smem:$0x7FF] =	sst s2;
	s10 =	sadd.s32 $0x560C00, s5;
	s11 =	smul.u32 $0x28000, s7  }
0x9: {  	_ =	strace $0x8000004A;
	s31 =	ssub.s32 $0x2, s7;
	s7 =	smul.u32 $0x500, s7  }
0xa: {  	s12 =	sshrl.u32 s31, $0x1;
	s6 =	sadd.s32 s6, s10;
	s8 =	sadd.s32 s9, s8  }
0xb: {  	s5 =	ssub.s32 s31, s12;
	s6 =	sadd.s32 s11, s6;
	s7 =	sadd.s32 s7, s13  }
0xc: {  	s9 =	simm.s32 $0x4;
	s11 =	simm.s32 $0x80;
	s8 =	sshll.u32 s8, $0xC  }
0xd: {  	s12 =	simm.s32 $0x200;
	s13 =	simm.s32 $0x4200;
	s8 =	sadd.s32 s8, s10  }
0xe: {  	s5 =	smax.u32 s5, $0x1;
	s10 =	simm.s32 $0x100;
	s8 =	sadd.s32 $0x1000, s8  }
.LBB2_1:
0xf: {  	s21 =	sadd.s32 $0x0, s7;
	s22 =	sand.u32 $0x40, s2  }
0x10: {  	s23 =	sand.u32 $0xFFFFF80, s21;
	s22 =	sadd.s32 s3, s22  }
0x11: {  	s22 =	sadd.s32 s23, s22  }
0x12: {  	[tilespmem:s2], [sflag:$0x4] =	stream.linear.gather [hbm4b:s22+s2], $0x100, $0x38;
	[tilespmem:$0x10200] =	vst v63  }
0x13: {  	s21 =	sadd.s32 $0x20, s21;
	_ =	swait.ge [sflag:s9], $0x100  }
0x14: {  	s21 =	sand.u32 $0x60, s21;
	s30 =	sadd.s32 s3, s23;
	[sflag:s9] =	ssyncset.done $0x0  }
0x15: {  	s21 =	sadd.s32 s21, s30;
	[sflag:s9] =	ssyncadd.s32 $0xFFFFFF00  }
0x16: {  	[tilespmem:s10], [sflag:$0x4] =	stream.linear.gather [hbm4b:s21+s2], $0x100, $0x38;
	[tilespmem:$0x10200] =	vst v63  }
0x17: {  	_ =	swait.ge [sflag:s9], $0x100  }
0x18: {  	[sflag:s9] =	ssyncset.done $0x0  }
0x19: {  	[sflag:s9] =	ssyncadd.s32 $0xFFFFFF00  }
0x1a: {  	[tilespmem:s12], [sflag:$0x1] =	stream.indirect.gather [hbm4b:s4+s11], $0x80, s2, s11, $0xb8;
	[tilespmem:$0x10200] =	vst v63  }
0x1b: {  	_ = 	snop  }
0x1c: {  	[tilespmem:s13], [sflag:$0x1] =	stream.indirect.gather [hbm4b:s4+s11], $0x80, s11, s11, $0xb8;
	[tilespmem:$0x10200] =	vst v63  }
0x1d: {  	_ = 	snop  }
0x1e: {  	[tilespmem:s14], [sflag:$0x2] =	stream.indirect.gather [hbm4b:s4+s11], $0x80, s10, s11, $0xb8;
	[tilespmem:$0x10200] =	vst v63  }
0x1f: {  	_ = 	snop  }
0x20: {  	[tilespmem:s16], [sflag:$0x2] =	stream.indirect.gather [hbm4b:s4+s11], $0x80, s15, s11, $0xb8;
	[tilespmem:$0x10200] =	vst v63  }
0x21: {  	_ =	swait.ge [sflag:s17], $0x4000  }
0x22: {  	[sflag:s17] =	ssyncset.done $0x0  }
0x23: {  	[sflag:s17] =	ssyncadd.s32 $0xFFFFC000  }
0x24: {  	_ =	swait.ge [sflag:s17], $0x4000  }
0x25: {  	[sflag:s17] =	ssyncset.done $0x0  }
0x26: {  	[sflag:s17] =	ssyncadd.s32 $0xFFFFC000  }
0x27: {  	[hbm4b:s6+s2] =	stream.linear.scatter [tilespmem:s12], [sflag:$0x3], $0x8000, $0x38;
	[tilespmem:$0x10200] =	vst v63  }
0x28: {  	_ =	swait.ge [sflag:s18], $0x4000  }
0x29: {  	[sflag:s18] =	ssyncset.done $0x0  }
0x2a: {  	[sflag:s18] =	ssyncadd.s32 $0xFFFFC000  }
0x2b: {  	_ =	swait.ge [sflag:s18], $0x4000  }
0x2c: {  	[sflag:s18] =	ssyncset.done $0x0  }
0x2d: {  	[sflag:s18] =	ssyncadd.s32 $0xFFFFC000  }
0x2e: {  	[hbm4b:s8+s2] =	stream.linear.scatter [tilespmem:s14], [sflag:$0x3], $0x8000, $0x38;
	[tilespmem:$0x10200] =	vst v63  }
0x2f: {  	_ =	swait.ge [sflag:s19], $0x8000  }
0x30: {  	s31 =	simm.s32 $0x40;
	s28 =	sadd.s32 $0x40, s7;
	[sflag:s19] =	ssyncset.done $0x0  }
0x31: {  	s26 =	simm.s32 $0x80;
	s25 =	sand.u32 $0xFFFFF80, s28;
	[sflag:s19] =	ssyncadd.s32 $0xFFFF8000  }
0x32: {  	s23 =	sand.u32 $0x40, s31;
	s22 =	sadd.s32 $0x2000, s6;
	_ =	swait.ge [sflag:s19], $0x8000  }
0x33: {  	s24 =	sadd.s32 s3, s23;
	s21 =	sadd.s32 $0x2000, s8;
	[sflag:s19] =	ssyncset.done $0x0  }
.LBB2_2:
0x34: {  	s23 =	sadd.s32 s25, s24  }
0x35: {  	s28 =	sadd.s32 $0x20, s28;
	[sflag:s19] =	ssyncadd.s32 $0xFFFF8000;
	s24 =	smov.u32 s26  }
0x36: {  	[tilespmem:s2], [sflag:$0x4] =	stream.linear.gather [hbm4b:s23+s2], $0x100, $0x38;
	[tilespmem:$0x10200] =	vst v63  }
0x37: {  	s23 =	sadd.s32 $0x40, s26;
	s28 =	sand.u32 $0x60, s28;
	_ =	swait.ge [sflag:s9], $0x100  }
0x38: {  	p0 =	sne.s32 s26, $0x4C0;
	s25 =	sadd.s32 s3, s25;
	[sflag:s9] =	ssyncset.done $0x0  }
0x39: {  	s25 =	sadd.s32 s28, s25;
	[sflag:s9] =	ssyncadd.s32 $0xFFFFFF00  }
0x3a: {  	[tilespmem:s10], [sflag:$0x4] =	stream.linear.gather [hbm4b:s25+s2], $0x100, $0x38;
	[tilespmem:$0x10200] =	vst v63  }
0x3b: {  	_ =	swait.ge [sflag:s9], $0x100  }
0x3c: {  	[sflag:s9] =	ssyncset.done $0x0  }
0x3d: {  	[sflag:s9] =	ssyncadd.s32 $0xFFFFFF00  }
0x3e: {  	[tilespmem:s12], [sflag:$0x1] =	stream.indirect.gather [hbm4b:s4+s11], $0x80, s2, s11, $0xb8;
	[tilespmem:$0x10200] =	vst v63  }
0x3f: {  	_ = 	snop  }
0x40: {  	[tilespmem:s13], [sflag:$0x1] =	stream.indirect.gather [hbm4b:s4+s11], $0x80, s11, s11, $0xb8;
	[tilespmem:$0x10200] =	vst v63  }
0x41: {  	_ = 	snop  }
0x42: {  	[tilespmem:s14], [sflag:$0x2] =	stream.indirect.gather [hbm4b:s4+s11], $0x80, s10, s11, $0xb8;
	[tilespmem:$0x10200] =	vst v63  }
0x43: {  	_ = 	snop  }
0x44: {  	[tilespmem:s16], [sflag:$0x2] =	stream.indirect.gather [hbm4b:s4+s11], $0x80, s15, s11, $0xb8;
	[tilespmem:$0x10200] =	vst v63  }
0x45: {  	_ =	swait.ge [sflag:s17], $0x4000  }
0x46: {  	[sflag:s17] =	ssyncset.done $0x0  }
0x47: {  	[sflag:s17] =	ssyncadd.s32 $0xFFFFC000  }
0x48: {  	_ =	swait.ge [sflag:s17], $0x4000  }
0x49: {  	[sflag:s17] =	ssyncset.done $0x0  }
0x4a: {  	[sflag:s17] =	ssyncadd.s32 $0xFFFFC000  }
0x4b: {  	[hbm4b:s22+s2] =	stream.linear.scatter [tilespmem:s12], [sflag:$0x3], $0x8000, $0x38;
	[tilespmem:$0x10200] =	vst v63  }
0x4c: {  	_ =	swait.ge [sflag:s18], $0x4000  }
0x4d: {  	[sflag:s18] =	ssyncset.done $0x0  }
0x4e: {  	[sflag:s18] =	ssyncadd.s32 $0xFFFFC000  }
0x4f: {  	_ =	swait.ge [sflag:s18], $0x4000  }
0x50: {  	[sflag:s18] =	ssyncset.done $0x0  }
0x51: {  	[sflag:s18] =	ssyncadd.s32 $0xFFFFC000  }
0x52: {  	[hbm4b:s21+s2] =	stream.linear.scatter [tilespmem:s14], [sflag:$0x3], $0x8000, $0x38;
	[tilespmem:$0x10200] =	vst v63  }
.Ltmp0:
0x53: {  	_ =	swait.ge [sflag:s19], $0x8000;
	(pc) =	sbr.rel @p0 .LBB2_2-.Ltmp0, $4  }
0x54: {  	s28 =	sadd.s32 s24, s7;
	[sflag:s19] =	ssyncset.done $0x0  }
0x55: {  	s22 =	sadd.s32 $0x2000, s22;
	s21 =	sadd.s32 $0x2000, s21;
	[sflag:s19] =	ssyncadd.s32 $0xFFFF8000  }
0x56: {  	s24 =	sand.u32 $0x40, s24;
	s26 =	smov.u32 s23;
	_ =	swait.ge [sflag:s19], $0x8000  }
0x57: {  	s24 =	sadd.s32 s3, s24;
	s25 =	sand.u32 $0xFFFFF80, s28;
	[sflag:s19] =	ssyncset.done $0x0  }
0x58: {  	s23 =	sadd.s32 s25, s24;
	[sflag:s19] =	ssyncadd.s32 $0xFFFF8000  }
0x59: {  	[tilespmem:s2], [sflag:$0x4] =	stream.linear.gather [hbm4b:s23+s2], $0x100, $0x38;
	[tilespmem:$0x10200] =	vst v63  }
0x5a: {  	s30 =	sadd.s32 $0x20, s28;
	_ =	swait.ge [sflag:s9], $0x100  }
0x5b: {  	s31 =	sadd.s32 s3, s25;
	s23 =	sand.u32 $0x60, s30;
	[sflag:s9] =	ssyncset.done $0x0  }
0x5c: {  	s23 =	sadd.s32 s23, s31;
	[sflag:s9] =	ssyncadd.s32 $0xFFFFFF00  }
0x5d: {  	[tilespmem:s10], [sflag:$0x4] =	stream.linear.gather [hbm4b:s23+s2], $0x100, $0x38;
	[tilespmem:$0x10200] =	vst v63  }
0x5e: {  	_ =	swait.ge [sflag:s9], $0x100  }
0x5f: {  	[sflag:s9] =	ssyncset.done $0x0  }
0x60: {  	[sflag:s9] =	ssyncadd.s32 $0xFFFFFF00  }
0x61: {  	[tilespmem:s12], [sflag:$0x1] =	stream.indirect.gather [hbm4b:s4+s11], $0x80, s2, s11, $0xb8;
	[tilespmem:$0x10200] =	vst v63  }
0x62: {  	_ = 	snop  }
0x63: {  	[tilespmem:s13], [sflag:$0x1] =	stream.indirect.gather [hbm4b:s4+s11], $0x80, s11, s11, $0xb8;
	[tilespmem:$0x10200] =	vst v63  }
0x64: {  	_ = 	snop  }
0x65: {  	[tilespmem:s14], [sflag:$0x2] =	stream.indirect.gather [hbm4b:s4+s11], $0x80, s10, s11, $0xb8;
	[tilespmem:$0x10200] =	vst v63  }
0x66: {  	_ = 	snop  }
0x67: {  	[tilespmem:s16], [sflag:$0x2] =	stream.indirect.gather [hbm4b:s4+s11], $0x80, s15, s11, $0xb8;
	[tilespmem:$0x10200] =	vst v63  }
0x68: {  	_ =	swait.ge [sflag:s17], $0x4000  }
0x69: {  	[sflag:s17] =	ssyncset.done $0x0  }
0x6a: {  	[sflag:s17] =	ssyncadd.s32 $0xFFFFC000  }
0x6b: {  	_ =	swait.ge [sflag:s17], $0x4000  }
0x6c: {  	[sflag:s17] =	ssyncset.done $0x0  }
0x6d: {  	[sflag:s17] =	ssyncadd.s32 $0xFFFFC000  }
0x6e: {  	[hbm4b:s22+s2] =	stream.linear.scatter [tilespmem:s12], [sflag:$0x3], $0x8000, $0x38;
	[tilespmem:$0x10200] =	vst v63  }
0x6f: {  	_ =	swait.ge [sflag:s18], $0x4000  }
0x70: {  	[sflag:s18] =	ssyncset.done $0x0  }
0x71: {  	[sflag:s18] =	ssyncadd.s32 $0xFFFFC000  }
0x72: {  	_ =	swait.ge [sflag:s18], $0x4000  }
0x73: {  	[sflag:s18] =	ssyncset.done $0x0  }
0x74: {  	s20 =	sadd.s32 $0x1, s20;
	[sflag:s18] =	ssyncadd.s32 $0xFFFFC000  }
0x75: {  	[hbm4b:s21+s2] =	stream.linear.scatter [tilespmem:s14], [sflag:$0x3], $0x8000, $0x38;
	[tilespmem:$0x10200] =	vst v63  }
0x76: {  	p0 =	sne.s32 s20, s5;
	_ =	swait.ge [sflag:s19], $0x8000  }
.Ltmp1:
0x77: {  	[sflag:s19] =	ssyncset.done $0x0;
	(pc) =	sbr.rel @p0 .LBB2_1-.Ltmp1, $4  }
0x78: {  	[sflag:s19] =	ssyncadd.s32 $0xFFFF8000  }
0x79: {  	_ =	swait.ge [sflag:s19], $0x8000  }
0x7a: {  	[sflag:s19] =	ssyncset.done $0x0  }
0x7b: {  	[sflag:s19] =	ssyncadd.s32 $0xFFFF8000  }
0x7c: {  	_ =	sfence.sel $0x180000  }
0x7d: {  	[bflag:$0x0] =	sbarrier.arrive $0xFFFF  }
0x7e: {  	p0 =	sne.s32 s1, $0x0;
	_ =	strace $0x9000004A  }
0x7f: {  	s0 =	sadd.s32 @!p0 $0x100000, s0;
	[bflag:$0x2] =	sbarrier.arrive $0xFFFF  }
0x80: {  	[sflag:s0] =	ssyncadd.tile.s32 @!p0 $0x1;
	_ =	shalt  }
.Lfunc_end2:
_tile_overlayer_lowered:
.L_overlay_start_2:
0x81: {  	(tag) =	ssettag $0x2  }
0x82: {  	s0 =	rddreg [dreg:$0x0];
	s2 =	stileid.u32  }
0x83: {  	s1 =	rddreg [dreg:$0x1];
	p0 =	sne.s32 s2, $0x0  }
0x84: {  	s3 =	rddreg [dreg:$0x2];
	[bflag:$0x3] =	sbarrier.arrive $0xFFFF;
	s2 =	simm.s32 @!p0 $0x1C04  }
0x85: {  	[timem:s3], [sflag:s2] =	dma.local @!p0 [hbm:s0], s1  }
0x86: {  	s0 =	simm.s32 @!p0 $0x4  }
0x87: {  	_ =	swait.ge @!p0 [sflag:s0], s1  }
0x88: {  	s1 =	ssub.s32 @!p0 $0x0, s1;
	[sflag:s0] =	ssyncset.done @!p0 $0x0  }
0x89: {  	[sflag:s0] =	ssyncadd.s32 @!p0 s1  }
0x8a: {  	[bflag:$0x3] =	sbarrier.arrive $0xFFFF  }
0x8b: {  	_ =	shalt  }

// kernel: kernel.17.cloned.1.call-start
scs
__scs_entry_jumppad:
0x0: {  	(pc) =	sbr.rel $0x88, $3  }
0x1: {  	(tag) =	ssettag $0x0;
	lr =	simm.s32 $0x1  }
0x2: {  	[smem:$0x3F98] =	sst lr;
	_ =	strace $0xD0000000  }
0x3: {  	_ = 	snop  }
0x4: {  	_ = 	snop  }
0x5: {  	_ = 	snop  }
0x6: {  	_ = 	snop  }
0x7: {  	_ = 	snop  }
__scs_overlays_trampoline_lowered:
0x8: {  	[smem:$0x3FA7] =	sst s0  }
0x9: {  	[smem:$0x3FA8] =	sst s1  }
0xa: {  	[smem:$0x3FA9] =	sst s2  }
0xb: {  	[smem:$0x3FAA] =	sst s3  }
0xc: {  	[smem:$0x3FAB] =	sst s4  }
0xd: {  	[smem:$0x3FAC] =	sst s5  }
0xe: {  	[smem:$0x3FAD] =	sst s6  }
0xf: {  	[smem:$0x3FAE] =	sst s7  }
0x10: {  	[smem:$0x3FAF] =	sst s8  }
0x11: {  	[smem:$0x3FB0] =	sst s9;
	s0 =	simm.s32 @!p0 $0x0  }
0x12: {  	s1 =	sld [smem:$0x3F96];
	s0 =	simm.s32 @p0 $0x1  }
0x13: {  	[smem:$0x3FB1] =	sst s0;
	s0 =	simm.s32 @!p1 $0x0  }
0x14: {  	s2 =	sld [smem:$0x3F95];
	s0 =	simm.s32 @p1 $0x1  }
0x15: {  	[smem:$0x3FB2] =	sst s0;
	s0 =	simm.s32 @!p2 $0x0  }
0x16: {  	s3 =	sld [smem:$0x3FDB];
	s0 =	simm.s32 @p2 $0x1  }
0x17: {  	s4 =	simm.s32 $0x1BF5;
	[smem:$0x3FB4] =	sst s0  }
0x18: {  	s0 =	sld [smem:$0x3F97];
	_ =	swait.ge [sflag:s4], $0x0  }
0x19: {  	s7 =	sld [smem:$0x3F98]  }
0x1a: {  	s8 =	sadd.s32 $0xFFFFE003, lr  }
0x1b: {  	s9 =	sadd.s32 $0xFFFFFEF7, lr;
	s5 =	simm.s32 $0xFFFFFFFF;
	p2 =	slt.u32 s8, $0xFFFFF086  }
0x1c: {  	p1 =	slt.u32 s9, $0xF7A;
	s5 =	simm.s32 @!p2 $0x0  }
0x1d: {  	s5 =	simm.s32 @p1 $0x1;
	p0 =	seq.s32 s7, s2  }
0x1e: {  	s7 =	smul.u32 @!p0 $0xF7A, s2;
	p2 =	seq.s32 @!p0 s5, $0x0  }
0x1f: {  	s9 =	smul.u32 $0xF7A, s1;
	s8 =	simm.s32 @!p0 $0x1BF5;
	p2 =	por !p2, p0  }
0x20: {  	[sflag:s8] =	ssyncset.s32 @!p0 $0xFFFFF086;
	s6 =	sadd.s32 @!p0 s3, s7;
	s7 =	simm.s32 @!p0 $0x108  }
0x21: {  	s3 =	sadd.s32 s3, s9;
	s6 =	sadd.s32 @!p0 $0x88, s6;
	s7 =	simm.s32 @p2 $0x1082  }
0x22: {  	[simem:s7], [sflag:s8] =	dma.local @!p0 [hbm:s6], $0xF7A  }
0x23: {  	s9 =	sor.u32 $0xD0000000, s2;
	s6 =	simm.s32 $0x108;
	_ =	swait.ge @!p0 [sflag:s8], $0x0  }
0x24: {  	s3 =	sadd.s32 $0x88, s3;
	s6 =	simm.s32 @!p1 $0x1082;
	[sflag:s4] =	ssyncset.s32 $0xFFFFF086  }
0x25: {  	[simem:s6], [sflag:s4] =	dma.local [hbm:s3], $0xF7A  }
0x26: {  	[smem:$0x3F98] =	sst s1;
	(tag) =	ssettag s2;
	_ =	strace s9  }
0x27: {  	s1 =	sld [smem:$0x3FA8]  }
0x28: {  	s2 =	sld [smem:$0x3FA9]  }
0x29: {  	s4 =	sld [smem:$0x3FAB]  }
0x2a: {  	p0 =	seq.s32 s5, $0x0;
	s5 =	sld [smem:$0x3FAC]  }
0x2b: {  	s6 =	sld [smem:$0x3FAD]  }
0x2c: {  	s7 =	sld [smem:$0x3FAE]  }
0x2d: {  	s3 =	simm.s32 $0x108;
	s8 =	sld [smem:$0x3FAF]  }
0x2e: {  	s3 =	simm.s32 @!p0 $0x1082;
	s9 =	sld [smem:$0x3FB0]  }
0x2f: {  	lr =	sadd.s32 s0, s3;
	s0 =	sld [smem:$0x3FA7]  }
0x30: {  	s3 =	sld [smem:$0x3FAA]  }
0x31: {  	[smem:$0x3FB3] =	sst s10  }
0x32: {  	s10 =	sld [smem:$0x3FB1];
	_ =	sdelay $0x3  }
0x33: {  	p0 =	seq.s32 s10, $0x1;
	s10 =	sld [smem:$0x3FB3];
	_ =	sdelay $0x3  }
0x34: {  	[smem:$0x3FB3] =	sst s10  }
0x35: {  	s10 =	sld [smem:$0x3FB2];
	_ =	sdelay $0x3  }
0x36: {  	p1 =	seq.s32 s10, $0x1;
	s10 =	sld [smem:$0x3FB3];
	_ =	sdelay $0x3  }
0x37: {  	[smem:$0x3FB3] =	sst s10  }
0x38: {  	s10 =	sld [smem:$0x3FB4]  }
0x39: {  	_ = 	snop;
	(pc) =	sbr.ind lr, $3  }
0x3a: {  	_ = 	snop  }
0x3b: {  	_ = 	snop  }
0x3c: {  	p2 =	seq.s32 s10, $0x1;
	s10 =	sld [smem:$0x3FB3]  }
0x3d: {  	_ =	shalt  }
0x3e: {  	_ =	shalt  }
0x3f: {  	_ =	shalt  }
0x40: {  	_ =	shalt  }
0x41: {  	_ =	shalt  }
0x42: {  	_ =	shalt  }
0x43: {  	_ =	shalt  }
0x44: {  	_ =	shalt  }
0x45: {  	_ =	shalt  }
0x46: {  	_ =	shalt  }
0x47: {  	_ =	shalt  }
0x48: {  	_ =	shalt  }
0x49: {  	_ =	shalt  }
0x4a: {  	_ =	shalt  }
0x4b: {  	_ =	shalt  }
0x4c: {  	_ =	shalt  }
0x4d: {  	_ =	shalt  }
0x4e: {  	_ =	shalt  }
0x4f: {  	_ =	shalt  }
0x50: {  	_ =	shalt  }
0x51: {  	_ =	shalt  }
0x52: {  	_ =	shalt  }
0x53: {  	_ =	shalt  }
0x54: {  	_ =	shalt  }
0x55: {  	_ =	shalt  }
0x56: {  	_ =	shalt  }
0x57: {  	_ =	shalt  }
0x58: {  	_ =	shalt  }
0x59: {  	_ =	shalt  }
0x5a: {  	_ =	shalt  }
0x5b: {  	_ =	shalt  }
0x5c: {  	_ =	shalt  }
0x5d: {  	_ =	shalt  }
0x5e: {  	_ =	shalt  }
0x5f: {  	_ =	shalt  }
0x60: {  	_ =	shalt  }
0x61: {  	_ =	shalt  }
0x62: {  	_ =	shalt  }
0x63: {  	_ =	shalt  }
0x64: {  	_ =	shalt  }
0x65: {  	_ =	shalt  }
0x66: {  	_ =	shalt  }
0x67: {  	_ =	shalt  }
0x68: {  	_ =	shalt  }
0x69: {  	_ =	shalt  }
0x6a: {  	_ =	shalt  }
0x6b: {  	_ =	shalt  }
0x6c: {  	_ =	shalt  }
0x6d: {  	_ =	shalt  }
0x6e: {  	_ =	shalt  }
0x6f: {  	_ =	shalt  }
0x70: {  	_ =	shalt  }
0x71: {  	_ =	shalt  }
0x72: {  	_ =	shalt  }
0x73: {  	_ =	shalt  }
0x74: {  	_ =	shalt  }
0x75: {  	_ =	shalt  }
0x76: {  	_ =	shalt  }
0x77: {  	_ =	shalt  }
0x78: {  	_ =	shalt  }
0x79: {  	_ =	shalt  }
0x7a: {  	_ =	shalt  }
0x7b: {  	_ =	shalt  }
0x7c: {  	_ =	shalt  }
0x7d: {  	_ =	shalt  }
0x7e: {  	_ =	shalt  }
0x7f: {  	_ =	shalt  }
0x80: {  	_ =	shalt  }
0x81: {  	_ =	shalt  }
0x82: {  	_ =	shalt  }
0x83: {  	_ =	shalt  }
0x84: {  	_ =	shalt  }
0x85: {  	_ =	shalt  }
0x86: {  	_ =	shalt  }
0x87: {  	_ =	shalt  }
.Lfunc_end0:
.L_simem_size_0:
called_computation.2_lowered:
.L_overlay_start_0:
0x88: {  	s2 =	sld [smem:$0x3FD9]  }
0x89: {  	s3 =	sld [smem:$0x3FFE];
	_ =	sdelay $0x1  }
0x8a: {  	s1 =	srdreg.scid  }
0x8b: {  	s0 =	sand.u32 $0x1, s1  }
0x8c: {  	s17 =	sshll.u32 s0, $0xA;
	s2 =	sadd.s32 s3, s2  }
0x8d: {  	s2 =	sadd.s32 s2, s17  }
0x8e: {  	[smem:$0x3FBF] =	sst s2  }
0x8f: {  	_ = 	snop  }
0x90: {  	s2 =	sld [smem:$0x3FD0];
	(tm) =	ssettm $0x1  }
0x91: {  	s18 =	sld [smem:$0x3FFB];
	_ =	sdelay $0x3  }
0x92: {  	_ =	strace s18  }
0x93: {  	s3 =	sld [smem:$0x3FFC];
	_ =	sdelay $0x3  }
0x94: {  	_ =	strace s3  }
0x95: {  	s3 =	sld [smem:$0x3FFD];
	_ =	sdelay $0x3  }
0x96: {  	_ =	strace s3  }
0x97: {  	_ =	strace $0x8FFFFFFF  }
0x98: {  	s19 =	sld [smem:$0x3FDB];
	_ =	sdelay $0x1  }
0x99: {  	s4 =	simm.s32 $_scs_section_size  }
0x9a: {  	s5 =	simm.s32 $_size__tile_overlayer_lowered;
	s6 =	simm.s32 $_tile_overlayer_lowered  }
0x9b: {  	s22 =	simm.s32 $0x1BFF;
	s21 =	sshll.u32 s6, $0x1;
	s3 =	sadd.s32 s4, s19  }
0x9c: {  	s7 =	simm.s32 $0x0;
	s20 =	sshll.u32 s5, $0x1;
	s5 =	sadd.s32 s21, s3  }
0x9d: {  	[timem:s7], [sflag:s22] =	dma.local [hbm:s5], s20  }
0x9e: {  	_ =	swait.ge [sflag:s22], s20  }
0x9f: {  	s4 =	ssub.s32 $0x0, s20;
	[sflag:s22] =	ssyncset.done $0x0  }
0xa0: {  	[sflag:s22] =	ssyncadd.s32 s4;
	_ =	sdelay $0x1  }
0xa1: {  	s23 =	simm.s32 $0x1B8B  }
0xa2: {  	_ =	swait.ge [sflag:s23], $0x1  }
0xa3: {  	[sflag:s23] =	ssyncset.done $0x0  }
0xa4: {  	s25 =	simm.s32 $0x1B8E;
	s24 =	sld [smem:$0x3FFE];
	[sflag:s23] =	ssyncadd.s32 $0xFFFFFFFF  }
0xa5: {  	s26 =	simm.s32 $execute0_lowered;
	[smem:$0x3FD2] =	sst s25  }
0xa6: {  	s5 =	sshll.u32 s26, $0x1;
	_ =	strace $0x8000004C;
	[dreg:$0x1] =	wrdreg $0xFFFFFFFF  }
0xa7: {  	s28 =	simm.s32 $_size_execute0_lowered;
	s3 =	sadd.s32 s3, s5;
	[dreg:$0x0] =	wrdreg $0x0  }
0xa8: {  	s5 =	sshll.u32 s28, $0x1;
	[dreg:$0x2] =	wrdreg s3  }
0xa9: {  	[dreg:$0x3] =	wrdreg s5  }
0xaa: {  	[dreg:$0x4] =	wrdreg $0xC0  }
0xab: {  	_ =	task [dreg:s7], $0x5FFFF  }
0xac: {  	[dreg:$0x1] =	wrdreg $0xFFFFFFFF  }
0xad: {  	[dreg:$0x0] =	wrdreg $0x60  }
0xae: {  	[dreg:$0x2] =	wrdreg s24  }
0xaf: {  	[dreg:$0x3] =	wrdreg s2  }
0xb0: {  	[dreg:$0x4] =	wrdreg $0x81000  }
0xb1: {  	[dreg:$0x5] =	wrdreg $0x9  }
0xb2: {  	_ =	task.clear_ibuf [dreg:s7], $0x6FFFF;
	_ =	strace $0x9000004C  }
0xb3: {  	s29 =	simm.s32 $0x9;
	_ =	strace $0x8000004E  }
0xb4: {  	_ =	swait.ge [sflag:s29], $0x1  }
0xb5: {  	[sflag:s29] =	ssyncadd.s32 $0xFFFFFFFF  }
0xb6: {  	_ =	strace $0x9000004E  }
0xb7: {  	_ =	sfence  }
0xb8: {  	s30 =	sld [smem:$0x0];
	_ =	sdelay $0x2  }
0xb9: {  	s31 =	sshll.u32 s1, $0xD;
	s1 =	sshrl.u32 s1, $0x2  }
0xba: {  	s3 =	sand.u32 $0x4000, s31;
	s1 =	sadd.s32 s1, s30  }
0xbb: {  	s0 =	sor.u32 s3, s0;
	s1 =	sshll.u32 s1, $0x11  }
0xbc: {  	s0 =	sor.u32 s1, s0  }
0xbd: {  	s0 =	sadd.s32 $0x8F2B, s0  }
0xbe: {  	[sflag:s0] =	ssyncadd.remote.s32 $0x1  }
0xbf: {  	_ =	sfence.sel $0xFFFF  }
0xc0: {  	[dreg:$0x0] =	wrdreg $0xFFFFFFFF;
	(pc) =	sbr.abs _section_cstart, $3  }
0xc1: {  	[dreg:$0x1] =	wrdreg $0xFFFFFFFF  }
0xc2: {  	_ =	task.clear_ibuf [dreg:s7], $0x2FFFF;
	_ =	strace $0x9FFFFFFF  }
0xc3: {  	(tm) =	ssettm $0x7FFFFFFF  }
tec
execute0_lowered:
.L_overlay_start_1:
0x0: {  	(tag) =	ssettag $0x1  }
0x1: {  	s0 =	srdreg.scid  }
0x2: {  	s11 =	sand.u32 $0x1, s0  }
0x3: {  	s0 =	stileid.u32;
	s4 =	smul.u32 $0x13C000, s11  }
0x4: {  	s5 =	rddreg [dreg:$0x0];
	s6 =	smul.u32 $0x13C00, s0  }
0x5: {  	s13 =	rddreg [dreg:$0x1];
	s7 =	smul.u32 $0x4F000, s0  }
0x6: {  	s2 =	rddreg [dreg:$0x2];
	s12 =	smul.u32 $0x50000, s0  }
0x7: {  	s1 =	rddreg [dreg:$0x3];
	s15 =	smul.u32 $0xA0, s0  }
0x8: {  	s3 =	simm.s32 $0x0;
	s19 =	simm.s32 $0x1;
	s16 =	smul.u32 $0x50, s11  }
0x9: {  	s20 =	simm.s32 $0x2;
	s21 =	simm.s32 $0x0;
	s17 =	smul.u32 $0x28000, s11  }
0xa: {  	[smem:$0x7FF] =	sst s3;
	s28 =	ssub.s32 $0x2, s11;
	s18 =	smul.u32 $0xA00, s0  }
0xb: {  	_ =	strace $0x8000004D;
	s30 =	smul.u32 $0x500, s11;
	s29 =	sshrl.u32 s28, $0x1  }
0xc: {  	s4 =	sadd.s32 s6, s4;
	s7 =	sshrl.u32 s7, $0x2;
	s14 =	ssub.s32 s28, s29  }
0xd: {  	s15 =	sadd.s32 s16, s15;
	s12 =	sadd.s32 s12, s13;
	s16 =	simm.s32 $0x3  }
0xe: {  	s6 =	sshrl.u32 s4, $0x3;
	s4 =	sadd.s32 $0x556C00, s5;
	s15 =	sshll.u32 s15, $0xB  }
0xf: {  	s11 =	smax.u32 s14, $0x1;
	s12 =	sadd.s32 s17, s12;
	s17 =	simm.s32 $0x80  }
0x10: {  	s10 =	sadd.s32 s6, s5;
	s5 =	sadd.s32 s7, s2;
	s31 =	sadd.s32 s15, s13  }
0x11: {  	s13 =	sadd.s32 s30, s18;
	s15 =	simm.s32 $0x100;
	s18 =	simm.s32 $0x4100  }
0x12: {  	s6 =	sadd.s32 $0x4000, s5;
	s7 =	sadd.s32 $0x8000, s5;
	s8 =	sadd.s32 $0xC000, s5  }
0x13: {  	v0 =	vimm.f32 $0.0e+00;
	s9 =	sadd.s32 $0x10000, s5;
	s10 =	sadd.s32 $0x560C00, s10;
	s14 =	sadd.s32 $0x800, s31  }
.LBB2_1:
0x14: {  	s22 =	simm.s32 $0x0;
	s23 =	simm.s32 $0x200  }
.LBB2_2:
0x15: {  	p0 =	sne.s32 s23, $0xFE00;
	[tilespmem:s22+$0x170] =	vst v0  }
0x16: {  	[tilespmem:s22+$0x100] =	vst v0  }
0x17: {  	[tilespmem:s22+$0x110] =	vst v0  }
.Ltmp0:
0x18: {  	[tilespmem:s22+$0x120] =	vst v0;
	(pc) =	sbr.rel @p0 .LBB2_2-.Ltmp0, $4  }
0x19: {  	[tilespmem:s22+$0x130] =	vst v0  }
0x1a: {  	[tilespmem:s22+$0x140] =	vst v0  }
0x1b: {  	[tilespmem:s22+$0x150] =	vst v0  }
0x1c: {  	[tilespmem:s22+$0x160] =	vst v0;
	s22 =	sshra.s32 s23, $0x2;
	s23 =	sadd.s32 $0x200, s23  }
0x1d: {  	[tilespmem:s22+$0x170] =	vst v0  }
0x1e: {  	[tilespmem:s22+$0x100] =	vst v0  }
0x1f: {  	[tilespmem:s22+$0x110] =	vst v0  }
0x20: {  	[tilespmem:s22+$0x120] =	vst v0  }
0x21: {  	[tilespmem:s22+$0x130] =	vst v0  }
0x22: {  	[tilespmem:s22+$0x140] =	vst v0  }
0x23: {  	[tilespmem:s22+$0x150] =	vst v0  }
0x24: {  	[tilespmem:s22+$0x160] =	vst v0  }
0x25: {  	[spmem:s5] =	stream.linear.scatter [tilespmem:s15], [sflag:$0x3], $0x4000, $0x38;
	[tilespmem:$0x1BD00] =	vst v63  }
0x26: {  	_ =	swait.ge [sflag:s16], $0x4000  }
0x27: {  	[sflag:s16] =	ssyncset.done $0x0  }
0x28: {  	[sflag:s16] =	ssyncadd.s32 $0xFFFFC000  }
0x29: {  	[spmem:s6] =	stream.linear.scatter [tilespmem:s15], [sflag:$0x3], $0x4000, $0x38;
	[tilespmem:$0x1BD00] =	vst v63  }
0x2a: {  	_ =	swait.ge [sflag:s16], $0x4000  }
0x2b: {  	[sflag:s16] =	ssyncset.done $0x0  }
0x2c: {  	[sflag:s16] =	ssyncadd.s32 $0xFFFFC000  }
0x2d: {  	[spmem:s7] =	stream.linear.scatter [tilespmem:s15], [sflag:$0x3], $0x4000, $0x38;
	[tilespmem:$0x1BD00] =	vst v63  }
0x2e: {  	_ =	swait.ge [sflag:s16], $0x4000  }
0x2f: {  	[sflag:s16] =	ssyncset.done $0x0  }
0x30: {  	[sflag:s16] =	ssyncadd.s32 $0xFFFFC000  }
0x31: {  	[spmem:s8] =	stream.linear.scatter [tilespmem:s15], [sflag:$0x3], $0x4000, $0x38;
	[tilespmem:$0x1BD00] =	vst v63  }
0x32: {  	_ =	swait.ge [sflag:s16], $0x4000  }
0x33: {  	[sflag:s16] =	ssyncset.done $0x0  }
0x34: {  	[sflag:s16] =	ssyncadd.s32 $0xFFFFC000  }
0x35: {  	[spmem:s9] =	stream.linear.scatter [tilespmem:s15], [sflag:$0x3], $0x3C00, $0x38;
	[tilespmem:$0x1BD00] =	vst v63  }
0x36: {  	s26 =	simm.s32 $0x0;
	_ =	swait.ge [sflag:s16], $0x3C00  }
0x37: {  	s23 =	sadd.s32 $0x0, s13;
	s22 =	sand.u32 $0x60, s26;
	[sflag:s16] =	ssyncset.done $0x0  }
0x38: {  	s24 =	sand.u32 $0xFFFFF80, s23;
	s22 =	sadd.s32 s4, s22;
	[sflag:s16] =	ssyncadd.s32 $0xFFFFC400  }
0x39: {  	s22 =	sadd.s32 s24, s22;
	[bflag:$0x0] =	sbarrier.arrive $0xFFFF  }
0x3a: {  	[tilespmem:s3], [sflag:$0x3] =	stream.linear.gather [hbm4b:s22+s3], $0x80, $0x38;
	[tilespmem:$0x1BD00] =	vst v63  }
0x3b: {  	s29 =	sadd.s32 $0x10, s23;
	_ =	swait.ge [sflag:s16], $0x80  }
0x3c: {  	s30 =	sadd.s32 s4, s24;
	s22 =	sand.u32 $0x70, s29;
	[sflag:s16] =	ssyncset.done $0x0  }
0x3d: {  	s22 =	sadd.s32 s22, s30;
	[sflag:s16] =	ssyncadd.s32 $0xFFFFFF80  }
0x3e: {  	[tilespmem:s17], [sflag:$0x3] =	stream.linear.gather [hbm4b:s22+s3], $0x80, $0x38;
	[tilespmem:$0x1BD00] =	vst v63  }
0x3f: {  	_ =	swait.ge [sflag:s16], $0x80  }
0x40: {  	[sflag:s16] =	ssyncset.done $0x0  }
0x41: {  	[sflag:s16] =	ssyncadd.s32 $0xFFFFFF80  }
0x42: {  	[tilespmem:s15], [sflag:$0x1] =	stream.linear.gather [hbm4b:s12+s3], $0x4000, $0x38;
	[tilespmem:$0x1BD00] =	vst v63  }
0x43: {  	_ = 	snop  }
0x44: {  	[tilespmem:s18], [sflag:$0x2] =	stream.linear.gather [hbm4b:s14+s3], $0x4000, $0x38;
	[tilespmem:$0x1BD00] =	vst v63  }
0x45: {  	_ =	swait.ge [sflag:s19], $0x4000  }
0x46: {  	[sflag:s19] =	ssyncset.done $0x0  }
0x47: {  	[sflag:s19] =	ssyncadd.s32 $0xFFFFC000  }
0x48: {  	[spmem:s2] =	stream.indirect.scatter.add.f32 [tilespmem:s15], [sflag:$0x1], $0x80, s3, s17, $0xb8;
	[tilespmem:$0x1BD00] =	vst v63  }
0x49: {  	_ =	swait.ge [sflag:s20], $0x4000  }
0x4a: {  	[sflag:s20] =	ssyncset.done $0x0  }
0x4b: {  	[sflag:s20] =	ssyncadd.s32 $0xFFFFC000  }
0x4c: {  	[spmem:s2] =	stream.indirect.scatter.add.f32 [tilespmem:s18], [sflag:$0x2], $0x80, s17, s17, $0xb8;
	[tilespmem:$0x1BD00] =	vst v63  }
0x4d: {  	_ =	swait.ge [sflag:s19], $0x4000  }
0x4e: {  	s31 =	simm.s32 $0x20;
	s25 =	simm.s32 $0x40;
	[sflag:s19] =	ssyncset.done $0x0  }
0x4f: {  	s23 =	sadd.s32 $0x1000, s14;
	s28 =	sand.u32 $0x60, s31;
	[sflag:s19] =	ssyncadd.s32 $0xFFFFC000  }
0x50: {  	s26 =	sadd.s32 $0x20, s13;
	s28 =	sadd.s32 s4, s28;
	_ =	swait.ge [sflag:s20], $0x4000  }
0x51: {  	s24 =	sand.u32 $0xFFFFF80, s26;
	s22 =	sadd.s32 $0x1000, s12;
	[sflag:s20] =	ssyncset.done $0x0  }
.LBB2_4:
0x52: {  	s28 =	sadd.s32 s24, s28  }
0x53: {  	s26 =	sadd.s32 $0x10, s26;
	[sflag:s20] =	ssyncadd.s32 $0xFFFFC000;
	s29 =	smov.u32 s25  }
0x54: {  	[tilespmem:s3], [sflag:$0x3] =	stream.linear.gather [hbm4b:s28+s3], $0x80, $0x38;
	[tilespmem:$0x1BD00] =	vst v63  }
0x55: {  	s30 =	sadd.s32 $0x20, s25;
	s26 =	sand.u32 $0x70, s26;
	_ =	swait.ge [sflag:s16], $0x80  }
0x56: {  	p0 =	sne.s32 s25, $0x4E0;
	s24 =	sadd.s32 s4, s24;
	[sflag:s16] =	ssyncset.done $0x0  }
0x57: {  	s24 =	sadd.s32 s26, s24;
	[sflag:s16] =	ssyncadd.s32 $0xFFFFFF80  }
0x58: {  	[tilespmem:s17], [sflag:$0x3] =	stream.linear.gather [hbm4b:s24+s3], $0x80, $0x38;
	[tilespmem:$0x1BD00] =	vst v63  }
0x59: {  	_ =	swait.ge [sflag:s16], $0x80  }
0x5a: {  	[sflag:s16] =	ssyncset.done $0x0  }
0x5b: {  	[sflag:s16] =	ssyncadd.s32 $0xFFFFFF80  }
0x5c: {  	[tilespmem:s15], [sflag:$0x1] =	stream.linear.gather [hbm4b:s22+s3], $0x4000, $0x38;
	[tilespmem:$0x1BD00] =	vst v63  }
0x5d: {  	_ = 	snop  }
0x5e: {  	[tilespmem:s18], [sflag:$0x2] =	stream.linear.gather [hbm4b:s23+s3], $0x4000, $0x38;
	[tilespmem:$0x1BD00] =	vst v63  }
0x5f: {  	_ =	swait.ge [sflag:s19], $0x4000  }
0x60: {  	[sflag:s19] =	ssyncset.done $0x0  }
0x61: {  	[sflag:s19] =	ssyncadd.s32 $0xFFFFC000  }
0x62: {  	[spmem:s2] =	stream.indirect.scatter.add.f32 [tilespmem:s15], [sflag:$0x1], $0x80, s3, s17, $0xb8;
	[tilespmem:$0x1BD00] =	vst v63  }
0x63: {  	_ =	swait.ge [sflag:s20], $0x4000  }
0x64: {  	[sflag:s20] =	ssyncset.done $0x0  }
0x65: {  	[sflag:s20] =	ssyncadd.s32 $0xFFFFC000  }
0x66: {  	[spmem:s2] =	stream.indirect.scatter.add.f32 [tilespmem:s18], [sflag:$0x2], $0x80, s17, s17, $0xb8;
	[tilespmem:$0x1BD00] =	vst v63  }
.Ltmp1:
0x67: {  	_ =	swait.ge [sflag:s19], $0x4000;
	(pc) =	sbr.rel @p0 .LBB2_4-.Ltmp1, $4  }
0x68: {  	s25 =	sand.u32 $0x60, s29;
	[sflag:s19] =	ssyncset.done $0x0  }
0x69: {  	s22 =	sadd.s32 $0x1000, s22;
	s23 =	sadd.s32 $0x1000, s23;
	[sflag:s19] =	ssyncadd.s32 $0xFFFFC000  }
0x6a: {  	s26 =	sadd.s32 s29, s13;
	s28 =	sadd.s32 s4, s25;
	_ =	swait.ge [sflag:s20], $0x4000  }
0x6b: {  	s25 =	smov.u32 s30;
	s24 =	sand.u32 $0xFFFFF80, s26;
	[sflag:s20] =	ssyncset.done $0x0  }
0x6c: {  	s25 =	sadd.s32 s24, s28;
	[sflag:s20] =	ssyncadd.s32 $0xFFFFC000  }
0x6d: {  	[tilespmem:s3], [sflag:$0x3] =	stream.linear.gather [hbm4b:s25+s3], $0x80, $0x38;
	[tilespmem:$0x1BD00] =	vst v63  }
0x6e: {  	s28 =	sadd.s32 $0x10, s26;
	_ =	swait.ge [sflag:s16], $0x80  }
0x6f: {  	s29 =	sadd.s32 s4, s24;
	s25 =	sand.u32 $0x70, s28;
	[sflag:s16] =	ssyncset.done $0x0  }
0x70: {  	s24 =	sadd.s32 s25, s29;
	[sflag:s16] =	ssyncadd.s32 $0xFFFFFF80  }
0x71: {  	[tilespmem:s17], [sflag:$0x3] =	stream.linear.gather [hbm4b:s24+s3], $0x80, $0x38;
	[tilespmem:$0x1BD00] =	vst v63  }
0x72: {  	_ =	swait.ge [sflag:s16], $0x80  }
0x73: {  	[sflag:s16] =	ssyncset.done $0x0  }
0x74: {  	[sflag:s16] =	ssyncadd.s32 $0xFFFFFF80  }
0x75: {  	[tilespmem:s15], [sflag:$0x1] =	stream.linear.gather [hbm4b:s22+s3], $0x4000, $0x38;
	[tilespmem:$0x1BD00] =	vst v63  }
0x76: {  	_ = 	snop  }
0x77: {  	[tilespmem:s18], [sflag:$0x2] =	stream.linear.gather [hbm4b:s23+s3], $0x4000, $0x38;
	[tilespmem:$0x1BD00] =	vst v63  }
0x78: {  	_ =	swait.ge [sflag:s19], $0x4000  }
0x79: {  	[sflag:s19] =	ssyncset.done $0x0  }
0x7a: {  	[sflag:s19] =	ssyncadd.s32 $0xFFFFC000  }
0x7b: {  	[spmem:s2] =	stream.indirect.scatter.add.f32 [tilespmem:s15], [sflag:$0x1], $0x80, s3, s17, $0xb8;
	[tilespmem:$0x1BD00] =	vst v63  }
0x7c: {  	_ =	swait.ge [sflag:s20], $0x4000  }
0x7d: {  	[sflag:s20] =	ssyncset.done $0x0  }
0x7e: {  	[sflag:s20] =	ssyncadd.s32 $0xFFFFC000  }
0x7f: {  	[spmem:s2] =	stream.indirect.scatter.add.f32 [tilespmem:s18], [sflag:$0x2], $0x80, s17, s17, $0xb8;
	[tilespmem:$0x1BD00] =	vst v63  }
0x80: {  	_ =	swait.ge [sflag:s19], $0x4000  }
0x81: {  	[sflag:s19] =	ssyncset.done $0x0  }
0x82: {  	[sflag:s19] =	ssyncadd.s32 $0xFFFFC000  }
0x83: {  	_ =	swait.ge [sflag:s20], $0x4000  }
0x84: {  	s30 =	sshll.u32 s0, $0x6;
	s21 =	sadd.s32 $0x1, s21;
	[sflag:s20] =	ssyncset.done $0x0  }
0x85: {  	s31 =	sshrl.u32 s5, $0x3;
	p0 =	sne.s32 s21, s11;
	[sflag:s20] =	ssyncadd.s32 $0xFFFFC000  }
.Ltmp2:
0x86: {  	s22 =	sor.u32 $0x1C03, s30;
	[bflag:$0x0] =	sbarrier.arrive $0xFFFF;
	(pc) =	sbr.rel @p0 .LBB2_1-.Ltmp2, $4  }
0x87: {  	[hbm:s10], [sflag:s22] =	dma.local [spmem:s31], $0x2780  }
0x88: {  	_ =	swait.ge [sflag:s16], $0x2780  }
0x89: {  	[sflag:s16] =	ssyncset.done $0x0  }
0x8a: {  	[sflag:s16] =	ssyncadd.s32 $0xFFFFD880  }
0x8b: {  	_ =	sfence.sel $0x180000  }
0x8c: {  	[bflag:$0x0] =	sbarrier.arrive $0xFFFF  }
0x8d: {  	p0 =	sne.s32 s0, $0x0;
	_ =	strace $0x9000004D  }
0x8e: {  	s0 =	sadd.s32 @!p0 $0x100000, s1;
	[bflag:$0x2] =	sbarrier.arrive $0xFFFF  }
0x8f: {  	[sflag:s0] =	ssyncadd.tile.s32 @!p0 $0x1;
	_ =	shalt  }
.Lfunc_end2:
_tile_overlayer_lowered:
.L_overlay_start_2:
0x90: {  	(tag) =	ssettag $0x2  }
0x91: {  	s0 =	rddreg [dreg:$0x0];
	s2 =	stileid.u32  }
0x92: {  	s1 =	rddreg [dreg:$0x1];
	p0 =	sne.s32 s2, $0x0  }
0x93: {  	s3 =	rddreg [dreg:$0x2];
	[bflag:$0x3] =	sbarrier.arrive $0xFFFF;
	s2 =	simm.s32 @!p0 $0x1C03  }
0x94: {  	[timem:s3], [sflag:s2] =	dma.local @!p0 [hbm:s0], s1  }
0x95: {  	s0 =	simm.s32 @!p0 $0x3  }
0x96: {  	_ =	swait.ge @!p0 [sflag:s0], s1  }
0x97: {  	s1 =	ssub.s32 @!p0 $0x0, s1;
	[sflag:s0] =	ssyncset.done @!p0 $0x0  }
0x98: {  	[sflag:s0] =	ssyncadd.s32 @!p0 s1  }
0x99: {  	[bflag:$0x3] =	sbarrier.arrive $0xFFFF  }
0x9a: {  	_ =	shalt  }

// kernel: kernel.20.cloned.1.call-start
scs
__scs_entry_jumppad:
0x0: {  	(pc) =	sbr.rel $0x88, $3  }
0x1: {  	(tag) =	ssettag $0x0;
	lr =	simm.s32 $0x1  }
0x2: {  	[smem:$0x3F98] =	sst lr;
	_ =	strace $0xD0000000  }
0x3: {  	_ = 	snop  }
0x4: {  	_ = 	snop  }
0x5: {  	_ = 	snop  }
0x6: {  	_ = 	snop  }
0x7: {  	_ = 	snop  }
__scs_overlays_trampoline_lowered:
0x8: {  	[smem:$0x3FA7] =	sst s0  }
0x9: {  	[smem:$0x3FA8] =	sst s1  }
0xa: {  	[smem:$0x3FA9] =	sst s2  }
0xb: {  	[smem:$0x3FAA] =	sst s3  }
0xc: {  	[smem:$0x3FAB] =	sst s4  }
0xd: {  	[smem:$0x3FAC] =	sst s5  }
0xe: {  	[smem:$0x3FAD] =	sst s6  }
0xf: {  	[smem:$0x3FAE] =	sst s7  }
0x10: {  	[smem:$0x3FAF] =	sst s8  }
0x11: {  	[smem:$0x3FB0] =	sst s9;
	s0 =	simm.s32 @!p0 $0x0  }
0x12: {  	s1 =	sld [smem:$0x3F96];
	s0 =	simm.s32 @p0 $0x1  }
0x13: {  	[smem:$0x3FB1] =	sst s0;
	s0 =	simm.s32 @!p1 $0x0  }
0x14: {  	s2 =	sld [smem:$0x3F95];
	s0 =	simm.s32 @p1 $0x1  }
0x15: {  	[smem:$0x3FB2] =	sst s0;
	s0 =	simm.s32 @!p2 $0x0  }
0x16: {  	s3 =	sld [smem:$0x3FDB];
	s0 =	simm.s32 @p2 $0x1  }
0x17: {  	s4 =	simm.s32 $0x1BF5;
	[smem:$0x3FB4] =	sst s0  }
0x18: {  	s0 =	sld [smem:$0x3F97];
	_ =	swait.ge [sflag:s4], $0x0  }
0x19: {  	s7 =	sld [smem:$0x3F98]  }
0x1a: {  	s8 =	sadd.s32 $0xFFFFE003, lr  }
0x1b: {  	s9 =	sadd.s32 $0xFFFFFEF7, lr;
	s5 =	simm.s32 $0xFFFFFFFF;
	p2 =	slt.u32 s8, $0xFFFFF086  }
0x1c: {  	p1 =	slt.u32 s9, $0xF7A;
	s5 =	simm.s32 @!p2 $0x0  }
0x1d: {  	s5 =	simm.s32 @p1 $0x1;
	p0 =	seq.s32 s7, s2  }
0x1e: {  	s7 =	smul.u32 @!p0 $0xF7A, s2;
	p2 =	seq.s32 @!p0 s5, $0x0  }
0x1f: {  	s9 =	smul.u32 $0xF7A, s1;
	s8 =	simm.s32 @!p0 $0x1BF5;
	p2 =	por !p2, p0  }
0x20: {  	[sflag:s8] =	ssyncset.s32 @!p0 $0xFFFFF086;
	s6 =	sadd.s32 @!p0 s3, s7;
	s7 =	simm.s32 @!p0 $0x108  }
0x21: {  	s3 =	sadd.s32 s3, s9;
	s6 =	sadd.s32 @!p0 $0x88, s6;
	s7 =	simm.s32 @p2 $0x1082  }
0x22: {  	[simem:s7], [sflag:s8] =	dma.local @!p0 [hbm:s6], $0xF7A  }
0x23: {  	s9 =	sor.u32 $0xD0000000, s2;
	s6 =	simm.s32 $0x108;
	_ =	swait.ge @!p0 [sflag:s8], $0x0  }
0x24: {  	s3 =	sadd.s32 $0x88, s3;
	s6 =	simm.s32 @!p1 $0x1082;
	[sflag:s4] =	ssyncset.s32 $0xFFFFF086  }
0x25: {  	[simem:s6], [sflag:s4] =	dma.local [hbm:s3], $0xF7A  }
0x26: {  	[smem:$0x3F98] =	sst s1;
	(tag) =	ssettag s2;
	_ =	strace s9  }
0x27: {  	s1 =	sld [smem:$0x3FA8]  }
0x28: {  	s2 =	sld [smem:$0x3FA9]  }
0x29: {  	s4 =	sld [smem:$0x3FAB]  }
0x2a: {  	p0 =	seq.s32 s5, $0x0;
	s5 =	sld [smem:$0x3FAC]  }
0x2b: {  	s6 =	sld [smem:$0x3FAD]  }
0x2c: {  	s7 =	sld [smem:$0x3FAE]  }
0x2d: {  	s3 =	simm.s32 $0x108;
	s8 =	sld [smem:$0x3FAF]  }
0x2e: {  	s3 =	simm.s32 @!p0 $0x1082;
	s9 =	sld [smem:$0x3FB0]  }
0x2f: {  	lr =	sadd.s32 s0, s3;
	s0 =	sld [smem:$0x3FA7]  }
0x30: {  	s3 =	sld [smem:$0x3FAA]  }
0x31: {  	[smem:$0x3FB3] =	sst s10  }
0x32: {  	s10 =	sld [smem:$0x3FB1];
	_ =	sdelay $0x3  }
0x33: {  	p0 =	seq.s32 s10, $0x1;
	s10 =	sld [smem:$0x3FB3];
	_ =	sdelay $0x3  }
0x34: {  	[smem:$0x3FB3] =	sst s10  }
0x35: {  	s10 =	sld [smem:$0x3FB2];
	_ =	sdelay $0x3  }
0x36: {  	p1 =	seq.s32 s10, $0x1;
	s10 =	sld [smem:$0x3FB3];
	_ =	sdelay $0x3  }
0x37: {  	[smem:$0x3FB3] =	sst s10  }
0x38: {  	s10 =	sld [smem:$0x3FB4]  }
0x39: {  	_ = 	snop;
	(pc) =	sbr.ind lr, $3  }
0x3a: {  	_ = 	snop  }
0x3b: {  	_ = 	snop  }
0x3c: {  	p2 =	seq.s32 s10, $0x1;
	s10 =	sld [smem:$0x3FB3]  }
0x3d: {  	_ =	shalt  }
0x3e: {  	_ =	shalt  }
0x3f: {  	_ =	shalt  }
0x40: {  	_ =	shalt  }
0x41: {  	_ =	shalt  }
0x42: {  	_ =	shalt  }
0x43: {  	_ =	shalt  }
0x44: {  	_ =	shalt  }
0x45: {  	_ =	shalt  }
0x46: {  	_ =	shalt  }
0x47: {  	_ =	shalt  }
0x48: {  	_ =	shalt  }
0x49: {  	_ =	shalt  }
0x4a: {  	_ =	shalt  }
0x4b: {  	_ =	shalt  }
0x4c: {  	_ =	shalt  }
0x4d: {  	_ =	shalt  }
0x4e: {  	_ =	shalt  }
0x4f: {  	_ =	shalt  }
0x50: {  	_ =	shalt  }
0x51: {  	_ =	shalt  }
0x52: {  	_ =	shalt  }
0x53: {  	_ =	shalt  }
0x54: {  	_ =	shalt  }
0x55: {  	_ =	shalt  }
0x56: {  	_ =	shalt  }
0x57: {  	_ =	shalt  }
0x58: {  	_ =	shalt  }
0x59: {  	_ =	shalt  }
0x5a: {  	_ =	shalt  }
0x5b: {  	_ =	shalt  }
0x5c: {  	_ =	shalt  }
0x5d: {  	_ =	shalt  }
0x5e: {  	_ =	shalt  }
0x5f: {  	_ =	shalt  }
0x60: {  	_ =	shalt  }
0x61: {  	_ =	shalt  }
0x62: {  	_ =	shalt  }
0x63: {  	_ =	shalt  }
0x64: {  	_ =	shalt  }
0x65: {  	_ =	shalt  }
0x66: {  	_ =	shalt  }
0x67: {  	_ =	shalt  }
0x68: {  	_ =	shalt  }
0x69: {  	_ =	shalt  }
0x6a: {  	_ =	shalt  }
0x6b: {  	_ =	shalt  }
0x6c: {  	_ =	shalt  }
0x6d: {  	_ =	shalt  }
0x6e: {  	_ =	shalt  }
0x6f: {  	_ =	shalt  }
0x70: {  	_ =	shalt  }
0x71: {  	_ =	shalt  }
0x72: {  	_ =	shalt  }
0x73: {  	_ =	shalt  }
0x74: {  	_ =	shalt  }
0x75: {  	_ =	shalt  }
0x76: {  	_ =	shalt  }
0x77: {  	_ =	shalt  }
0x78: {  	_ =	shalt  }
0x79: {  	_ =	shalt  }
0x7a: {  	_ =	shalt  }
0x7b: {  	_ =	shalt  }
0x7c: {  	_ =	shalt  }
0x7d: {  	_ =	shalt  }
0x7e: {  	_ =	shalt  }
0x7f: {  	_ =	shalt  }
0x80: {  	_ =	shalt  }
0x81: {  	_ =	shalt  }
0x82: {  	_ =	shalt  }
0x83: {  	_ =	shalt  }
0x84: {  	_ =	shalt  }
0x85: {  	_ =	shalt  }
0x86: {  	_ =	shalt  }
0x87: {  	_ =	shalt  }
.Lfunc_end0:
.L_simem_size_0:
called_computation.3_lowered:
.L_overlay_start_0:
0x88: {  	s2 =	sld [smem:$0x3FD9]  }
0x89: {  	s3 =	sld [smem:$0x3FFE];
	_ =	sdelay $0x1  }
0x8a: {  	s1 =	srdreg.scid  }
0x8b: {  	s0 =	sand.u32 $0x1, s1  }
0x8c: {  	s16 =	sshll.u32 s0, $0xA;
	s2 =	sadd.s32 s3, s2  }
0x8d: {  	s2 =	sadd.s32 s2, s16  }
0x8e: {  	[smem:$0x3FBF] =	sst s2  }
0x8f: {  	_ = 	snop  }
0x90: {  	(tm) =	ssettm $0x1  }
0x91: {  	s17 =	sld [smem:$0x3FFB];
	_ =	sdelay $0x3  }
0x92: {  	_ =	strace s17  }
0x93: {  	s2 =	sld [smem:$0x3FFC];
	_ =	sdelay $0x3  }
0x94: {  	_ =	strace s2  }
0x95: {  	s2 =	sld [smem:$0x3FFD];
	_ =	sdelay $0x3  }
0x96: {  	_ =	strace s2  }
0x97: {  	_ =	strace $0x8FFFFFFF  }
0x98: {  	s18 =	sld [smem:$0x3FDB];
	_ =	sdelay $0x1  }
0x99: {  	s19 =	simm.s32 $_scs_section_size  }
0x9a: {  	s4 =	simm.s32 $_size__tile_overlayer_lowered;
	s5 =	simm.s32 $_tile_overlayer_lowered  }
0x9b: {  	s22 =	simm.s32 $0x1BFF;
	s21 =	sshll.u32 s5, $0x1;
	s2 =	sadd.s32 s19, s18  }
0x9c: {  	s6 =	simm.s32 $0x0;
	s20 =	sshll.u32 s4, $0x1;
	s4 =	sadd.s32 s21, s2  }
0x9d: {  	[timem:s6], [sflag:s22] =	dma.local [hbm:s4], s20  }
0x9e: {  	_ =	swait.ge [sflag:s22], s20  }
0x9f: {  	s3 =	ssub.s32 $0x0, s20;
	[sflag:s22] =	ssyncset.done $0x0  }
0xa0: {  	[sflag:s22] =	ssyncadd.s32 s3;
	_ =	sdelay $0x1  }
0xa1: {  	s23 =	simm.s32 $0x1B8B  }
0xa2: {  	_ =	swait.ge [sflag:s23], $0x1  }
0xa3: {  	[sflag:s23] =	ssyncset.done $0x0  }
0xa4: {  	s25 =	simm.s32 $0x1B8E;
	s24 =	sld [smem:$0x3FFE];
	[sflag:s23] =	ssyncadd.s32 $0xFFFFFFFF  }
0xa5: {  	s26 =	simm.s32 $execute0_lowered;
	[smem:$0x3FD2] =	sst s25  }
0xa6: {  	s4 =	sshll.u32 s26, $0x1;
	_ =	strace $0x8000004F;
	[dreg:$0x1] =	wrdreg $0xFFFFFFFF  }
0xa7: {  	s28 =	simm.s32 $_size_execute0_lowered;
	s2 =	sadd.s32 s2, s4;
	[dreg:$0x0] =	wrdreg $0x0  }
0xa8: {  	s4 =	sshll.u32 s28, $0x1;
	[dreg:$0x2] =	wrdreg s2  }
0xa9: {  	[dreg:$0x3] =	wrdreg s4  }
0xaa: {  	[dreg:$0x4] =	wrdreg $0xC0  }
0xab: {  	_ =	task [dreg:s6], $0x5FFFF  }
0xac: {  	[dreg:$0x1] =	wrdreg $0xFFFFFFFF  }
0xad: {  	[dreg:$0x0] =	wrdreg $0x60  }
0xae: {  	[dreg:$0x2] =	wrdreg s24  }
0xaf: {  	[dreg:$0x3] =	wrdreg $0x9  }
0xb0: {  	_ =	task.clear_ibuf [dreg:s6], $0x4FFFF;
	_ =	strace $0x9000004F  }
0xb1: {  	s29 =	simm.s32 $0x9;
	_ =	strace $0x80000051  }
0xb2: {  	_ =	swait.ge [sflag:s29], $0x1  }
0xb3: {  	[sflag:s29] =	ssyncadd.s32 $0xFFFFFFFF  }
0xb4: {  	_ =	strace $0x90000051  }
0xb5: {  	_ =	sfence  }
0xb6: {  	s30 =	sld [smem:$0x0];
	_ =	sdelay $0x2  }
0xb7: {  	s31 =	sshll.u32 s1, $0xD;
	s1 =	sshrl.u32 s1, $0x2  }
0xb8: {  	s3 =	sand.u32 $0x4000, s31;
	s1 =	sadd.s32 s1, s30  }
0xb9: {  	s0 =	sor.u32 s3, s0;
	s1 =	sshll.u32 s1, $0x11  }
0xba: {  	s0 =	sor.u32 s1, s0  }
0xbb: {  	s0 =	sadd.s32 $0x8F2B, s0  }
0xbc: {  	[sflag:s0] =	ssyncadd.remote.s32 $0x1  }
0xbd: {  	_ =	sfence.sel $0xFFFF  }
0xbe: {  	[dreg:$0x0] =	wrdreg $0xFFFFFFFF;
	(pc) =	sbr.abs _section_cstart, $3  }
0xbf: {  	[dreg:$0x1] =	wrdreg $0xFFFFFFFF  }
0xc0: {  	_ =	task.clear_ibuf [dreg:s6], $0x2FFFF;
	_ =	strace $0x9FFFFFFF  }
0xc1: {  	(tm) =	ssettm $0x7FFFFFFF  }
tec
execute0_lowered:
.L_overlay_start_1:
0x0: {  	(tag) =	ssettag $0x1  }
0x1: {  	s5 =	rddreg [dreg:$0x0]  }
0x2: {  	s0 =	rddreg [dreg:$0x1];
	s2 =	simm.s32 $0x0;
	s1 =	stileid.u32  }
0x3: {  	s4 =	srdreg.scid;
	s14 =	simm.s32 $0x8200;
	s15 =	simm.s32 $0x180  }
0x4: {  	s16 =	simm.s32 $0xC200;
	s17 =	simm.s32 $0x1;
	s6 =	smul.u32 $0x50000, s1  }
0x5: {  	s18 =	simm.s32 $0x2;
	s19 =	simm.s32 $0x3;
	s8 =	smul.u32 $0x50, s1  }
0x6: {  	s20 =	simm.s32 $0x0;
	s7 =	sand.u32 $0x1, s4;
	s13 =	smul.u32 $0xA00, s1  }
0x7: {  	[smem:$0x7FF] =	sst s2;
	s3 =	sadd.s32 $0x54CC00, s5;
	s9 =	smul.u32 $0x28, s7  }
0x8: {  	s4 =	sadd.s32 $0x560C00, s5;
	s10 =	sadd.s32 $0x1C00, s5;
	s11 =	smul.u32 $0x28000, s7  }
0x9: {  	_ =	strace $0x80000050;
	s31 =	ssub.s32 $0x2, s7;
	s7 =	smul.u32 $0x500, s7  }
0xa: {  	s12 =	sshrl.u32 s31, $0x1;
	s6 =	sadd.s32 s6, s10;
	s8 =	sadd.s32 s9, s8  }
0xb: {  	s5 =	ssub.s32 s31, s12;
	s6 =	sadd.s32 s11, s6;
	s7 =	sadd.s32 s7, s13  }
0xc: {  	s9 =	simm.s32 $0x4;
	s11 =	simm.s32 $0x80;
	s8 =	sshll.u32 s8, $0xC  }
0xd: {  	s12 =	simm.s32 $0x200;
	s13 =	simm.s32 $0x4200;
	s8 =	sadd.s32 s8, s10  }
0xe: {  	s5 =	smax.u32 s5, $0x1;
	s10 =	simm.s32 $0x100;
	s8 =	sadd.s32 $0x1000, s8  }
.LBB2_1:
0xf: {  	s21 =	sadd.s32 $0x0, s7;
	s22 =	sand.u32 $0x40, s2  }
0x10: {  	s23 =	sand.u32 $0xFFFFF80, s21;
	s22 =	sadd.s32 s3, s22  }
0x11: {  	s22 =	sadd.s32 s23, s22  }
0x12: {  	[tilespmem:s2], [sflag:$0x4] =	stream.linear.gather [hbm4b:s22+s2], $0x100, $0x38;
	[tilespmem:$0x10200] =	vst v63  }
0x13: {  	s21 =	sadd.s32 $0x20, s21;
	_ =	swait.ge [sflag:s9], $0x100  }
0x14: {  	s21 =	sand.u32 $0x60, s21;
	s30 =	sadd.s32 s3, s23;
	[sflag:s9] =	ssyncset.done $0x0  }
0x15: {  	s21 =	sadd.s32 s21, s30;
	[sflag:s9] =	ssyncadd.s32 $0xFFFFFF00  }
0x16: {  	[tilespmem:s10], [sflag:$0x4] =	stream.linear.gather [hbm4b:s21+s2], $0x100, $0x38;
	[tilespmem:$0x10200] =	vst v63  }
0x17: {  	_ =	swait.ge [sflag:s9], $0x100  }
0x18: {  	[sflag:s9] =	ssyncset.done $0x0  }
0x19: {  	[sflag:s9] =	ssyncadd.s32 $0xFFFFFF00  }
0x1a: {  	[tilespmem:s12], [sflag:$0x1] =	stream.indirect.gather [hbm4b:s4+s11], $0x80, s2, s11, $0xb8;
	[tilespmem:$0x10200] =	vst v63  }
0x1b: {  	_ = 	snop  }
0x1c: {  	[tilespmem:s13], [sflag:$0x1] =	stream.indirect.gather [hbm4b:s4+s11], $0x80, s11, s11, $0xb8;
	[tilespmem:$0x10200] =	vst v63  }
0x1d: {  	_ = 	snop  }
0x1e: {  	[tilespmem:s14], [sflag:$0x2] =	stream.indirect.gather [hbm4b:s4+s11], $0x80, s10, s11, $0xb8;
	[tilespmem:$0x10200] =	vst v63  }
0x1f: {  	_ = 	snop  }
0x20: {  	[tilespmem:s16], [sflag:$0x2] =	stream.indirect.gather [hbm4b:s4+s11], $0x80, s15, s11, $0xb8;
	[tilespmem:$0x10200] =	vst v63  }
0x21: {  	_ =	swait.ge [sflag:s17], $0x4000  }
0x22: {  	[sflag:s17] =	ssyncset.done $0x0  }
0x23: {  	[sflag:s17] =	ssyncadd.s32 $0xFFFFC000  }
0x24: {  	_ =	swait.ge [sflag:s17], $0x4000  }
0x25: {  	[sflag:s17] =	ssyncset.done $0x0  }
0x26: {  	[sflag:s17] =	ssyncadd.s32 $0xFFFFC000  }
0x27: {  	[hbm4b:s6+s2] =	stream.linear.scatter [tilespmem:s12], [sflag:$0x3], $0x8000, $0x38;
	[tilespmem:$0x10200] =	vst v63  }
0x28: {  	_ =	swait.ge [sflag:s18], $0x4000  }
0x29: {  	[sflag:s18] =	ssyncset.done $0x0  }
0x2a: {  	[sflag:s18] =	ssyncadd.s32 $0xFFFFC000  }
0x2b: {  	_ =	swait.ge [sflag:s18], $0x4000  }
0x2c: {  	[sflag:s18] =	ssyncset.done $0x0  }
0x2d: {  	[sflag:s18] =	ssyncadd.s32 $0xFFFFC000  }
0x2e: {  	[hbm4b:s8+s2] =	stream.linear.scatter [tilespmem:s14], [sflag:$0x3], $0x8000, $0x38;
	[tilespmem:$0x10200] =	vst v63  }
0x2f: {  	_ =	swait.ge [sflag:s19], $0x8000  }
0x30: {  	s31 =	simm.s32 $0x40;
	s28 =	sadd.s32 $0x40, s7;
	[sflag:s19] =	ssyncset.done $0x0  }
0x31: {  	s26 =	simm.s32 $0x80;
	s25 =	sand.u32 $0xFFFFF80, s28;
	[sflag:s19] =	ssyncadd.s32 $0xFFFF8000  }
0x32: {  	s23 =	sand.u32 $0x40, s31;
	s22 =	sadd.s32 $0x2000, s6;
	_ =	swait.ge [sflag:s19], $0x8000  }
0x33: {  	s24 =	sadd.s32 s3, s23;
	s21 =	sadd.s32 $0x2000, s8;
	[sflag:s19] =	ssyncset.done $0x0  }
.LBB2_2:
0x34: {  	s23 =	sadd.s32 s25, s24  }
0x35: {  	s28 =	sadd.s32 $0x20, s28;
	[sflag:s19] =	ssyncadd.s32 $0xFFFF8000;
	s24 =	smov.u32 s26  }
0x36: {  	[tilespmem:s2], [sflag:$0x4] =	stream.linear.gather [hbm4b:s23+s2], $0x100, $0x38;
	[tilespmem:$0x10200] =	vst v63  }
0x37: {  	s23 =	sadd.s32 $0x40, s26;
	s28 =	sand.u32 $0x60, s28;
	_ =	swait.ge [sflag:s9], $0x100  }
0x38: {  	p0 =	sne.s32 s26, $0x4C0;
	s25 =	sadd.s32 s3, s25;
	[sflag:s9] =	ssyncset.done $0x0  }
0x39: {  	s25 =	sadd.s32 s28, s25;
	[sflag:s9] =	ssyncadd.s32 $0xFFFFFF00  }
0x3a: {  	[tilespmem:s10], [sflag:$0x4] =	stream.linear.gather [hbm4b:s25+s2], $0x100, $0x38;
	[tilespmem:$0x10200] =	vst v63  }
0x3b: {  	_ =	swait.ge [sflag:s9], $0x100  }
0x3c: {  	[sflag:s9] =	ssyncset.done $0x0  }
0x3d: {  	[sflag:s9] =	ssyncadd.s32 $0xFFFFFF00  }
0x3e: {  	[tilespmem:s12], [sflag:$0x1] =	stream.indirect.gather [hbm4b:s4+s11], $0x80, s2, s11, $0xb8;
	[tilespmem:$0x10200] =	vst v63  }
0x3f: {  	_ = 	snop  }
0x40: {  	[tilespmem:s13], [sflag:$0x1] =	stream.indirect.gather [hbm4b:s4+s11], $0x80, s11, s11, $0xb8;
	[tilespmem:$0x10200] =	vst v63  }
0x41: {  	_ = 	snop  }
0x42: {  	[tilespmem:s14], [sflag:$0x2] =	stream.indirect.gather [hbm4b:s4+s11], $0x80, s10, s11, $0xb8;
	[tilespmem:$0x10200] =	vst v63  }
0x43: {  	_ = 	snop  }
0x44: {  	[tilespmem:s16], [sflag:$0x2] =	stream.indirect.gather [hbm4b:s4+s11], $0x80, s15, s11, $0xb8;
	[tilespmem:$0x10200] =	vst v63  }
0x45: {  	_ =	swait.ge [sflag:s17], $0x4000  }
0x46: {  	[sflag:s17] =	ssyncset.done $0x0  }
0x47: {  	[sflag:s17] =	ssyncadd.s32 $0xFFFFC000  }
0x48: {  	_ =	swait.ge [sflag:s17], $0x4000  }
0x49: {  	[sflag:s17] =	ssyncset.done $0x0  }
0x4a: {  	[sflag:s17] =	ssyncadd.s32 $0xFFFFC000  }
0x4b: {  	[hbm4b:s22+s2] =	stream.linear.scatter [tilespmem:s12], [sflag:$0x3], $0x8000, $0x38;
	[tilespmem:$0x10200] =	vst v63  }
0x4c: {  	_ =	swait.ge [sflag:s18], $0x4000  }
0x4d: {  	[sflag:s18] =	ssyncset.done $0x0  }
0x4e: {  	[sflag:s18] =	ssyncadd.s32 $0xFFFFC000  }
0x4f: {  	_ =	swait.ge [sflag:s18], $0x4000  }
0x50: {  	[sflag:s18] =	ssyncset.done $0x0  }
0x51: {  	[sflag:s18] =	ssyncadd.s32 $0xFFFFC000  }
0x52: {  	[hbm4b:s21+s2] =	stream.linear.scatter [tilespmem:s14], [sflag:$0x3], $0x8000, $0x38;
	[tilespmem:$0x10200] =	vst v63  }
.Ltmp0:
0x53: {  	_ =	swait.ge [sflag:s19], $0x8000;
	(pc) =	sbr.rel @p0 .LBB2_2-.Ltmp0, $4  }
0x54: {  	s28 =	sadd.s32 s24, s7;
	[sflag:s19] =	ssyncset.done $0x0  }
0x55: {  	s22 =	sadd.s32 $0x2000, s22;
	s21 =	sadd.s32 $0x2000, s21;
	[sflag:s19] =	ssyncadd.s32 $0xFFFF8000  }
0x56: {  	s24 =	sand.u32 $0x40, s24;
	s26 =	smov.u32 s23;
	_ =	swait.ge [sflag:s19], $0x8000  }
0x57: {  	s24 =	sadd.s32 s3, s24;
	s25 =	sand.u32 $0xFFFFF80, s28;
	[sflag:s19] =	ssyncset.done $0x0  }
0x58: {  	s23 =	sadd.s32 s25, s24;
	[sflag:s19] =	ssyncadd.s32 $0xFFFF8000  }
0x59: {  	[tilespmem:s2], [sflag:$0x4] =	stream.linear.gather [hbm4b:s23+s2], $0x100, $0x38;
	[tilespmem:$0x10200] =	vst v63  }
0x5a: {  	s30 =	sadd.s32 $0x20, s28;
	_ =	swait.ge [sflag:s9], $0x100  }
0x5b: {  	s31 =	sadd.s32 s3, s25;
	s23 =	sand.u32 $0x60, s30;
	[sflag:s9] =	ssyncset.done $0x0  }
0x5c: {  	s23 =	sadd.s32 s23, s31;
	[sflag:s9] =	ssyncadd.s32 $0xFFFFFF00  }
0x5d: {  	[tilespmem:s10], [sflag:$0x4] =	stream.linear.gather [hbm4b:s23+s2], $0x100, $0x38;
	[tilespmem:$0x10200] =	vst v63  }
0x5e: {  	_ =	swait.ge [sflag:s9], $0x100  }
0x5f: {  	[sflag:s9] =	ssyncset.done $0x0  }
0x60: {  	[sflag:s9] =	ssyncadd.s32 $0xFFFFFF00  }
0x61: {  	[tilespmem:s12], [sflag:$0x1] =	stream.indirect.gather [hbm4b:s4+s11], $0x80, s2, s11, $0xb8;
	[tilespmem:$0x10200] =	vst v63  }
0x62: {  	_ = 	snop  }
0x63: {  	[tilespmem:s13], [sflag:$0x1] =	stream.indirect.gather [hbm4b:s4+s11], $0x80, s11, s11, $0xb8;
	[tilespmem:$0x10200] =	vst v63  }
0x64: {  	_ = 	snop  }
0x65: {  	[tilespmem:s14], [sflag:$0x2] =	stream.indirect.gather [hbm4b:s4+s11], $0x80, s10, s11, $0xb8;
	[tilespmem:$0x10200] =	vst v63  }
0x66: {  	_ = 	snop  }
0x67: {  	[tilespmem:s16], [sflag:$0x2] =	stream.indirect.gather [hbm4b:s4+s11], $0x80, s15, s11, $0xb8;
	[tilespmem:$0x10200] =	vst v63  }
0x68: {  	_ =	swait.ge [sflag:s17], $0x4000  }
0x69: {  	[sflag:s17] =	ssyncset.done $0x0  }
0x6a: {  	[sflag:s17] =	ssyncadd.s32 $0xFFFFC000  }
0x6b: {  	_ =	swait.ge [sflag:s17], $0x4000  }
0x6c: {  	[sflag:s17] =	ssyncset.done $0x0  }
0x6d: {  	[sflag:s17] =	ssyncadd.s32 $0xFFFFC000  }
0x6e: {  	[hbm4b:s22+s2] =	stream.linear.scatter [tilespmem:s12], [sflag:$0x3], $0x8000, $0x38;
	[tilespmem:$0x10200] =	vst v63  }
0x6f: {  	_ =	swait.ge [sflag:s18], $0x4000  }
0x70: {  	[sflag:s18] =	ssyncset.done $0x0  }
0x71: {  	[sflag:s18] =	ssyncadd.s32 $0xFFFFC000  }
0x72: {  	_ =	swait.ge [sflag:s18], $0x4000  }
0x73: {  	[sflag:s18] =	ssyncset.done $0x0  }
0x74: {  	s20 =	sadd.s32 $0x1, s20;
	[sflag:s18] =	ssyncadd.s32 $0xFFFFC000  }
0x75: {  	[hbm4b:s21+s2] =	stream.linear.scatter [tilespmem:s14], [sflag:$0x3], $0x8000, $0x38;
	[tilespmem:$0x10200] =	vst v63  }
0x76: {  	p0 =	sne.s32 s20, s5;
	_ =	swait.ge [sflag:s19], $0x8000  }
.Ltmp1:
0x77: {  	[sflag:s19] =	ssyncset.done $0x0;
	(pc) =	sbr.rel @p0 .LBB2_1-.Ltmp1, $4  }
0x78: {  	[sflag:s19] =	ssyncadd.s32 $0xFFFF8000  }
0x79: {  	_ =	swait.ge [sflag:s19], $0x8000  }
0x7a: {  	[sflag:s19] =	ssyncset.done $0x0  }
0x7b: {  	[sflag:s19] =	ssyncadd.s32 $0xFFFF8000  }
0x7c: {  	_ =	sfence.sel $0x180000  }
0x7d: {  	[bflag:$0x0] =	sbarrier.arrive $0xFFFF  }
0x7e: {  	p0 =	sne.s32 s1, $0x0;
	_ =	strace $0x90000050  }
0x7f: {  	s0 =	sadd.s32 @!p0 $0x100000, s0;
	[bflag:$0x2] =	sbarrier.arrive $0xFFFF  }
0x80: {  	[sflag:s0] =	ssyncadd.tile.s32 @!p0 $0x1;
	_ =	shalt  }
.Lfunc_end2:
_tile_overlayer_lowered:
.L_overlay_start_2:
0x81: {  	(tag) =	ssettag $0x2  }
0x82: {  	s0 =	rddreg [dreg:$0x0];
	s2 =	stileid.u32  }
0x83: {  	s1 =	rddreg [dreg:$0x1];
	p0 =	sne.s32 s2, $0x0  }
0x84: {  	s3 =	rddreg [dreg:$0x2];
	[bflag:$0x3] =	sbarrier.arrive $0xFFFF;
	s2 =	simm.s32 @!p0 $0x1C04  }
0x85: {  	[timem:s3], [sflag:s2] =	dma.local @!p0 [hbm:s0], s1  }
0x86: {  	s0 =	simm.s32 @!p0 $0x4  }
0x87: {  	_ =	swait.ge @!p0 [sflag:s0], s1  }
0x88: {  	s1 =	ssub.s32 @!p0 $0x0, s1;
	[sflag:s0] =	ssyncset.done @!p0 $0x0  }
0x89: {  	[sflag:s0] =	ssyncadd.s32 @!p0 s1  }
0x8a: {  	[bflag:$0x3] =	sbarrier.arrive $0xFFFF  }
0x8b: {  	_ =	shalt  }

// kernel: kernel.23.cloned.1.call-start
scs
__scs_entry_jumppad:
0x0: {  	(pc) =	sbr.rel $0x88, $3  }
0x1: {  	(tag) =	ssettag $0x0;
	lr =	simm.s32 $0x1  }
0x2: {  	[smem:$0x3F98] =	sst lr;
	_ =	strace $0xD0000000  }
0x3: {  	_ = 	snop  }
0x4: {  	_ = 	snop  }
0x5: {  	_ = 	snop  }
0x6: {  	_ = 	snop  }
0x7: {  	_ = 	snop  }
__scs_overlays_trampoline_lowered:
0x8: {  	[smem:$0x3FA7] =	sst s0  }
0x9: {  	[smem:$0x3FA8] =	sst s1  }
0xa: {  	[smem:$0x3FA9] =	sst s2  }
0xb: {  	[smem:$0x3FAA] =	sst s3  }
0xc: {  	[smem:$0x3FAB] =	sst s4  }
0xd: {  	[smem:$0x3FAC] =	sst s5  }
0xe: {  	[smem:$0x3FAD] =	sst s6  }
0xf: {  	[smem:$0x3FAE] =	sst s7  }
0x10: {  	[smem:$0x3FAF] =	sst s8  }
0x11: {  	[smem:$0x3FB0] =	sst s9;
	s0 =	simm.s32 @!p0 $0x0  }
0x12: {  	s1 =	sld [smem:$0x3F96];
	s0 =	simm.s32 @p0 $0x1  }
0x13: {  	[smem:$0x3FB1] =	sst s0;
	s0 =	simm.s32 @!p1 $0x0  }
0x14: {  	s2 =	sld [smem:$0x3F95];
	s0 =	simm.s32 @p1 $0x1  }
0x15: {  	[smem:$0x3FB2] =	sst s0;
	s0 =	simm.s32 @!p2 $0x0  }
0x16: {  	s3 =	sld [smem:$0x3FDB];
	s0 =	simm.s32 @p2 $0x1  }
0x17: {  	s4 =	simm.s32 $0x1BF5;
	[smem:$0x3FB4] =	sst s0  }
0x18: {  	s0 =	sld [smem:$0x3F97];
	_ =	swait.ge [sflag:s4], $0x0  }
0x19: {  	s7 =	sld [smem:$0x3F98]  }
0x1a: {  	s8 =	sadd.s32 $0xFFFFE003, lr  }
0x1b: {  	s9 =	sadd.s32 $0xFFFFFEF7, lr;
	s5 =	simm.s32 $0xFFFFFFFF;
	p2 =	slt.u32 s8, $0xFFFFF086  }
0x1c: {  	p1 =	slt.u32 s9, $0xF7A;
	s5 =	simm.s32 @!p2 $0x0  }
0x1d: {  	s5 =	simm.s32 @p1 $0x1;
	p0 =	seq.s32 s7, s2  }
0x1e: {  	s7 =	smul.u32 @!p0 $0xF7A, s2;
	p2 =	seq.s32 @!p0 s5, $0x0  }
0x1f: {  	s9 =	smul.u32 $0xF7A, s1;
	s8 =	simm.s32 @!p0 $0x1BF5;
	p2 =	por !p2, p0  }
0x20: {  	[sflag:s8] =	ssyncset.s32 @!p0 $0xFFFFF086;
	s6 =	sadd.s32 @!p0 s3, s7;
	s7 =	simm.s32 @!p0 $0x108  }
0x21: {  	s3 =	sadd.s32 s3, s9;
	s6 =	sadd.s32 @!p0 $0x88, s6;
	s7 =	simm.s32 @p2 $0x1082  }
0x22: {  	[simem:s7], [sflag:s8] =	dma.local @!p0 [hbm:s6], $0xF7A  }
0x23: {  	s9 =	sor.u32 $0xD0000000, s2;
	s6 =	simm.s32 $0x108;
	_ =	swait.ge @!p0 [sflag:s8], $0x0  }
0x24: {  	s3 =	sadd.s32 $0x88, s3;
	s6 =	simm.s32 @!p1 $0x1082;
	[sflag:s4] =	ssyncset.s32 $0xFFFFF086  }
0x25: {  	[simem:s6], [sflag:s4] =	dma.local [hbm:s3], $0xF7A  }
0x26: {  	[smem:$0x3F98] =	sst s1;
	(tag) =	ssettag s2;
	_ =	strace s9  }
0x27: {  	s1 =	sld [smem:$0x3FA8]  }
0x28: {  	s2 =	sld [smem:$0x3FA9]  }
0x29: {  	s4 =	sld [smem:$0x3FAB]  }
0x2a: {  	p0 =	seq.s32 s5, $0x0;
	s5 =	sld [smem:$0x3FAC]  }
0x2b: {  	s6 =	sld [smem:$0x3FAD]  }
0x2c: {  	s7 =	sld [smem:$0x3FAE]  }
0x2d: {  	s3 =	simm.s32 $0x108;
	s8 =	sld [smem:$0x3FAF]  }
0x2e: {  	s3 =	simm.s32 @!p0 $0x1082;
	s9 =	sld [smem:$0x3FB0]  }
0x2f: {  	lr =	sadd.s32 s0, s3;
	s0 =	sld [smem:$0x3FA7]  }
0x30: {  	s3 =	sld [smem:$0x3FAA]  }
0x31: {  	[smem:$0x3FB3] =	sst s10  }
0x32: {  	s10 =	sld [smem:$0x3FB1];
	_ =	sdelay $0x3  }
0x33: {  	p0 =	seq.s32 s10, $0x1;
	s10 =	sld [smem:$0x3FB3];
	_ =	sdelay $0x3  }
0x34: {  	[smem:$0x3FB3] =	sst s10  }
0x35: {  	s10 =	sld [smem:$0x3FB2];
	_ =	sdelay $0x3  }
0x36: {  	p1 =	seq.s32 s10, $0x1;
	s10 =	sld [smem:$0x3FB3];
	_ =	sdelay $0x3  }
0x37: {  	[smem:$0x3FB3] =	sst s10  }
0x38: {  	s10 =	sld [smem:$0x3FB4]  }
0x39: {  	_ = 	snop;
	(pc) =	sbr.ind lr, $3  }
0x3a: {  	_ = 	snop  }
0x3b: {  	_ = 	snop  }
0x3c: {  	p2 =	seq.s32 s10, $0x1;
	s10 =	sld [smem:$0x3FB3]  }
0x3d: {  	_ =	shalt  }
0x3e: {  	_ =	shalt  }
0x3f: {  	_ =	shalt  }
0x40: {  	_ =	shalt  }
0x41: {  	_ =	shalt  }
0x42: {  	_ =	shalt  }
0x43: {  	_ =	shalt  }
0x44: {  	_ =	shalt  }
0x45: {  	_ =	shalt  }
0x46: {  	_ =	shalt  }
0x47: {  	_ =	shalt  }
0x48: {  	_ =	shalt  }
0x49: {  	_ =	shalt  }
0x4a: {  	_ =	shalt  }
0x4b: {  	_ =	shalt  }
0x4c: {  	_ =	shalt  }
0x4d: {  	_ =	shalt  }
0x4e: {  	_ =	shalt  }
0x4f: {  	_ =	shalt  }
0x50: {  	_ =	shalt  }
0x51: {  	_ =	shalt  }
0x52: {  	_ =	shalt  }
0x53: {  	_ =	shalt  }
0x54: {  	_ =	shalt  }
0x55: {  	_ =	shalt  }
0x56: {  	_ =	shalt  }
0x57: {  	_ =	shalt  }
0x58: {  	_ =	shalt  }
0x59: {  	_ =	shalt  }
0x5a: {  	_ =	shalt  }
0x5b: {  	_ =	shalt  }
0x5c: {  	_ =	shalt  }
0x5d: {  	_ =	shalt  }
0x5e: {  	_ =	shalt  }
0x5f: {  	_ =	shalt  }
0x60: {  	_ =	shalt  }
0x61: {  	_ =	shalt  }
0x62: {  	_ =	shalt  }
0x63: {  	_ =	shalt  }
0x64: {  	_ =	shalt  }
0x65: {  	_ =	shalt  }
0x66: {  	_ =	shalt  }
0x67: {  	_ =	shalt  }
0x68: {  	_ =	shalt  }
0x69: {  	_ =	shalt  }
0x6a: {  	_ =	shalt  }
0x6b: {  	_ =	shalt  }
0x6c: {  	_ =	shalt  }
0x6d: {  	_ =	shalt  }
0x6e: {  	_ =	shalt  }
0x6f: {  	_ =	shalt  }
0x70: {  	_ =	shalt  }
0x71: {  	_ =	shalt  }
0x72: {  	_ =	shalt  }
0x73: {  	_ =	shalt  }
0x74: {  	_ =	shalt  }
0x75: {  	_ =	shalt  }
0x76: {  	_ =	shalt  }
0x77: {  	_ =	shalt  }
0x78: {  	_ =	shalt  }
0x79: {  	_ =	shalt  }
0x7a: {  	_ =	shalt  }
0x7b: {  	_ =	shalt  }
0x7c: {  	_ =	shalt  }
0x7d: {  	_ =	shalt  }
0x7e: {  	_ =	shalt  }
0x7f: {  	_ =	shalt  }
0x80: {  	_ =	shalt  }
0x81: {  	_ =	shalt  }
0x82: {  	_ =	shalt  }
0x83: {  	_ =	shalt  }
0x84: {  	_ =	shalt  }
0x85: {  	_ =	shalt  }
0x86: {  	_ =	shalt  }
0x87: {  	_ =	shalt  }
.Lfunc_end0:
.L_simem_size_0:
called_computation.4_lowered:
.L_overlay_start_0:
0x88: {  	s2 =	sld [smem:$0x3FD9]  }
0x89: {  	s3 =	sld [smem:$0x3FFE];
	_ =	sdelay $0x1  }
0x8a: {  	s1 =	srdreg.scid  }
0x8b: {  	s0 =	sand.u32 $0x1, s1  }
0x8c: {  	s16 =	sshll.u32 s0, $0xA;
	s2 =	sadd.s32 s3, s2  }
0x8d: {  	s2 =	sadd.s32 s2, s16  }
0x8e: {  	[smem:$0x3FBF] =	sst s2  }
0x8f: {  	_ = 	snop  }
0x90: {  	(tm) =	ssettm $0x1  }
0x91: {  	s17 =	sld [smem:$0x3FFB];
	_ =	sdelay $0x3  }
0x92: {  	_ =	strace s17  }
0x93: {  	s2 =	sld [smem:$0x3FFC];
	_ =	sdelay $0x3  }
0x94: {  	_ =	strace s2  }
0x95: {  	s2 =	sld [smem:$0x3FFD];
	_ =	sdelay $0x3  }
0x96: {  	_ =	strace s2  }
0x97: {  	_ =	strace $0x8FFFFFFF  }
0x98: {  	s18 =	sld [smem:$0x3FDB];
	_ =	sdelay $0x1  }
0x99: {  	s19 =	simm.s32 $_scs_section_size  }
0x9a: {  	s4 =	simm.s32 $_size__tile_overlayer_lowered;
	s5 =	simm.s32 $_tile_overlayer_lowered  }
0x9b: {  	s22 =	simm.s32 $0x1BFF;
	s21 =	sshll.u32 s5, $0x1;
	s2 =	sadd.s32 s19, s18  }
0x9c: {  	s6 =	simm.s32 $0x0;
	s20 =	sshll.u32 s4, $0x1;
	s4 =	sadd.s32 s21, s2  }
0x9d: {  	[timem:s6], [sflag:s22] =	dma.local [hbm:s4], s20  }
0x9e: {  	_ =	swait.ge [sflag:s22], s20  }
0x9f: {  	s3 =	ssub.s32 $0x0, s20;
	[sflag:s22] =	ssyncset.done $0x0  }
0xa0: {  	[sflag:s22] =	ssyncadd.s32 s3;
	_ =	sdelay $0x1  }
0xa1: {  	s23 =	simm.s32 $0x1B8B  }
0xa2: {  	_ =	swait.ge [sflag:s23], $0x1  }
0xa3: {  	[sflag:s23] =	ssyncset.done $0x0  }
0xa4: {  	s25 =	simm.s32 $0x1B8E;
	s24 =	sld [smem:$0x3FFE];
	[sflag:s23] =	ssyncadd.s32 $0xFFFFFFFF  }
0xa5: {  	s26 =	simm.s32 $execute0_lowered;
	[smem:$0x3FD2] =	sst s25  }
0xa6: {  	s4 =	sshll.u32 s26, $0x1;
	_ =	strace $0x80000052;
	[dreg:$0x1] =	wrdreg $0xFFFFFFFF  }
0xa7: {  	s28 =	simm.s32 $_size_execute0_lowered;
	s2 =	sadd.s32 s2, s4;
	[dreg:$0x0] =	wrdreg $0x0  }
0xa8: {  	s4 =	sshll.u32 s28, $0x1;
	[dreg:$0x2] =	wrdreg s2  }
0xa9: {  	[dreg:$0x3] =	wrdreg s4  }
0xaa: {  	[dreg:$0x4] =	wrdreg $0xC0  }
0xab: {  	_ =	task [dreg:s6], $0x5FFFF  }
0xac: {  	[dreg:$0x1] =	wrdreg $0xFFFFFFFF  }
0xad: {  	[dreg:$0x0] =	wrdreg $0x60  }
0xae: {  	[dreg:$0x2] =	wrdreg s24  }
0xaf: {  	[dreg:$0x3] =	wrdreg $0x81000  }
0xb0: {  	[dreg:$0x4] =	wrdreg $0x9  }
0xb1: {  	_ =	task.clear_ibuf [dreg:s6], $0x5FFFF;
	_ =	strace $0x90000052  }
0xb2: {  	s29 =	simm.s32 $0x9;
	_ =	strace $0x80000054  }
0xb3: {  	_ =	swait.ge [sflag:s29], $0x1  }
0xb4: {  	[sflag:s29] =	ssyncadd.s32 $0xFFFFFFFF  }
0xb5: {  	_ =	strace $0x90000054  }
0xb6: {  	_ =	sfence  }
0xb7: {  	s30 =	sld [smem:$0x0];
	_ =	sdelay $0x2  }
0xb8: {  	s31 =	sshll.u32 s1, $0xD;
	s1 =	sshrl.u32 s1, $0x2  }
0xb9: {  	s3 =	sand.u32 $0x4000, s31;
	s1 =	sadd.s32 s1, s30  }
0xba: {  	s0 =	sor.u32 s3, s0;
	s1 =	sshll.u32 s1, $0x11  }
0xbb: {  	s0 =	sor.u32 s1, s0  }
0xbc: {  	s0 =	sadd.s32 $0x8F2B, s0  }
0xbd: {  	[sflag:s0] =	ssyncadd.remote.s32 $0x1  }
0xbe: {  	_ =	sfence.sel $0xFFFF  }
0xbf: {  	[dreg:$0x0] =	wrdreg $0xFFFFFFFF;
	(pc) =	sbr.abs _section_cstart, $3  }
0xc0: {  	[dreg:$0x1] =	wrdreg $0xFFFFFFFF  }
0xc1: {  	_ =	task.clear_ibuf [dreg:s6], $0x2FFFF;
	_ =	strace $0x9FFFFFFF  }
0xc2: {  	(tm) =	ssettm $0x7FFFFFFF  }
0xc3: {  	_ =	shalt  }
tec
execute0_lowered:
.L_overlay_start_1:
0x0: {  	(tag) =	ssettag $0x1  }
0x1: {  	s1 =	stileid.u32  }
0x2: {  	s6 =	smul.u32 $0x13C00, s1  }
0x3: {  	s5 =	rddreg [dreg:$0x0];
	s7 =	smul.u32 $0x4F000, s1  }
0x4: {  	s0 =	srdreg.scid;
	s12 =	smul.u32 $0x50000, s1  }
0x5: {  	s2 =	rddreg [dreg:$0x1];
	s3 =	simm.s32 $0x0;
	s15 =	smul.u32 $0xA0, s1  }
0x6: {  	s19 =	simm.s32 $0x1;
	s11 =	sand.u32 $0x1, s0;
	s18 =	smul.u32 $0xA00, s1  }
0x7: {  	s20 =	simm.s32 $0x2;
	s0 =	rddreg [dreg:$0x2];
	s4 =	smul.u32 $0x13C000, s11  }
0x8: {  	s21 =	simm.s32 $0x0;
	[smem:$0x7FF] =	sst s3;
	s16 =	smul.u32 $0x50, s11  }
0x9: {  	s13 =	sadd.s32 $0xF42C00, s5;
	s28 =	ssub.s32 $0x2, s11;
	s17 =	smul.u32 $0x28000, s11  }
0xa: {  	_ =	strace $0x80000053;
	s30 =	smul.u32 $0x500, s11;
	s29 =	sshrl.u32 s28, $0x1  }
0xb: {  	s7 =	sshrl.u32 s7, $0x2;
	s12 =	sadd.s32 s12, s13;
	s6 =	sadd.s32 s6, s4  }
0xc: {  	s4 =	sadd.s32 $0x556C00, s5;
	s14 =	ssub.s32 s28, s29;
	s15 =	sadd.s32 s16, s15  }
0xd: {  	s12 =	sadd.s32 s17, s12;
	s16 =	simm.s32 $0x3;
	s17 =	simm.s32 $0x80  }
0xe: {  	s6 =	sshrl.u32 s6, $0x3;
	s15 =	sshll.u32 s15, $0xB;
	s11 =	smax.u32 s14, $0x1  }
0xf: {  	s10 =	sadd.s32 s6, s5;
	s5 =	sadd.s32 s7, s2;
	s31 =	sadd.s32 s15, s13  }
0x10: {  	s13 =	sadd.s32 s30, s18;
	s15 =	simm.s32 $0x100;
	s18 =	simm.s32 $0x4100  }
0x11: {  	s6 =	sadd.s32 $0x4000, s5;
	s7 =	sadd.s32 $0x8000, s5;
	s8 =	sadd.s32 $0xC000, s5  }
0x12: {  	v0 =	vimm.f32 $0.0e+00;
	s9 =	sadd.s32 $0x10000, s5;
	s10 =	sadd.s32 $0x1C00, s10;
	s14 =	sadd.s32 $0x800, s31  }
.LBB2_1:
0x13: {  	s22 =	simm.s32 $0x0;
	s23 =	simm.s32 $0x200  }
.LBB2_2:
0x14: {  	p0 =	sne.s32 s23, $0xFE00;
	[tilespmem:s22+$0x170] =	vst v0  }
0x15: {  	[tilespmem:s22+$0x100] =	vst v0  }
0x16: {  	[tilespmem:s22+$0x110] =	vst v0  }
.Ltmp0:
0x17: {  	[tilespmem:s22+$0x120] =	vst v0;
	(pc) =	sbr.rel @p0 .LBB2_2-.Ltmp0, $4  }
0x18: {  	[tilespmem:s22+$0x130] =	vst v0  }
0x19: {  	[tilespmem:s22+$0x140] =	vst v0  }
0x1a: {  	[tilespmem:s22+$0x150] =	vst v0  }
0x1b: {  	[tilespmem:s22+$0x160] =	vst v0;
	s22 =	sshra.s32 s23, $0x2;
	s23 =	sadd.s32 $0x200, s23  }
0x1c: {  	[tilespmem:s22+$0x170] =	vst v0  }
0x1d: {  	[tilespmem:s22+$0x100] =	vst v0  }
0x1e: {  	[tilespmem:s22+$0x110] =	vst v0  }
0x1f: {  	[tilespmem:s22+$0x120] =	vst v0  }
0x20: {  	[tilespmem:s22+$0x130] =	vst v0  }
0x21: {  	[tilespmem:s22+$0x140] =	vst v0  }
0x22: {  	[tilespmem:s22+$0x150] =	vst v0  }
0x23: {  	[tilespmem:s22+$0x160] =	vst v0  }
0x24: {  	[spmem:s5] =	stream.linear.scatter [tilespmem:s15], [sflag:$0x3], $0x4000, $0x38;
	[tilespmem:$0x1BD00] =	vst v63  }
0x25: {  	_ =	swait.ge [sflag:s16], $0x4000  }
0x26: {  	[sflag:s16] =	ssyncset.done $0x0  }
0x27: {  	[sflag:s16] =	ssyncadd.s32 $0xFFFFC000  }
0x28: {  	[spmem:s6] =	stream.linear.scatter [tilespmem:s15], [sflag:$0x3], $0x4000, $0x38;
	[tilespmem:$0x1BD00] =	vst v63  }
0x29: {  	_ =	swait.ge [sflag:s16], $0x4000  }
0x2a: {  	[sflag:s16] =	ssyncset.done $0x0  }
0x2b: {  	[sflag:s16] =	ssyncadd.s32 $0xFFFFC000  }
0x2c: {  	[spmem:s7] =	stream.linear.scatter [tilespmem:s15], [sflag:$0x3], $0x4000, $0x38;
	[tilespmem:$0x1BD00] =	vst v63  }
0x2d: {  	_ =	swait.ge [sflag:s16], $0x4000  }
0x2e: {  	[sflag:s16] =	ssyncset.done $0x0  }
0x2f: {  	[sflag:s16] =	ssyncadd.s32 $0xFFFFC000  }
0x30: {  	[spmem:s8] =	stream.linear.scatter [tilespmem:s15], [sflag:$0x3], $0x4000, $0x38;
	[tilespmem:$0x1BD00] =	vst v63  }
0x31: {  	_ =	swait.ge [sflag:s16], $0x4000  }
0x32: {  	[sflag:s16] =	ssyncset.done $0x0  }
0x33: {  	[sflag:s16] =	ssyncadd.s32 $0xFFFFC000  }
0x34: {  	[spmem:s9] =	stream.linear.scatter [tilespmem:s15], [sflag:$0x3], $0x3C00, $0x38;
	[tilespmem:$0x1BD00] =	vst v63  }
0x35: {  	s26 =	simm.s32 $0x0;
	_ =	swait.ge [sflag:s16], $0x3C00  }
0x36: {  	s23 =	sadd.s32 $0x0, s13;
	s22 =	sand.u32 $0x60, s26;
	[sflag:s16] =	ssyncset.done $0x0  }
0x37: {  	s24 =	sand.u32 $0xFFFFF80, s23;
	s22 =	sadd.s32 s4, s22;
	[sflag:s16] =	ssyncadd.s32 $0xFFFFC400  }
0x38: {  	s22 =	sadd.s32 s24, s22;
	[bflag:$0x0] =	sbarrier.arrive $0xFFFF  }
0x39: {  	[tilespmem:s3], [sflag:$0x3] =	stream.linear.gather [hbm4b:s22+s3], $0x80, $0x38;
	[tilespmem:$0x1BD00] =	vst v63  }
0x3a: {  	s29 =	sadd.s32 $0x10, s23;
	_ =	swait.ge [sflag:s16], $0x80  }
0x3b: {  	s30 =	sadd.s32 s4, s24;
	s22 =	sand.u32 $0x70, s29;
	[sflag:s16] =	ssyncset.done $0x0  }
0x3c: {  	s22 =	sadd.s32 s22, s30;
	[sflag:s16] =	ssyncadd.s32 $0xFFFFFF80  }
0x3d: {  	[tilespmem:s17], [sflag:$0x3] =	stream.linear.gather [hbm4b:s22+s3], $0x80, $0x38;
	[tilespmem:$0x1BD00] =	vst v63  }
0x3e: {  	_ =	swait.ge [sflag:s16], $0x80  }
0x3f: {  	[sflag:s16] =	ssyncset.done $0x0  }
0x40: {  	[sflag:s16] =	ssyncadd.s32 $0xFFFFFF80  }
0x41: {  	[tilespmem:s15], [sflag:$0x1] =	stream.linear.gather [hbm4b:s12+s3], $0x4000, $0x38;
	[tilespmem:$0x1BD00] =	vst v63  }
0x42: {  	_ = 	snop  }
0x43: {  	[tilespmem:s18], [sflag:$0x2] =	stream.linear.gather [hbm4b:s14+s3], $0x4000, $0x38;
	[tilespmem:$0x1BD00] =	vst v63  }
0x44: {  	_ =	swait.ge [sflag:s19], $0x4000  }
0x45: {  	[sflag:s19] =	ssyncset.done $0x0  }
0x46: {  	[sflag:s19] =	ssyncadd.s32 $0xFFFFC000  }
0x47: {  	[spmem:s2] =	stream.indirect.scatter.add.f32 [tilespmem:s15], [sflag:$0x1], $0x80, s3, s17, $0xb8;
	[tilespmem:$0x1BD00] =	vst v63  }
0x48: {  	_ =	swait.ge [sflag:s20], $0x4000  }
0x49: {  	[sflag:s20] =	ssyncset.done $0x0  }
0x4a: {  	[sflag:s20] =	ssyncadd.s32 $0xFFFFC000  }
0x4b: {  	[spmem:s2] =	stream.indirect.scatter.add.f32 [tilespmem:s18], [sflag:$0x2], $0x80, s17, s17, $0xb8;
	[tilespmem:$0x1BD00] =	vst v63  }
0x4c: {  	_ =	swait.ge [sflag:s19], $0x4000  }
0x4d: {  	s31 =	simm.s32 $0x20;
	s25 =	simm.s32 $0x40;
	[sflag:s19] =	ssyncset.done $0x0  }
0x4e: {  	s23 =	sadd.s32 $0x1000, s14;
	s28 =	sand.u32 $0x60, s31;
	[sflag:s19] =	ssyncadd.s32 $0xFFFFC000  }
0x4f: {  	s26 =	sadd.s32 $0x20, s13;
	s28 =	sadd.s32 s4, s28;
	_ =	swait.ge [sflag:s20], $0x4000  }
0x50: {  	s24 =	sand.u32 $0xFFFFF80, s26;
	s22 =	sadd.s32 $0x1000, s12;
	[sflag:s20] =	ssyncset.done $0x0  }
.LBB2_4:
0x51: {  	s28 =	sadd.s32 s24, s28  }
0x52: {  	s26 =	sadd.s32 $0x10, s26;
	[sflag:s20] =	ssyncadd.s32 $0xFFFFC000;
	s29 =	smov.u32 s25  }
0x53: {  	[tilespmem:s3], [sflag:$0x3] =	stream.linear.gather [hbm4b:s28+s3], $0x80, $0x38;
	[tilespmem:$0x1BD00] =	vst v63  }
0x54: {  	s30 =	sadd.s32 $0x20, s25;
	s26 =	sand.u32 $0x70, s26;
	_ =	swait.ge [sflag:s16], $0x80  }
0x55: {  	p0 =	sne.s32 s25, $0x4E0;
	s24 =	sadd.s32 s4, s24;
	[sflag:s16] =	ssyncset.done $0x0  }
0x56: {  	s24 =	sadd.s32 s26, s24;
	[sflag:s16] =	ssyncadd.s32 $0xFFFFFF80  }
0x57: {  	[tilespmem:s17], [sflag:$0x3] =	stream.linear.gather [hbm4b:s24+s3], $0x80, $0x38;
	[tilespmem:$0x1BD00] =	vst v63  }
0x58: {  	_ =	swait.ge [sflag:s16], $0x80  }
0x59: {  	[sflag:s16] =	ssyncset.done $0x0  }
0x5a: {  	[sflag:s16] =	ssyncadd.s32 $0xFFFFFF80  }
0x5b: {  	[tilespmem:s15], [sflag:$0x1] =	stream.linear.gather [hbm4b:s22+s3], $0x4000, $0x38;
	[tilespmem:$0x1BD00] =	vst v63  }
0x5c: {  	_ = 	snop  }
0x5d: {  	[tilespmem:s18], [sflag:$0x2] =	stream.linear.gather [hbm4b:s23+s3], $0x4000, $0x38;
	[tilespmem:$0x1BD00] =	vst v63  }
0x5e: {  	_ =	swait.ge [sflag:s19], $0x4000  }
0x5f: {  	[sflag:s19] =	ssyncset.done $0x0  }
0x60: {  	[sflag:s19] =	ssyncadd.s32 $0xFFFFC000  }
0x61: {  	[spmem:s2] =	stream.indirect.scatter.add.f32 [tilespmem:s15], [sflag:$0x1], $0x80, s3, s17, $0xb8;
	[tilespmem:$0x1BD00] =	vst v63  }
0x62: {  	_ =	swait.ge [sflag:s20], $0x4000  }
0x63: {  	[sflag:s20] =	ssyncset.done $0x0  }
0x64: {  	[sflag:s20] =	ssyncadd.s32 $0xFFFFC000  }
0x65: {  	[spmem:s2] =	stream.indirect.scatter.add.f32 [tilespmem:s18], [sflag:$0x2], $0x80, s17, s17, $0xb8;
	[tilespmem:$0x1BD00] =	vst v63  }
.Ltmp1:
0x66: {  	_ =	swait.ge [sflag:s19], $0x4000;
	(pc) =	sbr.rel @p0 .LBB2_4-.Ltmp1, $4  }
0x67: {  	s25 =	sand.u32 $0x60, s29;
	[sflag:s19] =	ssyncset.done $0x0  }
0x68: {  	s22 =	sadd.s32 $0x1000, s22;
	s23 =	sadd.s32 $0x1000, s23;
	[sflag:s19] =	ssyncadd.s32 $0xFFFFC000  }
0x69: {  	s26 =	sadd.s32 s29, s13;
	s28 =	sadd.s32 s4, s25;
	_ =	swait.ge [sflag:s20], $0x4000  }
0x6a: {  	s25 =	smov.u32 s30;
	s24 =	sand.u32 $0xFFFFF80, s26;
	[sflag:s20] =	ssyncset.done $0x0  }
0x6b: {  	s25 =	sadd.s32 s24, s28;
	[sflag:s20] =	ssyncadd.s32 $0xFFFFC000  }
0x6c: {  	[tilespmem:s3], [sflag:$0x3] =	stream.linear.gather [hbm4b:s25+s3], $0x80, $0x38;
	[tilespmem:$0x1BD00] =	vst v63  }
0x6d: {  	s28 =	sadd.s32 $0x10, s26;
	_ =	swait.ge [sflag:s16], $0x80  }
0x6e: {  	s29 =	sadd.s32 s4, s24;
	s25 =	sand.u32 $0x70, s28;
	[sflag:s16] =	ssyncset.done $0x0  }
0x6f: {  	s24 =	sadd.s32 s25, s29;
	[sflag:s16] =	ssyncadd.s32 $0xFFFFFF80  }
0x70: {  	[tilespmem:s17], [sflag:$0x3] =	stream.linear.gather [hbm4b:s24+s3], $0x80, $0x38;
	[tilespmem:$0x1BD00] =	vst v63  }
0x71: {  	_ =	swait.ge [sflag:s16], $0x80  }
0x72: {  	[sflag:s16] =	ssyncset.done $0x0  }
0x73: {  	[sflag:s16] =	ssyncadd.s32 $0xFFFFFF80  }
0x74: {  	[tilespmem:s15], [sflag:$0x1] =	stream.linear.gather [hbm4b:s22+s3], $0x4000, $0x38;
	[tilespmem:$0x1BD00] =	vst v63  }
0x75: {  	_ = 	snop  }
0x76: {  	[tilespmem:s18], [sflag:$0x2] =	stream.linear.gather [hbm4b:s23+s3], $0x4000, $0x38;
	[tilespmem:$0x1BD00] =	vst v63  }
0x77: {  	_ =	swait.ge [sflag:s19], $0x4000  }
0x78: {  	[sflag:s19] =	ssyncset.done $0x0  }
0x79: {  	[sflag:s19] =	ssyncadd.s32 $0xFFFFC000  }
0x7a: {  	[spmem:s2] =	stream.indirect.scatter.add.f32 [tilespmem:s15], [sflag:$0x1], $0x80, s3, s17, $0xb8;
	[tilespmem:$0x1BD00] =	vst v63  }
0x7b: {  	_ =	swait.ge [sflag:s20], $0x4000  }
0x7c: {  	[sflag:s20] =	ssyncset.done $0x0  }
0x7d: {  	[sflag:s20] =	ssyncadd.s32 $0xFFFFC000  }
0x7e: {  	[spmem:s2] =	stream.indirect.scatter.add.f32 [tilespmem:s18], [sflag:$0x2], $0x80, s17, s17, $0xb8;
	[tilespmem:$0x1BD00] =	vst v63  }
0x7f: {  	_ =	swait.ge [sflag:s19], $0x4000  }
0x80: {  	[sflag:s19] =	ssyncset.done $0x0  }
0x81: {  	[sflag:s19] =	ssyncadd.s32 $0xFFFFC000  }
0x82: {  	_ =	swait.ge [sflag:s20], $0x4000  }
0x83: {  	s30 =	sshll.u32 s1, $0x6;
	s21 =	sadd.s32 $0x1, s21;
	[sflag:s20] =	ssyncset.done $0x0  }
0x84: {  	s31 =	sshrl.u32 s5, $0x3;
	p0 =	sne.s32 s21, s11;
	[sflag:s20] =	ssyncadd.s32 $0xFFFFC000  }
.Ltmp2:
0x85: {  	s22 =	sor.u32 $0x1C03, s30;
	[bflag:$0x0] =	sbarrier.arrive $0xFFFF;
	(pc) =	sbr.rel @p0 .LBB2_1-.Ltmp2, $4  }
0x86: {  	[hbm:s10], [sflag:s22] =	dma.local [spmem:s31], $0x2780  }
0x87: {  	_ =	swait.ge [sflag:s16], $0x2780  }
0x88: {  	[sflag:s16] =	ssyncset.done $0x0  }
0x89: {  	[sflag:s16] =	ssyncadd.s32 $0xFFFFD880  }
0x8a: {  	_ =	sfence.sel $0x180000  }
0x8b: {  	[bflag:$0x0] =	sbarrier.arrive $0xFFFF  }
0x8c: {  	p0 =	sne.s32 s1, $0x0;
	_ =	strace $0x90000053  }
0x8d: {  	s0 =	sadd.s32 @!p0 $0x100000, s0;
	[bflag:$0x2] =	sbarrier.arrive $0xFFFF  }
0x8e: {  	[sflag:s0] =	ssyncadd.tile.s32 @!p0 $0x1;
	_ =	shalt  }
.Lfunc_end2:
_tile_overlayer_lowered:
.L_overlay_start_2:
0x8f: {  	(tag) =	ssettag $0x2  }
0x90: {  	s0 =	rddreg [dreg:$0x0];
	s2 =	stileid.u32  }
0x91: {  	s1 =	rddreg [dreg:$0x1];
	p0 =	sne.s32 s2, $0x0  }
0x92: {  	s3 =	rddreg [dreg:$0x2];
	[bflag:$0x3] =	sbarrier.arrive $0xFFFF;
	s2 =	simm.s32 @!p0 $0x1C03  }
0x93: {  	[timem:s3], [sflag:s2] =	dma.local @!p0 [hbm:s0], s1  }
0x94: {  	s0 =	simm.s32 @!p0 $0x3  }
0x95: {  	_ =	swait.ge @!p0 [sflag:s0], s1  }
0x96: {  	s1 =	ssub.s32 @!p0 $0x0, s1;
	[sflag:s0] =	ssyncset.done @!p0 $0x0  }
0x97: {  	[sflag:s0] =	ssyncadd.s32 @!p0 s1  }
0x98: {  	[bflag:$0x3] =	sbarrier.arrive $0xFFFF  }
0x99: {  	_ =	shalt  }

</sc_bundles>
